<compile_context>
chip_gen: v7x
topology: tpu7x:2x2x1
jax: 0.10.2.dev20260603
libtpu: 0.0.44.dev20260713+nightly
codegen_flags: <defaults>
</compile_context>

<pallas_src>
import jax
import jax.numpy as jnp
from jax import lax
from jax.experimental import pallas as pl
from jax.experimental.pallas import tpu as pltpu
from jax.experimental.pallas import tpu_sc as plsc

N_NODES = 10000
N_EDGES = 320000
D_FEAT = 128

NC = 2
NS = 16
NW = NC * NS

CH = 128
K = 13
SB = 6
CPW = K * SB
NCHT = N_EDGES // CH
TAIL0 = NW * CPW
N_TAIL = NCHT - TAIL0
TW0 = 24

NP = 10240
ZROWS = NP // NS


def _sc_body(x_hbm, e_hbm, p_hbm,
             src_a, src_b2, dst_a, dst_b2, rows_a, rows_b, acc,
             sem_a, sem_b, ssem_a, ssem_b, sem_ia, sem_ib):
    c = lax.axis_index("c")
    s = lax.axis_index("s")
    wid = s * NC + c
    wchunk0 = wid * CPW

    def idx_copies(block, srcbuf, dstbuf, sem):
        off = (wchunk0 + block * K) * CH
        cps = [pltpu.make_async_copy(e_hbm.at[0, pl.ds(off, K * CH)],
                                     srcbuf, sem)]
        for j in range(K):
            cps.append(pltpu.make_async_copy(
                e_hbm.at[1, pl.ds(off + j * CH, CH)], dstbuf.at[j], sem))
        return cps

    def idx_load(block, srcbuf, dstbuf, sem):
        for cp in idx_copies(block, srcbuf, dstbuf, sem):
            cp.start()

    def idx_wait(block, srcbuf, dstbuf, sem):
        for cp in idx_copies(block, srcbuf, dstbuf, sem):
            cp.wait()

    idx_load(0, src_a, dst_a, sem_ia)
    idx_load(1, src_b2, dst_b2, sem_ib)

    @pl.loop(0, CH)
    def _(r):
        for c0 in range(0, D_FEAT, 16):
            rows_a[r, pl.ds(c0, 16)] = jnp.zeros((16,), jnp.float32)

    @pl.loop(0, ZROWS // CH)
    def _(i):
        pltpu.sync_copy(rows_a, acc.at[pl.ds(s * ZROWS + i * CH, CH)])

    idx_wait(0, src_a, dst_a, sem_ia)
    pltpu.make_async_copy(x_hbm.at[src_a.at[pl.ds(0, CH)]],
                          rows_a, sem_a).start()
    plsc.subcore_barrier()

    rows = [rows_a, rows_b]
    sems = [sem_a, sem_b]
    ssems = [ssem_a, ssem_b]
    srcs = [src_a, src_b2]
    dsts = [dst_a, dst_b2]
    isems = [sem_ia, sem_ib]

    def scat_start(p, dtab, j):
        pltpu.async_copy(rows[p], acc.at[dtab.at[j]], ssems[p], add=True)

    def scat_wait(p, dtab, j):
        pltpu.make_async_copy(rows[p], acc.at[dtab.at[j]], ssems[p]).wait()

    @pl.loop(0, SB // 2)
    def _(q):
        for half in range(2):
            b = 2 * q + half
            scur, dcur = srcs[half], dsts[half]
            snxt, dnxt = srcs[1 - half], dsts[1 - half]
            for j in range(K):
                pg = (half + j) % 2
                png = (half + j + 1) % 2
                if j + 1 < K:
                    if half == 0 and j == 0:
                        @pl.when(q > 0)
                        def _():
                            scat_wait(png, dcur, j)
                    else:
                        scat_wait(png, dcur, j)
                    pltpu.make_async_copy(
                        x_hbm.at[scur.at[pl.ds((j + 1) * CH, CH)]],
                        rows[png], sems[png]).start()
                else:
                    def cross():
                        scat_wait(png, dcur, j)
                        idx_wait(b + 1, snxt, dnxt, isems[1 - half])
                        pltpu.make_async_copy(
                            x_hbm.at[snxt.at[pl.ds(0, CH)]],
                            rows[png], sems[png]).start()
                    if half == 0:
                        cross()
                    else:
                        pl.when(q < SB // 2 - 1)(cross)
                pltpu.make_async_copy(x_hbm.at[scur.at[pl.ds(j * CH, CH)]],
                                      rows[pg], sems[pg]).wait()
                scat_start(pg, dcur, j)
            @pl.when(q < SB // 2 - 1)
            def _():
                idx_load(b + 2, scur, dcur, isems[half])

    scat_wait(0, dst_a, 0)
    scat_wait(1, dst_a, 0)

    tidx = wid - TW0
    @pl.when((tidx >= 0) & (tidx < N_TAIL))
    def _():
        off = (TAIL0 + tidx) * CH
        pltpu.sync_copy(e_hbm.at[0, pl.ds(off, CH)], src_a.at[pl.ds(0, CH)])
        pltpu.sync_copy(e_hbm.at[1, pl.ds(off, CH)], dst_a.at[0])
        pltpu.sync_copy(x_hbm.at[src_a.at[pl.ds(0, CH)]], rows_a)
        pltpu.sync_copy(rows_a, acc.at[dst_a.at[0]], add=True)

    plsc.subcore_barrier()
    pltpu.sync_copy(acc.at[pl.ds(s * ZROWS, ZROWS)],
                    p_hbm.at[c, pl.ds(s * ZROWS, ZROWS)])


@jax.jit
def _sc_scatter(x, edge_index):
    mesh = plsc.VectorSubcoreMesh(core_axis_name="c", subcore_axis_name="s")
    run = pl.kernel(
        _sc_body,
        out_type=jax.ShapeDtypeStruct((NC, NP, D_FEAT), jnp.float32),
        mesh=mesh,
        scratch_types=[
            pltpu.VMEM((K * CH,), jnp.int32),
            pltpu.VMEM((K * CH,), jnp.int32),
            pltpu.VMEM((K, CH), jnp.int32),
            pltpu.VMEM((K, CH), jnp.int32),
            pltpu.VMEM((CH, D_FEAT), jnp.float32),
            pltpu.VMEM((CH, D_FEAT), jnp.float32),
            pltpu.VMEM_SHARED((NP, D_FEAT), jnp.float32),
            pltpu.SemaphoreType.DMA,
            pltpu.SemaphoreType.DMA,
            pltpu.SemaphoreType.DMA,
            pltpu.SemaphoreType.DMA,
            pltpu.SemaphoreType.DMA,
            pltpu.SemaphoreType.DMA,
        ],
    )
    return run(x, edge_index)


def _combine_body(p_ref, o_ref):
    o_ref[...] = p_ref[0, :N_NODES, :] + p_ref[1, :N_NODES, :]


@jax.jit
def _combine(p):
    return pl.pallas_call(
        _combine_body,
        out_shape=jax.ShapeDtypeStruct((N_NODES, D_FEAT), jnp.float32),
    )(p)


def kernel(x, edge_index):
    return _combine(_sc_scatter(x, edge_index))

# --- scband reference (transcript-rebuilt; emitter-appended) ---
"""Pipeline reference for scband-message-passing-quant-8022998909727 (READ-ONLY COPY).

The authoritative reference and input builder live on the scoring server;
editing this copy changes nothing except your own understanding.
"""

import jax, jax.numpy as jnp
import numpy as np

N_NODES = 10000
N_EDGES = 320000
D_FEAT = 128


def setup_inputs(seed: int = 0) -> dict:
    key = jax.random.key(seed)
    k1, k2 = jax.random.split(key)
    x = jax.random.normal(k1, (N_NODES, D_FEAT), dtype=jnp.float32)
    edge_index = jax.random.randint(k2, (2, N_EDGES), 0, N_NODES, dtype=jnp.int32)
    return {"x": x, "edge_index": edge_index}


def reference(x, edge_index):
    # MessagePassingQuant.propagate with flow='source_to_target':
    #   i, j = 1, 0  ->  x_j = x[edge_index[0]], index = edge_index[1]
    # message(x_j) = x_j (identity quantizer)
    # aggregate: scatter_add over destination index with dim_size = N (aggr='add')
    # update(inputs) = inputs (identity quantizer)
    num_nodes = x.shape[0]
    src = edge_index[0]
    dst = edge_index[1]
    msg = jnp.take(x, src, axis=0)              # gather: message(x_j)
    out = jax.ops.segment_sum(msg, dst, num_segments=num_nodes)  # scatter-add aggregate
    return out

if __name__ == "__main__":
    import jax
    _d = setup_inputs()
    print(jax.jit(kernel)(*tuple(_d.values())))

</pallas_src>

<mosaic_0001>
#map = affine_map<(d0, d1) -> (0, 0)>
#map1 = affine_map<(d0, d1) -> (0, 0, 0)>
module attributes {stable_mosaic.version = 14 : i64} {
  func.func @_sc_body(%arg0: i32, %arg1: i32, %arg2: memref<10000x128xf32, #tpu.memory_space<hbm>>, %arg3: memref<2x320000xi32, #tpu.memory_space<hbm>>, %arg4: memref<2x10240x128xf32, #tpu.memory_space<hbm>>, %arg5: memref<1664xi32, #tpu.memory_space<vmem>>, %arg6: memref<1664xi32, #tpu.memory_space<vmem>>, %arg7: memref<13x128xi32, #tpu.memory_space<vmem>>, %arg8: memref<13x128xi32, #tpu.memory_space<vmem>>, %arg9: memref<128x128xf32, #tpu.memory_space<vmem>>, %arg10: memref<128x128xf32, #tpu.memory_space<vmem>>, %arg11: memref<10240x128xf32, #tpu.memory_space<vmem_shared>>, %arg12: memref<!tpu.dma_semaphore, #tpu.memory_space<semaphore_mem>>, %arg13: memref<!tpu.dma_semaphore, #tpu.memory_space<semaphore_mem>>, %arg14: memref<!tpu.dma_semaphore, #tpu.memory_space<semaphore_mem>>, %arg15: memref<!tpu.dma_semaphore, #tpu.memory_space<semaphore_mem>>, %arg16: memref<!tpu.dma_semaphore, #tpu.memory_space<semaphore_mem>>, %arg17: memref<!tpu.dma_semaphore, #tpu.memory_space<semaphore_mem>>) attributes {dimension_semantics = [#tpu.dimension_semantics<core_parallel>, #tpu.dimension_semantics<subcore_parallel>], iteration_bounds = array<i64: 2, 16>, scalar_prefetch = 0 : i64, scratch_operands = 13 : i64, tpu.core_type = #tpu.core_type<sc_vector_subcore>, window_params = [{transform_indices = #map}, {transform_indices = #map}, {transform_indices = #map1}]} {
    %mul3A = arith.constant 2 : i32
    %mul3A_0 = arith.muli %arg1, %mul3A : i32
    %add3A = arith.addi %mul3A_0, %arg0 : i32
    %mul3A_1 = arith.constant 78 : i32
    %mul3A_2 = arith.muli %add3A, %mul3A_1 : i32
    %add3A_3 = arith.constant 0 : i32
    %add3A_4 = arith.addi %mul3A_2, %add3A_3 : i32
    %mul3A_5 = arith.constant 128 : i32
    %mul3A_6 = arith.muli %add3A_4, %mul3A_5 : i32
    %add3A_7 = arith.constant 0 : i32
    %add3A_8 = arith.addi %mul3A_6, %add3A_7 : i32
    %add3A_9 = arith.constant 128 : i32
    %add3A_10 = arith.addi %mul3A_6, %add3A_9 : i32
    %add3A_11 = arith.constant 256 : i32
    %add3A_12 = arith.addi %mul3A_6, %add3A_11 : i32
    %add3A_13 = arith.constant 384 : i32
    %add3A_14 = arith.addi %mul3A_6, %add3A_13 : i32
    %add3A_15 = arith.constant 512 : i32
    %add3A_16 = arith.addi %mul3A_6, %add3A_15 : i32
    %add3A_17 = arith.constant 640 : i32
    %add3A_18 = arith.addi %mul3A_6, %add3A_17 : i32
    %add3A_19 = arith.constant 768 : i32
    %add3A_20 = arith.addi %mul3A_6, %add3A_19 : i32
    %add3A_21 = arith.constant 896 : i32
    %add3A_22 = arith.addi %mul3A_6, %add3A_21 : i32
    %add3A_23 = arith.constant 1024 : i32
    %add3A_24 = arith.addi %mul3A_6, %add3A_23 : i32
    %add3A_25 = arith.constant 1152 : i32
    %add3A_26 = arith.addi %mul3A_6, %add3A_25 : i32
    %add3A_27 = arith.constant 1280 : i32
    %add3A_28 = arith.addi %mul3A_6, %add3A_27 : i32
    %add3A_29 = arith.constant 1408 : i32
    %add3A_30 = arith.addi %mul3A_6, %add3A_29 : i32
    %add3A_31 = arith.constant 1536 : i32
    %add3A_32 = arith.addi %mul3A_6, %add3A_31 : i32
    %dma_start3A = arith.constant 0 : i32
    %dma_start3A_33 = tpu.memref_slice %arg3[%dma_start3A, %mul3A_6] : memref<2x320000xi32, #tpu.memory_space<hbm>> -> memref<1x1664xi32, #tpu.memory_space<hbm>>
    %dma_start3A_34 = tpu.memref_squeeze %dma_start3A_33 : memref<1x1664xi32, #tpu.memory_space<hbm>> -> memref<1664xi32, #tpu.memory_space<hbm>>
    %dma_start3A_35 = tpu.memref_slice %arg3[%dma_start3A, %mul3A_6] : memref<2x320000xi32, #tpu.memory_space<hbm>> -> memref<1x1664xi32, #tpu.memory_space<hbm>>
    %dma_start3A_36 = tpu.memref_squeeze %dma_start3A_35 : memref<1x1664xi32, #tpu.memory_space<hbm>> -> memref<1664xi32, #tpu.memory_space<hbm>>
    tpu.enqueue_dma source(%dma_start3A_36 : memref<1664xi32, #tpu.memory_space<hbm>>) target(%arg5 : memref<1664xi32, #tpu.memory_space<vmem>>) target_semaphore(%arg16 : memref<!tpu.dma_semaphore, #tpu.memory_space<semaphore_mem>>)
    %dma_start3A_37 = arith.constant 1 : i32
    %dma_start3A_38 = arith.constant 0 : i32
    %dma_start3A_39 = arith.constant 0 : i32
    %dma_start3A_40 = tpu.memref_slice %arg7[%dma_start3A_38, %dma_start3A_39] : memref<13x128xi32, #tpu.memory_space<vmem>> -> memref<1x128xi32, #tpu.memory_space<vmem>>
    %dma_start3A_41 = tpu.memref_squeeze %dma_start3A_40 : memref<1x128xi32, #tpu.memory_space<vmem>> -> memref<128xi32, #tpu.memory_space<vmem>>
    %dma_start3A_42 = tpu.memref_slice %arg3[%dma_start3A_37, %add3A_8] : memref<2x320000xi32, #tpu.memory_space<hbm>> -> memref<1x128xi32, #tpu.memory_space<hbm>>
    %dma_start3A_43 = tpu.memref_squeeze %dma_start3A_42 : memref<1x128xi32, #tpu.memory_space<hbm>> -> memref<128xi32, #tpu.memory_space<hbm>>
    %dma_start3A_44 = arith.constant 0 : i32
    %dma_start3A_45 = tpu.memref_slice %arg7[%dma_start3A_38, %dma_start3A_44] : memref<13x128xi32, #tpu.memory_space<vmem>> -> memref<1x128xi32, #tpu.memory_space<vmem>>
    %dma_start3A_46 = tpu.memref_squeeze %dma_start3A_45 : memref<1x128xi32, #tpu.memory_space<vmem>> -> memref<128xi32, #tpu.memory_space<vmem>>
    %dma_start3A_47 = tpu.memref_slice %arg3[%dma_start3A_37, %add3A_8] : memref<2x320000xi32, #tpu.memory_space<hbm>> -> memref<1x128xi32, #tpu.memory_space<hbm>>
    %dma_start3A_48 = tpu.memref_squeeze %dma_start3A_47 : memref<1x128xi32, #tpu.memory_space<hbm>> -> memref<128xi32, #tpu.memory_space<hbm>>
    tpu.enqueue_dma source(%dma_start3A_48 : memref<128xi32, #tpu.memory_space<hbm>>) target(%dma_start3A_46 : memref<128xi32, #tpu.memory_space<vmem>>) target_semaphore(%arg16 : memref<!tpu.dma_semaphore, #tpu.memory_space<semaphore_mem>>)
    %dma_start3A_49 = arith.constant 1 : i32
    %dma_start3A_50 = arith.constant 1 : i32
    %dma_start3A_51 = arith.constant 0 : i32
    %dma_start3A_52 = tpu.memref_slice %arg7[%dma_start3A_50, %dma_start3A_51] : memref<13x128xi32, #tpu.memory_space<vmem>> -> memref<1x128xi32, #tpu.memory_space<vmem>>
    %dma_start3A_53 = tpu.memref_squeeze %dma_start3A_52 : memref<1x128xi32, #tpu.memory_space<vmem>> -> memref<128xi32, #tpu.memory_space<vmem>>
    %dma_start3A_54 = tpu.memref_slice %arg3[%dma_start3A_49, %add3A_10] : memref<2x320000xi32, #tpu.memory_space<hbm>> -> memref<1x128xi32, #tpu.memory_space<hbm>>
    %dma_start3A_55 = tpu.memref_squeeze %dma_start3A_54 : memref<1x128xi32, #tpu.memory_space<hbm>> -> memref<128xi32, #tpu.memory_space<hbm>>
    %dma_start3A_56 = arith.constant 0 : i32
    %dma_start3A_57 = tpu.memref_slice %arg7[%dma_start3A_50, %dma_start3A_56] : memref<13x128xi32, #tpu.memory_space<vmem>> -> memref<1x128xi32, #tpu.memory_space<vmem>>
    %dma_start3A_58 = tpu.memref_squeeze %dma_start3A_57 : memref<1x128xi32, #tpu.memory_space<vmem>> -> memref<128xi32, #tpu.memory_space<vmem>>
    %dma_start3A_59 = tpu.memref_slice %arg3[%dma_start3A_49, %add3A_10] : memref<2x320000xi32, #tpu.memory_space<hbm>> -> memref<1x128xi32, #tpu.memory_space<hbm>>
    %dma_start3A_60 = tpu.memref_squeeze %dma_start3A_59 : memref<1x128xi32, #tpu.memory_space<hbm>> -> memref<128xi32, #tpu.memory_space<hbm>>
    tpu.enqueue_dma source(%dma_start3A_60 : memref<128xi32, #tpu.memory_space<hbm>>) target(%dma_start3A_58 : memref<128xi32, #tpu.memory_space<vmem>>) target_semaphore(%arg16 : memref<!tpu.dma_semaphore, #tpu.memory_space<semaphore_mem>>)
    %dma_start3A_61 = arith.constant 1 : i32
    %dma_start3A_62 = arith.constant 2 : i32
    %dma_start3A_63 = arith.constant 0 : i32
    %dma_start3A_64 = tpu.memref_slice %arg7[%dma_start3A_62, %dma_start3A_63] : memref<13x128xi32, #tpu.memory_space<vmem>> -> memref<1x128xi32, #tpu.memory_space<vmem>>
    %dma_start3A_65 = tpu.memref_squeeze %dma_start3A_64 : memref<1x128xi32, #tpu.memory_space<vmem>> -> memref<128xi32, #tpu.memory_space<vmem>>
    %dma_start3A_66 = tpu.memref_slice %arg3[%dma_start3A_61, %add3A_12] : memref<2x320000xi32, #tpu.memory_space<hbm>> -> memref<1x128xi32, #tpu.memory_space<hbm>>
    %dma_start3A_67 = tpu.memref_squeeze %dma_start3A_66 : memref<1x128xi32, #tpu.memory_space<hbm>> -> memref<128xi32, #tpu.memory_space<hbm>>
    %dma_start3A_68 = arith.constant 0 : i32
    %dma_start3A_69 = tpu.memref_slice %arg7[%dma_start3A_62, %dma_start3A_68] : memref<13x128xi32, #tpu.memory_space<vmem>> -> memref<1x128xi32, #tpu.memory_space<vmem>>
    %dma_start3A_70 = tpu.memref_squeeze %dma_start3A_69 : memref<1x128xi32, #tpu.memory_space<vmem>> -> memref<128xi32, #tpu.memory_space<vmem>>
    %dma_start3A_71 = tpu.memref_slice %arg3[%dma_start3A_61, %add3A_12] : memref<2x320000xi32, #tpu.memory_space<hbm>> -> memref<1x128xi32, #tpu.memory_space<hbm>>
    %dma_start3A_72 = tpu.memref_squeeze %dma_start3A_71 : memref<1x128xi32, #tpu.memory_space<hbm>> -> memref<128xi32, #tpu.memory_space<hbm>>
    tpu.enqueue_dma source(%dma_start3A_72 : memref<128xi32, #tpu.memory_space<hbm>>) target(%dma_start3A_70 : memref<128xi32, #tpu.memory_space<vmem>>) target_semaphore(%arg16 : memref<!tpu.dma_semaphore, #tpu.memory_space<semaphore_mem>>)
    %dma_start3A_73 = arith.constant 1 : i32
    %dma_start3A_74 = arith.constant 3 : i32
    %dma_start3A_75 = arith.constant 0 : i32
    %dma_start3A_76 = tpu.memref_slice %arg7[%dma_start3A_74, %dma_start3A_75] : memref<13x128xi32, #tpu.memory_space<vmem>> -> memref<1x128xi32, #tpu.memory_space<vmem>>
    %dma_start3A_77 = tpu.memref_squeeze %dma_start3A_76 : memref<1x128xi32, #tpu.memory_space<vmem>> -> memref<128xi32, #tpu.memory_space<vmem>>
    %dma_start3A_78 = tpu.memref_slice %arg3[%dma_start3A_73, %add3A_14] : memref<2x320000xi32, #tpu.memory_space<hbm>> -> memref<1x128xi32, #tpu.memory_space<hbm>>
    %dma_start3A_79 = tpu.memref_squeeze %dma_start3A_78 : memref<1x128xi32, #tpu.memory_space<hbm>> -> memref<128xi32, #tpu.memory_space<hbm>>
    %dma_start3A_80 = arith.constant 0 : i32
    %dma_start3A_81 = tpu.memref_slice %arg7[%dma_start3A_74, %dma_start3A_80] : memref<13x128xi32, #tpu.memory_space<vmem>> -> memref<1x128xi32, #tpu.memory_space<vmem>>
    %dma_start3A_82 = tpu.memref_squeeze %dma_start3A_81 : memref<1x128xi32, #tpu.memory_space<vmem>> -> memref<128xi32, #tpu.memory_space<vmem>>
    %dma_start3A_83 = tpu.memref_slice %arg3[%dma_start3A_73, %add3A_14] : memref<2x320000xi32, #tpu.memory_space<hbm>> -> memref<1x128xi32, #tpu.memory_space<hbm>>
    %dma_start3A_84 = tpu.memref_squeeze %dma_start3A_83 : memref<1x128xi32, #tpu.memory_space<hbm>> -> memref<128xi32, #tpu.memory_space<hbm>>
    tpu.enqueue_dma source(%dma_start3A_84 : memref<128xi32, #tpu.memory_space<hbm>>) target(%dma_start3A_82 : memref<128xi32, #tpu.memory_space<vmem>>) target_semaphore(%arg16 : memref<!tpu.dma_semaphore, #tpu.memory_space<semaphore_mem>>)
    %dma_start3A_85 = arith.constant 1 : i32
    %dma_start3A_86 = arith.constant 4 : i32
    %dma_start3A_87 = arith.constant 0 : i32
    %dma_start3A_88 = tpu.memref_slice %arg7[%dma_start3A_86, %dma_start3A_87] : memref<13x128xi32, #tpu.memory_space<vmem>> -> memref<1x128xi32, #tpu.memory_space<vmem>>
    %dma_start3A_89 = tpu.memref_squeeze %dma_start3A_88 : memref<1x128xi32, #tpu.memory_space<vmem>> -> memref<128xi32, #tpu.memory_space<vmem>>
    %dma_start3A_90 = tpu.memref_slice %arg3[%dma_start3A_85, %add3A_16] : memref<2x320000xi32, #tpu.memory_space<hbm>> -> memref<1x128xi32, #tpu.memory_space<hbm>>
    %dma_start3A_91 = tpu.memref_squeeze %dma_start3A_90 : memref<1x128xi32, #tpu.memory_space<hbm>> -> memref<128xi32, #tpu.memory_space<hbm>>
    %dma_start3A_92 = arith.constant 0 : i32
    %dma_start3A_93 = tpu.memref_slice %arg7[%dma_start3A_86, %dma_start3A_92] : memref<13x128xi32, #tpu.memory_space<vmem>> -> memref<1x128xi32, #tpu.memory_space<vmem>>
    %dma_start3A_94 = tpu.memref_squeeze %dma_start3A_93 : memref<1x128xi32, #tpu.memory_space<vmem>> -> memref<128xi32, #tpu.memory_space<vmem>>
    %dma_start3A_95 = tpu.memref_slice %arg3[%dma_start3A_85, %add3A_16] : memref<2x320000xi32, #tpu.memory_space<hbm>> -> memref<1x128xi32, #tpu.memory_space<hbm>>
    %dma_start3A_96 = tpu.memref_squeeze %dma_start3A_95 : memref<1x128xi32, #tpu.memory_space<hbm>> -> memref<128xi32, #tpu.memory_space<hbm>>
    tpu.enqueue_dma source(%dma_start3A_96 : memref<128xi32, #tpu.memory_space<hbm>>) target(%dma_start3A_94 : memref<128xi32, #tpu.memory_space<vmem>>) target_semaphore(%arg16 : memref<!tpu.dma_semaphore, #tpu.memory_space<semaphore_mem>>)
    %dma_start3A_97 = arith.constant 1 : i32
    %dma_start3A_98 = arith.constant 5 : i32
    %dma_start3A_99 = arith.constant 0 : i32
    %dma_start3A_100 = tpu.memref_slice %arg7[%dma_start3A_98, %dma_start3A_99] : memref<13x128xi32, #tpu.memory_space<vmem>> -> memref<1x128xi32, #tpu.memory_space<vmem>>
    %dma_start3A_101 = tpu.memref_squeeze %dma_start3A_100 : memref<1x128xi32, #tpu.memory_space<vmem>> -> memref<128xi32, #tpu.memory_space<vmem>>
    %dma_start3A_102 = tpu.memref_slice %arg3[%dma_start3A_97, %add3A_18] : memref<2x320000xi32, #tpu.memory_space<hbm>> -> memref<1x128xi32, #tpu.memory_space<hbm>>
    %dma_start3A_103 = tpu.memref_squeeze %dma_start3A_102 : memref<1x128xi32, #tpu.memory_space<hbm>> -> memref<128xi32, #tpu.memory_space<hbm>>
    %dma_start3A_104 = arith.constant 0 : i32
    %dma_start3A_105 = tpu.memref_slice %arg7[%dma_start3A_98, %dma_start3A_104] : memref<13x128xi32, #tpu.memory_space<vmem>> -> memref<1x128xi32, #tpu.memory_space<vmem>>
    %dma_start3A_106 = tpu.memref_squeeze %dma_start3A_105 : memref<1x128xi32, #tpu.memory_space<vmem>> -> memref<128xi32, #tpu.memory_space<vmem>>
    %dma_start3A_107 = tpu.memref_slice %arg3[%dma_start3A_97, %add3A_18] : memref<2x320000xi32, #tpu.memory_space<hbm>> -> memref<1x128xi32, #tpu.memory_space<hbm>>
    %dma_start3A_108 = tpu.memref_squeeze %dma_start3A_107 : memref<1x128xi32, #tpu.memory_space<hbm>> -> memref<128xi32, #tpu.memory_space<hbm>>
    tpu.enqueue_dma source(%dma_start3A_108 : memref<128xi32, #tpu.memory_space<hbm>>) target(%dma_start3A_106 : memref<128xi32, #tpu.memory_space<vmem>>) target_semaphore(%arg16 : memref<!tpu.dma_semaphore, #tpu.memory_space<semaphore_mem>>)
    %dma_start3A_109 = arith.constant 1 : i32
    %dma_start3A_110 = arith.constant 6 : i32
    %dma_start3A_111 = arith.constant 0 : i32
    %dma_start3A_112 = tpu.memref_slice %arg7[%dma_start3A_110, %dma_start3A_111] : memref<13x128xi32, #tpu.memory_space<vmem>> -> memref<1x128xi32, #tpu.memory_space<vmem>>
    %dma_start3A_113 = tpu.memref_squeeze %dma_start3A_112 : memref<1x128xi32, #tpu.memory_space<vmem>> -> memref<128xi32, #tpu.memory_space<vmem>>
    %dma_start3A_114 = tpu.memref_slice %arg3[%dma_start3A_109, %add3A_20] : memref<2x320000xi32, #tpu.memory_space<hbm>> -> memref<1x128xi32, #tpu.memory_space<hbm>>
    %dma_start3A_115 = tpu.memref_squeeze %dma_start3A_114 : memref<1x128xi32, #tpu.memory_space<hbm>> -> memref<128xi32, #tpu.memory_space<hbm>>
    %dma_start3A_116 = arith.constant 0 : i32
    %dma_start3A_117 = tpu.memref_slice %arg7[%dma_start3A_110, %dma_start3A_116] : memref<13x128xi32, #tpu.memory_space<vmem>> -> memref<1x128xi32, #tpu.memory_space<vmem>>
    %dma_start3A_118 = tpu.memref_squeeze %dma_start3A_117 : memref<1x128xi32, #tpu.memory_space<vmem>> -> memref<128xi32, #tpu.memory_space<vmem>>
    %dma_start3A_119 = tpu.memref_slice %arg3[%dma_start3A_109, %add3A_20] : memref<2x320000xi32, #tpu.memory_space<hbm>> -> memref<1x128xi32, #tpu.memory_space<hbm>>
    %dma_start3A_120 = tpu.memref_squeeze %dma_start3A_119 : memref<1x128xi32, #tpu.memory_space<hbm>> -> memref<128xi32, #tpu.memory_space<hbm>>
    tpu.enqueue_dma source(%dma_start3A_120 : memref<128xi32, #tpu.memory_space<hbm>>) target(%dma_start3A_118 : memref<128xi32, #tpu.memory_space<vmem>>) target_semaphore(%arg16 : memref<!tpu.dma_semaphore, #tpu.memory_space<semaphore_mem>>)
    %dma_start3A_121 = arith.constant 1 : i32
    %dma_start3A_122 = arith.constant 7 : i32
    %dma_start3A_123 = arith.constant 0 : i32
    %dma_start3A_124 = tpu.memref_slice %arg7[%dma_start3A_122, %dma_start3A_123] : memref<13x128xi32, #tpu.memory_space<vmem>> -> memref<1x128xi32, #tpu.memory_space<vmem>>
    %dma_start3A_125 = tpu.memref_squeeze %dma_start3A_124 : memref<1x128xi32, #tpu.memory_space<vmem>> -> memref<128xi32, #tpu.memory_space<vmem>>
    %dma_start3A_126 = tpu.memref_slice %arg3[%dma_start3A_121, %add3A_22] : memref<2x320000xi32, #tpu.memory_space<hbm>> -> memref<1x128xi32, #tpu.memory_space<hbm>>
    %dma_start3A_127 = tpu.memref_squeeze %dma_start3A_126 : memref<1x128xi32, #tpu.memory_space<hbm>> -> memref<128xi32, #tpu.memory_space<hbm>>
    %dma_start3A_128 = arith.constant 0 : i32
    %dma_start3A_129 = tpu.memref_slice %arg7[%dma_start3A_122, %dma_start3A_128] : memref<13x128xi32, #tpu.memory_space<vmem>> -> memref<1x128xi32, #tpu.memory_space<vmem>>
    %dma_start3A_130 = tpu.memref_squeeze %dma_start3A_129 : memref<1x128xi32, #tpu.memory_space<vmem>> -> memref<128xi32, #tpu.memory_space<vmem>>
    %dma_start3A_131 = tpu.memref_slice %arg3[%dma_start3A_121, %add3A_22] : memref<2x320000xi32, #tpu.memory_space<hbm>> -> memref<1x128xi32, #tpu.memory_space<hbm>>
    %dma_start3A_132 = tpu.memref_squeeze %dma_start3A_131 : memref<1x128xi32, #tpu.memory_space<hbm>> -> memref<128xi32, #tpu.memory_space<hbm>>
    tpu.enqueue_dma source(%dma_start3A_132 : memref<128xi32, #tpu.memory_space<hbm>>) target(%dma_start3A_130 : memref<128xi32, #tpu.memory_space<vmem>>) target_semaphore(%arg16 : memref<!tpu.dma_semaphore, #tpu.memory_space<semaphore_mem>>)
    %dma_start3A_133 = arith.constant 1 : i32
    %dma_start3A_134 = arith.constant 8 : i32
    %dma_start3A_135 = arith.constant 0 : i32
    %dma_start3A_136 = tpu.memref_slice %arg7[%dma_start3A_134, %dma_start3A_135] : memref<13x128xi32, #tpu.memory_space<vmem>> -> memref<1x128xi32, #tpu.memory_space<vmem>>
    %dma_start3A_137 = tpu.memref_squeeze %dma_start3A_136 : memref<1x128xi32, #tpu.memory_space<vmem>> -> memref<128xi32, #tpu.memory_space<vmem>>
    %dma_start3A_138 = tpu.memref_slice %arg3[%dma_start3A_133, %add3A_24] : memref<2x320000xi32, #tpu.memory_space<hbm>> -> memref<1x128xi32, #tpu.memory_space<hbm>>
    %dma_start3A_139 = tpu.memref_squeeze %dma_start3A_138 : memref<1x128xi32, #tpu.memory_space<hbm>> -> memref<128xi32, #tpu.memory_space<hbm>>
    %dma_start3A_140 = arith.constant 0 : i32
    %dma_start3A_141 = tpu.memref_slice %arg7[%dma_start3A_134, %dma_start3A_140] : memref<13x128xi32, #tpu.memory_space<vmem>> -> memref<1x128xi32, #tpu.memory_space<vmem>>
    %dma_start3A_142 = tpu.memref_squeeze %dma_start3A_141 : memref<1x128xi32, #tpu.memory_space<vmem>> -> memref<128xi32, #tpu.memory_space<vmem>>
    %dma_start3A_143 = tpu.memref_slice %arg3[%dma_start3A_133, %add3A_24] : memref<2x320000xi32, #tpu.memory_space<hbm>> -> memref<1x128xi32, #tpu.memory_space<hbm>>
    %dma_start3A_144 = tpu.memref_squeeze %dma_start3A_143 : memref<1x128xi32, #tpu.memory_space<hbm>> -> memref<128xi32, #tpu.memory_space<hbm>>
    tpu.enqueue_dma source(%dma_start3A_144 : memref<128xi32, #tpu.memory_space<hbm>>) target(%dma_start3A_142 : memref<128xi32, #tpu.memory_space<vmem>>) target_semaphore(%arg16 : memref<!tpu.dma_semaphore, #tpu.memory_space<semaphore_mem>>)
    %dma_start3A_145 = arith.constant 1 : i32
    %dma_start3A_146 = arith.constant 9 : i32
    %dma_start3A_147 = arith.constant 0 : i32
    %dma_start3A_148 = tpu.memref_slice %arg7[%dma_start3A_146, %dma_start3A_147] : memref<13x128xi32, #tpu.memory_space<vmem>> -> memref<1x128xi32, #tpu.memory_space<vmem>>
    %dma_start3A_149 = tpu.memref_squeeze %dma_start3A_148 : memref<1x128xi32, #tpu.memory_space<vmem>> -> memref<128xi32, #tpu.memory_space<vmem>>
    %dma_start3A_150 = tpu.memref_slice %arg3[%dma_start3A_145, %add3A_26] : memref<2x320000xi32, #tpu.memory_space<hbm>> -> memref<1x128xi32, #tpu.memory_space<hbm>>
    %dma_start3A_151 = tpu.memref_squeeze %dma_start3A_150 : memref<1x128xi32, #tpu.memory_space<hbm>> -> memref<128xi32, #tpu.memory_space<hbm>>
    %dma_start3A_152 = arith.constant 0 : i32
    %dma_start3A_153 = tpu.memref_slice %arg7[%dma_start3A_146, %dma_start3A_152] : memref<13x128xi32, #tpu.memory_space<vmem>> -> memref<1x128xi32, #tpu.memory_space<vmem>>
    %dma_start3A_154 = tpu.memref_squeeze %dma_start3A_153 : memref<1x128xi32, #tpu.memory_space<vmem>> -> memref<128xi32, #tpu.memory_space<vmem>>
    %dma_start3A_155 = tpu.memref_slice %arg3[%dma_start3A_145, %add3A_26] : memref<2x320000xi32, #tpu.memory_space<hbm>> -> memref<1x128xi32, #tpu.memory_space<hbm>>
    %dma_start3A_156 = tpu.memref_squeeze %dma_start3A_155 : memref<1x128xi32, #tpu.memory_space<hbm>> -> memref<128xi32, #tpu.memory_space<hbm>>
    tpu.enqueue_dma source(%dma_start3A_156 : memref<128xi32, #tpu.memory_space<hbm>>) target(%dma_start3A_154 : memref<128xi32, #tpu.memory_space<vmem>>) target_semaphore(%arg16 : memref<!tpu.dma_semaphore, #tpu.memory_space<semaphore_mem>>)
    %dma_start3A_157 = arith.constant 1 : i32
    %dma_start3A_158 = arith.constant 10 : i32
    %dma_start3A_159 = arith.constant 0 : i32
    %dma_start3A_160 = tpu.memref_slice %arg7[%dma_start3A_158, %dma_start3A_159] : memref<13x128xi32, #tpu.memory_space<vmem>> -> memref<1x128xi32, #tpu.memory_space<vmem>>
    %dma_start3A_161 = tpu.memref_squeeze %dma_start3A_160 : memref<1x128xi32, #tpu.memory_space<vmem>> -> memref<128xi32, #tpu.memory_space<vmem>>
    %dma_start3A_162 = tpu.memref_slice %arg3[%dma_start3A_157, %add3A_28] : memref<2x320000xi32, #tpu.memory_space<hbm>> -> memref<1x128xi32, #tpu.memory_space<hbm>>
    %dma_start3A_163 = tpu.memref_squeeze %dma_start3A_162 : memref<1x128xi32, #tpu.memory_space<hbm>> -> memref<128xi32, #tpu.memory_space<hbm>>
    %dma_start3A_164 = arith.constant 0 : i32
    %dma_start3A_165 = tpu.memref_slice %arg7[%dma_start3A_158, %dma_start3A_164] : memref<13x128xi32, #tpu.memory_space<vmem>> -> memref<1x128xi32, #tpu.memory_space<vmem>>
    %dma_start3A_166 = tpu.memref_squeeze %dma_start3A_165 : memref<1x128xi32, #tpu.memory_space<vmem>> -> memref<128xi32, #tpu.memory_space<vmem>>
    %dma_start3A_167 = tpu.memref_slice %arg3[%dma_start3A_157, %add3A_28] : memref<2x320000xi32, #tpu.memory_space<hbm>> -> memref<1x128xi32, #tpu.memory_space<hbm>>
    %dma_start3A_168 = tpu.memref_squeeze %dma_start3A_167 : memref<1x128xi32, #tpu.memory_space<hbm>> -> memref<128xi32, #tpu.memory_space<hbm>>
    tpu.enqueue_dma source(%dma_start3A_168 : memref<128xi32, #tpu.memory_space<hbm>>) target(%dma_start3A_166 : memref<128xi32, #tpu.memory_space<vmem>>) target_semaphore(%arg16 : memref<!tpu.dma_semaphore, #tpu.memory_space<semaphore_mem>>)
    %dma_start3A_169 = arith.constant 1 : i32
    %dma_start3A_170 = arith.constant 11 : i32
    %dma_start3A_171 = arith.constant 0 : i32
    %dma_start3A_172 = tpu.memref_slice %arg7[%dma_start3A_170, %dma_start3A_171] : memref<13x128xi32, #tpu.memory_space<vmem>> -> memref<1x128xi32, #tpu.memory_space<vmem>>
    %dma_start3A_173 = tpu.memref_squeeze %dma_start3A_172 : memref<1x128xi32, #tpu.memory_space<vmem>> -> memref<128xi32, #tpu.memory_space<vmem>>
    %dma_start3A_174 = tpu.memref_slice %arg3[%dma_start3A_169, %add3A_30] : memref<2x320000xi32, #tpu.memory_space<hbm>> -> memref<1x128xi32, #tpu.memory_space<hbm>>
    %dma_start3A_175 = tpu.memref_squeeze %dma_start3A_174 : memref<1x128xi32, #tpu.memory_space<hbm>> -> memref<128xi32, #tpu.memory_space<hbm>>
    %dma_start3A_176 = arith.constant 0 : i32
    %dma_start3A_177 = tpu.memref_slice %arg7[%dma_start3A_170, %dma_start3A_176] : memref<13x128xi32, #tpu.memory_space<vmem>> -> memref<1x128xi32, #tpu.memory_space<vmem>>
    %dma_start3A_178 = tpu.memref_squeeze %dma_start3A_177 : memref<1x128xi32, #tpu.memory_space<vmem>> -> memref<128xi32, #tpu.memory_space<vmem>>
    %dma_start3A_179 = tpu.memref_slice %arg3[%dma_start3A_169, %add3A_30] : memref<2x320000xi32, #tpu.memory_space<hbm>> -> memref<1x128xi32, #tpu.memory_space<hbm>>
    %dma_start3A_180 = tpu.memref_squeeze %dma_start3A_179 : memref<1x128xi32, #tpu.memory_space<hbm>> -> memref<128xi32, #tpu.memory_space<hbm>>
    tpu.enqueue_dma source(%dma_start3A_180 : memref<128xi32, #tpu.memory_space<hbm>>) target(%dma_start3A_178 : memref<128xi32, #tpu.memory_space<vmem>>) target_semaphore(%arg16 : memref<!tpu.dma_semaphore, #tpu.memory_space<semaphore_mem>>)
    %dma_start3A_181 = arith.constant 1 : i32
    %dma_start3A_182 = arith.constant 12 : i32
    %dma_start3A_183 = arith.constant 0 : i32
    %dma_start3A_184 = tpu.memref_slice %arg7[%dma_start3A_182, %dma_start3A_183] : memref<13x128xi32, #tpu.memory_space<vmem>> -> memref<1x128xi32, #tpu.memory_space<vmem>>
    %dma_start3A_185 = tpu.memref_squeeze %dma_start3A_184 : memref<1x128xi32, #tpu.memory_space<vmem>> -> memref<128xi32, #tpu.memory_space<vmem>>
    %dma_start3A_186 = tpu.memref_slice %arg3[%dma_start3A_181, %add3A_32] : memref<2x320000xi32, #tpu.memory_space<hbm>> -> memref<1x128xi32, #tpu.memory_space<hbm>>
    %dma_start3A_187 = tpu.memref_squeeze %dma_start3A_186 : memref<1x128xi32, #tpu.memory_space<hbm>> -> memref<128xi32, #tpu.memory_space<hbm>>
    %dma_start3A_188 = arith.constant 0 : i32
    %dma_start3A_189 = tpu.memref_slice %arg7[%dma_start3A_182, %dma_start3A_188] : memref<13x128xi32, #tpu.memory_space<vmem>> -> memref<1x128xi32, #tpu.memory_space<vmem>>
    %dma_start3A_190 = tpu.memref_squeeze %dma_start3A_189 : memref<1x128xi32, #tpu.memory_space<vmem>> -> memref<128xi32, #tpu.memory_space<vmem>>
    %dma_start3A_191 = tpu.memref_slice %arg3[%dma_start3A_181, %add3A_32] : memref<2x320000xi32, #tpu.memory_space<hbm>> -> memref<1x128xi32, #tpu.memory_space<hbm>>
    %dma_start3A_192 = tpu.memref_squeeze %dma_start3A_191 : memref<1x128xi32, #tpu.memory_space<hbm>> -> memref<128xi32, #tpu.memory_space<hbm>>
    tpu.enqueue_dma source(%dma_start3A_192 : memref<128xi32, #tpu.memory_space<hbm>>) target(%dma_start3A_190 : memref<128xi32, #tpu.memory_space<vmem>>) target_semaphore(%arg16 : memref<!tpu.dma_semaphore, #tpu.memory_space<semaphore_mem>>)
    %add3A_193 = arith.constant 13 : i32
    %add3A_194 = arith.addi %mul3A_2, %add3A_193 : i32
    %mul3A_195 = arith.constant 128 : i32
    %mul3A_196 = arith.muli %add3A_194, %mul3A_195 : i32
    %add3A_197 = arith.constant 0 : i32
    %add3A_198 = arith.addi %mul3A_196, %add3A_197 : i32
    %add3A_199 = arith.constant 128 : i32
    %add3A_200 = arith.addi %mul3A_196, %add3A_199 : i32
    %add3A_201 = arith.constant 256 : i32
    %add3A_202 = arith.addi %mul3A_196, %add3A_201 : i32
    %add3A_203 = arith.constant 384 : i32
    %add3A_204 = arith.addi %mul3A_196, %add3A_203 : i32
    %add3A_205 = arith.constant 512 : i32
    %add3A_206 = arith.addi %mul3A_196, %add3A_205 : i32
    %add3A_207 = arith.constant 640 : i32
    %add3A_208 = arith.addi %mul3A_196, %add3A_207 : i32
    %add3A_209 = arith.constant 768 : i32
    %add3A_210 = arith.addi %mul3A_196, %add3A_209 : i32
    %add3A_211 = arith.constant 896 : i32
    %add3A_212 = arith.addi %mul3A_196, %add3A_211 : i32
    %add3A_213 = arith.constant 1024 : i32
    %add3A_214 = arith.addi %mul3A_196, %add3A_213 : i32
    %add3A_215 = arith.constant 1152 : i32
    %add3A_216 = arith.addi %mul3A_196, %add3A_215 : i32
    %add3A_217 = arith.constant 1280 : i32
    %add3A_218 = arith.addi %mul3A_196, %add3A_217 : i32
    %add3A_219 = arith.constant 1408 : i32
    %add3A_220 = arith.addi %mul3A_196, %add3A_219 : i32
    %add3A_221 = arith.constant 1536 : i32
    %add3A_222 = arith.addi %mul3A_196, %add3A_221 : i32
    %dma_start3A_223 = arith.constant 0 : i32
    %dma_start3A_224 = tpu.memref_slice %arg3[%dma_start3A_223, %mul3A_196] : memref<2x320000xi32, #tpu.memory_space<hbm>> -> memref<1x1664xi32, #tpu.memory_space<hbm>>
    %dma_start3A_225 = tpu.memref_squeeze %dma_start3A_224 : memref<1x1664xi32, #tpu.memory_space<hbm>> -> memref<1664xi32, #tpu.memory_space<hbm>>
    %dma_start3A_226 = tpu.memref_slice %arg3[%dma_start3A_223, %mul3A_196] : memref<2x320000xi32, #tpu.memory_space<hbm>> -> memref<1x1664xi32, #tpu.memory_space<hbm>>
    %dma_start3A_227 = tpu.memref_squeeze %dma_start3A_226 : memref<1x1664xi32, #tpu.memory_space<hbm>> -> memref<1664xi32, #tpu.memory_space<hbm>>
    tpu.enqueue_dma source(%dma_start3A_227 : memref<1664xi32, #tpu.memory_space<hbm>>) target(%arg6 : memref<1664xi32, #tpu.memory_space<vmem>>) target_semaphore(%arg17 : memref<!tpu.dma_semaphore, #tpu.memory_space<semaphore_mem>>)
    %dma_start3A_228 = arith.constant 1 : i32
    %dma_start3A_229 = arith.constant 0 : i32
    %dma_start3A_230 = arith.constant 0 : i32
    %dma_start3A_231 = tpu.memref_slice %arg8[%dma_start3A_229, %dma_start3A_230] : memref<13x128xi32, #tpu.memory_space<vmem>> -> memref<1x128xi32, #tpu.memory_space<vmem>>
    %dma_start3A_232 = tpu.memref_squeeze %dma_start3A_231 : memref<1x128xi32, #tpu.memory_space<vmem>> -> memref<128xi32, #tpu.memory_space<vmem>>
    %dma_start3A_233 = tpu.memref_slice %arg3[%dma_start3A_228, %add3A_198] : memref<2x320000xi32, #tpu.memory_space<hbm>> -> memref<1x128xi32, #tpu.memory_space<hbm>>
    %dma_start3A_234 = tpu.memref_squeeze %dma_start3A_233 : memref<1x128xi32, #tpu.memory_space<hbm>> -> memref<128xi32, #tpu.memory_space<hbm>>
    %dma_start3A_235 = arith.constant 0 : i32
    %dma_start3A_236 = tpu.memref_slice %arg8[%dma_start3A_229, %dma_start3A_235] : memref<13x128xi32, #tpu.memory_space<vmem>> -> memref<1x128xi32, #tpu.memory_space<vmem>>
    %dma_start3A_237 = tpu.memref_squeeze %dma_start3A_236 : memref<1x128xi32, #tpu.memory_space<vmem>> -> memref<128xi32, #tpu.memory_space<vmem>>
    %dma_start3A_238 = tpu.memref_slice %arg3[%dma_start3A_228, %add3A_198] : memref<2x320000xi32, #tpu.memory_space<hbm>> -> memref<1x128xi32, #tpu.memory_space<hbm>>
    %dma_start3A_239 = tpu.memref_squeeze %dma_start3A_238 : memref<1x128xi32, #tpu.memory_space<hbm>> -> memref<128xi32, #tpu.memory_space<hbm>>
    tpu.enqueue_dma source(%dma_start3A_239 : memref<128xi32, #tpu.memory_space<hbm>>) target(%dma_start3A_237 : memref<128xi32, #tpu.memory_space<vmem>>) target_semaphore(%arg17 : memref<!tpu.dma_semaphore, #tpu.memory_space<semaphore_mem>>)
    %dma_start3A_240 = arith.constant 1 : i32
    %dma_start3A_241 = arith.constant 1 : i32
    %dma_start3A_242 = arith.constant 0 : i32
    %dma_start3A_243 = tpu.memref_slice %arg8[%dma_start3A_241, %dma_start3A_242] : memref<13x128xi32, #tpu.memory_space<vmem>> -> memref<1x128xi32, #tpu.memory_space<vmem>>
    %dma_start3A_244 = tpu.memref_squeeze %dma_start3A_243 : memref<1x128xi32, #tpu.memory_space<vmem>> -> memref<128xi32, #tpu.memory_space<vmem>>
    %dma_start3A_245 = tpu.memref_slice %arg3[%dma_start3A_240, %add3A_200] : memref<2x320000xi32, #tpu.memory_space<hbm>> -> memref<1x128xi32, #tpu.memory_space<hbm>>
    %dma_start3A_246 = tpu.memref_squeeze %dma_start3A_245 : memref<1x128xi32, #tpu.memory_space<hbm>> -> memref<128xi32, #tpu.memory_space<hbm>>
    %dma_start3A_247 = arith.constant 0 : i32
    %dma_start3A_248 = tpu.memref_slice %arg8[%dma_start3A_241, %dma_start3A_247] : memref<13x128xi32, #tpu.memory_space<vmem>> -> memref<1x128xi32, #tpu.memory_space<vmem>>
    %dma_start3A_249 = tpu.memref_squeeze %dma_start3A_248 : memref<1x128xi32, #tpu.memory_space<vmem>> -> memref<128xi32, #tpu.memory_space<vmem>>
    %dma_start3A_250 = tpu.memref_slice %arg3[%dma_start3A_240, %add3A_200] : memref<2x320000xi32, #tpu.memory_space<hbm>> -> memref<1x128xi32, #tpu.memory_space<hbm>>
    %dma_start3A_251 = tpu.memref_squeeze %dma_start3A_250 : memref<1x128xi32, #tpu.memory_space<hbm>> -> memref<128xi32, #tpu.memory_space<hbm>>
    tpu.enqueue_dma source(%dma_start3A_251 : memref<128xi32, #tpu.memory_space<hbm>>) target(%dma_start3A_249 : memref<128xi32, #tpu.memory_space<vmem>>) target_semaphore(%arg17 : memref<!tpu.dma_semaphore, #tpu.memory_space<semaphore_mem>>)
    %dma_start3A_252 = arith.constant 1 : i32
    %dma_start3A_253 = arith.constant 2 : i32
    %dma_start3A_254 = arith.constant 0 : i32
    %dma_start3A_255 = tpu.memref_slice %arg8[%dma_start3A_253, %dma_start3A_254] : memref<13x128xi32, #tpu.memory_space<vmem>> -> memref<1x128xi32, #tpu.memory_space<vmem>>
    %dma_start3A_256 = tpu.memref_squeeze %dma_start3A_255 : memref<1x128xi32, #tpu.memory_space<vmem>> -> memref<128xi32, #tpu.memory_space<vmem>>
    %dma_start3A_257 = tpu.memref_slice %arg3[%dma_start3A_252, %add3A_202] : memref<2x320000xi32, #tpu.memory_space<hbm>> -> memref<1x128xi32, #tpu.memory_space<hbm>>
    %dma_start3A_258 = tpu.memref_squeeze %dma_start3A_257 : memref<1x128xi32, #tpu.memory_space<hbm>> -> memref<128xi32, #tpu.memory_space<hbm>>
    %dma_start3A_259 = arith.constant 0 : i32
    %dma_start3A_260 = tpu.memref_slice %arg8[%dma_start3A_253, %dma_start3A_259] : memref<13x128xi32, #tpu.memory_space<vmem>> -> memref<1x128xi32, #tpu.memory_space<vmem>>
    %dma_start3A_261 = tpu.memref_squeeze %dma_start3A_260 : memref<1x128xi32, #tpu.memory_space<vmem>> -> memref<128xi32, #tpu.memory_space<vmem>>
    %dma_start3A_262 = tpu.memref_slice %arg3[%dma_start3A_252, %add3A_202] : memref<2x320000xi32, #tpu.memory_space<hbm>> -> memref<1x128xi32, #tpu.memory_space<hbm>>
    %dma_start3A_263 = tpu.memref_squeeze %dma_start3A_262 : memref<1x128xi32, #tpu.memory_space<hbm>> -> memref<128xi32, #tpu.memory_space<hbm>>
    tpu.enqueue_dma source(%dma_start3A_263 : memref<128xi32, #tpu.memory_space<hbm>>) target(%dma_start3A_261 : memref<128xi32, #tpu.memory_space<vmem>>) target_semaphore(%arg17 : memref<!tpu.dma_semaphore, #tpu.memory_space<semaphore_mem>>)
    %dma_start3A_264 = arith.constant 1 : i32
    %dma_start3A_265 = arith.constant 3 : i32
    %dma_start3A_266 = arith.constant 0 : i32
    %dma_start3A_267 = tpu.memref_slice %arg8[%dma_start3A_265, %dma_start3A_266] : memref<13x128xi32, #tpu.memory_space<vmem>> -> memref<1x128xi32, #tpu.memory_space<vmem>>
    %dma_start3A_268 = tpu.memref_squeeze %dma_start3A_267 : memref<1x128xi32, #tpu.memory_space<vmem>> -> memref<128xi32, #tpu.memory_space<vmem>>
    %dma_start3A_269 = tpu.memref_slice %arg3[%dma_start3A_264, %add3A_204] : memref<2x320000xi32, #tpu.memory_space<hbm>> -> memref<1x128xi32, #tpu.memory_space<hbm>>
    %dma_start3A_270 = tpu.memref_squeeze %dma_start3A_269 : memref<1x128xi32, #tpu.memory_space<hbm>> -> memref<128xi32, #tpu.memory_space<hbm>>
    %dma_start3A_271 = arith.constant 0 : i32
    %dma_start3A_272 = tpu.memref_slice %arg8[%dma_start3A_265, %dma_start3A_271] : memref<13x128xi32, #tpu.memory_space<vmem>> -> memref<1x128xi32, #tpu.memory_space<vmem>>
    %dma_start3A_273 = tpu.memref_squeeze %dma_start3A_272 : memref<1x128xi32, #tpu.memory_space<vmem>> -> memref<128xi32, #tpu.memory_space<vmem>>
    %dma_start3A_274 = tpu.memref_slice %arg3[%dma_start3A_264, %add3A_204] : memref<2x320000xi32, #tpu.memory_space<hbm>> -> memref<1x128xi32, #tpu.memory_space<hbm>>
    %dma_start3A_275 = tpu.memref_squeeze %dma_start3A_274 : memref<1x128xi32, #tpu.memory_space<hbm>> -> memref<128xi32, #tpu.memory_space<hbm>>
    tpu.enqueue_dma source(%dma_start3A_275 : memref<128xi32, #tpu.memory_space<hbm>>) target(%dma_start3A_273 : memref<128xi32, #tpu.memory_space<vmem>>) target_semaphore(%arg17 : memref<!tpu.dma_semaphore, #tpu.memory_space<semaphore_mem>>)
    %dma_start3A_276 = arith.constant 1 : i32
    %dma_start3A_277 = arith.constant 4 : i32
    %dma_start3A_278 = arith.constant 0 : i32
    %dma_start3A_279 = tpu.memref_slice %arg8[%dma_start3A_277, %dma_start3A_278] : memref<13x128xi32, #tpu.memory_space<vmem>> -> memref<1x128xi32, #tpu.memory_space<vmem>>
    %dma_start3A_280 = tpu.memref_squeeze %dma_start3A_279 : memref<1x128xi32, #tpu.memory_space<vmem>> -> memref<128xi32, #tpu.memory_space<vmem>>
    %dma_start3A_281 = tpu.memref_slice %arg3[%dma_start3A_276, %add3A_206] : memref<2x320000xi32, #tpu.memory_space<hbm>> -> memref<1x128xi32, #tpu.memory_space<hbm>>
    %dma_start3A_282 = tpu.memref_squeeze %dma_start3A_281 : memref<1x128xi32, #tpu.memory_space<hbm>> -> memref<128xi32, #tpu.memory_space<hbm>>
    %dma_start3A_283 = arith.constant 0 : i32
    %dma_start3A_284 = tpu.memref_slice %arg8[%dma_start3A_277, %dma_start3A_283] : memref<13x128xi32, #tpu.memory_space<vmem>> -> memref<1x128xi32, #tpu.memory_space<vmem>>
    %dma_start3A_285 = tpu.memref_squeeze %dma_start3A_284 : memref<1x128xi32, #tpu.memory_space<vmem>> -> memref<128xi32, #tpu.memory_space<vmem>>
    %dma_start3A_286 = tpu.memref_slice %arg3[%dma_start3A_276, %add3A_206] : memref<2x320000xi32, #tpu.memory_space<hbm>> -> memref<1x128xi32, #tpu.memory_space<hbm>>
    %dma_start3A_287 = tpu.memref_squeeze %dma_start3A_286 : memref<1x128xi32, #tpu.memory_space<hbm>> -> memref<128xi32, #tpu.memory_space<hbm>>
    tpu.enqueue_dma source(%dma_start3A_287 : memref<128xi32, #tpu.memory_space<hbm>>) target(%dma_start3A_285 : memref<128xi32, #tpu.memory_space<vmem>>) target_semaphore(%arg17 : memref<!tpu.dma_semaphore, #tpu.memory_space<semaphore_mem>>)
    %dma_start3A_288 = arith.constant 1 : i32
    %dma_start3A_289 = arith.constant 5 : i32
    %dma_start3A_290 = arith.constant 0 : i32
    %dma_start3A_291 = tpu.memref_slice %arg8[%dma_start3A_289, %dma_start3A_290] : memref<13x128xi32, #tpu.memory_space<vmem>> -> memref<1x128xi32, #tpu.memory_space<vmem>>
    %dma_start3A_292 = tpu.memref_squeeze %dma_start3A_291 : memref<1x128xi32, #tpu.memory_space<vmem>> -> memref<128xi32, #tpu.memory_space<vmem>>
    %dma_start3A_293 = tpu.memref_slice %arg3[%dma_start3A_288, %add3A_208] : memref<2x320000xi32, #tpu.memory_space<hbm>> -> memref<1x128xi32, #tpu.memory_space<hbm>>
    %dma_start3A_294 = tpu.memref_squeeze %dma_start3A_293 : memref<1x128xi32, #tpu.memory_space<hbm>> -> memref<128xi32, #tpu.memory_space<hbm>>
    %dma_start3A_295 = arith.constant 0 : i32
    %dma_start3A_296 = tpu.memref_slice %arg8[%dma_start3A_289, %dma_start3A_295] : memref<13x128xi32, #tpu.memory_space<vmem>> -> memref<1x128xi32, #tpu.memory_space<vmem>>
    %dma_start3A_297 = tpu.memref_squeeze %dma_start3A_296 : memref<1x128xi32, #tpu.memory_space<vmem>> -> memref<128xi32, #tpu.memory_space<vmem>>
    %dma_start3A_298 = tpu.memref_slice %arg3[%dma_start3A_288, %add3A_208] : memref<2x320000xi32, #tpu.memory_space<hbm>> -> memref<1x128xi32, #tpu.memory_space<hbm>>
    %dma_start3A_299 = tpu.memref_squeeze %dma_start3A_298 : memref<1x128xi32, #tpu.memory_space<hbm>> -> memref<128xi32, #tpu.memory_space<hbm>>
    tpu.enqueue_dma source(%dma_start3A_299 : memref<128xi32, #tpu.memory_space<hbm>>) target(%dma_start3A_297 : memref<128xi32, #tpu.memory_space<vmem>>) target_semaphore(%arg17 : memref<!tpu.dma_semaphore, #tpu.memory_space<semaphore_mem>>)
    %dma_start3A_300 = arith.constant 1 : i32
    %dma_start3A_301 = arith.constant 6 : i32
    %dma_start3A_302 = arith.constant 0 : i32
    %dma_start3A_303 = tpu.memref_slice %arg8[%dma_start3A_301, %dma_start3A_302] : memref<13x128xi32, #tpu.memory_space<vmem>> -> memref<1x128xi32, #tpu.memory_space<vmem>>
    %dma_start3A_304 = tpu.memref_squeeze %dma_start3A_303 : memref<1x128xi32, #tpu.memory_space<vmem>> -> memref<128xi32, #tpu.memory_space<vmem>>
    %dma_start3A_305 = tpu.memref_slice %arg3[%dma_start3A_300, %add3A_210] : memref<2x320000xi32, #tpu.memory_space<hbm>> -> memref<1x128xi32, #tpu.memory_space<hbm>>
    %dma_start3A_306 = tpu.memref_squeeze %dma_start3A_305 : memref<1x128xi32, #tpu.memory_space<hbm>> -> memref<128xi32, #tpu.memory_space<hbm>>
    %dma_start3A_307 = arith.constant 0 : i32
    %dma_start3A_308 = tpu.memref_slice %arg8[%dma_start3A_301, %dma_start3A_307] : memref<13x128xi32, #tpu.memory_space<vmem>> -> memref<1x128xi32, #tpu.memory_space<vmem>>
    %dma_start3A_309 = tpu.memref_squeeze %dma_start3A_308 : memref<1x128xi32, #tpu.memory_space<vmem>> -> memref<128xi32, #tpu.memory_space<vmem>>
    %dma_start3A_310 = tpu.memref_slice %arg3[%dma_start3A_300, %add3A_210] : memref<2x320000xi32, #tpu.memory_space<hbm>> -> memref<1x128xi32, #tpu.memory_space<hbm>>
    %dma_start3A_311 = tpu.memref_squeeze %dma_start3A_310 : memref<1x128xi32, #tpu.memory_space<hbm>> -> memref<128xi32, #tpu.memory_space<hbm>>
    tpu.enqueue_dma source(%dma_start3A_311 : memref<128xi32, #tpu.memory_space<hbm>>) target(%dma_start3A_309 : memref<128xi32, #tpu.memory_space<vmem>>) target_semaphore(%arg17 : memref<!tpu.dma_semaphore, #tpu.memory_space<semaphore_mem>>)
    %dma_start3A_312 = arith.constant 1 : i32
    %dma_start3A_313 = arith.constant 7 : i32
    %dma_start3A_314 = arith.constant 0 : i32
    %dma_start3A_315 = tpu.memref_slice %arg8[%dma_start3A_313, %dma_start3A_314] : memref<13x128xi32, #tpu.memory_space<vmem>> -> memref<1x128xi32, #tpu.memory_space<vmem>>
    %dma_start3A_316 = tpu.memref_squeeze %dma_start3A_315 : memref<1x128xi32, #tpu.memory_space<vmem>> -> memref<128xi32, #tpu.memory_space<vmem>>
    %dma_start3A_317 = tpu.memref_slice %arg3[%dma_start3A_312, %add3A_212] : memref<2x320000xi32, #tpu.memory_space<hbm>> -> memref<1x128xi32, #tpu.memory_space<hbm>>
    %dma_start3A_318 = tpu.memref_squeeze %dma_start3A_317 : memref<1x128xi32, #tpu.memory_space<hbm>> -> memref<128xi32, #tpu.memory_space<hbm>>
    %dma_start3A_319 = arith.constant 0 : i32
    %dma_start3A_320 = tpu.memref_slice %arg8[%dma_start3A_313, %dma_start3A_319] : memref<13x128xi32, #tpu.memory_space<vmem>> -> memref<1x128xi32, #tpu.memory_space<vmem>>
    %dma_start3A_321 = tpu.memref_squeeze %dma_start3A_320 : memref<1x128xi32, #tpu.memory_space<vmem>> -> memref<128xi32, #tpu.memory_space<vmem>>
    %dma_start3A_322 = tpu.memref_slice %arg3[%dma_start3A_312, %add3A_212] : memref<2x320000xi32, #tpu.memory_space<hbm>> -> memref<1x128xi32, #tpu.memory_space<hbm>>
    %dma_start3A_323 = tpu.memref_squeeze %dma_start3A_322 : memref<1x128xi32, #tpu.memory_space<hbm>> -> memref<128xi32, #tpu.memory_space<hbm>>
    tpu.enqueue_dma source(%dma_start3A_323 : memref<128xi32, #tpu.memory_space<hbm>>) target(%dma_start3A_321 : memref<128xi32, #tpu.memory_space<vmem>>) target_semaphore(%arg17 : memref<!tpu.dma_semaphore, #tpu.memory_space<semaphore_mem>>)
    %dma_start3A_324 = arith.constant 1 : i32
    %dma_start3A_325 = arith.constant 8 : i32
    %dma_start3A_326 = arith.constant 0 : i32
    %dma_start3A_327 = tpu.memref_slice %arg8[%dma_start3A_325, %dma_start3A_326] : memref<13x128xi32, #tpu.memory_space<vmem>> -> memref<1x128xi32, #tpu.memory_space<vmem>>
    %dma_start3A_328 = tpu.memref_squeeze %dma_start3A_327 : memref<1x128xi32, #tpu.memory_space<vmem>> -> memref<128xi32, #tpu.memory_space<vmem>>
    %dma_start3A_329 = tpu.memref_slice %arg3[%dma_start3A_324, %add3A_214] : memref<2x320000xi32, #tpu.memory_space<hbm>> -> memref<1x128xi32, #tpu.memory_space<hbm>>
    %dma_start3A_330 = tpu.memref_squeeze %dma_start3A_329 : memref<1x128xi32, #tpu.memory_space<hbm>> -> memref<128xi32, #tpu.memory_space<hbm>>
    %dma_start3A_331 = arith.constant 0 : i32
    %dma_start3A_332 = tpu.memref_slice %arg8[%dma_start3A_325, %dma_start3A_331] : memref<13x128xi32, #tpu.memory_space<vmem>> -> memref<1x128xi32, #tpu.memory_space<vmem>>
    %dma_start3A_333 = tpu.memref_squeeze %dma_start3A_332 : memref<1x128xi32, #tpu.memory_space<vmem>> -> memref<128xi32, #tpu.memory_space<vmem>>
    %dma_start3A_334 = tpu.memref_slice %arg3[%dma_start3A_324, %add3A_214] : memref<2x320000xi32, #tpu.memory_space<hbm>> -> memref<1x128xi32, #tpu.memory_space<hbm>>
    %dma_start3A_335 = tpu.memref_squeeze %dma_start3A_334 : memref<1x128xi32, #tpu.memory_space<hbm>> -> memref<128xi32, #tpu.memory_space<hbm>>
    tpu.enqueue_dma source(%dma_start3A_335 : memref<128xi32, #tpu.memory_space<hbm>>) target(%dma_start3A_333 : memref<128xi32, #tpu.memory_space<vmem>>) target_semaphore(%arg17 : memref<!tpu.dma_semaphore, #tpu.memory_space<semaphore_mem>>)
    %dma_start3A_336 = arith.constant 1 : i32
    %dma_start3A_337 = arith.constant 9 : i32
    %dma_start3A_338 = arith.constant 0 : i32
    %dma_start3A_339 = tpu.memref_slice %arg8[%dma_start3A_337, %dma_start3A_338] : memref<13x128xi32, #tpu.memory_space<vmem>> -> memref<1x128xi32, #tpu.memory_space<vmem>>
    %dma_start3A_340 = tpu.memref_squeeze %dma_start3A_339 : memref<1x128xi32, #tpu.memory_space<vmem>> -> memref<128xi32, #tpu.memory_space<vmem>>
    %dma_start3A_341 = tpu.memref_slice %arg3[%dma_start3A_336, %add3A_216] : memref<2x320000xi32, #tpu.memory_space<hbm>> -> memref<1x128xi32, #tpu.memory_space<hbm>>
    %dma_start3A_342 = tpu.memref_squeeze %dma_start3A_341 : memref<1x128xi32, #tpu.memory_space<hbm>> -> memref<128xi32, #tpu.memory_space<hbm>>
    %dma_start3A_343 = arith.constant 0 : i32
    %dma_start3A_344 = tpu.memref_slice %arg8[%dma_start3A_337, %dma_start3A_343] : memref<13x128xi32, #tpu.memory_space<vmem>> -> memref<1x128xi32, #tpu.memory_space<vmem>>
    %dma_start3A_345 = tpu.memref_squeeze %dma_start3A_344 : memref<1x128xi32, #tpu.memory_space<vmem>> -> memref<128xi32, #tpu.memory_space<vmem>>
    %dma_start3A_346 = tpu.memref_slice %arg3[%dma_start3A_336, %add3A_216] : memref<2x320000xi32, #tpu.memory_space<hbm>> -> memref<1x128xi32, #tpu.memory_space<hbm>>
    %dma_start3A_347 = tpu.memref_squeeze %dma_start3A_346 : memref<1x128xi32, #tpu.memory_space<hbm>> -> memref<128xi32, #tpu.memory_space<hbm>>
    tpu.enqueue_dma source(%dma_start3A_347 : memref<128xi32, #tpu.memory_space<hbm>>) target(%dma_start3A_345 : memref<128xi32, #tpu.memory_space<vmem>>) target_semaphore(%arg17 : memref<!tpu.dma_semaphore, #tpu.memory_space<semaphore_mem>>)
    %dma_start3A_348 = arith.constant 1 : i32
    %dma_start3A_349 = arith.constant 10 : i32
    %dma_start3A_350 = arith.constant 0 : i32
    %dma_start3A_351 = tpu.memref_slice %arg8[%dma_start3A_349, %dma_start3A_350] : memref<13x128xi32, #tpu.memory_space<vmem>> -> memref<1x128xi32, #tpu.memory_space<vmem>>
    %dma_start3A_352 = tpu.memref_squeeze %dma_start3A_351 : memref<1x128xi32, #tpu.memory_space<vmem>> -> memref<128xi32, #tpu.memory_space<vmem>>
    %dma_start3A_353 = tpu.memref_slice %arg3[%dma_start3A_348, %add3A_218] : memref<2x320000xi32, #tpu.memory_space<hbm>> -> memref<1x128xi32, #tpu.memory_space<hbm>>
    %dma_start3A_354 = tpu.memref_squeeze %dma_start3A_353 : memref<1x128xi32, #tpu.memory_space<hbm>> -> memref<128xi32, #tpu.memory_space<hbm>>
    %dma_start3A_355 = arith.constant 0 : i32
    %dma_start3A_356 = tpu.memref_slice %arg8[%dma_start3A_349, %dma_start3A_355] : memref<13x128xi32, #tpu.memory_space<vmem>> -> memref<1x128xi32, #tpu.memory_space<vmem>>
    %dma_start3A_357 = tpu.memref_squeeze %dma_start3A_356 : memref<1x128xi32, #tpu.memory_space<vmem>> -> memref<128xi32, #tpu.memory_space<vmem>>
    %dma_start3A_358 = tpu.memref_slice %arg3[%dma_start3A_348, %add3A_218] : memref<2x320000xi32, #tpu.memory_space<hbm>> -> memref<1x128xi32, #tpu.memory_space<hbm>>
    %dma_start3A_359 = tpu.memref_squeeze %dma_start3A_358 : memref<1x128xi32, #tpu.memory_space<hbm>> -> memref<128xi32, #tpu.memory_space<hbm>>
    tpu.enqueue_dma source(%dma_start3A_359 : memref<128xi32, #tpu.memory_space<hbm>>) target(%dma_start3A_357 : memref<128xi32, #tpu.memory_space<vmem>>) target_semaphore(%arg17 : memref<!tpu.dma_semaphore, #tpu.memory_space<semaphore_mem>>)
    %dma_start3A_360 = arith.constant 1 : i32
    %dma_start3A_361 = arith.constant 11 : i32
    %dma_start3A_362 = arith.constant 0 : i32
    %dma_start3A_363 = tpu.memref_slice %arg8[%dma_start3A_361, %dma_start3A_362] : memref<13x128xi32, #tpu.memory_space<vmem>> -> memref<1x128xi32, #tpu.memory_space<vmem>>
    %dma_start3A_364 = tpu.memref_squeeze %dma_start3A_363 : memref<1x128xi32, #tpu.memory_space<vmem>> -> memref<128xi32, #tpu.memory_space<vmem>>
    %dma_start3A_365 = tpu.memref_slice %arg3[%dma_start3A_360, %add3A_220] : memref<2x320000xi32, #tpu.memory_space<hbm>> -> memref<1x128xi32, #tpu.memory_space<hbm>>
    %dma_start3A_366 = tpu.memref_squeeze %dma_start3A_365 : memref<1x128xi32, #tpu.memory_space<hbm>> -> memref<128xi32, #tpu.memory_space<hbm>>
    %dma_start3A_367 = arith.constant 0 : i32
    %dma_start3A_368 = tpu.memref_slice %arg8[%dma_start3A_361, %dma_start3A_367] : memref<13x128xi32, #tpu.memory_space<vmem>> -> memref<1x128xi32, #tpu.memory_space<vmem>>
    %dma_start3A_369 = tpu.memref_squeeze %dma_start3A_368 : memref<1x128xi32, #tpu.memory_space<vmem>> -> memref<128xi32, #tpu.memory_space<vmem>>
    %dma_start3A_370 = tpu.memref_slice %arg3[%dma_start3A_360, %add3A_220] : memref<2x320000xi32, #tpu.memory_space<hbm>> -> memref<1x128xi32, #tpu.memory_space<hbm>>
    %dma_start3A_371 = tpu.memref_squeeze %dma_start3A_370 : memref<1x128xi32, #tpu.memory_space<hbm>> -> memref<128xi32, #tpu.memory_space<hbm>>
    tpu.enqueue_dma source(%dma_start3A_371 : memref<128xi32, #tpu.memory_space<hbm>>) target(%dma_start3A_369 : memref<128xi32, #tpu.memory_space<vmem>>) target_semaphore(%arg17 : memref<!tpu.dma_semaphore, #tpu.memory_space<semaphore_mem>>)
    %dma_start3A_372 = arith.constant 1 : i32
    %dma_start3A_373 = arith.constant 12 : i32
    %dma_start3A_374 = arith.constant 0 : i32
    %dma_start3A_375 = tpu.memref_slice %arg8[%dma_start3A_373, %dma_start3A_374] : memref<13x128xi32, #tpu.memory_space<vmem>> -> memref<1x128xi32, #tpu.memory_space<vmem>>
    %dma_start3A_376 = tpu.memref_squeeze %dma_start3A_375 : memref<1x128xi32, #tpu.memory_space<vmem>> -> memref<128xi32, #tpu.memory_space<vmem>>
    %dma_start3A_377 = tpu.memref_slice %arg3[%dma_start3A_372, %add3A_222] : memref<2x320000xi32, #tpu.memory_space<hbm>> -> memref<1x128xi32, #tpu.memory_space<hbm>>
    %dma_start3A_378 = tpu.memref_squeeze %dma_start3A_377 : memref<1x128xi32, #tpu.memory_space<hbm>> -> memref<128xi32, #tpu.memory_space<hbm>>
    %dma_start3A_379 = arith.constant 0 : i32
    %dma_start3A_380 = tpu.memref_slice %arg8[%dma_start3A_373, %dma_start3A_379] : memref<13x128xi32, #tpu.memory_space<vmem>> -> memref<1x128xi32, #tpu.memory_space<vmem>>
    %dma_start3A_381 = tpu.memref_squeeze %dma_start3A_380 : memref<1x128xi32, #tpu.memory_space<vmem>> -> memref<128xi32, #tpu.memory_space<vmem>>
    %dma_start3A_382 = tpu.memref_slice %arg3[%dma_start3A_372, %add3A_222] : memref<2x320000xi32, #tpu.memory_space<hbm>> -> memref<1x128xi32, #tpu.memory_space<hbm>>
    %dma_start3A_383 = tpu.memref_squeeze %dma_start3A_382 : memref<1x128xi32, #tpu.memory_space<hbm>> -> memref<128xi32, #tpu.memory_space<hbm>>
    tpu.enqueue_dma source(%dma_start3A_383 : memref<128xi32, #tpu.memory_space<hbm>>) target(%dma_start3A_381 : memref<128xi32, #tpu.memory_space<vmem>>) target_semaphore(%arg17 : memref<!tpu.dma_semaphore, #tpu.memory_space<semaphore_mem>>)
    %scan3A = arith.constant 0 : i32
    %scan3A_384 = arith.constant 128 : i32
    %scan3A_385 = arith.addi %scan3A, %scan3A_384 : i32
    %scan3A_386 = arith.constant 1 : i32
    scf.for %scan3A_616 = %scan3A to %scan3A_385 step %scan3A_386  : i32 {
      %mul3A_617 = arith.constant 1 : i32
      %mul3A_618 = arith.muli %scan3A_616, %mul3A_617 : i32
      %add3A_619 = arith.constant 0 : i32
      %add3A_620 = arith.addi %add3A_619, %mul3A_618 : i32
      %broadcast_in_dim3A = arith.constant 0.000000e+00 : f32
      %broadcast_in_dim3A_621 = vector.broadcast %broadcast_in_dim3A : f32 to vector<16xf32>
      %swap3A = arith.index_cast %add3A_620 : i32 to index
      %swap3A_622 = arith.constant 0 : index
      %swap3A_623 = tpu.vector_load %arg9[%swap3A, %swap3A_622] {strides = array<i32>} : memref<128x128xf32, #tpu.memory_space<vmem>>, vector<1x16xf32>,
      %swap3A_624 = vector.shape_cast %swap3A_623 : vector<1x16xf32> to vector<16xf32>
      %swap3A_625 = vector.shape_cast %broadcast_in_dim3A_621 : vector<16xf32> to vector<1x16xf32>
      tpu.vector_store %arg9[%swap3A, %swap3A_622], %swap3A_625 {strides = array<i32>} : memref<128x128xf32, #tpu.memory_space<vmem>>, vector<1x16xf32>,
      %broadcast_in_dim3A_626 = arith.constant 0.000000e+00 : f32
      %broadcast_in_dim3A_627 = vector.broadcast %broadcast_in_dim3A_626 : f32 to vector<16xf32>
      %swap3A_628 = arith.index_cast %add3A_620 : i32 to index
      %swap3A_629 = arith.constant 16 : index
      %swap3A_630 = tpu.vector_load %arg9[%swap3A_628, %swap3A_629] {strides = array<i32>} : memref<128x128xf32, #tpu.memory_space<vmem>>, vector<1x16xf32>,
      %swap3A_631 = vector.shape_cast %swap3A_630 : vector<1x16xf32> to vector<16xf32>
      %swap3A_632 = vector.shape_cast %broadcast_in_dim3A_627 : vector<16xf32> to vector<1x16xf32>
      tpu.vector_store %arg9[%swap3A_628, %swap3A_629], %swap3A_632 {strides = array<i32>} : memref<128x128xf32, #tpu.memory_space<vmem>>, vector<1x16xf32>,
      %broadcast_in_dim3A_633 = arith.constant 0.000000e+00 : f32
      %broadcast_in_dim3A_634 = vector.broadcast %broadcast_in_dim3A_633 : f32 to vector<16xf32>
      %swap3A_635 = arith.index_cast %add3A_620 : i32 to index
      %swap3A_636 = arith.constant 32 : index
      %swap3A_637 = tpu.vector_load %arg9[%swap3A_635, %swap3A_636] {strides = array<i32>} : memref<128x128xf32, #tpu.memory_space<vmem>>, vector<1x16xf32>,
      %swap3A_638 = vector.shape_cast %swap3A_637 : vector<1x16xf32> to vector<16xf32>
      %swap3A_639 = vector.shape_cast %broadcast_in_dim3A_634 : vector<16xf32> to vector<1x16xf32>
      tpu.vector_store %arg9[%swap3A_635, %swap3A_636], %swap3A_639 {strides = array<i32>} : memref<128x128xf32, #tpu.memory_space<vmem>>, vector<1x16xf32>,
      %broadcast_in_dim3A_640 = arith.constant 0.000000e+00 : f32
      %broadcast_in_dim3A_641 = vector.broadcast %broadcast_in_dim3A_640 : f32 to vector<16xf32>
      %swap3A_642 = arith.index_cast %add3A_620 : i32 to index
      %swap3A_643 = arith.constant 48 : index
      %swap3A_644 = tpu.vector_load %arg9[%swap3A_642, %swap3A_643] {strides = array<i32>} : memref<128x128xf32, #tpu.memory_space<vmem>>, vector<1x16xf32>,
      %swap3A_645 = vector.shape_cast %swap3A_644 : vector<1x16xf32> to vector<16xf32>
      %swap3A_646 = vector.shape_cast %broadcast_in_dim3A_641 : vector<16xf32> to vector<1x16xf32>
      tpu.vector_store %arg9[%swap3A_642, %swap3A_643], %swap3A_646 {strides = array<i32>} : memref<128x128xf32, #tpu.memory_space<vmem>>, vector<1x16xf32>,
      %broadcast_in_dim3A_647 = arith.constant 0.000000e+00 : f32
      %broadcast_in_dim3A_648 = vector.broadcast %broadcast_in_dim3A_647 : f32 to vector<16xf32>
      %swap3A_649 = arith.index_cast %add3A_620 : i32 to index
      %swap3A_650 = arith.constant 64 : index
      %swap3A_651 = tpu.vector_load %arg9[%swap3A_649, %swap3A_650] {strides = array<i32>} : memref<128x128xf32, #tpu.memory_space<vmem>>, vector<1x16xf32>,
      %swap3A_652 = vector.shape_cast %swap3A_651 : vector<1x16xf32> to vector<16xf32>
      %swap3A_653 = vector.shape_cast %broadcast_in_dim3A_648 : vector<16xf32> to vector<1x16xf32>
      tpu.vector_store %arg9[%swap3A_649, %swap3A_650], %swap3A_653 {strides = array<i32>} : memref<128x128xf32, #tpu.memory_space<vmem>>, vector<1x16xf32>,
      %broadcast_in_dim3A_654 = arith.constant 0.000000e+00 : f32
      %broadcast_in_dim3A_655 = vector.broadcast %broadcast_in_dim3A_654 : f32 to vector<16xf32>
      %swap3A_656 = arith.index_cast %add3A_620 : i32 to index
      %swap3A_657 = arith.constant 80 : index
      %swap3A_658 = tpu.vector_load %arg9[%swap3A_656, %swap3A_657] {strides = array<i32>} : memref<128x128xf32, #tpu.memory_space<vmem>>, vector<1x16xf32>,
      %swap3A_659 = vector.shape_cast %swap3A_658 : vector<1x16xf32> to vector<16xf32>
      %swap3A_660 = vector.shape_cast %broadcast_in_dim3A_655 : vector<16xf32> to vector<1x16xf32>
      tpu.vector_store %arg9[%swap3A_656, %swap3A_657], %swap3A_660 {strides = array<i32>} : memref<128x128xf32, #tpu.memory_space<vmem>>, vector<1x16xf32>,
      %broadcast_in_dim3A_661 = arith.constant 0.000000e+00 : f32
      %broadcast_in_dim3A_662 = vector.broadcast %broadcast_in_dim3A_661 : f32 to vector<16xf32>
      %swap3A_663 = arith.index_cast %add3A_620 : i32 to index
      %swap3A_664 = arith.constant 96 : index
      %swap3A_665 = tpu.vector_load %arg9[%swap3A_663, %swap3A_664] {strides = array<i32>} : memref<128x128xf32, #tpu.memory_space<vmem>>, vector<1x16xf32>,
      %swap3A_666 = vector.shape_cast %swap3A_665 : vector<1x16xf32> to vector<16xf32>
      %swap3A_667 = vector.shape_cast %broadcast_in_dim3A_662 : vector<16xf32> to vector<1x16xf32>
      tpu.vector_store %arg9[%swap3A_663, %swap3A_664], %swap3A_667 {strides = array<i32>} : memref<128x128xf32, #tpu.memory_space<vmem>>, vector<1x16xf32>,
      %broadcast_in_dim3A_668 = arith.constant 0.000000e+00 : f32
      %broadcast_in_dim3A_669 = vector.broadcast %broadcast_in_dim3A_668 : f32 to vector<16xf32>
      %swap3A_670 = arith.index_cast %add3A_620 : i32 to index
      %swap3A_671 = arith.constant 112 : index
      %swap3A_672 = tpu.vector_load %arg9[%swap3A_670, %swap3A_671] {strides = array<i32>} : memref<128x128xf32, #tpu.memory_space<vmem>>, vector<1x16xf32>,
      %swap3A_673 = vector.shape_cast %swap3A_672 : vector<1x16xf32> to vector<16xf32>
      %swap3A_674 = vector.shape_cast %broadcast_in_dim3A_669 : vector<16xf32> to vector<1x16xf32>
      tpu.vector_store %arg9[%swap3A_670, %swap3A_671], %swap3A_674 {strides = array<i32>} : memref<128x128xf32, #tpu.memory_space<vmem>>, vector<1x16xf32>,
    }
    %scan3A_387 = arith.constant 128 : i32
    %scan3A_388 = arith.constant 0 : i32
    %scan3A_389 = arith.constant 5 : i32
    %scan3A_390 = arith.addi %scan3A_388, %scan3A_389 : i32
    %scan3A_391 = arith.constant 1 : i32
    scf.for %scan3A_616 = %scan3A_388 to %scan3A_390 step %scan3A_391  : i32 {
      %mul3A_617 = arith.constant 1 : i32
      %mul3A_618 = arith.muli %scan3A_616, %mul3A_617 : i32
      %add3A_619 = arith.constant 0 : i32
      %add3A_620 = arith.addi %add3A_619, %mul3A_618 : i32
      %mul3A_621 = arith.constant 640 : i32
      %mul3A_622 = arith.muli %arg1, %mul3A_621 : i32
      %mul3A_623 = arith.constant 128 : i32
      %mul3A_624 = arith.muli %add3A_620, %mul3A_623 : i32
      %add3A_625 = arith.addi %mul3A_622, %mul3A_624 : i32
      "tpu.region"() ({
        %run_scoped3A = tpu.sem_alloc : memref<!tpu.dma_semaphore, #tpu.memory_space<semaphore_mem>>
        %dma_start3A_626 = arith.constant 0 : i32
        %dma_start3A_627 = tpu.memref_slice %arg11[%add3A_625, %dma_start3A_626] : memref<10240x128xf32, #tpu.memory_space<vmem_shared>> -> memref<128x128xf32, #tpu.memory_space<vmem_shared>>
        %dma_start3A_628 = arith.constant 0 : i32
        %dma_start3A_629 = tpu.memref_slice %arg11[%add3A_625, %dma_start3A_628] : memref<10240x128xf32, #tpu.memory_space<vmem_shared>> -> memref<128x128xf32, #tpu.memory_space<vmem_shared>>
        tpu.enqueue_dma source(%arg9 : memref<128x128xf32, #tpu.memory_space<vmem>>) target(%dma_start3A_629 : memref<128x128xf32, #tpu.memory_space<vmem_shared>>) target_semaphore(%run_scoped3A : memref<!tpu.dma_semaphore, #tpu.memory_space<semaphore_mem>>)
        %dma_wait3A_630 = arith.constant 0 : i32
        %dma_wait3A_631 = tpu.memref_slice %arg11[%add3A_625, %dma_wait3A_630] : memref<10240x128xf32, #tpu.memory_space<vmem_shared>> -> memref<128x128xf32, #tpu.memory_space<vmem_shared>>
        %dma_wait3A_632 = arith.constant 0 : i32
        %dma_wait3A_633 = tpu.memref_slice %arg11[%add3A_625, %dma_wait3A_632] : memref<10240x128xf32, #tpu.memory_space<vmem_shared>> -> memref<128x128xf32, #tpu.memory_space<vmem_shared>>
        tpu.wait_dma2 semaphore(%run_scoped3A : memref<!tpu.dma_semaphore, #tpu.memory_space<semaphore_mem>>) src(%arg9 : memref<128x128xf32, #tpu.memory_space<vmem>>) dst(%dma_wait3A_633 : memref<128x128xf32, #tpu.memory_space<vmem_shared>>)
        tpu.yield
      }) : () -> ()
    }
    %scan3A_392 = arith.constant 5 : i32
    %add3A_393 = arith.constant 0 : i32
    %add3A_394 = arith.addi %mul3A_2, %add3A_393 : i32
    %mul3A_395 = arith.constant 128 : i32
    %mul3A_396 = arith.muli %add3A_394, %mul3A_395 : i32
    %add3A_397 = arith.constant 0 : i32
    %add3A_398 = arith.addi %mul3A_396, %add3A_397 : i32
    %add3A_399 = arith.constant 128 : i32
    %add3A_400 = arith.addi %mul3A_396, %add3A_399 : i32
    %add3A_401 = arith.constant 256 : i32
    %add3A_402 = arith.addi %mul3A_396, %add3A_401 : i32
    %add3A_403 = arith.constant 384 : i32
    %add3A_404 = arith.addi %mul3A_396, %add3A_403 : i32
    %add3A_405 = arith.constant 512 : i32
    %add3A_406 = arith.addi %mul3A_396, %add3A_405 : i32
    %add3A_407 = arith.constant 640 : i32
    %add3A_408 = arith.addi %mul3A_396, %add3A_407 : i32
    %add3A_409 = arith.constant 768 : i32
    %add3A_410 = arith.addi %mul3A_396, %add3A_409 : i32
    %add3A_411 = arith.constant 896 : i32
    %add3A_412 = arith.addi %mul3A_396, %add3A_411 : i32
    %add3A_413 = arith.constant 1024 : i32
    %add3A_414 = arith.addi %mul3A_396, %add3A_413 : i32
    %add3A_415 = arith.constant 1152 : i32
    %add3A_416 = arith.addi %mul3A_396, %add3A_415 : i32
    %add3A_417 = arith.constant 1280 : i32
    %add3A_418 = arith.addi %mul3A_396, %add3A_417 : i32
    %add3A_419 = arith.constant 1408 : i32
    %add3A_420 = arith.addi %mul3A_396, %add3A_419 : i32
    %add3A_421 = arith.constant 1536 : i32
    %add3A_422 = arith.addi %mul3A_396, %add3A_421 : i32
    %dma_wait3A = arith.constant 0 : i32
    %dma_wait3A_423 = tpu.memref_slice %arg3[%dma_wait3A, %mul3A_396] : memref<2x320000xi32, #tpu.memory_space<hbm>> -> memref<1x1664xi32, #tpu.memory_space<hbm>>
    %dma_wait3A_424 = tpu.memref_squeeze %dma_wait3A_423 : memref<1x1664xi32, #tpu.memory_space<hbm>> -> memref<1664xi32, #tpu.memory_space<hbm>>
    %dma_wait3A_425 = tpu.memref_slice %arg3[%dma_wait3A, %mul3A_396] : memref<2x320000xi32, #tpu.memory_space<hbm>> -> memref<1x1664xi32, #tpu.memory_space<hbm>>
    %dma_wait3A_426 = tpu.memref_squeeze %dma_wait3A_425 : memref<1x1664xi32, #tpu.memory_space<hbm>> -> memref<1664xi32, #tpu.memory_space<hbm>>
    tpu.wait_dma2 semaphore(%arg16 : memref<!tpu.dma_semaphore, #tpu.memory_space<semaphore_mem>>) src(%dma_wait3A_426 : memref<1664xi32, #tpu.memory_space<hbm>>) dst(%arg5 : memref<1664xi32, #tpu.memory_space<vmem>>)
    %dma_wait3A_427 = arith.constant 1 : i32
    %dma_wait3A_428 = arith.constant 0 : i32
    %dma_wait3A_429 = arith.constant 0 : i32
    %dma_wait3A_430 = tpu.memref_slice %arg7[%dma_wait3A_428, %dma_wait3A_429] : memref<13x128xi32, #tpu.memory_space<vmem>> -> memref<1x128xi32, #tpu.memory_space<vmem>>
    %dma_wait3A_431 = tpu.memref_squeeze %dma_wait3A_430 : memref<1x128xi32, #tpu.memory_space<vmem>> -> memref<128xi32, #tpu.memory_space<vmem>>
    %dma_wait3A_432 = tpu.memref_slice %arg3[%dma_wait3A_427, %add3A_398] : memref<2x320000xi32, #tpu.memory_space<hbm>> -> memref<1x128xi32, #tpu.memory_space<hbm>>
    %dma_wait3A_433 = tpu.memref_squeeze %dma_wait3A_432 : memref<1x128xi32, #tpu.memory_space<hbm>> -> memref<128xi32, #tpu.memory_space<hbm>>
    %dma_wait3A_434 = arith.constant 0 : i32
    %dma_wait3A_435 = tpu.memref_slice %arg7[%dma_wait3A_428, %dma_wait3A_434] : memref<13x128xi32, #tpu.memory_space<vmem>> -> memref<1x128xi32, #tpu.memory_space<vmem>>
    %dma_wait3A_436 = tpu.memref_squeeze %dma_wait3A_435 : memref<1x128xi32, #tpu.memory_space<vmem>> -> memref<128xi32, #tpu.memory_space<vmem>>
    %dma_wait3A_437 = tpu.memref_slice %arg3[%dma_wait3A_427, %add3A_398] : memref<2x320000xi32, #tpu.memory_space<hbm>> -> memref<1x128xi32, #tpu.memory_space<hbm>>
    %dma_wait3A_438 = tpu.memref_squeeze %dma_wait3A_437 : memref<1x128xi32, #tpu.memory_space<hbm>> -> memref<128xi32, #tpu.memory_space<hbm>>
    tpu.wait_dma2 semaphore(%arg16 : memref<!tpu.dma_semaphore, #tpu.memory_space<semaphore_mem>>) src(%dma_wait3A_438 : memref<128xi32, #tpu.memory_space<hbm>>) dst(%dma_wait3A_436 : memref<128xi32, #tpu.memory_space<vmem>>)
    %dma_wait3A_439 = arith.constant 1 : i32
    %dma_wait3A_440 = arith.constant 1 : i32
    %dma_wait3A_441 = arith.constant 0 : i32
    %dma_wait3A_442 = tpu.memref_slice %arg7[%dma_wait3A_440, %dma_wait3A_441] : memref<13x128xi32, #tpu.memory_space<vmem>> -> memref<1x128xi32, #tpu.memory_space<vmem>>
    %dma_wait3A_443 = tpu.memref_squeeze %dma_wait3A_442 : memref<1x128xi32, #tpu.memory_space<vmem>> -> memref<128xi32, #tpu.memory_space<vmem>>
    %dma_wait3A_444 = tpu.memref_slice %arg3[%dma_wait3A_439, %add3A_400] : memref<2x320000xi32, #tpu.memory_space<hbm>> -> memref<1x128xi32, #tpu.memory_space<hbm>>
    %dma_wait3A_445 = tpu.memref_squeeze %dma_wait3A_444 : memref<1x128xi32, #tpu.memory_space<hbm>> -> memref<128xi32, #tpu.memory_space<hbm>>
    %dma_wait3A_446 = arith.constant 0 : i32
    %dma_wait3A_447 = tpu.memref_slice %arg7[%dma_wait3A_440, %dma_wait3A_446] : memref<13x128xi32, #tpu.memory_space<vmem>> -> memref<1x128xi32, #tpu.memory_space<vmem>>
    %dma_wait3A_448 = tpu.memref_squeeze %dma_wait3A_447 : memref<1x128xi32, #tpu.memory_space<vmem>> -> memref<128xi32, #tpu.memory_space<vmem>>
    %dma_wait3A_449 = tpu.memref_slice %arg3[%dma_wait3A_439, %add3A_400] : memref<2x320000xi32, #tpu.memory_space<hbm>> -> memref<1x128xi32, #tpu.memory_space<hbm>>
    %dma_wait3A_450 = tpu.memref_squeeze %dma_wait3A_449 : memref<1x128xi32, #tpu.memory_space<hbm>> -> memref<128xi32, #tpu.memory_space<hbm>>
    tpu.wait_dma2 semaphore(%arg16 : memref<!tpu.dma_semaphore, #tpu.memory_space<semaphore_mem>>) src(%dma_wait3A_450 : memref<128xi32, #tpu.memory_space<hbm>>) dst(%dma_wait3A_448 : memref<128xi32, #tpu.memory_space<vmem>>)
    %dma_wait3A_451 = arith.constant 1 : i32
    %dma_wait3A_452 = arith.constant 2 : i32
    %dma_wait3A_453 = arith.constant 0 : i32
    %dma_wait3A_454 = tpu.memref_slice %arg7[%dma_wait3A_452, %dma_wait3A_453] : memref<13x128xi32, #tpu.memory_space<vmem>> -> memref<1x128xi32, #tpu.memory_space<vmem>>
    %dma_wait3A_455 = tpu.memref_squeeze %dma_wait3A_454 : memref<1x128xi32, #tpu.memory_space<vmem>> -> memref<128xi32, #tpu.memory_space<vmem>>
    %dma_wait3A_456 = tpu.memref_slice %arg3[%dma_wait3A_451, %add3A_402] : memref<2x320000xi32, #tpu.memory_space<hbm>> -> memref<1x128xi32, #tpu.memory_space<hbm>>
    %dma_wait3A_457 = tpu.memref_squeeze %dma_wait3A_456 : memref<1x128xi32, #tpu.memory_space<hbm>> -> memref<128xi32, #tpu.memory_space<hbm>>
    %dma_wait3A_458 = arith.constant 0 : i32
    %dma_wait3A_459 = tpu.memref_slice %arg7[%dma_wait3A_452, %dma_wait3A_458] : memref<13x128xi32, #tpu.memory_space<vmem>> -> memref<1x128xi32, #tpu.memory_space<vmem>>
    %dma_wait3A_460 = tpu.memref_squeeze %dma_wait3A_459 : memref<1x128xi32, #tpu.memory_space<vmem>> -> memref<128xi32, #tpu.memory_space<vmem>>
    %dma_wait3A_461 = tpu.memref_slice %arg3[%dma_wait3A_451, %add3A_402] : memref<2x320000xi32, #tpu.memory_space<hbm>> -> memref<1x128xi32, #tpu.memory_space<hbm>>
    %dma_wait3A_462 = tpu.memref_squeeze %dma_wait3A_461 : memref<1x128xi32, #tpu.memory_space<hbm>> -> memref<128xi32, #tpu.memory_space<hbm>>
    tpu.wait_dma2 semaphore(%arg16 : memref<!tpu.dma_semaphore, #tpu.memory_space<semaphore_mem>>) src(%dma_wait3A_462 : memref<128xi32, #tpu.memory_space<hbm>>) dst(%dma_wait3A_460 : memref<128xi32, #tpu.memory_space<vmem>>)
    %dma_wait3A_463 = arith.constant 1 : i32
    %dma_wait3A_464 = arith.constant 3 : i32
    %dma_wait3A_465 = arith.constant 0 : i32
    %dma_wait3A_466 = tpu.memref_slice %arg7[%dma_wait3A_464, %dma_wait3A_465] : memref<13x128xi32, #tpu.memory_space<vmem>> -> memref<1x128xi32, #tpu.memory_space<vmem>>
    %dma_wait3A_467 = tpu.memref_squeeze %dma_wait3A_466 : memref<1x128xi32, #tpu.memory_space<vmem>> -> memref<128xi32, #tpu.memory_space<vmem>>
    %dma_wait3A_468 = tpu.memref_slice %arg3[%dma_wait3A_463, %add3A_404] : memref<2x320000xi32, #tpu.memory_space<hbm>> -> memref<1x128xi32, #tpu.memory_space<hbm>>
    %dma_wait3A_469 = tpu.memref_squeeze %dma_wait3A_468 : memref<1x128xi32, #tpu.memory_space<hbm>> -> memref<128xi32, #tpu.memory_space<hbm>>
    %dma_wait3A_470 = arith.constant 0 : i32
    %dma_wait3A_471 = tpu.memref_slice %arg7[%dma_wait3A_464, %dma_wait3A_470] : memref<13x128xi32, #tpu.memory_space<vmem>> -> memref<1x128xi32, #tpu.memory_space<vmem>>
    %dma_wait3A_472 = tpu.memref_squeeze %dma_wait3A_471 : memref<1x128xi32, #tpu.memory_space<vmem>> -> memref<128xi32, #tpu.memory_space<vmem>>
    %dma_wait3A_473 = tpu.memref_slice %arg3[%dma_wait3A_463, %add3A_404] : memref<2x320000xi32, #tpu.memory_space<hbm>> -> memref<1x128xi32, #tpu.memory_space<hbm>>
    %dma_wait3A_474 = tpu.memref_squeeze %dma_wait3A_473 : memref<1x128xi32, #tpu.memory_space<hbm>> -> memref<128xi32, #tpu.memory_space<hbm>>
    tpu.wait_dma2 semaphore(%arg16 : memref<!tpu.dma_semaphore, #tpu.memory_space<semaphore_mem>>) src(%dma_wait3A_474 : memref<128xi32, #tpu.memory_space<hbm>>) dst(%dma_wait3A_472 : memref<128xi32, #tpu.memory_space<vmem>>)
    %dma_wait3A_475 = arith.constant 1 : i32
    %dma_wait3A_476 = arith.constant 4 : i32
    %dma_wait3A_477 = arith.constant 0 : i32
    %dma_wait3A_478 = tpu.memref_slice %arg7[%dma_wait3A_476, %dma_wait3A_477] : memref<13x128xi32, #tpu.memory_space<vmem>> -> memref<1x128xi32, #tpu.memory_space<vmem>>
    %dma_wait3A_479 = tpu.memref_squeeze %dma_wait3A_478 : memref<1x128xi32, #tpu.memory_space<vmem>> -> memref<128xi32, #tpu.memory_space<vmem>>
    %dma_wait3A_480 = tpu.memref_slice %arg3[%dma_wait3A_475, %add3A_406] : memref<2x320000xi32, #tpu.memory_space<hbm>> -> memref<1x128xi32, #tpu.memory_space<hbm>>
    %dma_wait3A_481 = tpu.memref_squeeze %dma_wait3A_480 : memref<1x128xi32, #tpu.memory_space<hbm>> -> memref<128xi32, #tpu.memory_space<hbm>>
    %dma_wait3A_482 = arith.constant 0 : i32
    %dma_wait3A_483 = tpu.memref_slice %arg7[%dma_wait3A_476, %dma_wait3A_482] : memref<13x128xi32, #tpu.memory_space<vmem>> -> memref<1x128xi32, #tpu.memory_space<vmem>>
    %dma_wait3A_484 = tpu.memref_squeeze %dma_wait3A_483 : memref<1x128xi32, #tpu.memory_space<vmem>> -> memref<128xi32, #tpu.memory_space<vmem>>
    %dma_wait3A_485 = tpu.memref_slice %arg3[%dma_wait3A_475, %add3A_406] : memref<2x320000xi32, #tpu.memory_space<hbm>> -> memref<1x128xi32, #tpu.memory_space<hbm>>
    %dma_wait3A_486 = tpu.memref_squeeze %dma_wait3A_485 : memref<1x128xi32, #tpu.memory_space<hbm>> -> memref<128xi32, #tpu.memory_space<hbm>>
    tpu.wait_dma2 semaphore(%arg16 : memref<!tpu.dma_semaphore, #tpu.memory_space<semaphore_mem>>) src(%dma_wait3A_486 : memref<128xi32, #tpu.memory_space<hbm>>) dst(%dma_wait3A_484 : memref<128xi32, #tpu.memory_space<vmem>>)
    %dma_wait3A_487 = arith.constant 1 : i32
    %dma_wait3A_488 = arith.constant 5 : i32
    %dma_wait3A_489 = arith.constant 0 : i32
    %dma_wait3A_490 = tpu.memref_slice %arg7[%dma_wait3A_488, %dma_wait3A_489] : memref<13x128xi32, #tpu.memory_space<vmem>> -> memref<1x128xi32, #tpu.memory_space<vmem>>
    %dma_wait3A_491 = tpu.memref_squeeze %dma_wait3A_490 : memref<1x128xi32, #tpu.memory_space<vmem>> -> memref<128xi32, #tpu.memory_space<vmem>>
    %dma_wait3A_492 = tpu.memref_slice %arg3[%dma_wait3A_487, %add3A_408] : memref<2x320000xi32, #tpu.memory_space<hbm>> -> memref<1x128xi32, #tpu.memory_space<hbm>>
    %dma_wait3A_493 = tpu.memref_squeeze %dma_wait3A_492 : memref<1x128xi32, #tpu.memory_space<hbm>> -> memref<128xi32, #tpu.memory_space<hbm>>
    %dma_wait3A_494 = arith.constant 0 : i32
    %dma_wait3A_495 = tpu.memref_slice %arg7[%dma_wait3A_488, %dma_wait3A_494] : memref<13x128xi32, #tpu.memory_space<vmem>> -> memref<1x128xi32, #tpu.memory_space<vmem>>
    %dma_wait3A_496 = tpu.memref_squeeze %dma_wait3A_495 : memref<1x128xi32, #tpu.memory_space<vmem>> -> memref<128xi32, #tpu.memory_space<vmem>>
    %dma_wait3A_497 = tpu.memref_slice %arg3[%dma_wait3A_487, %add3A_408] : memref<2x320000xi32, #tpu.memory_space<hbm>> -> memref<1x128xi32, #tpu.memory_space<hbm>>
    %dma_wait3A_498 = tpu.memref_squeeze %dma_wait3A_497 : memref<1x128xi32, #tpu.memory_space<hbm>> -> memref<128xi32, #tpu.memory_space<hbm>>
    tpu.wait_dma2 semaphore(%arg16 : memref<!tpu.dma_semaphore, #tpu.memory_space<semaphore_mem>>) src(%dma_wait3A_498 : memref<128xi32, #tpu.memory_space<hbm>>) dst(%dma_wait3A_496 : memref<128xi32, #tpu.memory_space<vmem>>)
    %dma_wait3A_499 = arith.constant 1 : i32
    %dma_wait3A_500 = arith.constant 6 : i32
    %dma_wait3A_501 = arith.constant 0 : i32
    %dma_wait3A_502 = tpu.memref_slice %arg7[%dma_wait3A_500, %dma_wait3A_501] : memref<13x128xi32, #tpu.memory_space<vmem>> -> memref<1x128xi32, #tpu.memory_space<vmem>>
    %dma_wait3A_503 = tpu.memref_squeeze %dma_wait3A_502 : memref<1x128xi32, #tpu.memory_space<vmem>> -> memref<128xi32, #tpu.memory_space<vmem>>
    %dma_wait3A_504 = tpu.memref_slice %arg3[%dma_wait3A_499, %add3A_410] : memref<2x320000xi32, #tpu.memory_space<hbm>> -> memref<1x128xi32, #tpu.memory_space<hbm>>
    %dma_wait3A_505 = tpu.memref_squeeze %dma_wait3A_504 : memref<1x128xi32, #tpu.memory_space<hbm>> -> memref<128xi32, #tpu.memory_space<hbm>>
    %dma_wait3A_506 = arith.constant 0 : i32
    %dma_wait3A_507 = tpu.memref_slice %arg7[%dma_wait3A_500, %dma_wait3A_506] : memref<13x128xi32, #tpu.memory_space<vmem>> -> memref<1x128xi32, #tpu.memory_space<vmem>>
    %dma_wait3A_508 = tpu.memref_squeeze %dma_wait3A_507 : memref<1x128xi32, #tpu.memory_space<vmem>> -> memref<128xi32, #tpu.memory_space<vmem>>
    %dma_wait3A_509 = tpu.memref_slice %arg3[%dma_wait3A_499, %add3A_410] : memref<2x320000xi32, #tpu.memory_space<hbm>> -> memref<1x128xi32, #tpu.memory_space<hbm>>
    %dma_wait3A_510 = tpu.memref_squeeze %dma_wait3A_509 : memref<1x128xi32, #tpu.memory_space<hbm>> -> memref<128xi32, #tpu.memory_space<hbm>>
    tpu.wait_dma2 semaphore(%arg16 : memref<!tpu.dma_semaphore, #tpu.memory_space<semaphore_mem>>) src(%dma_wait3A_510 : memref<128xi32, #tpu.memory_space<hbm>>) dst(%dma_wait3A_508 : memref<128xi32, #tpu.memory_space<vmem>>)
    %dma_wait3A_511 = arith.constant 1 : i32
    %dma_wait3A_512 = arith.constant 7 : i32
    %dma_wait3A_513 = arith.constant 0 : i32
    %dma_wait3A_514 = tpu.memref_slice %arg7[%dma_wait3A_512, %dma_wait3A_513] : memref<13x128xi32, #tpu.memory_space<vmem>> -> memref<1x128xi32, #tpu.memory_space<vmem>>
    %dma_wait3A_515 = tpu.memref_squeeze %dma_wait3A_514 : memref<1x128xi32, #tpu.memory_space<vmem>> -> memref<128xi32, #tpu.memory_space<vmem>>
    %dma_wait3A_516 = tpu.memref_slice %arg3[%dma_wait3A_511, %add3A_412] : memref<2x320000xi32, #tpu.memory_space<hbm>> -> memref<1x128xi32, #tpu.memory_space<hbm>>
    %dma_wait3A_517 = tpu.memref_squeeze %dma_wait3A_516 : memref<1x128xi32, #tpu.memory_space<hbm>> -> memref<128xi32, #tpu.memory_space<hbm>>
    %dma_wait3A_518 = arith.constant 0 : i32
    %dma_wait3A_519 = tpu.memref_slice %arg7[%dma_wait3A_512, %dma_wait3A_518] : memref<13x128xi32, #tpu.memory_space<vmem>> -> memref<1x128xi32, #tpu.memory_space<vmem>>
    %dma_wait3A_520 = tpu.memref_squeeze %dma_wait3A_519 : memref<1x128xi32, #tpu.memory_space<vmem>> -> memref<128xi32, #tpu.memory_space<vmem>>
    %dma_wait3A_521 = tpu.memref_slice %arg3[%dma_wait3A_511, %add3A_412] : memref<2x320000xi32, #tpu.memory_space<hbm>> -> memref<1x128xi32, #tpu.memory_space<hbm>>
    %dma_wait3A_522 = tpu.memref_squeeze %dma_wait3A_521 : memref<1x128xi32, #tpu.memory_space<hbm>> -> memref<128xi32, #tpu.memory_space<hbm>>
    tpu.wait_dma2 semaphore(%arg16 : memref<!tpu.dma_semaphore, #tpu.memory_space<semaphore_mem>>) src(%dma_wait3A_522 : memref<128xi32, #tpu.memory_space<hbm>>) dst(%dma_wait3A_520 : memref<128xi32, #tpu.memory_space<vmem>>)
    %dma_wait3A_523 = arith.constant 1 : i32
    %dma_wait3A_524 = arith.constant 8 : i32
    %dma_wait3A_525 = arith.constant 0 : i32
    %dma_wait3A_526 = tpu.memref_slice %arg7[%dma_wait3A_524, %dma_wait3A_525] : memref<13x128xi32, #tpu.memory_space<vmem>> -> memref<1x128xi32, #tpu.memory_space<vmem>>
    %dma_wait3A_527 = tpu.memref_squeeze %dma_wait3A_526 : memref<1x128xi32, #tpu.memory_space<vmem>> -> memref<128xi32, #tpu.memory_space<vmem>>
    %dma_wait3A_528 = tpu.memref_slice %arg3[%dma_wait3A_523, %add3A_414] : memref<2x320000xi32, #tpu.memory_space<hbm>> -> memref<1x128xi32, #tpu.memory_space<hbm>>
    %dma_wait3A_529 = tpu.memref_squeeze %dma_wait3A_528 : memref<1x128xi32, #tpu.memory_space<hbm>> -> memref<128xi32, #tpu.memory_space<hbm>>
    %dma_wait3A_530 = arith.constant 0 : i32
    %dma_wait3A_531 = tpu.memref_slice %arg7[%dma_wait3A_524, %dma_wait3A_530] : memref<13x128xi32, #tpu.memory_space<vmem>> -> memref<1x128xi32, #tpu.memory_space<vmem>>
    %dma_wait3A_532 = tpu.memref_squeeze %dma_wait3A_531 : memref<1x128xi32, #tpu.memory_space<vmem>> -> memref<128xi32, #tpu.memory_space<vmem>>
    %dma_wait3A_533 = tpu.memref_slice %arg3[%dma_wait3A_523, %add3A_414] : memref<2x320000xi32, #tpu.memory_space<hbm>> -> memref<1x128xi32, #tpu.memory_space<hbm>>
    %dma_wait3A_534 = tpu.memref_squeeze %dma_wait3A_533 : memref<1x128xi32, #tpu.memory_space<hbm>> -> memref<128xi32, #tpu.memory_space<hbm>>
    tpu.wait_dma2 semaphore(%arg16 : memref<!tpu.dma_semaphore, #tpu.memory_space<semaphore_mem>>) src(%dma_wait3A_534 : memref<128xi32, #tpu.memory_space<hbm>>) dst(%dma_wait3A_532 : memref<128xi32, #tpu.memory_space<vmem>>)
    %dma_wait3A_535 = arith.constant 1 : i32
    %dma_wait3A_536 = arith.constant 9 : i32
    %dma_wait3A_537 = arith.constant 0 : i32
    %dma_wait3A_538 = tpu.memref_slice %arg7[%dma_wait3A_536, %dma_wait3A_537] : memref<13x128xi32, #tpu.memory_space<vmem>> -> memref<1x128xi32, #tpu.memory_space<vmem>>
    %dma_wait3A_539 = tpu.memref_squeeze %dma_wait3A_538 : memref<1x128xi32, #tpu.memory_space<vmem>> -> memref<128xi32, #tpu.memory_space<vmem>>
    %dma_wait3A_540 = tpu.memref_slice %arg3[%dma_wait3A_535, %add3A_416] : memref<2x320000xi32, #tpu.memory_space<hbm>> -> memref<1x128xi32, #tpu.memory_space<hbm>>
    %dma_wait3A_541 = tpu.memref_squeeze %dma_wait3A_540 : memref<1x128xi32, #tpu.memory_space<hbm>> -> memref<128xi32, #tpu.memory_space<hbm>>
    %dma_wait3A_542 = arith.constant 0 : i32
    %dma_wait3A_543 = tpu.memref_slice %arg7[%dma_wait3A_536, %dma_wait3A_542] : memref<13x128xi32, #tpu.memory_space<vmem>> -> memref<1x128xi32, #tpu.memory_space<vmem>>
    %dma_wait3A_544 = tpu.memref_squeeze %dma_wait3A_543 : memref<1x128xi32, #tpu.memory_space<vmem>> -> memref<128xi32, #tpu.memory_space<vmem>>
    %dma_wait3A_545 = tpu.memref_slice %arg3[%dma_wait3A_535, %add3A_416] : memref<2x320000xi32, #tpu.memory_space<hbm>> -> memref<1x128xi32, #tpu.memory_space<hbm>>
    %dma_wait3A_546 = tpu.memref_squeeze %dma_wait3A_545 : memref<1x128xi32, #tpu.memory_space<hbm>> -> memref<128xi32, #tpu.memory_space<hbm>>
    tpu.wait_dma2 semaphore(%arg16 : memref<!tpu.dma_semaphore, #tpu.memory_space<semaphore_mem>>) src(%dma_wait3A_546 : memref<128xi32, #tpu.memory_space<hbm>>) dst(%dma_wait3A_544 : memref<128xi32, #tpu.memory_space<vmem>>)
    %dma_wait3A_547 = arith.constant 1 : i32
    %dma_wait3A_548 = arith.constant 10 : i32
    %dma_wait3A_549 = arith.constant 0 : i32
    %dma_wait3A_550 = tpu.memref_slice %arg7[%dma_wait3A_548, %dma_wait3A_549] : memref<13x128xi32, #tpu.memory_space<vmem>> -> memref<1x128xi32, #tpu.memory_space<vmem>>
    %dma_wait3A_551 = tpu.memref_squeeze %dma_wait3A_550 : memref<1x128xi32, #tpu.memory_space<vmem>> -> memref<128xi32, #tpu.memory_space<vmem>>
    %dma_wait3A_552 = tpu.memref_slice %arg3[%dma_wait3A_547, %add3A_418] : memref<2x320000xi32, #tpu.memory_space<hbm>> -> memref<1x128xi32, #tpu.memory_space<hbm>>
    %dma_wait3A_553 = tpu.memref_squeeze %dma_wait3A_552 : memref<1x128xi32, #tpu.memory_space<hbm>> -> memref<128xi32, #tpu.memory_space<hbm>>
    %dma_wait3A_554 = arith.constant 0 : i32
    %dma_wait3A_555 = tpu.memref_slice %arg7[%dma_wait3A_548, %dma_wait3A_554] : memref<13x128xi32, #tpu.memory_space<vmem>> -> memref<1x128xi32, #tpu.memory_space<vmem>>
    %dma_wait3A_556 = tpu.memref_squeeze %dma_wait3A_555 : memref<1x128xi32, #tpu.memory_space<vmem>> -> memref<128xi32, #tpu.memory_space<vmem>>
    %dma_wait3A_557 = tpu.memref_slice %arg3[%dma_wait3A_547, %add3A_418] : memref<2x320000xi32, #tpu.memory_space<hbm>> -> memref<1x128xi32, #tpu.memory_space<hbm>>
    %dma_wait3A_558 = tpu.memref_squeeze %dma_wait3A_557 : memref<1x128xi32, #tpu.memory_space<hbm>> -> memref<128xi32, #tpu.memory_space<hbm>>
    tpu.wait_dma2 semaphore(%arg16 : memref<!tpu.dma_semaphore, #tpu.memory_space<semaphore_mem>>) src(%dma_wait3A_558 : memref<128xi32, #tpu.memory_space<hbm>>) dst(%dma_wait3A_556 : memref<128xi32, #tpu.memory_space<vmem>>)
    %dma_wait3A_559 = arith.constant 1 : i32
    %dma_wait3A_560 = arith.constant 11 : i32
    %dma_wait3A_561 = arith.constant 0 : i32
    %dma_wait3A_562 = tpu.memref_slice %arg7[%dma_wait3A_560, %dma_wait3A_561] : memref<13x128xi32, #tpu.memory_space<vmem>> -> memref<1x128xi32, #tpu.memory_space<vmem>>
    %dma_wait3A_563 = tpu.memref_squeeze %dma_wait3A_562 : memref<1x128xi32, #tpu.memory_space<vmem>> -> memref<128xi32, #tpu.memory_space<vmem>>
    %dma_wait3A_564 = tpu.memref_slice %arg3[%dma_wait3A_559, %add3A_420] : memref<2x320000xi32, #tpu.memory_space<hbm>> -> memref<1x128xi32, #tpu.memory_space<hbm>>
    %dma_wait3A_565 = tpu.memref_squeeze %dma_wait3A_564 : memref<1x128xi32, #tpu.memory_space<hbm>> -> memref<128xi32, #tpu.memory_space<hbm>>
    %dma_wait3A_566 = arith.constant 0 : i32
    %dma_wait3A_567 = tpu.memref_slice %arg7[%dma_wait3A_560, %dma_wait3A_566] : memref<13x128xi32, #tpu.memory_space<vmem>> -> memref<1x128xi32, #tpu.memory_space<vmem>>
    %dma_wait3A_568 = tpu.memref_squeeze %dma_wait3A_567 : memref<1x128xi32, #tpu.memory_space<vmem>> -> memref<128xi32, #tpu.memory_space<vmem>>
    %dma_wait3A_569 = tpu.memref_slice %arg3[%dma_wait3A_559, %add3A_420] : memref<2x320000xi32, #tpu.memory_space<hbm>> -> memref<1x128xi32, #tpu.memory_space<hbm>>
    %dma_wait3A_570 = tpu.memref_squeeze %dma_wait3A_569 : memref<1x128xi32, #tpu.memory_space<hbm>> -> memref<128xi32, #tpu.memory_space<hbm>>
    tpu.wait_dma2 semaphore(%arg16 : memref<!tpu.dma_semaphore, #tpu.memory_space<semaphore_mem>>) src(%dma_wait3A_570 : memref<128xi32, #tpu.memory_space<hbm>>) dst(%dma_wait3A_568 : memref<128xi32, #tpu.memory_space<vmem>>)
    %dma_wait3A_571 = arith.constant 1 : i32
    %dma_wait3A_572 = arith.constant 12 : i32
    %dma_wait3A_573 = arith.constant 0 : i32
    %dma_wait3A_574 = tpu.memref_slice %arg7[%dma_wait3A_572, %dma_wait3A_573] : memref<13x128xi32, #tpu.memory_space<vmem>> -> memref<1x128xi32, #tpu.memory_space<vmem>>
    %dma_wait3A_575 = tpu.memref_squeeze %dma_wait3A_574 : memref<1x128xi32, #tpu.memory_space<vmem>> -> memref<128xi32, #tpu.memory_space<vmem>>
    %dma_wait3A_576 = tpu.memref_slice %arg3[%dma_wait3A_571, %add3A_422] : memref<2x320000xi32, #tpu.memory_space<hbm>> -> memref<1x128xi32, #tpu.memory_space<hbm>>
    %dma_wait3A_577 = tpu.memref_squeeze %dma_wait3A_576 : memref<1x128xi32, #tpu.memory_space<hbm>> -> memref<128xi32, #tpu.memory_space<hbm>>
    %dma_wait3A_578 = arith.constant 0 : i32
    %dma_wait3A_579 = tpu.memref_slice %arg7[%dma_wait3A_572, %dma_wait3A_578] : memref<13x128xi32, #tpu.memory_space<vmem>> -> memref<1x128xi32, #tpu.memory_space<vmem>>
    %dma_wait3A_580 = tpu.memref_squeeze %dma_wait3A_579 : memref<1x128xi32, #tpu.memory_space<vmem>> -> memref<128xi32, #tpu.memory_space<vmem>>
    %dma_wait3A_581 = tpu.memref_slice %arg3[%dma_wait3A_571, %add3A_422] : memref<2x320000xi32, #tpu.memory_space<hbm>> -> memref<1x128xi32, #tpu.memory_space<hbm>>
    %dma_wait3A_582 = tpu.memref_squeeze %dma_wait3A_581 : memref<1x128xi32, #tpu.memory_space<hbm>> -> memref<128xi32, #tpu.memory_space<hbm>>
    tpu.wait_dma2 semaphore(%arg16 : memref<!tpu.dma_semaphore, #tpu.memory_space<semaphore_mem>>) src(%dma_wait3A_582 : memref<128xi32, #tpu.memory_space<hbm>>) dst(%dma_wait3A_580 : memref<128xi32, #tpu.memory_space<vmem>>)
    %dma_start3A_583 = arith.constant 0 : i32
    %dma_start3A_584 = tpu.memref_slice %arg5[%dma_start3A_583] : memref<1664xi32, #tpu.memory_space<vmem>> -> memref<128xi32, #tpu.memory_space<vmem>>
    %dma_start3A_585 = arith.constant 0 : i32
    %dma_start3A_586 = arith.constant 0 : i32
    %dma_start3A_587 = tpu.memref_slice %arg2[%dma_start3A_585, %dma_start3A_586] : memref<10000x128xf32, #tpu.memory_space<hbm>> -> memref<10000x128xf32, #tpu.memory_space<hbm>>
    tpu.enqueue_indirect_dma source(%dma_start3A_587 : memref<10000x128xf32, #tpu.memory_space<hbm>>) target(%arg9 : memref<128x128xf32, #tpu.memory_space<vmem>>) offsets(%dma_start3A_584 : memref<128xi32, #tpu.memory_space<vmem>>) semaphore(%arg12 : memref<!tpu.dma_semaphore, #tpu.memory_space<semaphore_mem>>)
    %barrier3A = arith.constant 0 : index
    tpu.barrier barrier_id(%barrier3A)
    %scan3A_588 = arith.constant 0 : i32
    %scan3A_589 = arith.constant 3 : i32
    %scan3A_590 = arith.addi %scan3A_588, %scan3A_589 : i32
    %scan3A_591 = arith.constant 1 : i32
    scf.for %scan3A_616 = %scan3A_588 to %scan3A_590 step %scan3A_591  : i32 {
      %mul3A_617 = arith.constant 1 : i32
      %mul3A_618 = arith.muli %scan3A_616, %mul3A_617 : i32
      %add3A_619 = arith.constant 0 : i32
      %add3A_620 = arith.addi %add3A_619, %mul3A_618 : i32
      %mul3A_621 = arith.constant 2 : i32
      %mul3A_622 = arith.muli %mul3A_621, %add3A_620 : i32
      %add3A_623 = arith.constant 0 : i32
      %add3A_624 = arith.addi %mul3A_622, %add3A_623 : i32
      %gt3A = arith.constant 0 : i32
      %gt3A_625 = arith.cmpi sgt, %add3A_620, %gt3A : i32
      %convert_element_type3A_626 = arith.extui %gt3A_625 : i1 to i32
      %cond3A_627 = arith.constant 0 : i32
      %cond3A_628 = arith.cmpi ne, %convert_element_type3A_626, %cond3A_627 : i32
      scf.if %cond3A_628 {
        %dma_wait3A_1447 = arith.constant 0 : i32
        %dma_wait3A_1448 = arith.constant 0 : i32
        %dma_wait3A_1449 = tpu.memref_slice %arg7[%dma_wait3A_1447, %dma_wait3A_1448] : memref<13x128xi32, #tpu.memory_space<vmem>> -> memref<1x128xi32, #tpu.memory_space<vmem>>
        %dma_wait3A_1450 = tpu.memref_squeeze %dma_wait3A_1449 : memref<1x128xi32, #tpu.memory_space<vmem>> -> memref<128xi32, #tpu.memory_space<vmem>>
        %dma_wait3A_1451 = arith.constant 0 : i32
        %dma_wait3A_1452 = arith.constant 0 : i32
        %dma_wait3A_1453 = tpu.memref_slice %arg11[%dma_wait3A_1451, %dma_wait3A_1452] : memref<10240x128xf32, #tpu.memory_space<vmem_shared>> -> memref<10240x128xf32, #tpu.memory_space<vmem_shared>>
        tpu.wait_indirect_dma semaphore(%arg15 : memref<!tpu.dma_semaphore, #tpu.memory_space<semaphore_mem>>) src(%arg10 : memref<128x128xf32, #tpu.memory_space<vmem>>) dst(%dma_wait3A_1453 : memref<10240x128xf32, #tpu.memory_space<vmem_shared>>)
      } else {
      }
      %dma_start3A_629 = arith.constant 128 : i32
      %dma_start3A_630 = tpu.memref_slice %arg5[%dma_start3A_629] : memref<1664xi32, #tpu.memory_space<vmem>> -> memref<128xi32, #tpu.memory_space<vmem>>
      %dma_start3A_631 = arith.constant 0 : i32
      %dma_start3A_632 = arith.constant 0 : i32
      %dma_start3A_633 = tpu.memref_slice %arg2[%dma_start3A_631, %dma_start3A_632] : memref<10000x128xf32, #tpu.memory_space<hbm>> -> memref<10000x128xf32, #tpu.memory_space<hbm>>
      tpu.enqueue_indirect_dma source(%dma_start3A_633 : memref<10000x128xf32, #tpu.memory_space<hbm>>) target(%arg10 : memref<128x128xf32, #tpu.memory_space<vmem>>) offsets(%dma_start3A_630 : memref<128xi32, #tpu.memory_space<vmem>>) semaphore(%arg13 : memref<!tpu.dma_semaphore, #tpu.memory_space<semaphore_mem>>)
      %dma_wait3A_634 = arith.constant 0 : i32
      %dma_wait3A_635 = tpu.memref_slice %arg5[%dma_wait3A_634] : memref<1664xi32, #tpu.memory_space<vmem>> -> memref<128xi32, #tpu.memory_space<vmem>>
      %dma_wait3A_636 = arith.constant 0 : i32
      %dma_wait3A_637 = arith.constant 0 : i32
      %dma_wait3A_638 = tpu.memref_slice %arg2[%dma_wait3A_636, %dma_wait3A_637] : memref<10000x128xf32, #tpu.memory_space<hbm>> -> memref<10000x128xf32, #tpu.memory_space<hbm>>
      tpu.wait_indirect_dma semaphore(%arg12 : memref<!tpu.dma_semaphore, #tpu.memory_space<semaphore_mem>>) src(%dma_wait3A_638 : memref<10000x128xf32, #tpu.memory_space<hbm>>) dst(%arg9 : memref<128x128xf32, #tpu.memory_space<vmem>>)
      %dma_start3A_639 = arith.constant 0 : i32
      %dma_start3A_640 = arith.constant 0 : i32
      %dma_start3A_641 = tpu.memref_slice %arg7[%dma_start3A_639, %dma_start3A_640] : memref<13x128xi32, #tpu.memory_space<vmem>> -> memref<1x128xi32, #tpu.memory_space<vmem>>
      %dma_start3A_642 = tpu.memref_squeeze %dma_start3A_641 : memref<1x128xi32, #tpu.memory_space<vmem>> -> memref<128xi32, #tpu.memory_space<vmem>>
      %dma_start3A_643 = arith.constant 0 : i32
      %dma_start3A_644 = arith.constant 0 : i32
      %dma_start3A_645 = tpu.memref_slice %arg11[%dma_start3A_643, %dma_start3A_644] : memref<10240x128xf32, #tpu.memory_space<vmem_shared>> -> memref<10240x128xf32, #tpu.memory_space<vmem_shared>>
      tpu.enqueue_indirect_dma source(%arg9 : memref<128x128xf32, #tpu.memory_space<vmem>>) target(%dma_start3A_645 : memref<10240x128xf32, #tpu.memory_space<vmem_shared>>) offsets(%dma_start3A_642 : memref<128xi32, #tpu.memory_space<vmem>>) semaphore(%arg14 : memref<!tpu.dma_semaphore, #tpu.memory_space<semaphore_mem>>) {add = true}
      %dma_wait3A_646 = arith.constant 1 : i32
      %dma_wait3A_647 = arith.constant 0 : i32
      %dma_wait3A_648 = tpu.memref_slice %arg7[%dma_wait3A_646, %dma_wait3A_647] : memref<13x128xi32, #tpu.memory_space<vmem>> -> memref<1x128xi32, #tpu.memory_space<vmem>>
      %dma_wait3A_649 = tpu.memref_squeeze %dma_wait3A_648 : memref<1x128xi32, #tpu.memory_space<vmem>> -> memref<128xi32, #tpu.memory_space<vmem>>
      %dma_wait3A_650 = arith.constant 0 : i32
      %dma_wait3A_651 = arith.constant 0 : i32
      %dma_wait3A_652 = tpu.memref_slice %arg11[%dma_wait3A_650, %dma_wait3A_651] : memref<10240x128xf32, #tpu.memory_space<vmem_shared>> -> memref<10240x128xf32, #tpu.memory_space<vmem_shared>>
      tpu.wait_indirect_dma semaphore(%arg14 : memref<!tpu.dma_semaphore, #tpu.memory_space<semaphore_mem>>) src(%arg9 : memref<128x128xf32, #tpu.memory_space<vmem>>) dst(%dma_wait3A_652 : memref<10240x128xf32, #tpu.memory_space<vmem_shared>>)
      %dma_start3A_653 = arith.constant 256 : i32
      %dma_start3A_654 = tpu.memref_slice %arg5[%dma_start3A_653] : memref<1664xi32, #tpu.memory_space<vmem>> -> memref<128xi32, #tpu.memory_space<vmem>>
      %dma_start3A_655 = arith.constant 0 : i32
      %dma_start3A_656 = arith.constant 0 : i32
      %dma_start3A_657 = tpu.memref_slice %arg2[%dma_start3A_655, %dma_start3A_656] : memref<10000x128xf32, #tpu.memory_space<hbm>> -> memref<10000x128xf32, #tpu.memory_space<hbm>>
      tpu.enqueue_indirect_dma source(%dma_start3A_657 : memref<10000x128xf32, #tpu.memory_space<hbm>>) target(%arg9 : memref<128x128xf32, #tpu.memory_space<vmem>>) offsets(%dma_start3A_654 : memref<128xi32, #tpu.memory_space<vmem>>) semaphore(%arg12 : memref<!tpu.dma_semaphore, #tpu.memory_space<semaphore_mem>>)
      %dma_wait3A_658 = arith.constant 128 : i32
      %dma_wait3A_659 = tpu.memref_slice %arg5[%dma_wait3A_658] : memref<1664xi32, #tpu.memory_space<vmem>> -> memref<128xi32, #tpu.memory_space<vmem>>
      %dma_wait3A_660 = arith.constant 0 : i32
      %dma_wait3A_661 = arith.constant 0 : i32
      %dma_wait3A_662 = tpu.memref_slice %arg2[%dma_wait3A_660, %dma_wait3A_661] : memref<10000x128xf32, #tpu.memory_space<hbm>> -> memref<10000x128xf32, #tpu.memory_space<hbm>>
      tpu.wait_indirect_dma semaphore(%arg13 : memref<!tpu.dma_semaphore, #tpu.memory_space<semaphore_mem>>) src(%dma_wait3A_662 : memref<10000x128xf32, #tpu.memory_space<hbm>>) dst(%arg10 : memref<128x128xf32, #tpu.memory_space<vmem>>)
      %dma_start3A_663 = arith.constant 1 : i32
      %dma_start3A_664 = arith.constant 0 : i32
      %dma_start3A_665 = tpu.memref_slice %arg7[%dma_start3A_663, %dma_start3A_664] : memref<13x128xi32, #tpu.memory_space<vmem>> -> memref<1x128xi32, #tpu.memory_space<vmem>>
      %dma_start3A_666 = tpu.memref_squeeze %dma_start3A_665 : memref<1x128xi32, #tpu.memory_space<vmem>> -> memref<128xi32, #tpu.memory_space<vmem>>
      %dma_start3A_667 = arith.constant 0 : i32
      %dma_start3A_668 = arith.constant 0 : i32
      %dma_start3A_669 = tpu.memref_slice %arg11[%dma_start3A_667, %dma_start3A_668] : memref<10240x128xf32, #tpu.memory_space<vmem_shared>> -> memref<10240x128xf32, #tpu.memory_space<vmem_shared>>
      tpu.enqueue_indirect_dma source(%arg10 : memref<128x128xf32, #tpu.memory_space<vmem>>) target(%dma_start3A_669 : memref<10240x128xf32, #tpu.memory_space<vmem_shared>>) offsets(%dma_start3A_666 : memref<128xi32, #tpu.memory_space<vmem>>) semaphore(%arg15 : memref<!tpu.dma_semaphore, #tpu.memory_space<semaphore_mem>>) {add = true}
      %dma_wait3A_670 = arith.constant 2 : i32
      %dma_wait3A_671 = arith.constant 0 : i32
      %dma_wait3A_672 = tpu.memref_slice %arg7[%dma_wait3A_670, %dma_wait3A_671] : memref<13x128xi32, #tpu.memory_space<vmem>> -> memref<1x128xi32, #tpu.memory_space<vmem>>
      %dma_wait3A_673 = tpu.memref_squeeze %dma_wait3A_672 : memref<1x128xi32, #tpu.memory_space<vmem>> -> memref<128xi32, #tpu.memory_space<vmem>>
      %dma_wait3A_674 = arith.constant 0 : i32
      %dma_wait3A_675 = arith.constant 0 : i32
      %dma_wait3A_676 = tpu.memref_slice %arg11[%dma_wait3A_674, %dma_wait3A_675] : memref<10240x128xf32, #tpu.memory_space<vmem_shared>> -> memref<10240x128xf32, #tpu.memory_space<vmem_shared>>
      tpu.wait_indirect_dma semaphore(%arg15 : memref<!tpu.dma_semaphore, #tpu.memory_space<semaphore_mem>>) src(%arg10 : memref<128x128xf32, #tpu.memory_space<vmem>>) dst(%dma_wait3A_676 : memref<10240x128xf32, #tpu.memory_space<vmem_shared>>)
      %dma_start3A_677 = arith.constant 384 : i32
      %dma_start3A_678 = tpu.memref_slice %arg5[%dma_start3A_677] : memref<1664xi32, #tpu.memory_space<vmem>> -> memref<128xi32, #tpu.memory_space<vmem>>
      %dma_start3A_679 = arith.constant 0 : i32
      %dma_start3A_680 = arith.constant 0 : i32
      %dma_start3A_681 = tpu.memref_slice %arg2[%dma_start3A_679, %dma_start3A_680] : memref<10000x128xf32, #tpu.memory_space<hbm>> -> memref<10000x128xf32, #tpu.memory_space<hbm>>
      tpu.enqueue_indirect_dma source(%dma_start3A_681 : memref<10000x128xf32, #tpu.memory_space<hbm>>) target(%arg10 : memref<128x128xf32, #tpu.memory_space<vmem>>) offsets(%dma_start3A_678 : memref<128xi32, #tpu.memory_space<vmem>>) semaphore(%arg13 : memref<!tpu.dma_semaphore, #tpu.memory_space<semaphore_mem>>)
      %dma_wait3A_682 = arith.constant 256 : i32
      %dma_wait3A_683 = tpu.memref_slice %arg5[%dma_wait3A_682] : memref<1664xi32, #tpu.memory_space<vmem>> -> memref<128xi32, #tpu.memory_space<vmem>>
      %dma_wait3A_684 = arith.constant 0 : i32
      %dma_wait3A_685 = arith.constant 0 : i32
      %dma_wait3A_686 = tpu.memref_slice %arg2[%dma_wait3A_684, %dma_wait3A_685] : memref<10000x128xf32, #tpu.memory_space<hbm>> -> memref<10000x128xf32, #tpu.memory_space<hbm>>
      tpu.wait_indirect_dma semaphore(%arg12 : memref<!tpu.dma_semaphore, #tpu.memory_space<semaphore_mem>>) src(%dma_wait3A_686 : memref<10000x128xf32, #tpu.memory_space<hbm>>) dst(%arg9 : memref<128x128xf32, #tpu.memory_space<vmem>>)
      %dma_start3A_687 = arith.constant 2 : i32
      %dma_start3A_688 = arith.constant 0 : i32
      %dma_start3A_689 = tpu.memref_slice %arg7[%dma_start3A_687, %dma_start3A_688] : memref<13x128xi32, #tpu.memory_space<vmem>> -> memref<1x128xi32, #tpu.memory_space<vmem>>
      %dma_start3A_690 = tpu.memref_squeeze %dma_start3A_689 : memref<1x128xi32, #tpu.memory_space<vmem>> -> memref<128xi32, #tpu.memory_space<vmem>>
      %dma_start3A_691 = arith.constant 0 : i32
      %dma_start3A_692 = arith.constant 0 : i32
      %dma_start3A_693 = tpu.memref_slice %arg11[%dma_start3A_691, %dma_start3A_692] : memref<10240x128xf32, #tpu.memory_space<vmem_shared>> -> memref<10240x128xf32, #tpu.memory_space<vmem_shared>>
      tpu.enqueue_indirect_dma source(%arg9 : memref<128x128xf32, #tpu.memory_space<vmem>>) target(%dma_start3A_693 : memref<10240x128xf32, #tpu.memory_space<vmem_shared>>) offsets(%dma_start3A_690 : memref<128xi32, #tpu.memory_space<vmem>>) semaphore(%arg14 : memref<!tpu.dma_semaphore, #tpu.memory_space<semaphore_mem>>) {add = true}
      %dma_wait3A_694 = arith.constant 3 : i32
      %dma_wait3A_695 = arith.constant 0 : i32
      %dma_wait3A_696 = tpu.memref_slice %arg7[%dma_wait3A_694, %dma_wait3A_695] : memref<13x128xi32, #tpu.memory_space<vmem>> -> memref<1x128xi32, #tpu.memory_space<vmem>>
      %dma_wait3A_697 = tpu.memref_squeeze %dma_wait3A_696 : memref<1x128xi32, #tpu.memory_space<vmem>> -> memref<128xi32, #tpu.memory_space<vmem>>
      %dma_wait3A_698 = arith.constant 0 : i32
      %dma_wait3A_699 = arith.constant 0 : i32
      %dma_wait3A_700 = tpu.memref_slice %arg11[%dma_wait3A_698, %dma_wait3A_699] : memref<10240x128xf32, #tpu.memory_space<vmem_shared>> -> memref<10240x128xf32, #tpu.memory_space<vmem_shared>>
      tpu.wait_indirect_dma semaphore(%arg14 : memref<!tpu.dma_semaphore, #tpu.memory_space<semaphore_mem>>) src(%arg9 : memref<128x128xf32, #tpu.memory_space<vmem>>) dst(%dma_wait3A_700 : memref<10240x128xf32, #tpu.memory_space<vmem_shared>>)
      %dma_start3A_701 = arith.constant 512 : i32
      %dma_start3A_702 = tpu.memref_slice %arg5[%dma_start3A_701] : memref<1664xi32, #tpu.memory_space<vmem>> -> memref<128xi32, #tpu.memory_space<vmem>>
      %dma_start3A_703 = arith.constant 0 : i32
      %dma_start3A_704 = arith.constant 0 : i32
      %dma_start3A_705 = tpu.memref_slice %arg2[%dma_start3A_703, %dma_start3A_704] : memref<10000x128xf32, #tpu.memory_space<hbm>> -> memref<10000x128xf32, #tpu.memory_space<hbm>>
      tpu.enqueue_indirect_dma source(%dma_start3A_705 : memref<10000x128xf32, #tpu.memory_space<hbm>>) target(%arg9 : memref<128x128xf32, #tpu.memory_space<vmem>>) offsets(%dma_start3A_702 : memref<128xi32, #tpu.memory_space<vmem>>) semaphore(%arg12 : memref<!tpu.dma_semaphore, #tpu.memory_space<semaphore_mem>>)
      %dma_wait3A_706 = arith.constant 384 : i32
      %dma_wait3A_707 = tpu.memref_slice %arg5[%dma_wait3A_706] : memref<1664xi32, #tpu.memory_space<vmem>> -> memref<128xi32, #tpu.memory_space<vmem>>
      %dma_wait3A_708 = arith.constant 0 : i32
      %dma_wait3A_709 = arith.constant 0 : i32
      %dma_wait3A_710 = tpu.memref_slice %arg2[%dma_wait3A_708, %dma_wait3A_709] : memref<10000x128xf32, #tpu.memory_space<hbm>> -> memref<10000x128xf32, #tpu.memory_space<hbm>>
      tpu.wait_indirect_dma semaphore(%arg13 : memref<!tpu.dma_semaphore, #tpu.memory_space<semaphore_mem>>) src(%dma_wait3A_710 : memref<10000x128xf32, #tpu.memory_space<hbm>>) dst(%arg10 : memref<128x128xf32, #tpu.memory_space<vmem>>)
      %dma_start3A_711 = arith.constant 3 : i32
      %dma_start3A_712 = arith.constant 0 : i32
      %dma_start3A_713 = tpu.memref_slice %arg7[%dma_start3A_711, %dma_start3A_712] : memref<13x128xi32, #tpu.memory_space<vmem>> -> memref<1x128xi32, #tpu.memory_space<vmem>>
      %dma_start3A_714 = tpu.memref_squeeze %dma_start3A_713 : memref<1x128xi32, #tpu.memory_space<vmem>> -> memref<128xi32, #tpu.memory_space<vmem>>
      %dma_start3A_715 = arith.constant 0 : i32
      %dma_start3A_716 = arith.constant 0 : i32
      %dma_start3A_717 = tpu.memref_slice %arg11[%dma_start3A_715, %dma_start3A_716] : memref<10240x128xf32, #tpu.memory_space<vmem_shared>> -> memref<10240x128xf32, #tpu.memory_space<vmem_shared>>
      tpu.enqueue_indirect_dma source(%arg10 : memref<128x128xf32, #tpu.memory_space<vmem>>) target(%dma_start3A_717 : memref<10240x128xf32, #tpu.memory_space<vmem_shared>>) offsets(%dma_start3A_714 : memref<128xi32, #tpu.memory_space<vmem>>) semaphore(%arg15 : memref<!tpu.dma_semaphore, #tpu.memory_space<semaphore_mem>>) {add = true}
      %dma_wait3A_718 = arith.constant 4 : i32
      %dma_wait3A_719 = arith.constant 0 : i32
      %dma_wait3A_720 = tpu.memref_slice %arg7[%dma_wait3A_718, %dma_wait3A_719] : memref<13x128xi32, #tpu.memory_space<vmem>> -> memref<1x128xi32, #tpu.memory_space<vmem>>
      %dma_wait3A_721 = tpu.memref_squeeze %dma_wait3A_720 : memref<1x128xi32, #tpu.memory_space<vmem>> -> memref<128xi32, #tpu.memory_space<vmem>>
      %dma_wait3A_722 = arith.constant 0 : i32
      %dma_wait3A_723 = arith.constant 0 : i32
      %dma_wait3A_724 = tpu.memref_slice %arg11[%dma_wait3A_722, %dma_wait3A_723] : memref<10240x128xf32, #tpu.memory_space<vmem_shared>> -> memref<10240x128xf32, #tpu.memory_space<vmem_shared>>
      tpu.wait_indirect_dma semaphore(%arg15 : memref<!tpu.dma_semaphore, #tpu.memory_space<semaphore_mem>>) src(%arg10 : memref<128x128xf32, #tpu.memory_space<vmem>>) dst(%dma_wait3A_724 : memref<10240x128xf32, #tpu.memory_space<vmem_shared>>)
      %dma_start3A_725 = arith.constant 640 : i32
      %dma_start3A_726 = tpu.memref_slice %arg5[%dma_start3A_725] : memref<1664xi32, #tpu.memory_space<vmem>> -> memref<128xi32, #tpu.memory_space<vmem>>
      %dma_start3A_727 = arith.constant 0 : i32
      %dma_start3A_728 = arith.constant 0 : i32
      %dma_start3A_729 = tpu.memref_slice %arg2[%dma_start3A_727, %dma_start3A_728] : memref<10000x128xf32, #tpu.memory_space<hbm>> -> memref<10000x128xf32, #tpu.memory_space<hbm>>
      tpu.enqueue_indirect_dma source(%dma_start3A_729 : memref<10000x128xf32, #tpu.memory_space<hbm>>) target(%arg10 : memref<128x128xf32, #tpu.memory_space<vmem>>) offsets(%dma_start3A_726 : memref<128xi32, #tpu.memory_space<vmem>>) semaphore(%arg13 : memref<!tpu.dma_semaphore, #tpu.memory_space<semaphore_mem>>)
      %dma_wait3A_730 = arith.constant 512 : i32
      %dma_wait3A_731 = tpu.memref_slice %arg5[%dma_wait3A_730] : memref<1664xi32, #tpu.memory_space<vmem>> -> memref<128xi32, #tpu.memory_space<vmem>>
      %dma_wait3A_732 = arith.constant 0 : i32
      %dma_wait3A_733 = arith.constant 0 : i32
      %dma_wait3A_734 = tpu.memref_slice %arg2[%dma_wait3A_732, %dma_wait3A_733] : memref<10000x128xf32, #tpu.memory_space<hbm>> -> memref<10000x128xf32, #tpu.memory_space<hbm>>
      tpu.wait_indirect_dma semaphore(%arg12 : memref<!tpu.dma_semaphore, #tpu.memory_space<semaphore_mem>>) src(%dma_wait3A_734 : memref<10000x128xf32, #tpu.memory_space<hbm>>) dst(%arg9 : memref<128x128xf32, #tpu.memory_space<vmem>>)
      %dma_start3A_735 = arith.constant 4 : i32
      %dma_start3A_736 = arith.constant 0 : i32
      %dma_start3A_737 = tpu.memref_slice %arg7[%dma_start3A_735, %dma_start3A_736] : memref<13x128xi32, #tpu.memory_space<vmem>> -> memref<1x128xi32, #tpu.memory_space<vmem>>
      %dma_start3A_738 = tpu.memref_squeeze %dma_start3A_737 : memref<1x128xi32, #tpu.memory_space<vmem>> -> memref<128xi32, #tpu.memory_space<vmem>>
      %dma_start3A_739 = arith.constant 0 : i32
      %dma_start3A_740 = arith.constant 0 : i32
      %dma_start3A_741 = tpu.memref_slice %arg11[%dma_start3A_739, %dma_start3A_740] : memref<10240x128xf32, #tpu.memory_space<vmem_shared>> -> memref<10240x128xf32, #tpu.memory_space<vmem_shared>>
      tpu.enqueue_indirect_dma source(%arg9 : memref<128x128xf32, #tpu.memory_space<vmem>>) target(%dma_start3A_741 : memref<10240x128xf32, #tpu.memory_space<vmem_shared>>) offsets(%dma_start3A_738 : memref<128xi32, #tpu.memory_space<vmem>>) semaphore(%arg14 : memref<!tpu.dma_semaphore, #tpu.memory_space<semaphore_mem>>) {add = true}
      %dma_wait3A_742 = arith.constant 5 : i32
      %dma_wait3A_743 = arith.constant 0 : i32
      %dma_wait3A_744 = tpu.memref_slice %arg7[%dma_wait3A_742, %dma_wait3A_743] : memref<13x128xi32, #tpu.memory_space<vmem>> -> memref<1x128xi32, #tpu.memory_space<vmem>>
      %dma_wait3A_745 = tpu.memref_squeeze %dma_wait3A_744 : memref<1x128xi32, #tpu.memory_space<vmem>> -> memref<128xi32, #tpu.memory_space<vmem>>
      %dma_wait3A_746 = arith.constant 0 : i32
      %dma_wait3A_747 = arith.constant 0 : i32
      %dma_wait3A_748 = tpu.memref_slice %arg11[%dma_wait3A_746, %dma_wait3A_747] : memref<10240x128xf32, #tpu.memory_space<vmem_shared>> -> memref<10240x128xf32, #tpu.memory_space<vmem_shared>>
      tpu.wait_indirect_dma semaphore(%arg14 : memref<!tpu.dma_semaphore, #tpu.memory_space<semaphore_mem>>) src(%arg9 : memref<128x128xf32, #tpu.memory_space<vmem>>) dst(%dma_wait3A_748 : memref<10240x128xf32, #tpu.memory_space<vmem_shared>>)
      %dma_start3A_749 = arith.constant 768 : i32
      %dma_start3A_750 = tpu.memref_slice %arg5[%dma_start3A_749] : memref<1664xi32, #tpu.memory_space<vmem>> -> memref<128xi32, #tpu.memory_space<vmem>>
      %dma_start3A_751 = arith.constant 0 : i32
      %dma_start3A_752 = arith.constant 0 : i32
      %dma_start3A_753 = tpu.memref_slice %arg2[%dma_start3A_751, %dma_start3A_752] : memref<10000x128xf32, #tpu.memory_space<hbm>> -> memref<10000x128xf32, #tpu.memory_space<hbm>>
      tpu.enqueue_indirect_dma source(%dma_start3A_753 : memref<10000x128xf32, #tpu.memory_space<hbm>>) target(%arg9 : memref<128x128xf32, #tpu.memory_space<vmem>>) offsets(%dma_start3A_750 : memref<128xi32, #tpu.memory_space<vmem>>) semaphore(%arg12 : memref<!tpu.dma_semaphore, #tpu.memory_space<semaphore_mem>>)
      %dma_wait3A_754 = arith.constant 640 : i32
      %dma_wait3A_755 = tpu.memref_slice %arg5[%dma_wait3A_754] : memref<1664xi32, #tpu.memory_space<vmem>> -> memref<128xi32, #tpu.memory_space<vmem>>
      %dma_wait3A_756 = arith.constant 0 : i32
      %dma_wait3A_757 = arith.constant 0 : i32
      %dma_wait3A_758 = tpu.memref_slice %arg2[%dma_wait3A_756, %dma_wait3A_757] : memref<10000x128xf32, #tpu.memory_space<hbm>> -> memref<10000x128xf32, #tpu.memory_space<hbm>>
      tpu.wait_indirect_dma semaphore(%arg13 : memref<!tpu.dma_semaphore, #tpu.memory_space<semaphore_mem>>) src(%dma_wait3A_758 : memref<10000x128xf32, #tpu.memory_space<hbm>>) dst(%arg10 : memref<128x128xf32, #tpu.memory_space<vmem>>)
      %dma_start3A_759 = arith.constant 5 : i32
      %dma_start3A_760 = arith.constant 0 : i32
      %dma_start3A_761 = tpu.memref_slice %arg7[%dma_start3A_759, %dma_start3A_760] : memref<13x128xi32, #tpu.memory_space<vmem>> -> memref<1x128xi32, #tpu.memory_space<vmem>>
      %dma_start3A_762 = tpu.memref_squeeze %dma_start3A_761 : memref<1x128xi32, #tpu.memory_space<vmem>> -> memref<128xi32, #tpu.memory_space<vmem>>
      %dma_start3A_763 = arith.constant 0 : i32
      %dma_start3A_764 = arith.constant 0 : i32
      %dma_start3A_765 = tpu.memref_slice %arg11[%dma_start3A_763, %dma_start3A_764] : memref<10240x128xf32, #tpu.memory_space<vmem_shared>> -> memref<10240x128xf32, #tpu.memory_space<vmem_shared>>
      tpu.enqueue_indirect_dma source(%arg10 : memref<128x128xf32, #tpu.memory_space<vmem>>) target(%dma_start3A_765 : memref<10240x128xf32, #tpu.memory_space<vmem_shared>>) offsets(%dma_start3A_762 : memref<128xi32, #tpu.memory_space<vmem>>) semaphore(%arg15 : memref<!tpu.dma_semaphore, #tpu.memory_space<semaphore_mem>>) {add = true}
      %dma_wait3A_766 = arith.constant 6 : i32
      %dma_wait3A_767 = arith.constant 0 : i32
      %dma_wait3A_768 = tpu.memref_slice %arg7[%dma_wait3A_766, %dma_wait3A_767] : memref<13x128xi32, #tpu.memory_space<vmem>> -> memref<1x128xi32, #tpu.memory_space<vmem>>
      %dma_wait3A_769 = tpu.memref_squeeze %dma_wait3A_768 : memref<1x128xi32, #tpu.memory_space<vmem>> -> memref<128xi32, #tpu.memory_space<vmem>>
      %dma_wait3A_770 = arith.constant 0 : i32
      %dma_wait3A_771 = arith.constant 0 : i32
      %dma_wait3A_772 = tpu.memref_slice %arg11[%dma_wait3A_770, %dma_wait3A_771] : memref<10240x128xf32, #tpu.memory_space<vmem_shared>> -> memref<10240x128xf32, #tpu.memory_space<vmem_shared>>
      tpu.wait_indirect_dma semaphore(%arg15 : memref<!tpu.dma_semaphore, #tpu.memory_space<semaphore_mem>>) src(%arg10 : memref<128x128xf32, #tpu.memory_space<vmem>>) dst(%dma_wait3A_772 : memref<10240x128xf32, #tpu.memory_space<vmem_shared>>)
      %dma_start3A_773 = arith.constant 896 : i32
      %dma_start3A_774 = tpu.memref_slice %arg5[%dma_start3A_773] : memref<1664xi32, #tpu.memory_space<vmem>> -> memref<128xi32, #tpu.memory_space<vmem>>
      %dma_start3A_775 = arith.constant 0 : i32
      %dma_start3A_776 = arith.constant 0 : i32
      %dma_start3A_777 = tpu.memref_slice %arg2[%dma_start3A_775, %dma_start3A_776] : memref<10000x128xf32, #tpu.memory_space<hbm>> -> memref<10000x128xf32, #tpu.memory_space<hbm>>
      tpu.enqueue_indirect_dma source(%dma_start3A_777 : memref<10000x128xf32, #tpu.memory_space<hbm>>) target(%arg10 : memref<128x128xf32, #tpu.memory_space<vmem>>) offsets(%dma_start3A_774 : memref<128xi32, #tpu.memory_space<vmem>>) semaphore(%arg13 : memref<!tpu.dma_semaphore, #tpu.memory_space<semaphore_mem>>)
      %dma_wait3A_778 = arith.constant 768 : i32
      %dma_wait3A_779 = tpu.memref_slice %arg5[%dma_wait3A_778] : memref<1664xi32, #tpu.memory_space<vmem>> -> memref<128xi32, #tpu.memory_space<vmem>>
      %dma_wait3A_780 = arith.constant 0 : i32
      %dma_wait3A_781 = arith.constant 0 : i32
      %dma_wait3A_782 = tpu.memref_slice %arg2[%dma_wait3A_780, %dma_wait3A_781] : memref<10000x128xf32, #tpu.memory_space<hbm>> -> memref<10000x128xf32, #tpu.memory_space<hbm>>
      tpu.wait_indirect_dma semaphore(%arg12 : memref<!tpu.dma_semaphore, #tpu.memory_space<semaphore_mem>>) src(%dma_wait3A_782 : memref<10000x128xf32, #tpu.memory_space<hbm>>) dst(%arg9 : memref<128x128xf32, #tpu.memory_space<vmem>>)
      %dma_start3A_783 = arith.constant 6 : i32
      %dma_start3A_784 = arith.constant 0 : i32
      %dma_start3A_785 = tpu.memref_slice %arg7[%dma_start3A_783, %dma_start3A_784] : memref<13x128xi32, #tpu.memory_space<vmem>> -> memref<1x128xi32, #tpu.memory_space<vmem>>
      %dma_start3A_786 = tpu.memref_squeeze %dma_start3A_785 : memref<1x128xi32, #tpu.memory_space<vmem>> -> memref<128xi32, #tpu.memory_space<vmem>>
      %dma_start3A_787 = arith.constant 0 : i32
      %dma_start3A_788 = arith.constant 0 : i32
      %dma_start3A_789 = tpu.memref_slice %arg11[%dma_start3A_787, %dma_start3A_788] : memref<10240x128xf32, #tpu.memory_space<vmem_shared>> -> memref<10240x128xf32, #tpu.memory_space<vmem_shared>>
      tpu.enqueue_indirect_dma source(%arg9 : memref<128x128xf32, #tpu.memory_space<vmem>>) target(%dma_start3A_789 : memref<10240x128xf32, #tpu.memory_space<vmem_shared>>) offsets(%dma_start3A_786 : memref<128xi32, #tpu.memory_space<vmem>>) semaphore(%arg14 : memref<!tpu.dma_semaphore, #tpu.memory_space<semaphore_mem>>) {add = true}
      %dma_wait3A_790 = arith.constant 7 : i32
      %dma_wait3A_791 = arith.constant 0 : i32
      %dma_wait3A_792 = tpu.memref_slice %arg7[%dma_wait3A_790, %dma_wait3A_791] : memref<13x128xi32, #tpu.memory_space<vmem>> -> memref<1x128xi32, #tpu.memory_space<vmem>>
      %dma_wait3A_793 = tpu.memref_squeeze %dma_wait3A_792 : memref<1x128xi32, #tpu.memory_space<vmem>> -> memref<128xi32, #tpu.memory_space<vmem>>
      %dma_wait3A_794 = arith.constant 0 : i32
      %dma_wait3A_795 = arith.constant 0 : i32
      %dma_wait3A_796 = tpu.memref_slice %arg11[%dma_wait3A_794, %dma_wait3A_795] : memref<10240x128xf32, #tpu.memory_space<vmem_shared>> -> memref<10240x128xf32, #tpu.memory_space<vmem_shared>>
      tpu.wait_indirect_dma semaphore(%arg14 : memref<!tpu.dma_semaphore, #tpu.memory_space<semaphore_mem>>) src(%arg9 : memref<128x128xf32, #tpu.memory_space<vmem>>) dst(%dma_wait3A_796 : memref<10240x128xf32, #tpu.memory_space<vmem_shared>>)
      %dma_start3A_797 = arith.constant 1024 : i32
      %dma_start3A_798 = tpu.memref_slice %arg5[%dma_start3A_797] : memref<1664xi32, #tpu.memory_space<vmem>> -> memref<128xi32, #tpu.memory_space<vmem>>
      %dma_start3A_799 = arith.constant 0 : i32
      %dma_start3A_800 = arith.constant 0 : i32
      %dma_start3A_801 = tpu.memref_slice %arg2[%dma_start3A_799, %dma_start3A_800] : memref<10000x128xf32, #tpu.memory_space<hbm>> -> memref<10000x128xf32, #tpu.memory_space<hbm>>
      tpu.enqueue_indirect_dma source(%dma_start3A_801 : memref<10000x128xf32, #tpu.memory_space<hbm>>) target(%arg9 : memref<128x128xf32, #tpu.memory_space<vmem>>) offsets(%dma_start3A_798 : memref<128xi32, #tpu.memory_space<vmem>>) semaphore(%arg12 : memref<!tpu.dma_semaphore, #tpu.memory_space<semaphore_mem>>)
      %dma_wait3A_802 = arith.constant 896 : i32
      %dma_wait3A_803 = tpu.memref_slice %arg5[%dma_wait3A_802] : memref<1664xi32, #tpu.memory_space<vmem>> -> memref<128xi32, #tpu.memory_space<vmem>>
      %dma_wait3A_804 = arith.constant 0 : i32
      %dma_wait3A_805 = arith.constant 0 : i32
      %dma_wait3A_806 = tpu.memref_slice %arg2[%dma_wait3A_804, %dma_wait3A_805] : memref<10000x128xf32, #tpu.memory_space<hbm>> -> memref<10000x128xf32, #tpu.memory_space<hbm>>
      tpu.wait_indirect_dma semaphore(%arg13 : memref<!tpu.dma_semaphore, #tpu.memory_space<semaphore_mem>>) src(%dma_wait3A_806 : memref<10000x128xf32, #tpu.memory_space<hbm>>) dst(%arg10 : memref<128x128xf32, #tpu.memory_space<vmem>>)
      %dma_start3A_807 = arith.constant 7 : i32
      %dma_start3A_808 = arith.constant 0 : i32
      %dma_start3A_809 = tpu.memref_slice %arg7[%dma_start3A_807, %dma_start3A_808] : memref<13x128xi32, #tpu.memory_space<vmem>> -> memref<1x128xi32, #tpu.memory_space<vmem>>
      %dma_start3A_810 = tpu.memref_squeeze %dma_start3A_809 : memref<1x128xi32, #tpu.memory_space<vmem>> -> memref<128xi32, #tpu.memory_space<vmem>>
      %dma_start3A_811 = arith.constant 0 : i32
      %dma_start3A_812 = arith.constant 0 : i32
      %dma_start3A_813 = tpu.memref_slice %arg11[%dma_start3A_811, %dma_start3A_812] : memref<10240x128xf32, #tpu.memory_space<vmem_shared>> -> memref<10240x128xf32, #tpu.memory_space<vmem_shared>>
      tpu.enqueue_indirect_dma source(%arg10 : memref<128x128xf32, #tpu.memory_space<vmem>>) target(%dma_start3A_813 : memref<10240x128xf32, #tpu.memory_space<vmem_shared>>) offsets(%dma_start3A_810 : memref<128xi32, #tpu.memory_space<vmem>>) semaphore(%arg15 : memref<!tpu.dma_semaphore, #tpu.memory_space<semaphore_mem>>) {add = true}
      %dma_wait3A_814 = arith.constant 8 : i32
      %dma_wait3A_815 = arith.constant 0 : i32
      %dma_wait3A_816 = tpu.memref_slice %arg7[%dma_wait3A_814, %dma_wait3A_815] : memref<13x128xi32, #tpu.memory_space<vmem>> -> memref<1x128xi32, #tpu.memory_space<vmem>>
      %dma_wait3A_817 = tpu.memref_squeeze %dma_wait3A_816 : memref<1x128xi32, #tpu.memory_space<vmem>> -> memref<128xi32, #tpu.memory_space<vmem>>
      %dma_wait3A_818 = arith.constant 0 : i32
      %dma_wait3A_819 = arith.constant 0 : i32
      %dma_wait3A_820 = tpu.memref_slice %arg11[%dma_wait3A_818, %dma_wait3A_819] : memref<10240x128xf32, #tpu.memory_space<vmem_shared>> -> memref<10240x128xf32, #tpu.memory_space<vmem_shared>>
      tpu.wait_indirect_dma semaphore(%arg15 : memref<!tpu.dma_semaphore, #tpu.memory_space<semaphore_mem>>) src(%arg10 : memref<128x128xf32, #tpu.memory_space<vmem>>) dst(%dma_wait3A_820 : memref<10240x128xf32, #tpu.memory_space<vmem_shared>>)
      %dma_start3A_821 = arith.constant 1152 : i32
      %dma_start3A_822 = tpu.memref_slice %arg5[%dma_start3A_821] : memref<1664xi32, #tpu.memory_space<vmem>> -> memref<128xi32, #tpu.memory_space<vmem>>
      %dma_start3A_823 = arith.constant 0 : i32
      %dma_start3A_824 = arith.constant 0 : i32
      %dma_start3A_825 = tpu.memref_slice %arg2[%dma_start3A_823, %dma_start3A_824] : memref<10000x128xf32, #tpu.memory_space<hbm>> -> memref<10000x128xf32, #tpu.memory_space<hbm>>
      tpu.enqueue_indirect_dma source(%dma_start3A_825 : memref<10000x128xf32, #tpu.memory_space<hbm>>) target(%arg10 : memref<128x128xf32, #tpu.memory_space<vmem>>) offsets(%dma_start3A_822 : memref<128xi32, #tpu.memory_space<vmem>>) semaphore(%arg13 : memref<!tpu.dma_semaphore, #tpu.memory_space<semaphore_mem>>)
      %dma_wait3A_826 = arith.constant 1024 : i32
      %dma_wait3A_827 = tpu.memref_slice %arg5[%dma_wait3A_826] : memref<1664xi32, #tpu.memory_space<vmem>> -> memref<128xi32, #tpu.memory_space<vmem>>
      %dma_wait3A_828 = arith.constant 0 : i32
      %dma_wait3A_829 = arith.constant 0 : i32
      %dma_wait3A_830 = tpu.memref_slice %arg2[%dma_wait3A_828, %dma_wait3A_829] : memref<10000x128xf32, #tpu.memory_space<hbm>> -> memref<10000x128xf32, #tpu.memory_space<hbm>>
      tpu.wait_indirect_dma semaphore(%arg12 : memref<!tpu.dma_semaphore, #tpu.memory_space<semaphore_mem>>) src(%dma_wait3A_830 : memref<10000x128xf32, #tpu.memory_space<hbm>>) dst(%arg9 : memref<128x128xf32, #tpu.memory_space<vmem>>)
      %dma_start3A_831 = arith.constant 8 : i32
      %dma_start3A_832 = arith.constant 0 : i32
      %dma_start3A_833 = tpu.memref_slice %arg7[%dma_start3A_831, %dma_start3A_832] : memref<13x128xi32, #tpu.memory_space<vmem>> -> memref<1x128xi32, #tpu.memory_space<vmem>>
      %dma_start3A_834 = tpu.memref_squeeze %dma_start3A_833 : memref<1x128xi32, #tpu.memory_space<vmem>> -> memref<128xi32, #tpu.memory_space<vmem>>
      %dma_start3A_835 = arith.constant 0 : i32
      %dma_start3A_836 = arith.constant 0 : i32
      %dma_start3A_837 = tpu.memref_slice %arg11[%dma_start3A_835, %dma_start3A_836] : memref<10240x128xf32, #tpu.memory_space<vmem_shared>> -> memref<10240x128xf32, #tpu.memory_space<vmem_shared>>
      tpu.enqueue_indirect_dma source(%arg9 : memref<128x128xf32, #tpu.memory_space<vmem>>) target(%dma_start3A_837 : memref<10240x128xf32, #tpu.memory_space<vmem_shared>>) offsets(%dma_start3A_834 : memref<128xi32, #tpu.memory_space<vmem>>) semaphore(%arg14 : memref<!tpu.dma_semaphore, #tpu.memory_space<semaphore_mem>>) {add = true}
      %dma_wait3A_838 = arith.constant 9 : i32
      %dma_wait3A_839 = arith.constant 0 : i32
      %dma_wait3A_840 = tpu.memref_slice %arg7[%dma_wait3A_838, %dma_wait3A_839] : memref<13x128xi32, #tpu.memory_space<vmem>> -> memref<1x128xi32, #tpu.memory_space<vmem>>
      %dma_wait3A_841 = tpu.memref_squeeze %dma_wait3A_840 : memref<1x128xi32, #tpu.memory_space<vmem>> -> memref<128xi32, #tpu.memory_space<vmem>>
      %dma_wait3A_842 = arith.constant 0 : i32
      %dma_wait3A_843 = arith.constant 0 : i32
      %dma_wait3A_844 = tpu.memref_slice %arg11[%dma_wait3A_842, %dma_wait3A_843] : memref<10240x128xf32, #tpu.memory_space<vmem_shared>> -> memref<10240x128xf32, #tpu.memory_space<vmem_shared>>
      tpu.wait_indirect_dma semaphore(%arg14 : memref<!tpu.dma_semaphore, #tpu.memory_space<semaphore_mem>>) src(%arg9 : memref<128x128xf32, #tpu.memory_space<vmem>>) dst(%dma_wait3A_844 : memref<10240x128xf32, #tpu.memory_space<vmem_shared>>)
      %dma_start3A_845 = arith.constant 1280 : i32
      %dma_start3A_846 = tpu.memref_slice %arg5[%dma_start3A_845] : memref<1664xi32, #tpu.memory_space<vmem>> -> memref<128xi32, #tpu.memory_space<vmem>>
      %dma_start3A_847 = arith.constant 0 : i32
      %dma_start3A_848 = arith.constant 0 : i32
      %dma_start3A_849 = tpu.memref_slice %arg2[%dma_start3A_847, %dma_start3A_848] : memref<10000x128xf32, #tpu.memory_space<hbm>> -> memref<10000x128xf32, #tpu.memory_space<hbm>>
      tpu.enqueue_indirect_dma source(%dma_start3A_849 : memref<10000x128xf32, #tpu.memory_space<hbm>>) target(%arg9 : memref<128x128xf32, #tpu.memory_space<vmem>>) offsets(%dma_start3A_846 : memref<128xi32, #tpu.memory_space<vmem>>) semaphore(%arg12 : memref<!tpu.dma_semaphore, #tpu.memory_space<semaphore_mem>>)
      %dma_wait3A_850 = arith.constant 1152 : i32
      %dma_wait3A_851 = tpu.memref_slice %arg5[%dma_wait3A_850] : memref<1664xi32, #tpu.memory_space<vmem>> -> memref<128xi32, #tpu.memory_space<vmem>>
      %dma_wait3A_852 = arith.constant 0 : i32
      %dma_wait3A_853 = arith.constant 0 : i32
      %dma_wait3A_854 = tpu.memref_slice %arg2[%dma_wait3A_852, %dma_wait3A_853] : memref<10000x128xf32, #tpu.memory_space<hbm>> -> memref<10000x128xf32, #tpu.memory_space<hbm>>
      tpu.wait_indirect_dma semaphore(%arg13 : memref<!tpu.dma_semaphore, #tpu.memory_space<semaphore_mem>>) src(%dma_wait3A_854 : memref<10000x128xf32, #tpu.memory_space<hbm>>) dst(%arg10 : memref<128x128xf32, #tpu.memory_space<vmem>>)
      %dma_start3A_855 = arith.constant 9 : i32
      %dma_start3A_856 = arith.constant 0 : i32
      %dma_start3A_857 = tpu.memref_slice %arg7[%dma_start3A_855, %dma_start3A_856] : memref<13x128xi32, #tpu.memory_space<vmem>> -> memref<1x128xi32, #tpu.memory_space<vmem>>
      %dma_start3A_858 = tpu.memref_squeeze %dma_start3A_857 : memref<1x128xi32, #tpu.memory_space<vmem>> -> memref<128xi32, #tpu.memory_space<vmem>>
      %dma_start3A_859 = arith.constant 0 : i32
      %dma_start3A_860 = arith.constant 0 : i32
      %dma_start3A_861 = tpu.memref_slice %arg11[%dma_start3A_859, %dma_start3A_860] : memref<10240x128xf32, #tpu.memory_space<vmem_shared>> -> memref<10240x128xf32, #tpu.memory_space<vmem_shared>>
      tpu.enqueue_indirect_dma source(%arg10 : memref<128x128xf32, #tpu.memory_space<vmem>>) target(%dma_start3A_861 : memref<10240x128xf32, #tpu.memory_space<vmem_shared>>) offsets(%dma_start3A_858 : memref<128xi32, #tpu.memory_space<vmem>>) semaphore(%arg15 : memref<!tpu.dma_semaphore, #tpu.memory_space<semaphore_mem>>) {add = true}
      %dma_wait3A_862 = arith.constant 10 : i32
      %dma_wait3A_863 = arith.constant 0 : i32
      %dma_wait3A_864 = tpu.memref_slice %arg7[%dma_wait3A_862, %dma_wait3A_863] : memref<13x128xi32, #tpu.memory_space<vmem>> -> memref<1x128xi32, #tpu.memory_space<vmem>>
      %dma_wait3A_865 = tpu.memref_squeeze %dma_wait3A_864 : memref<1x128xi32, #tpu.memory_space<vmem>> -> memref<128xi32, #tpu.memory_space<vmem>>
      %dma_wait3A_866 = arith.constant 0 : i32
      %dma_wait3A_867 = arith.constant 0 : i32
      %dma_wait3A_868 = tpu.memref_slice %arg11[%dma_wait3A_866, %dma_wait3A_867] : memref<10240x128xf32, #tpu.memory_space<vmem_shared>> -> memref<10240x128xf32, #tpu.memory_space<vmem_shared>>
      tpu.wait_indirect_dma semaphore(%arg15 : memref<!tpu.dma_semaphore, #tpu.memory_space<semaphore_mem>>) src(%arg10 : memref<128x128xf32, #tpu.memory_space<vmem>>) dst(%dma_wait3A_868 : memref<10240x128xf32, #tpu.memory_space<vmem_shared>>)
      %dma_start3A_869 = arith.constant 1408 : i32
      %dma_start3A_870 = tpu.memref_slice %arg5[%dma_start3A_869] : memref<1664xi32, #tpu.memory_space<vmem>> -> memref<128xi32, #tpu.memory_space<vmem>>
      %dma_start3A_871 = arith.constant 0 : i32
      %dma_start3A_872 = arith.constant 0 : i32
      %dma_start3A_873 = tpu.memref_slice %arg2[%dma_start3A_871, %dma_start3A_872] : memref<10000x128xf32, #tpu.memory_space<hbm>> -> memref<10000x128xf32, #tpu.memory_space<hbm>>
      tpu.enqueue_indirect_dma source(%dma_start3A_873 : memref<10000x128xf32, #tpu.memory_space<hbm>>) target(%arg10 : memref<128x128xf32, #tpu.memory_space<vmem>>) offsets(%dma_start3A_870 : memref<128xi32, #tpu.memory_space<vmem>>) semaphore(%arg13 : memref<!tpu.dma_semaphore, #tpu.memory_space<semaphore_mem>>)
      %dma_wait3A_874 = arith.constant 1280 : i32
      %dma_wait3A_875 = tpu.memref_slice %arg5[%dma_wait3A_874] : memref<1664xi32, #tpu.memory_space<vmem>> -> memref<128xi32, #tpu.memory_space<vmem>>
      %dma_wait3A_876 = arith.constant 0 : i32
      %dma_wait3A_877 = arith.constant 0 : i32
      %dma_wait3A_878 = tpu.memref_slice %arg2[%dma_wait3A_876, %dma_wait3A_877] : memref<10000x128xf32, #tpu.memory_space<hbm>> -> memref<10000x128xf32, #tpu.memory_space<hbm>>
      tpu.wait_indirect_dma semaphore(%arg12 : memref<!tpu.dma_semaphore, #tpu.memory_space<semaphore_mem>>) src(%dma_wait3A_878 : memref<10000x128xf32, #tpu.memory_space<hbm>>) dst(%arg9 : memref<128x128xf32, #tpu.memory_space<vmem>>)
      %dma_start3A_879 = arith.constant 10 : i32
      %dma_start3A_880 = arith.constant 0 : i32
      %dma_start3A_881 = tpu.memref_slice %arg7[%dma_start3A_879, %dma_start3A_880] : memref<13x128xi32, #tpu.memory_space<vmem>> -> memref<1x128xi32, #tpu.memory_space<vmem>>
      %dma_start3A_882 = tpu.memref_squeeze %dma_start3A_881 : memref<1x128xi32, #tpu.memory_space<vmem>> -> memref<128xi32, #tpu.memory_space<vmem>>
      %dma_start3A_883 = arith.constant 0 : i32
      %dma_start3A_884 = arith.constant 0 : i32
      %dma_start3A_885 = tpu.memref_slice %arg11[%dma_start3A_883, %dma_start3A_884] : memref<10240x128xf32, #tpu.memory_space<vmem_shared>> -> memref<10240x128xf32, #tpu.memory_space<vmem_shared>>
      tpu.enqueue_indirect_dma source(%arg9 : memref<128x128xf32, #tpu.memory_space<vmem>>) target(%dma_start3A_885 : memref<10240x128xf32, #tpu.memory_space<vmem_shared>>) offsets(%dma_start3A_882 : memref<128xi32, #tpu.memory_space<vmem>>) semaphore(%arg14 : memref<!tpu.dma_semaphore, #tpu.memory_space<semaphore_mem>>) {add = true}
      %dma_wait3A_886 = arith.constant 11 : i32
      %dma_wait3A_887 = arith.constant 0 : i32
      %dma_wait3A_888 = tpu.memref_slice %arg7[%dma_wait3A_886, %dma_wait3A_887] : memref<13x128xi32, #tpu.memory_space<vmem>> -> memref<1x128xi32, #tpu.memory_space<vmem>>
      %dma_wait3A_889 = tpu.memref_squeeze %dma_wait3A_888 : memref<1x128xi32, #tpu.memory_space<vmem>> -> memref<128xi32, #tpu.memory_space<vmem>>
      %dma_wait3A_890 = arith.constant 0 : i32
      %dma_wait3A_891 = arith.constant 0 : i32
      %dma_wait3A_892 = tpu.memref_slice %arg11[%dma_wait3A_890, %dma_wait3A_891] : memref<10240x128xf32, #tpu.memory_space<vmem_shared>> -> memref<10240x128xf32, #tpu.memory_space<vmem_shared>>
      tpu.wait_indirect_dma semaphore(%arg14 : memref<!tpu.dma_semaphore, #tpu.memory_space<semaphore_mem>>) src(%arg9 : memref<128x128xf32, #tpu.memory_space<vmem>>) dst(%dma_wait3A_892 : memref<10240x128xf32, #tpu.memory_space<vmem_shared>>)
      %dma_start3A_893 = arith.constant 1536 : i32
      %dma_start3A_894 = tpu.memref_slice %arg5[%dma_start3A_893] : memref<1664xi32, #tpu.memory_space<vmem>> -> memref<128xi32, #tpu.memory_space<vmem>>
      %dma_start3A_895 = arith.constant 0 : i32
      %dma_start3A_896 = arith.constant 0 : i32
      %dma_start3A_897 = tpu.memref_slice %arg2[%dma_start3A_895, %dma_start3A_896] : memref<10000x128xf32, #tpu.memory_space<hbm>> -> memref<10000x128xf32, #tpu.memory_space<hbm>>
      tpu.enqueue_indirect_dma source(%dma_start3A_897 : memref<10000x128xf32, #tpu.memory_space<hbm>>) target(%arg9 : memref<128x128xf32, #tpu.memory_space<vmem>>) offsets(%dma_start3A_894 : memref<128xi32, #tpu.memory_space<vmem>>) semaphore(%arg12 : memref<!tpu.dma_semaphore, #tpu.memory_space<semaphore_mem>>)
      %dma_wait3A_898 = arith.constant 1408 : i32
      %dma_wait3A_899 = tpu.memref_slice %arg5[%dma_wait3A_898] : memref<1664xi32, #tpu.memory_space<vmem>> -> memref<128xi32, #tpu.memory_space<vmem>>
      %dma_wait3A_900 = arith.constant 0 : i32
      %dma_wait3A_901 = arith.constant 0 : i32
      %dma_wait3A_902 = tpu.memref_slice %arg2[%dma_wait3A_900, %dma_wait3A_901] : memref<10000x128xf32, #tpu.memory_space<hbm>> -> memref<10000x128xf32, #tpu.memory_space<hbm>>
      tpu.wait_indirect_dma semaphore(%arg13 : memref<!tpu.dma_semaphore, #tpu.memory_space<semaphore_mem>>) src(%dma_wait3A_902 : memref<10000x128xf32, #tpu.memory_space<hbm>>) dst(%arg10 : memref<128x128xf32, #tpu.memory_space<vmem>>)
      %dma_start3A_903 = arith.constant 11 : i32
      %dma_start3A_904 = arith.constant 0 : i32
      %dma_start3A_905 = tpu.memref_slice %arg7[%dma_start3A_903, %dma_start3A_904] : memref<13x128xi32, #tpu.memory_space<vmem>> -> memref<1x128xi32, #tpu.memory_space<vmem>>
      %dma_start3A_906 = tpu.memref_squeeze %dma_start3A_905 : memref<1x128xi32, #tpu.memory_space<vmem>> -> memref<128xi32, #tpu.memory_space<vmem>>
      %dma_start3A_907 = arith.constant 0 : i32
      %dma_start3A_908 = arith.constant 0 : i32
      %dma_start3A_909 = tpu.memref_slice %arg11[%dma_start3A_907, %dma_start3A_908] : memref<10240x128xf32, #tpu.memory_space<vmem_shared>> -> memref<10240x128xf32, #tpu.memory_space<vmem_shared>>
      tpu.enqueue_indirect_dma source(%arg10 : memref<128x128xf32, #tpu.memory_space<vmem>>) target(%dma_start3A_909 : memref<10240x128xf32, #tpu.memory_space<vmem_shared>>) offsets(%dma_start3A_906 : memref<128xi32, #tpu.memory_space<vmem>>) semaphore(%arg15 : memref<!tpu.dma_semaphore, #tpu.memory_space<semaphore_mem>>) {add = true}
      %dma_wait3A_910 = arith.constant 12 : i32
      %dma_wait3A_911 = arith.constant 0 : i32
      %dma_wait3A_912 = tpu.memref_slice %arg7[%dma_wait3A_910, %dma_wait3A_911] : memref<13x128xi32, #tpu.memory_space<vmem>> -> memref<1x128xi32, #tpu.memory_space<vmem>>
      %dma_wait3A_913 = tpu.memref_squeeze %dma_wait3A_912 : memref<1x128xi32, #tpu.memory_space<vmem>> -> memref<128xi32, #tpu.memory_space<vmem>>
      %dma_wait3A_914 = arith.constant 0 : i32
      %dma_wait3A_915 = arith.constant 0 : i32
      %dma_wait3A_916 = tpu.memref_slice %arg11[%dma_wait3A_914, %dma_wait3A_915] : memref<10240x128xf32, #tpu.memory_space<vmem_shared>> -> memref<10240x128xf32, #tpu.memory_space<vmem_shared>>
      tpu.wait_indirect_dma semaphore(%arg15 : memref<!tpu.dma_semaphore, #tpu.memory_space<semaphore_mem>>) src(%arg10 : memref<128x128xf32, #tpu.memory_space<vmem>>) dst(%dma_wait3A_916 : memref<10240x128xf32, #tpu.memory_space<vmem_shared>>)
      %add3A_917 = arith.constant 1 : i32
      %add3A_918 = arith.addi %add3A_624, %add3A_917 : i32
      %mul3A_919 = arith.constant 13 : i32
      %mul3A_920 = arith.muli %add3A_918, %mul3A_919 : i32
      %add3A_921 = arith.addi %mul3A_2, %mul3A_920 : i32
      %mul3A_922 = arith.constant 128 : i32
      %mul3A_923 = arith.muli %add3A_921, %mul3A_922 : i32
      %add3A_924 = arith.constant 0 : i32
      %add3A_925 = arith.addi %mul3A_923, %add3A_924 : i32
      %add3A_926 = arith.constant 128 : i32
      %add3A_927 = arith.addi %mul3A_923, %add3A_926 : i32
      %add3A_928 = arith.constant 256 : i32
      %add3A_929 = arith.addi %mul3A_923, %add3A_928 : i32
      %add3A_930 = arith.constant 384 : i32
      %add3A_931 = arith.addi %mul3A_923, %add3A_930 : i32
      %add3A_932 = arith.constant 512 : i32
      %add3A_933 = arith.addi %mul3A_923, %add3A_932 : i32
      %add3A_934 = arith.constant 640 : i32
      %add3A_935 = arith.addi %mul3A_923, %add3A_934 : i32
      %add3A_936 = arith.constant 768 : i32
      %add3A_937 = arith.addi %mul3A_923, %add3A_936 : i32
      %add3A_938 = arith.constant 896 : i32
      %add3A_939 = arith.addi %mul3A_923, %add3A_938 : i32
      %add3A_940 = arith.constant 1024 : i32
      %add3A_941 = arith.addi %mul3A_923, %add3A_940 : i32
      %add3A_942 = arith.constant 1152 : i32
      %add3A_943 = arith.addi %mul3A_923, %add3A_942 : i32
      %add3A_944 = arith.constant 1280 : i32
      %add3A_945 = arith.addi %mul3A_923, %add3A_944 : i32
      %add3A_946 = arith.constant 1408 : i32
      %add3A_947 = arith.addi %mul3A_923, %add3A_946 : i32
      %add3A_948 = arith.constant 1536 : i32
      %add3A_949 = arith.addi %mul3A_923, %add3A_948 : i32
      %dma_wait3A_950 = arith.constant 0 : i32
      %dma_wait3A_951 = tpu.memref_slice %arg3[%dma_wait3A_950, %mul3A_923] : memref<2x320000xi32, #tpu.memory_space<hbm>> -> memref<1x1664xi32, #tpu.memory_space<hbm>>
      %dma_wait3A_952 = tpu.memref_squeeze %dma_wait3A_951 : memref<1x1664xi32, #tpu.memory_space<hbm>> -> memref<1664xi32, #tpu.memory_space<hbm>>
      %dma_wait3A_953 = tpu.memref_slice %arg3[%dma_wait3A_950, %mul3A_923] : memref<2x320000xi32, #tpu.memory_space<hbm>> -> memref<1x1664xi32, #tpu.memory_space<hbm>>
      %dma_wait3A_954 = tpu.memref_squeeze %dma_wait3A_953 : memref<1x1664xi32, #tpu.memory_space<hbm>> -> memref<1664xi32, #tpu.memory_space<hbm>>
      tpu.wait_dma2 semaphore(%arg17 : memref<!tpu.dma_semaphore, #tpu.memory_space<semaphore_mem>>) src(%dma_wait3A_954 : memref<1664xi32, #tpu.memory_space<hbm>>) dst(%arg6 : memref<1664xi32, #tpu.memory_space<vmem>>)
      %dma_wait3A_955 = arith.constant 1 : i32
      %dma_wait3A_956 = arith.constant 0 : i32
      %dma_wait3A_957 = arith.constant 0 : i32
      %dma_wait3A_958 = tpu.memref_slice %arg8[%dma_wait3A_956, %dma_wait3A_957] : memref<13x128xi32, #tpu.memory_space<vmem>> -> memref<1x128xi32, #tpu.memory_space<vmem>>
      %dma_wait3A_959 = tpu.memref_squeeze %dma_wait3A_958 : memref<1x128xi32, #tpu.memory_space<vmem>> -> memref<128xi32, #tpu.memory_space<vmem>>
      %dma_wait3A_960 = tpu.memref_slice %arg3[%dma_wait3A_955, %add3A_925] : memref<2x320000xi32, #tpu.memory_space<hbm>> -> memref<1x128xi32, #tpu.memory_space<hbm>>
      %dma_wait3A_961 = tpu.memref_squeeze %dma_wait3A_960 : memref<1x128xi32, #tpu.memory_space<hbm>> -> memref<128xi32, #tpu.memory_space<hbm>>
      %dma_wait3A_962 = arith.constant 0 : i32
      %dma_wait3A_963 = tpu.memref_slice %arg8[%dma_wait3A_956, %dma_wait3A_962] : memref<13x128xi32, #tpu.memory_space<vmem>> -> memref<1x128xi32, #tpu.memory_space<vmem>>
      %dma_wait3A_964 = tpu.memref_squeeze %dma_wait3A_963 : memref<1x128xi32, #tpu.memory_space<vmem>> -> memref<128xi32, #tpu.memory_space<vmem>>
      %dma_wait3A_965 = tpu.memref_slice %arg3[%dma_wait3A_955, %add3A_925] : memref<2x320000xi32, #tpu.memory_space<hbm>> -> memref<1x128xi32, #tpu.memory_space<hbm>>
      %dma_wait3A_966 = tpu.memref_squeeze %dma_wait3A_965 : memref<1x128xi32, #tpu.memory_space<hbm>> -> memref<128xi32, #tpu.memory_space<hbm>>
      tpu.wait_dma2 semaphore(%arg17 : memref<!tpu.dma_semaphore, #tpu.memory_space<semaphore_mem>>) src(%dma_wait3A_966 : memref<128xi32, #tpu.memory_space<hbm>>) dst(%dma_wait3A_964 : memref<128xi32, #tpu.memory_space<vmem>>)
      %dma_wait3A_967 = arith.constant 1 : i32
      %dma_wait3A_968 = arith.constant 1 : i32
      %dma_wait3A_969 = arith.constant 0 : i32
      %dma_wait3A_970 = tpu.memref_slice %arg8[%dma_wait3A_968, %dma_wait3A_969] : memref<13x128xi32, #tpu.memory_space<vmem>> -> memref<1x128xi32, #tpu.memory_space<vmem>>
      %dma_wait3A_971 = tpu.memref_squeeze %dma_wait3A_970 : memref<1x128xi32, #tpu.memory_space<vmem>> -> memref<128xi32, #tpu.memory_space<vmem>>
      %dma_wait3A_972 = tpu.memref_slice %arg3[%dma_wait3A_967, %add3A_927] : memref<2x320000xi32, #tpu.memory_space<hbm>> -> memref<1x128xi32, #tpu.memory_space<hbm>>
      %dma_wait3A_973 = tpu.memref_squeeze %dma_wait3A_972 : memref<1x128xi32, #tpu.memory_space<hbm>> -> memref<128xi32, #tpu.memory_space<hbm>>
      %dma_wait3A_974 = arith.constant 0 : i32
      %dma_wait3A_975 = tpu.memref_slice %arg8[%dma_wait3A_968, %dma_wait3A_974] : memref<13x128xi32, #tpu.memory_space<vmem>> -> memref<1x128xi32, #tpu.memory_space<vmem>>
      %dma_wait3A_976 = tpu.memref_squeeze %dma_wait3A_975 : memref<1x128xi32, #tpu.memory_space<vmem>> -> memref<128xi32, #tpu.memory_space<vmem>>
      %dma_wait3A_977 = tpu.memref_slice %arg3[%dma_wait3A_967, %add3A_927] : memref<2x320000xi32, #tpu.memory_space<hbm>> -> memref<1x128xi32, #tpu.memory_space<hbm>>
      %dma_wait3A_978 = tpu.memref_squeeze %dma_wait3A_977 : memref<1x128xi32, #tpu.memory_space<hbm>> -> memref<128xi32, #tpu.memory_space<hbm>>
      tpu.wait_dma2 semaphore(%arg17 : memref<!tpu.dma_semaphore, #tpu.memory_space<semaphore_mem>>) src(%dma_wait3A_978 : memref<128xi32, #tpu.memory_space<hbm>>) dst(%dma_wait3A_976 : memref<128xi32, #tpu.memory_space<vmem>>)
      %dma_wait3A_979 = arith.constant 1 : i32
      %dma_wait3A_980 = arith.constant 2 : i32
      %dma_wait3A_981 = arith.constant 0 : i32
      %dma_wait3A_982 = tpu.memref_slice %arg8[%dma_wait3A_980, %dma_wait3A_981] : memref<13x128xi32, #tpu.memory_space<vmem>> -> memref<1x128xi32, #tpu.memory_space<vmem>>
      %dma_wait3A_983 = tpu.memref_squeeze %dma_wait3A_982 : memref<1x128xi32, #tpu.memory_space<vmem>> -> memref<128xi32, #tpu.memory_space<vmem>>
      %dma_wait3A_984 = tpu.memref_slice %arg3[%dma_wait3A_979, %add3A_929] : memref<2x320000xi32, #tpu.memory_space<hbm>> -> memref<1x128xi32, #tpu.memory_space<hbm>>
      %dma_wait3A_985 = tpu.memref_squeeze %dma_wait3A_984 : memref<1x128xi32, #tpu.memory_space<hbm>> -> memref<128xi32, #tpu.memory_space<hbm>>
      %dma_wait3A_986 = arith.constant 0 : i32
      %dma_wait3A_987 = tpu.memref_slice %arg8[%dma_wait3A_980, %dma_wait3A_986] : memref<13x128xi32, #tpu.memory_space<vmem>> -> memref<1x128xi32, #tpu.memory_space<vmem>>
      %dma_wait3A_988 = tpu.memref_squeeze %dma_wait3A_987 : memref<1x128xi32, #tpu.memory_space<vmem>> -> memref<128xi32, #tpu.memory_space<vmem>>
      %dma_wait3A_989 = tpu.memref_slice %arg3[%dma_wait3A_979, %add3A_929] : memref<2x320000xi32, #tpu.memory_space<hbm>> -> memref<1x128xi32, #tpu.memory_space<hbm>>
      %dma_wait3A_990 = tpu.memref_squeeze %dma_wait3A_989 : memref<1x128xi32, #tpu.memory_space<hbm>> -> memref<128xi32, #tpu.memory_space<hbm>>
      tpu.wait_dma2 semaphore(%arg17 : memref<!tpu.dma_semaphore, #tpu.memory_space<semaphore_mem>>) src(%dma_wait3A_990 : memref<128xi32, #tpu.memory_space<hbm>>) dst(%dma_wait3A_988 : memref<128xi32, #tpu.memory_space<vmem>>)
      %dma_wait3A_991 = arith.constant 1 : i32
      %dma_wait3A_992 = arith.constant 3 : i32
      %dma_wait3A_993 = arith.constant 0 : i32
      %dma_wait3A_994 = tpu.memref_slice %arg8[%dma_wait3A_992, %dma_wait3A_993] : memref<13x128xi32, #tpu.memory_space<vmem>> -> memref<1x128xi32, #tpu.memory_space<vmem>>
      %dma_wait3A_995 = tpu.memref_squeeze %dma_wait3A_994 : memref<1x128xi32, #tpu.memory_space<vmem>> -> memref<128xi32, #tpu.memory_space<vmem>>
      %dma_wait3A_996 = tpu.memref_slice %arg3[%dma_wait3A_991, %add3A_931] : memref<2x320000xi32, #tpu.memory_space<hbm>> -> memref<1x128xi32, #tpu.memory_space<hbm>>
      %dma_wait3A_997 = tpu.memref_squeeze %dma_wait3A_996 : memref<1x128xi32, #tpu.memory_space<hbm>> -> memref<128xi32, #tpu.memory_space<hbm>>
      %dma_wait3A_998 = arith.constant 0 : i32
      %dma_wait3A_999 = tpu.memref_slice %arg8[%dma_wait3A_992, %dma_wait3A_998] : memref<13x128xi32, #tpu.memory_space<vmem>> -> memref<1x128xi32, #tpu.memory_space<vmem>>
      %dma_wait3A_1000 = tpu.memref_squeeze %dma_wait3A_999 : memref<1x128xi32, #tpu.memory_space<vmem>> -> memref<128xi32, #tpu.memory_space<vmem>>
      %dma_wait3A_1001 = tpu.memref_slice %arg3[%dma_wait3A_991, %add3A_931] : memref<2x320000xi32, #tpu.memory_space<hbm>> -> memref<1x128xi32, #tpu.memory_space<hbm>>
      %dma_wait3A_1002 = tpu.memref_squeeze %dma_wait3A_1001 : memref<1x128xi32, #tpu.memory_space<hbm>> -> memref<128xi32, #tpu.memory_space<hbm>>
      tpu.wait_dma2 semaphore(%arg17 : memref<!tpu.dma_semaphore, #tpu.memory_space<semaphore_mem>>) src(%dma_wait3A_1002 : memref<128xi32, #tpu.memory_space<hbm>>) dst(%dma_wait3A_1000 : memref<128xi32, #tpu.memory_space<vmem>>)
      %dma_wait3A_1003 = arith.constant 1 : i32
      %dma_wait3A_1004 = arith.constant 4 : i32
      %dma_wait3A_1005 = arith.constant 0 : i32
      %dma_wait3A_1006 = tpu.memref_slice %arg8[%dma_wait3A_1004, %dma_wait3A_1005] : memref<13x128xi32, #tpu.memory_space<vmem>> -> memref<1x128xi32, #tpu.memory_space<vmem>>
      %dma_wait3A_1007 = tpu.memref_squeeze %dma_wait3A_1006 : memref<1x128xi32, #tpu.memory_space<vmem>> -> memref<128xi32, #tpu.memory_space<vmem>>
      %dma_wait3A_1008 = tpu.memref_slice %arg3[%dma_wait3A_1003, %add3A_933] : memref<2x320000xi32, #tpu.memory_space<hbm>> -> memref<1x128xi32, #tpu.memory_space<hbm>>
      %dma_wait3A_1009 = tpu.memref_squeeze %dma_wait3A_1008 : memref<1x128xi32, #tpu.memory_space<hbm>> -> memref<128xi32, #tpu.memory_space<hbm>>
      %dma_wait3A_1010 = arith.constant 0 : i32
      %dma_wait3A_1011 = tpu.memref_slice %arg8[%dma_wait3A_1004, %dma_wait3A_1010] : memref<13x128xi32, #tpu.memory_space<vmem>> -> memref<1x128xi32, #tpu.memory_space<vmem>>
      %dma_wait3A_1012 = tpu.memref_squeeze %dma_wait3A_1011 : memref<1x128xi32, #tpu.memory_space<vmem>> -> memref<128xi32, #tpu.memory_space<vmem>>
      %dma_wait3A_1013 = tpu.memref_slice %arg3[%dma_wait3A_1003, %add3A_933] : memref<2x320000xi32, #tpu.memory_space<hbm>> -> memref<1x128xi32, #tpu.memory_space<hbm>>
      %dma_wait3A_1014 = tpu.memref_squeeze %dma_wait3A_1013 : memref<1x128xi32, #tpu.memory_space<hbm>> -> memref<128xi32, #tpu.memory_space<hbm>>
      tpu.wait_dma2 semaphore(%arg17 : memref<!tpu.dma_semaphore, #tpu.memory_space<semaphore_mem>>) src(%dma_wait3A_1014 : memref<128xi32, #tpu.memory_space<hbm>>) dst(%dma_wait3A_1012 : memref<128xi32, #tpu.memory_space<vmem>>)
      %dma_wait3A_1015 = arith.constant 1 : i32
      %dma_wait3A_1016 = arith.constant 5 : i32
      %dma_wait3A_1017 = arith.constant 0 : i32
      %dma_wait3A_1018 = tpu.memref_slice %arg8[%dma_wait3A_1016, %dma_wait3A_1017] : memref<13x128xi32, #tpu.memory_space<vmem>> -> memref<1x128xi32, #tpu.memory_space<vmem>>
      %dma_wait3A_1019 = tpu.memref_squeeze %dma_wait3A_1018 : memref<1x128xi32, #tpu.memory_space<vmem>> -> memref<128xi32, #tpu.memory_space<vmem>>
      %dma_wait3A_1020 = tpu.memref_slice %arg3[%dma_wait3A_1015, %add3A_935] : memref<2x320000xi32, #tpu.memory_space<hbm>> -> memref<1x128xi32, #tpu.memory_space<hbm>>
      %dma_wait3A_1021 = tpu.memref_squeeze %dma_wait3A_1020 : memref<1x128xi32, #tpu.memory_space<hbm>> -> memref<128xi32, #tpu.memory_space<hbm>>
      %dma_wait3A_1022 = arith.constant 0 : i32
      %dma_wait3A_1023 = tpu.memref_slice %arg8[%dma_wait3A_1016, %dma_wait3A_1022] : memref<13x128xi32, #tpu.memory_space<vmem>> -> memref<1x128xi32, #tpu.memory_space<vmem>>
      %dma_wait3A_1024 = tpu.memref_squeeze %dma_wait3A_1023 : memref<1x128xi32, #tpu.memory_space<vmem>> -> memref<128xi32, #tpu.memory_space<vmem>>
      %dma_wait3A_1025 = tpu.memref_slice %arg3[%dma_wait3A_1015, %add3A_935] : memref<2x320000xi32, #tpu.memory_space<hbm>> -> memref<1x128xi32, #tpu.memory_space<hbm>>
      %dma_wait3A_1026 = tpu.memref_squeeze %dma_wait3A_1025 : memref<1x128xi32, #tpu.memory_space<hbm>> -> memref<128xi32, #tpu.memory_space<hbm>>
      tpu.wait_dma2 semaphore(%arg17 : memref<!tpu.dma_semaphore, #tpu.memory_space<semaphore_mem>>) src(%dma_wait3A_1026 : memref<128xi32, #tpu.memory_space<hbm>>) dst(%dma_wait3A_1024 : memref<128xi32, #tpu.memory_space<vmem>>)
      %dma_wait3A_1027 = arith.constant 1 : i32
      %dma_wait3A_1028 = arith.constant 6 : i32
      %dma_wait3A_1029 = arith.constant 0 : i32
      %dma_wait3A_1030 = tpu.memref_slice %arg8[%dma_wait3A_1028, %dma_wait3A_1029] : memref<13x128xi32, #tpu.memory_space<vmem>> -> memref<1x128xi32, #tpu.memory_space<vmem>>
      %dma_wait3A_1031 = tpu.memref_squeeze %dma_wait3A_1030 : memref<1x128xi32, #tpu.memory_space<vmem>> -> memref<128xi32, #tpu.memory_space<vmem>>
      %dma_wait3A_1032 = tpu.memref_slice %arg3[%dma_wait3A_1027, %add3A_937] : memref<2x320000xi32, #tpu.memory_space<hbm>> -> memref<1x128xi32, #tpu.memory_space<hbm>>
      %dma_wait3A_1033 = tpu.memref_squeeze %dma_wait3A_1032 : memref<1x128xi32, #tpu.memory_space<hbm>> -> memref<128xi32, #tpu.memory_space<hbm>>
      %dma_wait3A_1034 = arith.constant 0 : i32
      %dma_wait3A_1035 = tpu.memref_slice %arg8[%dma_wait3A_1028, %dma_wait3A_1034] : memref<13x128xi32, #tpu.memory_space<vmem>> -> memref<1x128xi32, #tpu.memory_space<vmem>>
      %dma_wait3A_1036 = tpu.memref_squeeze %dma_wait3A_1035 : memref<1x128xi32, #tpu.memory_space<vmem>> -> memref<128xi32, #tpu.memory_space<vmem>>
      %dma_wait3A_1037 = tpu.memref_slice %arg3[%dma_wait3A_1027, %add3A_937] : memref<2x320000xi32, #tpu.memory_space<hbm>> -> memref<1x128xi32, #tpu.memory_space<hbm>>
      %dma_wait3A_1038 = tpu.memref_squeeze %dma_wait3A_1037 : memref<1x128xi32, #tpu.memory_space<hbm>> -> memref<128xi32, #tpu.memory_space<hbm>>
      tpu.wait_dma2 semaphore(%arg17 : memref<!tpu.dma_semaphore, #tpu.memory_space<semaphore_mem>>) src(%dma_wait3A_1038 : memref<128xi32, #tpu.memory_space<hbm>>) dst(%dma_wait3A_1036 : memref<128xi32, #tpu.memory_space<vmem>>)
      %dma_wait3A_1039 = arith.constant 1 : i32
      %dma_wait3A_1040 = arith.constant 7 : i32
      %dma_wait3A_1041 = arith.constant 0 : i32
      %dma_wait3A_1042 = tpu.memref_slice %arg8[%dma_wait3A_1040, %dma_wait3A_1041] : memref<13x128xi32, #tpu.memory_space<vmem>> -> memref<1x128xi32, #tpu.memory_space<vmem>>
      %dma_wait3A_1043 = tpu.memref_squeeze %dma_wait3A_1042 : memref<1x128xi32, #tpu.memory_space<vmem>> -> memref<128xi32, #tpu.memory_space<vmem>>
      %dma_wait3A_1044 = tpu.memref_slice %arg3[%dma_wait3A_1039, %add3A_939] : memref<2x320000xi32, #tpu.memory_space<hbm>> -> memref<1x128xi32, #tpu.memory_space<hbm>>
      %dma_wait3A_1045 = tpu.memref_squeeze %dma_wait3A_1044 : memref<1x128xi32, #tpu.memory_space<hbm>> -> memref<128xi32, #tpu.memory_space<hbm>>
      %dma_wait3A_1046 = arith.constant 0 : i32
      %dma_wait3A_1047 = tpu.memref_slice %arg8[%dma_wait3A_1040, %dma_wait3A_1046] : memref<13x128xi32, #tpu.memory_space<vmem>> -> memref<1x128xi32, #tpu.memory_space<vmem>>
      %dma_wait3A_1048 = tpu.memref_squeeze %dma_wait3A_1047 : memref<1x128xi32, #tpu.memory_space<vmem>> -> memref<128xi32, #tpu.memory_space<vmem>>
      %dma_wait3A_1049 = tpu.memref_slice %arg3[%dma_wait3A_1039, %add3A_939] : memref<2x320000xi32, #tpu.memory_space<hbm>> -> memref<1x128xi32, #tpu.memory_space<hbm>>
      %dma_wait3A_1050 = tpu.memref_squeeze %dma_wait3A_1049 : memref<1x128xi32, #tpu.memory_space<hbm>> -> memref<128xi32, #tpu.memory_space<hbm>>
      tpu.wait_dma2 semaphore(%arg17 : memref<!tpu.dma_semaphore, #tpu.memory_space<semaphore_mem>>) src(%dma_wait3A_1050 : memref<128xi32, #tpu.memory_space<hbm>>) dst(%dma_wait3A_1048 : memref<128xi32, #tpu.memory_space<vmem>>)
      %dma_wait3A_1051 = arith.constant 1 : i32
      %dma_wait3A_1052 = arith.constant 8 : i32
      %dma_wait3A_1053 = arith.constant 0 : i32
      %dma_wait3A_1054 = tpu.memref_slice %arg8[%dma_wait3A_1052, %dma_wait3A_1053] : memref<13x128xi32, #tpu.memory_space<vmem>> -> memref<1x128xi32, #tpu.memory_space<vmem>>
      %dma_wait3A_1055 = tpu.memref_squeeze %dma_wait3A_1054 : memref<1x128xi32, #tpu.memory_space<vmem>> -> memref<128xi32, #tpu.memory_space<vmem>>
      %dma_wait3A_1056 = tpu.memref_slice %arg3[%dma_wait3A_1051, %add3A_941] : memref<2x320000xi32, #tpu.memory_space<hbm>> -> memref<1x128xi32, #tpu.memory_space<hbm>>
      %dma_wait3A_1057 = tpu.memref_squeeze %dma_wait3A_1056 : memref<1x128xi32, #tpu.memory_space<hbm>> -> memref<128xi32, #tpu.memory_space<hbm>>
      %dma_wait3A_1058 = arith.constant 0 : i32
      %dma_wait3A_1059 = tpu.memref_slice %arg8[%dma_wait3A_1052, %dma_wait3A_1058] : memref<13x128xi32, #tpu.memory_space<vmem>> -> memref<1x128xi32, #tpu.memory_space<vmem>>
      %dma_wait3A_1060 = tpu.memref_squeeze %dma_wait3A_1059 : memref<1x128xi32, #tpu.memory_space<vmem>> -> memref<128xi32, #tpu.memory_space<vmem>>
      %dma_wait3A_1061 = tpu.memref_slice %arg3[%dma_wait3A_1051, %add3A_941] : memref<2x320000xi32, #tpu.memory_space<hbm>> -> memref<1x128xi32, #tpu.memory_space<hbm>>
      %dma_wait3A_1062 = tpu.memref_squeeze %dma_wait3A_1061 : memref<1x128xi32, #tpu.memory_space<hbm>> -> memref<128xi32, #tpu.memory_space<hbm>>
      tpu.wait_dma2 semaphore(%arg17 : memref<!tpu.dma_semaphore, #tpu.memory_space<semaphore_mem>>) src(%dma_wait3A_1062 : memref<128xi32, #tpu.memory_space<hbm>>) dst(%dma_wait3A_1060 : memref<128xi32, #tpu.memory_space<vmem>>)
      %dma_wait3A_1063 = arith.constant 1 : i32
      %dma_wait3A_1064 = arith.constant 9 : i32
      %dma_wait3A_1065 = arith.constant 0 : i32
      %dma_wait3A_1066 = tpu.memref_slice %arg8[%dma_wait3A_1064, %dma_wait3A_1065] : memref<13x128xi32, #tpu.memory_space<vmem>> -> memref<1x128xi32, #tpu.memory_space<vmem>>
      %dma_wait3A_1067 = tpu.memref_squeeze %dma_wait3A_1066 : memref<1x128xi32, #tpu.memory_space<vmem>> -> memref<128xi32, #tpu.memory_space<vmem>>
      %dma_wait3A_1068 = tpu.memref_slice %arg3[%dma_wait3A_1063, %add3A_943] : memref<2x320000xi32, #tpu.memory_space<hbm>> -> memref<1x128xi32, #tpu.memory_space<hbm>>
      %dma_wait3A_1069 = tpu.memref_squeeze %dma_wait3A_1068 : memref<1x128xi32, #tpu.memory_space<hbm>> -> memref<128xi32, #tpu.memory_space<hbm>>
      %dma_wait3A_1070 = arith.constant 0 : i32
      %dma_wait3A_1071 = tpu.memref_slice %arg8[%dma_wait3A_1064, %dma_wait3A_1070] : memref<13x128xi32, #tpu.memory_space<vmem>> -> memref<1x128xi32, #tpu.memory_space<vmem>>
      %dma_wait3A_1072 = tpu.memref_squeeze %dma_wait3A_1071 : memref<1x128xi32, #tpu.memory_space<vmem>> -> memref<128xi32, #tpu.memory_space<vmem>>
      %dma_wait3A_1073 = tpu.memref_slice %arg3[%dma_wait3A_1063, %add3A_943] : memref<2x320000xi32, #tpu.memory_space<hbm>> -> memref<1x128xi32, #tpu.memory_space<hbm>>
      %dma_wait3A_1074 = tpu.memref_squeeze %dma_wait3A_1073 : memref<1x128xi32, #tpu.memory_space<hbm>> -> memref<128xi32, #tpu.memory_space<hbm>>
      tpu.wait_dma2 semaphore(%arg17 : memref<!tpu.dma_semaphore, #tpu.memory_space<semaphore_mem>>) src(%dma_wait3A_1074 : memref<128xi32, #tpu.memory_space<hbm>>) dst(%dma_wait3A_1072 : memref<128xi32, #tpu.memory_space<vmem>>)
      %dma_wait3A_1075 = arith.constant 1 : i32
      %dma_wait3A_1076 = arith.constant 10 : i32
      %dma_wait3A_1077 = arith.constant 0 : i32
      %dma_wait3A_1078 = tpu.memref_slice %arg8[%dma_wait3A_1076, %dma_wait3A_1077] : memref<13x128xi32, #tpu.memory_space<vmem>> -> memref<1x128xi32, #tpu.memory_space<vmem>>
      %dma_wait3A_1079 = tpu.memref_squeeze %dma_wait3A_1078 : memref<1x128xi32, #tpu.memory_space<vmem>> -> memref<128xi32, #tpu.memory_space<vmem>>
      %dma_wait3A_1080 = tpu.memref_slice %arg3[%dma_wait3A_1075, %add3A_945] : memref<2x320000xi32, #tpu.memory_space<hbm>> -> memref<1x128xi32, #tpu.memory_space<hbm>>
      %dma_wait3A_1081 = tpu.memref_squeeze %dma_wait3A_1080 : memref<1x128xi32, #tpu.memory_space<hbm>> -> memref<128xi32, #tpu.memory_space<hbm>>
      %dma_wait3A_1082 = arith.constant 0 : i32
      %dma_wait3A_1083 = tpu.memref_slice %arg8[%dma_wait3A_1076, %dma_wait3A_1082] : memref<13x128xi32, #tpu.memory_space<vmem>> -> memref<1x128xi32, #tpu.memory_space<vmem>>
      %dma_wait3A_1084 = tpu.memref_squeeze %dma_wait3A_1083 : memref<1x128xi32, #tpu.memory_space<vmem>> -> memref<128xi32, #tpu.memory_space<vmem>>
      %dma_wait3A_1085 = tpu.memref_slice %arg3[%dma_wait3A_1075, %add3A_945] : memref<2x320000xi32, #tpu.memory_space<hbm>> -> memref<1x128xi32, #tpu.memory_space<hbm>>
      %dma_wait3A_1086 = tpu.memref_squeeze %dma_wait3A_1085 : memref<1x128xi32, #tpu.memory_space<hbm>> -> memref<128xi32, #tpu.memory_space<hbm>>
      tpu.wait_dma2 semaphore(%arg17 : memref<!tpu.dma_semaphore, #tpu.memory_space<semaphore_mem>>) src(%dma_wait3A_1086 : memref<128xi32, #tpu.memory_space<hbm>>) dst(%dma_wait3A_1084 : memref<128xi32, #tpu.memory_space<vmem>>)
      %dma_wait3A_1087 = arith.constant 1 : i32
      %dma_wait3A_1088 = arith.constant 11 : i32
      %dma_wait3A_1089 = arith.constant 0 : i32
      %dma_wait3A_1090 = tpu.memref_slice %arg8[%dma_wait3A_1088, %dma_wait3A_1089] : memref<13x128xi32, #tpu.memory_space<vmem>> -> memref<1x128xi32, #tpu.memory_space<vmem>>
      %dma_wait3A_1091 = tpu.memref_squeeze %dma_wait3A_1090 : memref<1x128xi32, #tpu.memory_space<vmem>> -> memref<128xi32, #tpu.memory_space<vmem>>
      %dma_wait3A_1092 = tpu.memref_slice %arg3[%dma_wait3A_1087, %add3A_947] : memref<2x320000xi32, #tpu.memory_space<hbm>> -> memref<1x128xi32, #tpu.memory_space<hbm>>
      %dma_wait3A_1093 = tpu.memref_squeeze %dma_wait3A_1092 : memref<1x128xi32, #tpu.memory_space<hbm>> -> memref<128xi32, #tpu.memory_space<hbm>>
      %dma_wait3A_1094 = arith.constant 0 : i32
      %dma_wait3A_1095 = tpu.memref_slice %arg8[%dma_wait3A_1088, %dma_wait3A_1094] : memref<13x128xi32, #tpu.memory_space<vmem>> -> memref<1x128xi32, #tpu.memory_space<vmem>>
      %dma_wait3A_1096 = tpu.memref_squeeze %dma_wait3A_1095 : memref<1x128xi32, #tpu.memory_space<vmem>> -> memref<128xi32, #tpu.memory_space<vmem>>
      %dma_wait3A_1097 = tpu.memref_slice %arg3[%dma_wait3A_1087, %add3A_947] : memref<2x320000xi32, #tpu.memory_space<hbm>> -> memref<1x128xi32, #tpu.memory_space<hbm>>
      %dma_wait3A_1098 = tpu.memref_squeeze %dma_wait3A_1097 : memref<1x128xi32, #tpu.memory_space<hbm>> -> memref<128xi32, #tpu.memory_space<hbm>>
      tpu.wait_dma2 semaphore(%arg17 : memref<!tpu.dma_semaphore, #tpu.memory_space<semaphore_mem>>) src(%dma_wait3A_1098 : memref<128xi32, #tpu.memory_space<hbm>>) dst(%dma_wait3A_1096 : memref<128xi32, #tpu.memory_space<vmem>>)
      %dma_wait3A_1099 = arith.constant 1 : i32
      %dma_wait3A_1100 = arith.constant 12 : i32
      %dma_wait3A_1101 = arith.constant 0 : i32
      %dma_wait3A_1102 = tpu.memref_slice %arg8[%dma_wait3A_1100, %dma_wait3A_1101] : memref<13x128xi32, #tpu.memory_space<vmem>> -> memref<1x128xi32, #tpu.memory_space<vmem>>
      %dma_wait3A_1103 = tpu.memref_squeeze %dma_wait3A_1102 : memref<1x128xi32, #tpu.memory_space<vmem>> -> memref<128xi32, #tpu.memory_space<vmem>>
      %dma_wait3A_1104 = tpu.memref_slice %arg3[%dma_wait3A_1099, %add3A_949] : memref<2x320000xi32, #tpu.memory_space<hbm>> -> memref<1x128xi32, #tpu.memory_space<hbm>>
      %dma_wait3A_1105 = tpu.memref_squeeze %dma_wait3A_1104 : memref<1x128xi32, #tpu.memory_space<hbm>> -> memref<128xi32, #tpu.memory_space<hbm>>
      %dma_wait3A_1106 = arith.constant 0 : i32
      %dma_wait3A_1107 = tpu.memref_slice %arg8[%dma_wait3A_1100, %dma_wait3A_1106] : memref<13x128xi32, #tpu.memory_space<vmem>> -> memref<1x128xi32, #tpu.memory_space<vmem>>
      %dma_wait3A_1108 = tpu.memref_squeeze %dma_wait3A_1107 : memref<1x128xi32, #tpu.memory_space<vmem>> -> memref<128xi32, #tpu.memory_space<vmem>>
      %dma_wait3A_1109 = tpu.memref_slice %arg3[%dma_wait3A_1099, %add3A_949] : memref<2x320000xi32, #tpu.memory_space<hbm>> -> memref<1x128xi32, #tpu.memory_space<hbm>>
      %dma_wait3A_1110 = tpu.memref_squeeze %dma_wait3A_1109 : memref<1x128xi32, #tpu.memory_space<hbm>> -> memref<128xi32, #tpu.memory_space<hbm>>
      tpu.wait_dma2 semaphore(%arg17 : memref<!tpu.dma_semaphore, #tpu.memory_space<semaphore_mem>>) src(%dma_wait3A_1110 : memref<128xi32, #tpu.memory_space<hbm>>) dst(%dma_wait3A_1108 : memref<128xi32, #tpu.memory_space<vmem>>)
      %dma_start3A_1111 = arith.constant 0 : i32
      %dma_start3A_1112 = tpu.memref_slice %arg6[%dma_start3A_1111] : memref<1664xi32, #tpu.memory_space<vmem>> -> memref<128xi32, #tpu.memory_space<vmem>>
      %dma_start3A_1113 = arith.constant 0 : i32
      %dma_start3A_1114 = arith.constant 0 : i32
      %dma_start3A_1115 = tpu.memref_slice %arg2[%dma_start3A_1113, %dma_start3A_1114] : memref<10000x128xf32, #tpu.memory_space<hbm>> -> memref<10000x128xf32, #tpu.memory_space<hbm>>
      tpu.enqueue_indirect_dma source(%dma_start3A_1115 : memref<10000x128xf32, #tpu.memory_space<hbm>>) target(%arg10 : memref<128x128xf32, #tpu.memory_space<vmem>>) offsets(%dma_start3A_1112 : memref<128xi32, #tpu.memory_space<vmem>>) semaphore(%arg13 : memref<!tpu.dma_semaphore, #tpu.memory_space<semaphore_mem>>)
      %dma_wait3A_1116 = arith.constant 1536 : i32
      %dma_wait3A_1117 = tpu.memref_slice %arg5[%dma_wait3A_1116] : memref<1664xi32, #tpu.memory_space<vmem>> -> memref<128xi32, #tpu.memory_space<vmem>>
      %dma_wait3A_1118 = arith.constant 0 : i32
      %dma_wait3A_1119 = arith.constant 0 : i32
      %dma_wait3A_1120 = tpu.memref_slice %arg2[%dma_wait3A_1118, %dma_wait3A_1119] : memref<10000x128xf32, #tpu.memory_space<hbm>> -> memref<10000x128xf32, #tpu.memory_space<hbm>>
      tpu.wait_indirect_dma semaphore(%arg12 : memref<!tpu.dma_semaphore, #tpu.memory_space<semaphore_mem>>) src(%dma_wait3A_1120 : memref<10000x128xf32, #tpu.memory_space<hbm>>) dst(%arg9 : memref<128x128xf32, #tpu.memory_space<vmem>>)
      %dma_start3A_1121 = arith.constant 12 : i32
      %dma_start3A_1122 = arith.constant 0 : i32
      %dma_start3A_1123 = tpu.memref_slice %arg7[%dma_start3A_1121, %dma_start3A_1122] : memref<13x128xi32, #tpu.memory_space<vmem>> -> memref<1x128xi32, #tpu.memory_space<vmem>>
      %dma_start3A_1124 = tpu.memref_squeeze %dma_start3A_1123 : memref<1x128xi32, #tpu.memory_space<vmem>> -> memref<128xi32, #tpu.memory_space<vmem>>
      %dma_start3A_1125 = arith.constant 0 : i32
      %dma_start3A_1126 = arith.constant 0 : i32
      %dma_start3A_1127 = tpu.memref_slice %arg11[%dma_start3A_1125, %dma_start3A_1126] : memref<10240x128xf32, #tpu.memory_space<vmem_shared>> -> memref<10240x128xf32, #tpu.memory_space<vmem_shared>>
      tpu.enqueue_indirect_dma source(%arg9 : memref<128x128xf32, #tpu.memory_space<vmem>>) target(%dma_start3A_1127 : memref<10240x128xf32, #tpu.memory_space<vmem_shared>>) offsets(%dma_start3A_1124 : memref<128xi32, #tpu.memory_space<vmem>>) semaphore(%arg14 : memref<!tpu.dma_semaphore, #tpu.memory_space<semaphore_mem>>) {add = true}
      %lt3A_1128 = arith.constant 2 : i32
      %lt3A_1129 = arith.cmpi slt, %add3A_620, %lt3A_1128 : i32
      %convert_element_type3A_1130 = arith.extui %lt3A_1129 : i1 to i32
      %cond3A_1131 = arith.constant 0 : i32
      %cond3A_1132 = arith.cmpi ne, %convert_element_type3A_1130, %cond3A_1131 : i32
      scf.if %cond3A_1132 {
        %add3A_1447 = arith.constant 2 : i32
        %add3A_1448 = arith.addi %add3A_624, %add3A_1447 : i32
        %mul3A_1449 = arith.constant 13 : i32
        %mul3A_1450 = arith.muli %add3A_1448, %mul3A_1449 : i32
        %add3A_1451 = arith.addi %mul3A_2, %mul3A_1450 : i32
        %mul3A_1452 = arith.constant 128 : i32
        %mul3A_1453 = arith.muli %add3A_1451, %mul3A_1452 : i32
        %add3A_1454 = arith.constant 0 : i32
        %add3A_1455 = arith.addi %mul3A_1453, %add3A_1454 : i32
        %add3A_1456 = arith.constant 128 : i32
        %add3A_1457 = arith.addi %mul3A_1453, %add3A_1456 : i32
        %add3A_1458 = arith.constant 256 : i32
        %add3A_1459 = arith.addi %mul3A_1453, %add3A_1458 : i32
        %add3A_1460 = arith.constant 384 : i32
        %add3A_1461 = arith.addi %mul3A_1453, %add3A_1460 : i32
        %add3A_1462 = arith.constant 512 : i32
        %add3A_1463 = arith.addi %mul3A_1453, %add3A_1462 : i32
        %add3A_1464 = arith.constant 640 : i32
        %add3A_1465 = arith.addi %mul3A_1453, %add3A_1464 : i32
        %add3A_1466 = arith.constant 768 : i32
        %add3A_1467 = arith.addi %mul3A_1453, %add3A_1466 : i32
        %add3A_1468 = arith.constant 896 : i32
        %add3A_1469 = arith.addi %mul3A_1453, %add3A_1468 : i32
        %add3A_1470 = arith.constant 1024 : i32
        %add3A_1471 = arith.addi %mul3A_1453, %add3A_1470 : i32
        %add3A_1472 = arith.constant 1152 : i32
        %add3A_1473 = arith.addi %mul3A_1453, %add3A_1472 : i32
        %add3A_1474 = arith.constant 1280 : i32
        %add3A_1475 = arith.addi %mul3A_1453, %add3A_1474 : i32
        %add3A_1476 = arith.constant 1408 : i32
        %add3A_1477 = arith.addi %mul3A_1453, %add3A_1476 : i32
        %add3A_1478 = arith.constant 1536 : i32
        %add3A_1479 = arith.addi %mul3A_1453, %add3A_1478 : i32
        %dma_start3A_1480 = arith.constant 0 : i32
        %dma_start3A_1481 = tpu.memref_slice %arg3[%dma_start3A_1480, %mul3A_1453] : memref<2x320000xi32, #tpu.memory_space<hbm>> -> memref<1x1664xi32, #tpu.memory_space<hbm>>
        %dma_start3A_1482 = tpu.memref_squeeze %dma_start3A_1481 : memref<1x1664xi32, #tpu.memory_space<hbm>> -> memref<1664xi32, #tpu.memory_space<hbm>>
        %dma_start3A_1483 = tpu.memref_slice %arg3[%dma_start3A_1480, %mul3A_1453] : memref<2x320000xi32, #tpu.memory_space<hbm>> -> memref<1x1664xi32, #tpu.memory_space<hbm>>
        %dma_start3A_1484 = tpu.memref_squeeze %dma_start3A_1483 : memref<1x1664xi32, #tpu.memory_space<hbm>> -> memref<1664xi32, #tpu.memory_space<hbm>>
        tpu.enqueue_dma source(%dma_start3A_1484 : memref<1664xi32, #tpu.memory_space<hbm>>) target(%arg5 : memref<1664xi32, #tpu.memory_space<vmem>>) target_semaphore(%arg16 : memref<!tpu.dma_semaphore, #tpu.memory_space<semaphore_mem>>)
        %dma_start3A_1485 = arith.constant 1 : i32
        %dma_start3A_1486 = arith.constant 0 : i32
        %dma_start3A_1487 = arith.constant 0 : i32
        %dma_start3A_1488 = tpu.memref_slice %arg7[%dma_start3A_1486, %dma_start3A_1487] : memref<13x128xi32, #tpu.memory_space<vmem>> -> memref<1x128xi32, #tpu.memory_space<vmem>>
        %dma_start3A_1489 = tpu.memref_squeeze %dma_start3A_1488 : memref<1x128xi32, #tpu.memory_space<vmem>> -> memref<128xi32, #tpu.memory_space<vmem>>
        %dma_start3A_1490 = tpu.memref_slice %arg3[%dma_start3A_1485, %add3A_1455] : memref<2x320000xi32, #tpu.memory_space<hbm>> -> memref<1x128xi32, #tpu.memory_space<hbm>>
        %dma_start3A_1491 = tpu.memref_squeeze %dma_start3A_1490 : memref<1x128xi32, #tpu.memory_space<hbm>> -> memref<128xi32, #tpu.memory_space<hbm>>
        %dma_start3A_1492 = arith.constant 0 : i32
        %dma_start3A_1493 = tpu.memref_slice %arg7[%dma_start3A_1486, %dma_start3A_1492] : memref<13x128xi32, #tpu.memory_space<vmem>> -> memref<1x128xi32, #tpu.memory_space<vmem>>
        %dma_start3A_1494 = tpu.memref_squeeze %dma_start3A_1493 : memref<1x128xi32, #tpu.memory_space<vmem>> -> memref<128xi32, #tpu.memory_space<vmem>>
        %dma_start3A_1495 = tpu.memref_slice %arg3[%dma_start3A_1485, %add3A_1455] : memref<2x320000xi32, #tpu.memory_space<hbm>> -> memref<1x128xi32, #tpu.memory_space<hbm>>
        %dma_start3A_1496 = tpu.memref_squeeze %dma_start3A_1495 : memref<1x128xi32, #tpu.memory_space<hbm>> -> memref<128xi32, #tpu.memory_space<hbm>>
        tpu.enqueue_dma source(%dma_start3A_1496 : memref<128xi32, #tpu.memory_space<hbm>>) target(%dma_start3A_1494 : memref<128xi32, #tpu.memory_space<vmem>>) target_semaphore(%arg16 : memref<!tpu.dma_semaphore, #tpu.memory_space<semaphore_mem>>)
        %dma_start3A_1497 = arith.constant 1 : i32
        %dma_start3A_1498 = arith.constant 1 : i32
        %dma_start3A_1499 = arith.constant 0 : i32
        %dma_start3A_1500 = tpu.memref_slice %arg7[%dma_start3A_1498, %dma_start3A_1499] : memref<13x128xi32, #tpu.memory_space<vmem>> -> memref<1x128xi32, #tpu.memory_space<vmem>>
        %dma_start3A_1501 = tpu.memref_squeeze %dma_start3A_1500 : memref<1x128xi32, #tpu.memory_space<vmem>> -> memref<128xi32, #tpu.memory_space<vmem>>
        %dma_start3A_1502 = tpu.memref_slice %arg3[%dma_start3A_1497, %add3A_1457] : memref<2x320000xi32, #tpu.memory_space<hbm>> -> memref<1x128xi32, #tpu.memory_space<hbm>>
        %dma_start3A_1503 = tpu.memref_squeeze %dma_start3A_1502 : memref<1x128xi32, #tpu.memory_space<hbm>> -> memref<128xi32, #tpu.memory_space<hbm>>
        %dma_start3A_1504 = arith.constant 0 : i32
        %dma_start3A_1505 = tpu.memref_slice %arg7[%dma_start3A_1498, %dma_start3A_1504] : memref<13x128xi32, #tpu.memory_space<vmem>> -> memref<1x128xi32, #tpu.memory_space<vmem>>
        %dma_start3A_1506 = tpu.memref_squeeze %dma_start3A_1505 : memref<1x128xi32, #tpu.memory_space<vmem>> -> memref<128xi32, #tpu.memory_space<vmem>>
        %dma_start3A_1507 = tpu.memref_slice %arg3[%dma_start3A_1497, %add3A_1457] : memref<2x320000xi32, #tpu.memory_space<hbm>> -> memref<1x128xi32, #tpu.memory_space<hbm>>
        %dma_start3A_1508 = tpu.memref_squeeze %dma_start3A_1507 : memref<1x128xi32, #tpu.memory_space<hbm>> -> memref<128xi32, #tpu.memory_space<hbm>>
        tpu.enqueue_dma source(%dma_start3A_1508 : memref<128xi32, #tpu.memory_space<hbm>>) target(%dma_start3A_1506 : memref<128xi32, #tpu.memory_space<vmem>>) target_semaphore(%arg16 : memref<!tpu.dma_semaphore, #tpu.memory_space<semaphore_mem>>)
        %dma_start3A_1509 = arith.constant 1 : i32
        %dma_start3A_1510 = arith.constant 2 : i32
        %dma_start3A_1511 = arith.constant 0 : i32
        %dma_start3A_1512 = tpu.memref_slice %arg7[%dma_start3A_1510, %dma_start3A_1511] : memref<13x128xi32, #tpu.memory_space<vmem>> -> memref<1x128xi32, #tpu.memory_space<vmem>>
        %dma_start3A_1513 = tpu.memref_squeeze %dma_start3A_1512 : memref<1x128xi32, #tpu.memory_space<vmem>> -> memref<128xi32, #tpu.memory_space<vmem>>
        %dma_start3A_1514 = tpu.memref_slice %arg3[%dma_start3A_1509, %add3A_1459] : memref<2x320000xi32, #tpu.memory_space<hbm>> -> memref<1x128xi32, #tpu.memory_space<hbm>>
        %dma_start3A_1515 = tpu.memref_squeeze %dma_start3A_1514 : memref<1x128xi32, #tpu.memory_space<hbm>> -> memref<128xi32, #tpu.memory_space<hbm>>
        %dma_start3A_1516 = arith.constant 0 : i32
        %dma_start3A_1517 = tpu.memref_slice %arg7[%dma_start3A_1510, %dma_start3A_1516] : memref<13x128xi32, #tpu.memory_space<vmem>> -> memref<1x128xi32, #tpu.memory_space<vmem>>
        %dma_start3A_1518 = tpu.memref_squeeze %dma_start3A_1517 : memref<1x128xi32, #tpu.memory_space<vmem>> -> memref<128xi32, #tpu.memory_space<vmem>>
        %dma_start3A_1519 = tpu.memref_slice %arg3[%dma_start3A_1509, %add3A_1459] : memref<2x320000xi32, #tpu.memory_space<hbm>> -> memref<1x128xi32, #tpu.memory_space<hbm>>
        %dma_start3A_1520 = tpu.memref_squeeze %dma_start3A_1519 : memref<1x128xi32, #tpu.memory_space<hbm>> -> memref<128xi32, #tpu.memory_space<hbm>>
        tpu.enqueue_dma source(%dma_start3A_1520 : memref<128xi32, #tpu.memory_space<hbm>>) target(%dma_start3A_1518 : memref<128xi32, #tpu.memory_space<vmem>>) target_semaphore(%arg16 : memref<!tpu.dma_semaphore, #tpu.memory_space<semaphore_mem>>)
        %dma_start3A_1521 = arith.constant 1 : i32
        %dma_start3A_1522 = arith.constant 3 : i32
        %dma_start3A_1523 = arith.constant 0 : i32
        %dma_start3A_1524 = tpu.memref_slice %arg7[%dma_start3A_1522, %dma_start3A_1523] : memref<13x128xi32, #tpu.memory_space<vmem>> -> memref<1x128xi32, #tpu.memory_space<vmem>>
        %dma_start3A_1525 = tpu.memref_squeeze %dma_start3A_1524 : memref<1x128xi32, #tpu.memory_space<vmem>> -> memref<128xi32, #tpu.memory_space<vmem>>
        %dma_start3A_1526 = tpu.memref_slice %arg3[%dma_start3A_1521, %add3A_1461] : memref<2x320000xi32, #tpu.memory_space<hbm>> -> memref<1x128xi32, #tpu.memory_space<hbm>>
        %dma_start3A_1527 = tpu.memref_squeeze %dma_start3A_1526 : memref<1x128xi32, #tpu.memory_space<hbm>> -> memref<128xi32, #tpu.memory_space<hbm>>
        %dma_start3A_1528 = arith.constant 0 : i32
        %dma_start3A_1529 = tpu.memref_slice %arg7[%dma_start3A_1522, %dma_start3A_1528] : memref<13x128xi32, #tpu.memory_space<vmem>> -> memref<1x128xi32, #tpu.memory_space<vmem>>
        %dma_start3A_1530 = tpu.memref_squeeze %dma_start3A_1529 : memref<1x128xi32, #tpu.memory_space<vmem>> -> memref<128xi32, #tpu.memory_space<vmem>>
        %dma_start3A_1531 = tpu.memref_slice %arg3[%dma_start3A_1521, %add3A_1461] : memref<2x320000xi32, #tpu.memory_space<hbm>> -> memref<1x128xi32, #tpu.memory_space<hbm>>
        %dma_start3A_1532 = tpu.memref_squeeze %dma_start3A_1531 : memref<1x128xi32, #tpu.memory_space<hbm>> -> memref<128xi32, #tpu.memory_space<hbm>>
        tpu.enqueue_dma source(%dma_start3A_1532 : memref<128xi32, #tpu.memory_space<hbm>>) target(%dma_start3A_1530 : memref<128xi32, #tpu.memory_space<vmem>>) target_semaphore(%arg16 : memref<!tpu.dma_semaphore, #tpu.memory_space<semaphore_mem>>)
        %dma_start3A_1533 = arith.constant 1 : i32
        %dma_start3A_1534 = arith.constant 4 : i32
        %dma_start3A_1535 = arith.constant 0 : i32
        %dma_start3A_1536 = tpu.memref_slice %arg7[%dma_start3A_1534, %dma_start3A_1535] : memref<13x128xi32, #tpu.memory_space<vmem>> -> memref<1x128xi32, #tpu.memory_space<vmem>>
        %dma_start3A_1537 = tpu.memref_squeeze %dma_start3A_1536 : memref<1x128xi32, #tpu.memory_space<vmem>> -> memref<128xi32, #tpu.memory_space<vmem>>
        %dma_start3A_1538 = tpu.memref_slice %arg3[%dma_start3A_1533, %add3A_1463] : memref<2x320000xi32, #tpu.memory_space<hbm>> -> memref<1x128xi32, #tpu.memory_space<hbm>>
        %dma_start3A_1539 = tpu.memref_squeeze %dma_start3A_1538 : memref<1x128xi32, #tpu.memory_space<hbm>> -> memref<128xi32, #tpu.memory_space<hbm>>
        %dma_start3A_1540 = arith.constant 0 : i32
        %dma_start3A_1541 = tpu.memref_slice %arg7[%dma_start3A_1534, %dma_start3A_1540] : memref<13x128xi32, #tpu.memory_space<vmem>> -> memref<1x128xi32, #tpu.memory_space<vmem>>
        %dma_start3A_1542 = tpu.memref_squeeze %dma_start3A_1541 : memref<1x128xi32, #tpu.memory_space<vmem>> -> memref<128xi32, #tpu.memory_space<vmem>>
        %dma_start3A_1543 = tpu.memref_slice %arg3[%dma_start3A_1533, %add3A_1463] : memref<2x320000xi32, #tpu.memory_space<hbm>> -> memref<1x128xi32, #tpu.memory_space<hbm>>
        %dma_start3A_1544 = tpu.memref_squeeze %dma_start3A_1543 : memref<1x128xi32, #tpu.memory_space<hbm>> -> memref<128xi32, #tpu.memory_space<hbm>>
        tpu.enqueue_dma source(%dma_start3A_1544 : memref<128xi32, #tpu.memory_space<hbm>>) target(%dma_start3A_1542 : memref<128xi32, #tpu.memory_space<vmem>>) target_semaphore(%arg16 : memref<!tpu.dma_semaphore, #tpu.memory_space<semaphore_mem>>)
        %dma_start3A_1545 = arith.constant 1 : i32
        %dma_start3A_1546 = arith.constant 5 : i32
        %dma_start3A_1547 = arith.constant 0 : i32
        %dma_start3A_1548 = tpu.memref_slice %arg7[%dma_start3A_1546, %dma_start3A_1547] : memref<13x128xi32, #tpu.memory_space<vmem>> -> memref<1x128xi32, #tpu.memory_space<vmem>>
        %dma_start3A_1549 = tpu.memref_squeeze %dma_start3A_1548 : memref<1x128xi32, #tpu.memory_space<vmem>> -> memref<128xi32, #tpu.memory_space<vmem>>
        %dma_start3A_1550 = tpu.memref_slice %arg3[%dma_start3A_1545, %add3A_1465] : memref<2x320000xi32, #tpu.memory_space<hbm>> -> memref<1x128xi32, #tpu.memory_space<hbm>>
        %dma_start3A_1551 = tpu.memref_squeeze %dma_start3A_1550 : memref<1x128xi32, #tpu.memory_space<hbm>> -> memref<128xi32, #tpu.memory_space<hbm>>
        %dma_start3A_1552 = arith.constant 0 : i32
        %dma_start3A_1553 = tpu.memref_slice %arg7[%dma_start3A_1546, %dma_start3A_1552] : memref<13x128xi32, #tpu.memory_space<vmem>> -> memref<1x128xi32, #tpu.memory_space<vmem>>
        %dma_start3A_1554 = tpu.memref_squeeze %dma_start3A_1553 : memref<1x128xi32, #tpu.memory_space<vmem>> -> memref<128xi32, #tpu.memory_space<vmem>>
        %dma_start3A_1555 = tpu.memref_slice %arg3[%dma_start3A_1545, %add3A_1465] : memref<2x320000xi32, #tpu.memory_space<hbm>> -> memref<1x128xi32, #tpu.memory_space<hbm>>
        %dma_start3A_1556 = tpu.memref_squeeze %dma_start3A_1555 : memref<1x128xi32, #tpu.memory_space<hbm>> -> memref<128xi32, #tpu.memory_space<hbm>>
        tpu.enqueue_dma source(%dma_start3A_1556 : memref<128xi32, #tpu.memory_space<hbm>>) target(%dma_start3A_1554 : memref<128xi32, #tpu.memory_space<vmem>>) target_semaphore(%arg16 : memref<!tpu.dma_semaphore, #tpu.memory_space<semaphore_mem>>)
        %dma_start3A_1557 = arith.constant 1 : i32
        %dma_start3A_1558 = arith.constant 6 : i32
        %dma_start3A_1559 = arith.constant 0 : i32
        %dma_start3A_1560 = tpu.memref_slice %arg7[%dma_start3A_1558, %dma_start3A_1559] : memref<13x128xi32, #tpu.memory_space<vmem>> -> memref<1x128xi32, #tpu.memory_space<vmem>>
        %dma_start3A_1561 = tpu.memref_squeeze %dma_start3A_1560 : memref<1x128xi32, #tpu.memory_space<vmem>> -> memref<128xi32, #tpu.memory_space<vmem>>
        %dma_start3A_1562 = tpu.memref_slice %arg3[%dma_start3A_1557, %add3A_1467] : memref<2x320000xi32, #tpu.memory_space<hbm>> -> memref<1x128xi32, #tpu.memory_space<hbm>>
        %dma_start3A_1563 = tpu.memref_squeeze %dma_start3A_1562 : memref<1x128xi32, #tpu.memory_space<hbm>> -> memref<128xi32, #tpu.memory_space<hbm>>
        %dma_start3A_1564 = arith.constant 0 : i32
        %dma_start3A_1565 = tpu.memref_slice %arg7[%dma_start3A_1558, %dma_start3A_1564] : memref<13x128xi32, #tpu.memory_space<vmem>> -> memref<1x128xi32, #tpu.memory_space<vmem>>
        %dma_start3A_1566 = tpu.memref_squeeze %dma_start3A_1565 : memref<1x128xi32, #tpu.memory_space<vmem>> -> memref<128xi32, #tpu.memory_space<vmem>>
        %dma_start3A_1567 = tpu.memref_slice %arg3[%dma_start3A_1557, %add3A_1467] : memref<2x320000xi32, #tpu.memory_space<hbm>> -> memref<1x128xi32, #tpu.memory_space<hbm>>
        %dma_start3A_1568 = tpu.memref_squeeze %dma_start3A_1567 : memref<1x128xi32, #tpu.memory_space<hbm>> -> memref<128xi32, #tpu.memory_space<hbm>>
        tpu.enqueue_dma source(%dma_start3A_1568 : memref<128xi32, #tpu.memory_space<hbm>>) target(%dma_start3A_1566 : memref<128xi32, #tpu.memory_space<vmem>>) target_semaphore(%arg16 : memref<!tpu.dma_semaphore, #tpu.memory_space<semaphore_mem>>)
        %dma_start3A_1569 = arith.constant 1 : i32
        %dma_start3A_1570 = arith.constant 7 : i32
        %dma_start3A_1571 = arith.constant 0 : i32
        %dma_start3A_1572 = tpu.memref_slice %arg7[%dma_start3A_1570, %dma_start3A_1571] : memref<13x128xi32, #tpu.memory_space<vmem>> -> memref<1x128xi32, #tpu.memory_space<vmem>>
        %dma_start3A_1573 = tpu.memref_squeeze %dma_start3A_1572 : memref<1x128xi32, #tpu.memory_space<vmem>> -> memref<128xi32, #tpu.memory_space<vmem>>
        %dma_start3A_1574 = tpu.memref_slice %arg3[%dma_start3A_1569, %add3A_1469] : memref<2x320000xi32, #tpu.memory_space<hbm>> -> memref<1x128xi32, #tpu.memory_space<hbm>>
        %dma_start3A_1575 = tpu.memref_squeeze %dma_start3A_1574 : memref<1x128xi32, #tpu.memory_space<hbm>> -> memref<128xi32, #tpu.memory_space<hbm>>
        %dma_start3A_1576 = arith.constant 0 : i32
        %dma_start3A_1577 = tpu.memref_slice %arg7[%dma_start3A_1570, %dma_start3A_1576] : memref<13x128xi32, #tpu.memory_space<vmem>> -> memref<1x128xi32, #tpu.memory_space<vmem>>
        %dma_start3A_1578 = tpu.memref_squeeze %dma_start3A_1577 : memref<1x128xi32, #tpu.memory_space<vmem>> -> memref<128xi32, #tpu.memory_space<vmem>>
        %dma_start3A_1579 = tpu.memref_slice %arg3[%dma_start3A_1569, %add3A_1469] : memref<2x320000xi32, #tpu.memory_space<hbm>> -> memref<1x128xi32, #tpu.memory_space<hbm>>
        %dma_start3A_1580 = tpu.memref_squeeze %dma_start3A_1579 : memref<1x128xi32, #tpu.memory_space<hbm>> -> memref<128xi32, #tpu.memory_space<hbm>>
        tpu.enqueue_dma source(%dma_start3A_1580 : memref<128xi32, #tpu.memory_space<hbm>>) target(%dma_start3A_1578 : memref<128xi32, #tpu.memory_space<vmem>>) target_semaphore(%arg16 : memref<!tpu.dma_semaphore, #tpu.memory_space<semaphore_mem>>)
        %dma_start3A_1581 = arith.constant 1 : i32
        %dma_start3A_1582 = arith.constant 8 : i32
        %dma_start3A_1583 = arith.constant 0 : i32
        %dma_start3A_1584 = tpu.memref_slice %arg7[%dma_start3A_1582, %dma_start3A_1583] : memref<13x128xi32, #tpu.memory_space<vmem>> -> memref<1x128xi32, #tpu.memory_space<vmem>>
        %dma_start3A_1585 = tpu.memref_squeeze %dma_start3A_1584 : memref<1x128xi32, #tpu.memory_space<vmem>> -> memref<128xi32, #tpu.memory_space<vmem>>
        %dma_start3A_1586 = tpu.memref_slice %arg3[%dma_start3A_1581, %add3A_1471] : memref<2x320000xi32, #tpu.memory_space<hbm>> -> memref<1x128xi32, #tpu.memory_space<hbm>>
        %dma_start3A_1587 = tpu.memref_squeeze %dma_start3A_1586 : memref<1x128xi32, #tpu.memory_space<hbm>> -> memref<128xi32, #tpu.memory_space<hbm>>
        %dma_start3A_1588 = arith.constant 0 : i32
        %dma_start3A_1589 = tpu.memref_slice %arg7[%dma_start3A_1582, %dma_start3A_1588] : memref<13x128xi32, #tpu.memory_space<vmem>> -> memref<1x128xi32, #tpu.memory_space<vmem>>
        %dma_start3A_1590 = tpu.memref_squeeze %dma_start3A_1589 : memref<1x128xi32, #tpu.memory_space<vmem>> -> memref<128xi32, #tpu.memory_space<vmem>>
        %dma_start3A_1591 = tpu.memref_slice %arg3[%dma_start3A_1581, %add3A_1471] : memref<2x320000xi32, #tpu.memory_space<hbm>> -> memref<1x128xi32, #tpu.memory_space<hbm>>
        %dma_start3A_1592 = tpu.memref_squeeze %dma_start3A_1591 : memref<1x128xi32, #tpu.memory_space<hbm>> -> memref<128xi32, #tpu.memory_space<hbm>>
        tpu.enqueue_dma source(%dma_start3A_1592 : memref<128xi32, #tpu.memory_space<hbm>>) target(%dma_start3A_1590 : memref<128xi32, #tpu.memory_space<vmem>>) target_semaphore(%arg16 : memref<!tpu.dma_semaphore, #tpu.memory_space<semaphore_mem>>)
        %dma_start3A_1593 = arith.constant 1 : i32
        %dma_start3A_1594 = arith.constant 9 : i32
        %dma_start3A_1595 = arith.constant 0 : i32
        %dma_start3A_1596 = tpu.memref_slice %arg7[%dma_start3A_1594, %dma_start3A_1595] : memref<13x128xi32, #tpu.memory_space<vmem>> -> memref<1x128xi32, #tpu.memory_space<vmem>>
        %dma_start3A_1597 = tpu.memref_squeeze %dma_start3A_1596 : memref<1x128xi32, #tpu.memory_space<vmem>> -> memref<128xi32, #tpu.memory_space<vmem>>
        %dma_start3A_1598 = tpu.memref_slice %arg3[%dma_start3A_1593, %add3A_1473] : memref<2x320000xi32, #tpu.memory_space<hbm>> -> memref<1x128xi32, #tpu.memory_space<hbm>>
        %dma_start3A_1599 = tpu.memref_squeeze %dma_start3A_1598 : memref<1x128xi32, #tpu.memory_space<hbm>> -> memref<128xi32, #tpu.memory_space<hbm>>
        %dma_start3A_1600 = arith.constant 0 : i32
        %dma_start3A_1601 = tpu.memref_slice %arg7[%dma_start3A_1594, %dma_start3A_1600] : memref<13x128xi32, #tpu.memory_space<vmem>> -> memref<1x128xi32, #tpu.memory_space<vmem>>
        %dma_start3A_1602 = tpu.memref_squeeze %dma_start3A_1601 : memref<1x128xi32, #tpu.memory_space<vmem>> -> memref<128xi32, #tpu.memory_space<vmem>>
        %dma_start3A_1603 = tpu.memref_slice %arg3[%dma_start3A_1593, %add3A_1473] : memref<2x320000xi32, #tpu.memory_space<hbm>> -> memref<1x128xi32, #tpu.memory_space<hbm>>
        %dma_start3A_1604 = tpu.memref_squeeze %dma_start3A_1603 : memref<1x128xi32, #tpu.memory_space<hbm>> -> memref<128xi32, #tpu.memory_space<hbm>>
        tpu.enqueue_dma source(%dma_start3A_1604 : memref<128xi32, #tpu.memory_space<hbm>>) target(%dma_start3A_1602 : memref<128xi32, #tpu.memory_space<vmem>>) target_semaphore(%arg16 : memref<!tpu.dma_semaphore, #tpu.memory_space<semaphore_mem>>)
        %dma_start3A_1605 = arith.constant 1 : i32
        %dma_start3A_1606 = arith.constant 10 : i32
        %dma_start3A_1607 = arith.constant 0 : i32
        %dma_start3A_1608 = tpu.memref_slice %arg7[%dma_start3A_1606, %dma_start3A_1607] : memref<13x128xi32, #tpu.memory_space<vmem>> -> memref<1x128xi32, #tpu.memory_space<vmem>>
        %dma_start3A_1609 = tpu.memref_squeeze %dma_start3A_1608 : memref<1x128xi32, #tpu.memory_space<vmem>> -> memref<128xi32, #tpu.memory_space<vmem>>
        %dma_start3A_1610 = tpu.memref_slice %arg3[%dma_start3A_1605, %add3A_1475] : memref<2x320000xi32, #tpu.memory_space<hbm>> -> memref<1x128xi32, #tpu.memory_space<hbm>>
        %dma_start3A_1611 = tpu.memref_squeeze %dma_start3A_1610 : memref<1x128xi32, #tpu.memory_space<hbm>> -> memref<128xi32, #tpu.memory_space<hbm>>
        %dma_start3A_1612 = arith.constant 0 : i32
        %dma_start3A_1613 = tpu.memref_slice %arg7[%dma_start3A_1606, %dma_start3A_1612] : memref<13x128xi32, #tpu.memory_space<vmem>> -> memref<1x128xi32, #tpu.memory_space<vmem>>
        %dma_start3A_1614 = tpu.memref_squeeze %dma_start3A_1613 : memref<1x128xi32, #tpu.memory_space<vmem>> -> memref<128xi32, #tpu.memory_space<vmem>>
        %dma_start3A_1615 = tpu.memref_slice %arg3[%dma_start3A_1605, %add3A_1475] : memref<2x320000xi32, #tpu.memory_space<hbm>> -> memref<1x128xi32, #tpu.memory_space<hbm>>
        %dma_start3A_1616 = tpu.memref_squeeze %dma_start3A_1615 : memref<1x128xi32, #tpu.memory_space<hbm>> -> memref<128xi32, #tpu.memory_space<hbm>>
        tpu.enqueue_dma source(%dma_start3A_1616 : memref<128xi32, #tpu.memory_space<hbm>>) target(%dma_start3A_1614 : memref<128xi32, #tpu.memory_space<vmem>>) target_semaphore(%arg16 : memref<!tpu.dma_semaphore, #tpu.memory_space<semaphore_mem>>)
        %dma_start3A_1617 = arith.constant 1 : i32
        %dma_start3A_1618 = arith.constant 11 : i32
        %dma_start3A_1619 = arith.constant 0 : i32
        %dma_start3A_1620 = tpu.memref_slice %arg7[%dma_start3A_1618, %dma_start3A_1619] : memref<13x128xi32, #tpu.memory_space<vmem>> -> memref<1x128xi32, #tpu.memory_space<vmem>>
        %dma_start3A_1621 = tpu.memref_squeeze %dma_start3A_1620 : memref<1x128xi32, #tpu.memory_space<vmem>> -> memref<128xi32, #tpu.memory_space<vmem>>
        %dma_start3A_1622 = tpu.memref_slice %arg3[%dma_start3A_1617, %add3A_1477] : memref<2x320000xi32, #tpu.memory_space<hbm>> -> memref<1x128xi32, #tpu.memory_space<hbm>>
        %dma_start3A_1623 = tpu.memref_squeeze %dma_start3A_1622 : memref<1x128xi32, #tpu.memory_space<hbm>> -> memref<128xi32, #tpu.memory_space<hbm>>
        %dma_start3A_1624 = arith.constant 0 : i32
        %dma_start3A_1625 = tpu.memref_slice %arg7[%dma_start3A_1618, %dma_start3A_1624] : memref<13x128xi32, #tpu.memory_space<vmem>> -> memref<1x128xi32, #tpu.memory_space<vmem>>
        %dma_start3A_1626 = tpu.memref_squeeze %dma_start3A_1625 : memref<1x128xi32, #tpu.memory_space<vmem>> -> memref<128xi32, #tpu.memory_space<vmem>>
        %dma_start3A_1627 = tpu.memref_slice %arg3[%dma_start3A_1617, %add3A_1477] : memref<2x320000xi32, #tpu.memory_space<hbm>> -> memref<1x128xi32, #tpu.memory_space<hbm>>
        %dma_start3A_1628 = tpu.memref_squeeze %dma_start3A_1627 : memref<1x128xi32, #tpu.memory_space<hbm>> -> memref<128xi32, #tpu.memory_space<hbm>>
        tpu.enqueue_dma source(%dma_start3A_1628 : memref<128xi32, #tpu.memory_space<hbm>>) target(%dma_start3A_1626 : memref<128xi32, #tpu.memory_space<vmem>>) target_semaphore(%arg16 : memref<!tpu.dma_semaphore, #tpu.memory_space<semaphore_mem>>)
        %dma_start3A_1629 = arith.constant 1 : i32
        %dma_start3A_1630 = arith.constant 12 : i32
        %dma_start3A_1631 = arith.constant 0 : i32
        %dma_start3A_1632 = tpu.memref_slice %arg7[%dma_start3A_1630, %dma_start3A_1631] : memref<13x128xi32, #tpu.memory_space<vmem>> -> memref<1x128xi32, #tpu.memory_space<vmem>>
        %dma_start3A_1633 = tpu.memref_squeeze %dma_start3A_1632 : memref<1x128xi32, #tpu.memory_space<vmem>> -> memref<128xi32, #tpu.memory_space<vmem>>
        %dma_start3A_1634 = tpu.memref_slice %arg3[%dma_start3A_1629, %add3A_1479] : memref<2x320000xi32, #tpu.memory_space<hbm>> -> memref<1x128xi32, #tpu.memory_space<hbm>>
        %dma_start3A_1635 = tpu.memref_squeeze %dma_start3A_1634 : memref<1x128xi32, #tpu.memory_space<hbm>> -> memref<128xi32, #tpu.memory_space<hbm>>
        %dma_start3A_1636 = arith.constant 0 : i32
        %dma_start3A_1637 = tpu.memref_slice %arg7[%dma_start3A_1630, %dma_start3A_1636] : memref<13x128xi32, #tpu.memory_space<vmem>> -> memref<1x128xi32, #tpu.memory_space<vmem>>
        %dma_start3A_1638 = tpu.memref_squeeze %dma_start3A_1637 : memref<1x128xi32, #tpu.memory_space<vmem>> -> memref<128xi32, #tpu.memory_space<vmem>>
        %dma_start3A_1639 = tpu.memref_slice %arg3[%dma_start3A_1629, %add3A_1479] : memref<2x320000xi32, #tpu.memory_space<hbm>> -> memref<1x128xi32, #tpu.memory_space<hbm>>
        %dma_start3A_1640 = tpu.memref_squeeze %dma_start3A_1639 : memref<1x128xi32, #tpu.memory_space<hbm>> -> memref<128xi32, #tpu.memory_space<hbm>>
        tpu.enqueue_dma source(%dma_start3A_1640 : memref<128xi32, #tpu.memory_space<hbm>>) target(%dma_start3A_1638 : memref<128xi32, #tpu.memory_space<vmem>>) target_semaphore(%arg16 : memref<!tpu.dma_semaphore, #tpu.memory_space<semaphore_mem>>)
      } else {
      }
      %mul3A_1133 = arith.constant 2 : i32
      %mul3A_1134 = arith.muli %mul3A_1133, %add3A_620 : i32
      %add3A_1135 = arith.constant 1 : i32
      %add3A_1136 = arith.addi %mul3A_1134, %add3A_1135 : i32
      %dma_wait3A_1137 = arith.constant 0 : i32
      %dma_wait3A_1138 = arith.constant 0 : i32
      %dma_wait3A_1139 = tpu.memref_slice %arg8[%dma_wait3A_1137, %dma_wait3A_1138] : memref<13x128xi32, #tpu.memory_space<vmem>> -> memref<1x128xi32, #tpu.memory_space<vmem>>
      %dma_wait3A_1140 = tpu.memref_squeeze %dma_wait3A_1139 : memref<1x128xi32, #tpu.memory_space<vmem>> -> memref<128xi32, #tpu.memory_space<vmem>>
      %dma_wait3A_1141 = arith.constant 0 : i32
      %dma_wait3A_1142 = arith.constant 0 : i32
      %dma_wait3A_1143 = tpu.memref_slice %arg11[%dma_wait3A_1141, %dma_wait3A_1142] : memref<10240x128xf32, #tpu.memory_space<vmem_shared>> -> memref<10240x128xf32, #tpu.memory_space<vmem_shared>>
      tpu.wait_indirect_dma semaphore(%arg14 : memref<!tpu.dma_semaphore, #tpu.memory_space<semaphore_mem>>) src(%arg9 : memref<128x128xf32, #tpu.memory_space<vmem>>) dst(%dma_wait3A_1143 : memref<10240x128xf32, #tpu.memory_space<vmem_shared>>)
      %dma_start3A_1144 = arith.constant 128 : i32
      %dma_start3A_1145 = tpu.memref_slice %arg6[%dma_start3A_1144] : memref<1664xi32, #tpu.memory_space<vmem>> -> memref<128xi32, #tpu.memory_space<vmem>>
      %dma_start3A_1146 = arith.constant 0 : i32
      %dma_start3A_1147 = arith.constant 0 : i32
      %dma_start3A_1148 = tpu.memref_slice %arg2[%dma_start3A_1146, %dma_start3A_1147] : memref<10000x128xf32, #tpu.memory_space<hbm>> -> memref<10000x128xf32, #tpu.memory_space<hbm>>
      tpu.enqueue_indirect_dma source(%dma_start3A_1148 : memref<10000x128xf32, #tpu.memory_space<hbm>>) target(%arg9 : memref<128x128xf32, #tpu.memory_space<vmem>>) offsets(%dma_start3A_1145 : memref<128xi32, #tpu.memory_space<vmem>>) semaphore(%arg12 : memref<!tpu.dma_semaphore, #tpu.memory_space<semaphore_mem>>)
      %dma_wait3A_1149 = arith.constant 0 : i32
      %dma_wait3A_1150 = tpu.memref_slice %arg6[%dma_wait3A_1149] : memref<1664xi32, #tpu.memory_space<vmem>> -> memref<128xi32, #tpu.memory_space<vmem>>
      %dma_wait3A_1151 = arith.constant 0 : i32
      %dma_wait3A_1152 = arith.constant 0 : i32
      %dma_wait3A_1153 = tpu.memref_slice %arg2[%dma_wait3A_1151, %dma_wait3A_1152] : memref<10000x128xf32, #tpu.memory_space<hbm>> -> memref<10000x128xf32, #tpu.memory_space<hbm>>
      tpu.wait_indirect_dma semaphore(%arg13 : memref<!tpu.dma_semaphore, #tpu.memory_space<semaphore_mem>>) src(%dma_wait3A_1153 : memref<10000x128xf32, #tpu.memory_space<hbm>>) dst(%arg10 : memref<128x128xf32, #tpu.memory_space<vmem>>)
      %dma_start3A_1154 = arith.constant 0 : i32
      %dma_start3A_1155 = arith.constant 0 : i32
      %dma_start3A_1156 = tpu.memref_slice %arg8[%dma_start3A_1154, %dma_start3A_1155] : memref<13x128xi32, #tpu.memory_space<vmem>> -> memref<1x128xi32, #tpu.memory_space<vmem>>
      %dma_start3A_1157 = tpu.memref_squeeze %dma_start3A_1156 : memref<1x128xi32, #tpu.memory_space<vmem>> -> memref<128xi32, #tpu.memory_space<vmem>>
      %dma_start3A_1158 = arith.constant 0 : i32
      %dma_start3A_1159 = arith.constant 0 : i32
      %dma_start3A_1160 = tpu.memref_slice %arg11[%dma_start3A_1158, %dma_start3A_1159] : memref<10240x128xf32, #tpu.memory_space<vmem_shared>> -> memref<10240x128xf32, #tpu.memory_space<vmem_shared>>
      tpu.enqueue_indirect_dma source(%arg10 : memref<128x128xf32, #tpu.memory_space<vmem>>) target(%dma_start3A_1160 : memref<10240x128xf32, #tpu.memory_space<vmem_shared>>) offsets(%dma_start3A_1157 : memref<128xi32, #tpu.memory_space<vmem>>) semaphore(%arg15 : memref<!tpu.dma_semaphore, #tpu.memory_space<semaphore_mem>>) {add = true}
      %dma_wait3A_1161 = arith.constant 1 : i32
      %dma_wait3A_1162 = arith.constant 0 : i32
      %dma_wait3A_1163 = tpu.memref_slice %arg8[%dma_wait3A_1161, %dma_wait3A_1162] : memref<13x128xi32, #tpu.memory_space<vmem>> -> memref<1x128xi32, #tpu.memory_space<vmem>>
      %dma_wait3A_1164 = tpu.memref_squeeze %dma_wait3A_1163 : memref<1x128xi32, #tpu.memory_space<vmem>> -> memref<128xi32, #tpu.memory_space<vmem>>
      %dma_wait3A_1165 = arith.constant 0 : i32
      %dma_wait3A_1166 = arith.constant 0 : i32
      %dma_wait3A_1167 = tpu.memref_slice %arg11[%dma_wait3A_1165, %dma_wait3A_1166] : memref<10240x128xf32, #tpu.memory_space<vmem_shared>> -> memref<10240x128xf32, #tpu.memory_space<vmem_shared>>
      tpu.wait_indirect_dma semaphore(%arg15 : memref<!tpu.dma_semaphore, #tpu.memory_space<semaphore_mem>>) src(%arg10 : memref<128x128xf32, #tpu.memory_space<vmem>>) dst(%dma_wait3A_1167 : memref<10240x128xf32, #tpu.memory_space<vmem_shared>>)
      %dma_start3A_1168 = arith.constant 256 : i32
      %dma_start3A_1169 = tpu.memref_slice %arg6[%dma_start3A_1168] : memref<1664xi32, #tpu.memory_space<vmem>> -> memref<128xi32, #tpu.memory_space<vmem>>
      %dma_start3A_1170 = arith.constant 0 : i32
      %dma_start3A_1171 = arith.constant 0 : i32
      %dma_start3A_1172 = tpu.memref_slice %arg2[%dma_start3A_1170, %dma_start3A_1171] : memref<10000x128xf32, #tpu.memory_space<hbm>> -> memref<10000x128xf32, #tpu.memory_space<hbm>>
      tpu.enqueue_indirect_dma source(%dma_start3A_1172 : memref<10000x128xf32, #tpu.memory_space<hbm>>) target(%arg10 : memref<128x128xf32, #tpu.memory_space<vmem>>) offsets(%dma_start3A_1169 : memref<128xi32, #tpu.memory_space<vmem>>) semaphore(%arg13 : memref<!tpu.dma_semaphore, #tpu.memory_space<semaphore_mem>>)
      %dma_wait3A_1173 = arith.constant 128 : i32
      %dma_wait3A_1174 = tpu.memref_slice %arg6[%dma_wait3A_1173] : memref<1664xi32, #tpu.memory_space<vmem>> -> memref<128xi32, #tpu.memory_space<vmem>>
      %dma_wait3A_1175 = arith.constant 0 : i32
      %dma_wait3A_1176 = arith.constant 0 : i32
      %dma_wait3A_1177 = tpu.memref_slice %arg2[%dma_wait3A_1175, %dma_wait3A_1176] : memref<10000x128xf32, #tpu.memory_space<hbm>> -> memref<10000x128xf32, #tpu.memory_space<hbm>>
      tpu.wait_indirect_dma semaphore(%arg12 : memref<!tpu.dma_semaphore, #tpu.memory_space<semaphore_mem>>) src(%dma_wait3A_1177 : memref<10000x128xf32, #tpu.memory_space<hbm>>) dst(%arg9 : memref<128x128xf32, #tpu.memory_space<vmem>>)
      %dma_start3A_1178 = arith.constant 1 : i32
      %dma_start3A_1179 = arith.constant 0 : i32
      %dma_start3A_1180 = tpu.memref_slice %arg8[%dma_start3A_1178, %dma_start3A_1179] : memref<13x128xi32, #tpu.memory_space<vmem>> -> memref<1x128xi32, #tpu.memory_space<vmem>>
      %dma_start3A_1181 = tpu.memref_squeeze %dma_start3A_1180 : memref<1x128xi32, #tpu.memory_space<vmem>> -> memref<128xi32, #tpu.memory_space<vmem>>
      %dma_start3A_1182 = arith.constant 0 : i32
      %dma_start3A_1183 = arith.constant 0 : i32
      %dma_start3A_1184 = tpu.memref_slice %arg11[%dma_start3A_1182, %dma_start3A_1183] : memref<10240x128xf32, #tpu.memory_space<vmem_shared>> -> memref<10240x128xf32, #tpu.memory_space<vmem_shared>>
      tpu.enqueue_indirect_dma source(%arg9 : memref<128x128xf32, #tpu.memory_space<vmem>>) target(%dma_start3A_1184 : memref<10240x128xf32, #tpu.memory_space<vmem_shared>>) offsets(%dma_start3A_1181 : memref<128xi32, #tpu.memory_space<vmem>>) semaphore(%arg14 : memref<!tpu.dma_semaphore, #tpu.memory_space<semaphore_mem>>) {add = true}
      %dma_wait3A_1185 = arith.constant 2 : i32
      %dma_wait3A_1186 = arith.constant 0 : i32
      %dma_wait3A_1187 = tpu.memref_slice %arg8[%dma_wait3A_1185, %dma_wait3A_1186] : memref<13x128xi32, #tpu.memory_space<vmem>> -> memref<1x128xi32, #tpu.memory_space<vmem>>
      %dma_wait3A_1188 = tpu.memref_squeeze %dma_wait3A_1187 : memref<1x128xi32, #tpu.memory_space<vmem>> -> memref<128xi32, #tpu.memory_space<vmem>>
      %dma_wait3A_1189 = arith.constant 0 : i32
      %dma_wait3A_1190 = arith.constant 0 : i32
      %dma_wait3A_1191 = tpu.memref_slice %arg11[%dma_wait3A_1189, %dma_wait3A_1190] : memref<10240x128xf32, #tpu.memory_space<vmem_shared>> -> memref<10240x128xf32, #tpu.memory_space<vmem_shared>>
      tpu.wait_indirect_dma semaphore(%arg14 : memref<!tpu.dma_semaphore, #tpu.memory_space<semaphore_mem>>) src(%arg9 : memref<128x128xf32, #tpu.memory_space<vmem>>) dst(%dma_wait3A_1191 : memref<10240x128xf32, #tpu.memory_space<vmem_shared>>)
      %dma_start3A_1192 = arith.constant 384 : i32
      %dma_start3A_1193 = tpu.memref_slice %arg6[%dma_start3A_1192] : memref<1664xi32, #tpu.memory_space<vmem>> -> memref<128xi32, #tpu.memory_space<vmem>>
      %dma_start3A_1194 = arith.constant 0 : i32
      %dma_start3A_1195 = arith.constant 0 : i32
      %dma_start3A_1196 = tpu.memref_slice %arg2[%dma_start3A_1194, %dma_start3A_1195] : memref<10000x128xf32, #tpu.memory_space<hbm>> -> memref<10000x128xf32, #tpu.memory_space<hbm>>
      tpu.enqueue_indirect_dma source(%dma_start3A_1196 : memref<10000x128xf32, #tpu.memory_space<hbm>>) target(%arg9 : memref<128x128xf32, #tpu.memory_space<vmem>>) offsets(%dma_start3A_1193 : memref<128xi32, #tpu.memory_space<vmem>>) semaphore(%arg12 : memref<!tpu.dma_semaphore, #tpu.memory_space<semaphore_mem>>)
      %dma_wait3A_1197 = arith.constant 256 : i32
      %dma_wait3A_1198 = tpu.memref_slice %arg6[%dma_wait3A_1197] : memref<1664xi32, #tpu.memory_space<vmem>> -> memref<128xi32, #tpu.memory_space<vmem>>
      %dma_wait3A_1199 = arith.constant 0 : i32
      %dma_wait3A_1200 = arith.constant 0 : i32
      %dma_wait3A_1201 = tpu.memref_slice %arg2[%dma_wait3A_1199, %dma_wait3A_1200] : memref<10000x128xf32, #tpu.memory_space<hbm>> -> memref<10000x128xf32, #tpu.memory_space<hbm>>
      tpu.wait_indirect_dma semaphore(%arg13 : memref<!tpu.dma_semaphore, #tpu.memory_space<semaphore_mem>>) src(%dma_wait3A_1201 : memref<10000x128xf32, #tpu.memory_space<hbm>>) dst(%arg10 : memref<128x128xf32, #tpu.memory_space<vmem>>)
      %dma_start3A_1202 = arith.constant 2 : i32
      %dma_start3A_1203 = arith.constant 0 : i32
      %dma_start3A_1204 = tpu.memref_slice %arg8[%dma_start3A_1202, %dma_start3A_1203] : memref<13x128xi32, #tpu.memory_space<vmem>> -> memref<1x128xi32, #tpu.memory_space<vmem>>
      %dma_start3A_1205 = tpu.memref_squeeze %dma_start3A_1204 : memref<1x128xi32, #tpu.memory_space<vmem>> -> memref<128xi32, #tpu.memory_space<vmem>>
      %dma_start3A_1206 = arith.constant 0 : i32
      %dma_start3A_1207 = arith.constant 0 : i32
      %dma_start3A_1208 = tpu.memref_slice %arg11[%dma_start3A_1206, %dma_start3A_1207] : memref<10240x128xf32, #tpu.memory_space<vmem_shared>> -> memref<10240x128xf32, #tpu.memory_space<vmem_shared>>
      tpu.enqueue_indirect_dma source(%arg10 : memref<128x128xf32, #tpu.memory_space<vmem>>) target(%dma_start3A_1208 : memref<10240x128xf32, #tpu.memory_space<vmem_shared>>) offsets(%dma_start3A_1205 : memref<128xi32, #tpu.memory_space<vmem>>) semaphore(%arg15 : memref<!tpu.dma_semaphore, #tpu.memory_space<semaphore_mem>>) {add = true}
      %dma_wait3A_1209 = arith.constant 3 : i32
      %dma_wait3A_1210 = arith.constant 0 : i32
      %dma_wait3A_1211 = tpu.memref_slice %arg8[%dma_wait3A_1209, %dma_wait3A_1210] : memref<13x128xi32, #tpu.memory_space<vmem>> -> memref<1x128xi32, #tpu.memory_space<vmem>>
      %dma_wait3A_1212 = tpu.memref_squeeze %dma_wait3A_1211 : memref<1x128xi32, #tpu.memory_space<vmem>> -> memref<128xi32, #tpu.memory_space<vmem>>
      %dma_wait3A_1213 = arith.constant 0 : i32
      %dma_wait3A_1214 = arith.constant 0 : i32
      %dma_wait3A_1215 = tpu.memref_slice %arg11[%dma_wait3A_1213, %dma_wait3A_1214] : memref<10240x128xf32, #tpu.memory_space<vmem_shared>> -> memref<10240x128xf32, #tpu.memory_space<vmem_shared>>
      tpu.wait_indirect_dma semaphore(%arg15 : memref<!tpu.dma_semaphore, #tpu.memory_space<semaphore_mem>>) src(%arg10 : memref<128x128xf32, #tpu.memory_space<vmem>>) dst(%dma_wait3A_1215 : memref<10240x128xf32, #tpu.memory_space<vmem_shared>>)
      %dma_start3A_1216 = arith.constant 512 : i32
      %dma_start3A_1217 = tpu.memref_slice %arg6[%dma_start3A_1216] : memref<1664xi32, #tpu.memory_space<vmem>> -> memref<128xi32, #tpu.memory_space<vmem>>
      %dma_start3A_1218 = arith.constant 0 : i32
      %dma_start3A_1219 = arith.constant 0 : i32
      %dma_start3A_1220 = tpu.memref_slice %arg2[%dma_start3A_1218, %dma_start3A_1219] : memref<10000x128xf32, #tpu.memory_space<hbm>> -> memref<10000x128xf32, #tpu.memory_space<hbm>>
      tpu.enqueue_indirect_dma source(%dma_start3A_1220 : memref<10000x128xf32, #tpu.memory_space<hbm>>) target(%arg10 : memref<128x128xf32, #tpu.memory_space<vmem>>) offsets(%dma_start3A_1217 : memref<128xi32, #tpu.memory_space<vmem>>) semaphore(%arg13 : memref<!tpu.dma_semaphore, #tpu.memory_space<semaphore_mem>>)
      %dma_wait3A_1221 = arith.constant 384 : i32
      %dma_wait3A_1222 = tpu.memref_slice %arg6[%dma_wait3A_1221] : memref<1664xi32, #tpu.memory_space<vmem>> -> memref<128xi32, #tpu.memory_space<vmem>>
      %dma_wait3A_1223 = arith.constant 0 : i32
      %dma_wait3A_1224 = arith.constant 0 : i32
      %dma_wait3A_1225 = tpu.memref_slice %arg2[%dma_wait3A_1223, %dma_wait3A_1224] : memref<10000x128xf32, #tpu.memory_space<hbm>> -> memref<10000x128xf32, #tpu.memory_space<hbm>>
      tpu.wait_indirect_dma semaphore(%arg12 : memref<!tpu.dma_semaphore, #tpu.memory_space<semaphore_mem>>) src(%dma_wait3A_1225 : memref<10000x128xf32, #tpu.memory_space<hbm>>) dst(%arg9 : memref<128x128xf32, #tpu.memory_space<vmem>>)
      %dma_start3A_1226 = arith.constant 3 : i32
      %dma_start3A_1227 = arith.constant 0 : i32
      %dma_start3A_1228 = tpu.memref_slice %arg8[%dma_start3A_1226, %dma_start3A_1227] : memref<13x128xi32, #tpu.memory_space<vmem>> -> memref<1x128xi32, #tpu.memory_space<vmem>>
      %dma_start3A_1229 = tpu.memref_squeeze %dma_start3A_1228 : memref<1x128xi32, #tpu.memory_space<vmem>> -> memref<128xi32, #tpu.memory_space<vmem>>
      %dma_start3A_1230 = arith.constant 0 : i32
      %dma_start3A_1231 = arith.constant 0 : i32
      %dma_start3A_1232 = tpu.memref_slice %arg11[%dma_start3A_1230, %dma_start3A_1231] : memref<10240x128xf32, #tpu.memory_space<vmem_shared>> -> memref<10240x128xf32, #tpu.memory_space<vmem_shared>>
      tpu.enqueue_indirect_dma source(%arg9 : memref<128x128xf32, #tpu.memory_space<vmem>>) target(%dma_start3A_1232 : memref<10240x128xf32, #tpu.memory_space<vmem_shared>>) offsets(%dma_start3A_1229 : memref<128xi32, #tpu.memory_space<vmem>>) semaphore(%arg14 : memref<!tpu.dma_semaphore, #tpu.memory_space<semaphore_mem>>) {add = true}
      %dma_wait3A_1233 = arith.constant 4 : i32
      %dma_wait3A_1234 = arith.constant 0 : i32
      %dma_wait3A_1235 = tpu.memref_slice %arg8[%dma_wait3A_1233, %dma_wait3A_1234] : memref<13x128xi32, #tpu.memory_space<vmem>> -> memref<1x128xi32, #tpu.memory_space<vmem>>
      %dma_wait3A_1236 = tpu.memref_squeeze %dma_wait3A_1235 : memref<1x128xi32, #tpu.memory_space<vmem>> -> memref<128xi32, #tpu.memory_space<vmem>>
      %dma_wait3A_1237 = arith.constant 0 : i32
      %dma_wait3A_1238 = arith.constant 0 : i32
      %dma_wait3A_1239 = tpu.memref_slice %arg11[%dma_wait3A_1237, %dma_wait3A_1238] : memref<10240x128xf32, #tpu.memory_space<vmem_shared>> -> memref<10240x128xf32, #tpu.memory_space<vmem_shared>>
      tpu.wait_indirect_dma semaphore(%arg14 : memref<!tpu.dma_semaphore, #tpu.memory_space<semaphore_mem>>) src(%arg9 : memref<128x128xf32, #tpu.memory_space<vmem>>) dst(%dma_wait3A_1239 : memref<10240x128xf32, #tpu.memory_space<vmem_shared>>)
      %dma_start3A_1240 = arith.constant 640 : i32
      %dma_start3A_1241 = tpu.memref_slice %arg6[%dma_start3A_1240] : memref<1664xi32, #tpu.memory_space<vmem>> -> memref<128xi32, #tpu.memory_space<vmem>>
      %dma_start3A_1242 = arith.constant 0 : i32
      %dma_start3A_1243 = arith.constant 0 : i32
      %dma_start3A_1244 = tpu.memref_slice %arg2[%dma_start3A_1242, %dma_start3A_1243] : memref<10000x128xf32, #tpu.memory_space<hbm>> -> memref<10000x128xf32, #tpu.memory_space<hbm>>
      tpu.enqueue_indirect_dma source(%dma_start3A_1244 : memref<10000x128xf32, #tpu.memory_space<hbm>>) target(%arg9 : memref<128x128xf32, #tpu.memory_space<vmem>>) offsets(%dma_start3A_1241 : memref<128xi32, #tpu.memory_space<vmem>>) semaphore(%arg12 : memref<!tpu.dma_semaphore, #tpu.memory_space<semaphore_mem>>)
      %dma_wait3A_1245 = arith.constant 512 : i32
      %dma_wait3A_1246 = tpu.memref_slice %arg6[%dma_wait3A_1245] : memref<1664xi32, #tpu.memory_space<vmem>> -> memref<128xi32, #tpu.memory_space<vmem>>
      %dma_wait3A_1247 = arith.constant 0 : i32
      %dma_wait3A_1248 = arith.constant 0 : i32
      %dma_wait3A_1249 = tpu.memref_slice %arg2[%dma_wait3A_1247, %dma_wait3A_1248] : memref<10000x128xf32, #tpu.memory_space<hbm>> -> memref<10000x128xf32, #tpu.memory_space<hbm>>
      tpu.wait_indirect_dma semaphore(%arg13 : memref<!tpu.dma_semaphore, #tpu.memory_space<semaphore_mem>>) src(%dma_wait3A_1249 : memref<10000x128xf32, #tpu.memory_space<hbm>>) dst(%arg10 : memref<128x128xf32, #tpu.memory_space<vmem>>)
      %dma_start3A_1250 = arith.constant 4 : i32
      %dma_start3A_1251 = arith.constant 0 : i32
      %dma_start3A_1252 = tpu.memref_slice %arg8[%dma_start3A_1250, %dma_start3A_1251] : memref<13x128xi32, #tpu.memory_space<vmem>> -> memref<1x128xi32, #tpu.memory_space<vmem>>
      %dma_start3A_1253 = tpu.memref_squeeze %dma_start3A_1252 : memref<1x128xi32, #tpu.memory_space<vmem>> -> memref<128xi32, #tpu.memory_space<vmem>>
      %dma_start3A_1254 = arith.constant 0 : i32
      %dma_start3A_1255 = arith.constant 0 : i32
      %dma_start3A_1256 = tpu.memref_slice %arg11[%dma_start3A_1254, %dma_start3A_1255] : memref<10240x128xf32, #tpu.memory_space<vmem_shared>> -> memref<10240x128xf32, #tpu.memory_space<vmem_shared>>
      tpu.enqueue_indirect_dma source(%arg10 : memref<128x128xf32, #tpu.memory_space<vmem>>) target(%dma_start3A_1256 : memref<10240x128xf32, #tpu.memory_space<vmem_shared>>) offsets(%dma_start3A_1253 : memref<128xi32, #tpu.memory_space<vmem>>) semaphore(%arg15 : memref<!tpu.dma_semaphore, #tpu.memory_space<semaphore_mem>>) {add = true}
      %dma_wait3A_1257 = arith.constant 5 : i32
      %dma_wait3A_1258 = arith.constant 0 : i32
      %dma_wait3A_1259 = tpu.memref_slice %arg8[%dma_wait3A_1257, %dma_wait3A_1258] : memref<13x128xi32, #tpu.memory_space<vmem>> -> memref<1x128xi32, #tpu.memory_space<vmem>>
      %dma_wait3A_1260 = tpu.memref_squeeze %dma_wait3A_1259 : memref<1x128xi32, #tpu.memory_space<vmem>> -> memref<128xi32, #tpu.memory_space<vmem>>
      %dma_wait3A_1261 = arith.constant 0 : i32
      %dma_wait3A_1262 = arith.constant 0 : i32
      %dma_wait3A_1263 = tpu.memref_slice %arg11[%dma_wait3A_1261, %dma_wait3A_1262] : memref<10240x128xf32, #tpu.memory_space<vmem_shared>> -> memref<10240x128xf32, #tpu.memory_space<vmem_shared>>
      tpu.wait_indirect_dma semaphore(%arg15 : memref<!tpu.dma_semaphore, #tpu.memory_space<semaphore_mem>>) src(%arg10 : memref<128x128xf32, #tpu.memory_space<vmem>>) dst(%dma_wait3A_1263 : memref<10240x128xf32, #tpu.memory_space<vmem_shared>>)
      %dma_start3A_1264 = arith.constant 768 : i32
      %dma_start3A_1265 = tpu.memref_slice %arg6[%dma_start3A_1264] : memref<1664xi32, #tpu.memory_space<vmem>> -> memref<128xi32, #tpu.memory_space<vmem>>
      %dma_start3A_1266 = arith.constant 0 : i32
      %dma_start3A_1267 = arith.constant 0 : i32
      %dma_start3A_1268 = tpu.memref_slice %arg2[%dma_start3A_1266, %dma_start3A_1267] : memref<10000x128xf32, #tpu.memory_space<hbm>> -> memref<10000x128xf32, #tpu.memory_space<hbm>>
      tpu.enqueue_indirect_dma source(%dma_start3A_1268 : memref<10000x128xf32, #tpu.memory_space<hbm>>) target(%arg10 : memref<128x128xf32, #tpu.memory_space<vmem>>) offsets(%dma_start3A_1265 : memref<128xi32, #tpu.memory_space<vmem>>) semaphore(%arg13 : memref<!tpu.dma_semaphore, #tpu.memory_space<semaphore_mem>>)
      %dma_wait3A_1269 = arith.constant 640 : i32
      %dma_wait3A_1270 = tpu.memref_slice %arg6[%dma_wait3A_1269] : memref<1664xi32, #tpu.memory_space<vmem>> -> memref<128xi32, #tpu.memory_space<vmem>>
      %dma_wait3A_1271 = arith.constant 0 : i32
      %dma_wait3A_1272 = arith.constant 0 : i32
      %dma_wait3A_1273 = tpu.memref_slice %arg2[%dma_wait3A_1271, %dma_wait3A_1272] : memref<10000x128xf32, #tpu.memory_space<hbm>> -> memref<10000x128xf32, #tpu.memory_space<hbm>>
      tpu.wait_indirect_dma semaphore(%arg12 : memref<!tpu.dma_semaphore, #tpu.memory_space<semaphore_mem>>) src(%dma_wait3A_1273 : memref<10000x128xf32, #tpu.memory_space<hbm>>) dst(%arg9 : memref<128x128xf32, #tpu.memory_space<vmem>>)
      %dma_start3A_1274 = arith.constant 5 : i32
      %dma_start3A_1275 = arith.constant 0 : i32
      %dma_start3A_1276 = tpu.memref_slice %arg8[%dma_start3A_1274, %dma_start3A_1275] : memref<13x128xi32, #tpu.memory_space<vmem>> -> memref<1x128xi32, #tpu.memory_space<vmem>>
      %dma_start3A_1277 = tpu.memref_squeeze %dma_start3A_1276 : memref<1x128xi32, #tpu.memory_space<vmem>> -> memref<128xi32, #tpu.memory_space<vmem>>
      %dma_start3A_1278 = arith.constant 0 : i32
      %dma_start3A_1279 = arith.constant 0 : i32
      %dma_start3A_1280 = tpu.memref_slice %arg11[%dma_start3A_1278, %dma_start3A_1279] : memref<10240x128xf32, #tpu.memory_space<vmem_shared>> -> memref<10240x128xf32, #tpu.memory_space<vmem_shared>>
      tpu.enqueue_indirect_dma source(%arg9 : memref<128x128xf32, #tpu.memory_space<vmem>>) target(%dma_start3A_1280 : memref<10240x128xf32, #tpu.memory_space<vmem_shared>>) offsets(%dma_start3A_1277 : memref<128xi32, #tpu.memory_space<vmem>>) semaphore(%arg14 : memref<!tpu.dma_semaphore, #tpu.memory_space<semaphore_mem>>) {add = true}
      %dma_wait3A_1281 = arith.constant 6 : i32
      %dma_wait3A_1282 = arith.constant 0 : i32
      %dma_wait3A_1283 = tpu.memref_slice %arg8[%dma_wait3A_1281, %dma_wait3A_1282] : memref<13x128xi32, #tpu.memory_space<vmem>> -> memref<1x128xi32, #tpu.memory_space<vmem>>
      %dma_wait3A_1284 = tpu.memref_squeeze %dma_wait3A_1283 : memref<1x128xi32, #tpu.memory_space<vmem>> -> memref<128xi32, #tpu.memory_space<vmem>>
      %dma_wait3A_1285 = arith.constant 0 : i32
      %dma_wait3A_1286 = arith.constant 0 : i32
      %dma_wait3A_1287 = tpu.memref_slice %arg11[%dma_wait3A_1285, %dma_wait3A_1286] : memref<10240x128xf32, #tpu.memory_space<vmem_shared>> -> memref<10240x128xf32, #tpu.memory_space<vmem_shared>>
      tpu.wait_indirect_dma semaphore(%arg14 : memref<!tpu.dma_semaphore, #tpu.memory_space<semaphore_mem>>) src(%arg9 : memref<128x128xf32, #tpu.memory_space<vmem>>) dst(%dma_wait3A_1287 : memref<10240x128xf32, #tpu.memory_space<vmem_shared>>)
      %dma_start3A_1288 = arith.constant 896 : i32
      %dma_start3A_1289 = tpu.memref_slice %arg6[%dma_start3A_1288] : memref<1664xi32, #tpu.memory_space<vmem>> -> memref<128xi32, #tpu.memory_space<vmem>>
      %dma_start3A_1290 = arith.constant 0 : i32
      %dma_start3A_1291 = arith.constant 0 : i32
      %dma_start3A_1292 = tpu.memref_slice %arg2[%dma_start3A_1290, %dma_start3A_1291] : memref<10000x128xf32, #tpu.memory_space<hbm>> -> memref<10000x128xf32, #tpu.memory_space<hbm>>
      tpu.enqueue_indirect_dma source(%dma_start3A_1292 : memref<10000x128xf32, #tpu.memory_space<hbm>>) target(%arg9 : memref<128x128xf32, #tpu.memory_space<vmem>>) offsets(%dma_start3A_1289 : memref<128xi32, #tpu.memory_space<vmem>>) semaphore(%arg12 : memref<!tpu.dma_semaphore, #tpu.memory_space<semaphore_mem>>)
      %dma_wait3A_1293 = arith.constant 768 : i32
      %dma_wait3A_1294 = tpu.memref_slice %arg6[%dma_wait3A_1293] : memref<1664xi32, #tpu.memory_space<vmem>> -> memref<128xi32, #tpu.memory_space<vmem>>
      %dma_wait3A_1295 = arith.constant 0 : i32
      %dma_wait3A_1296 = arith.constant 0 : i32
      %dma_wait3A_1297 = tpu.memref_slice %arg2[%dma_wait3A_1295, %dma_wait3A_1296] : memref<10000x128xf32, #tpu.memory_space<hbm>> -> memref<10000x128xf32, #tpu.memory_space<hbm>>
      tpu.wait_indirect_dma semaphore(%arg13 : memref<!tpu.dma_semaphore, #tpu.memory_space<semaphore_mem>>) src(%dma_wait3A_1297 : memref<10000x128xf32, #tpu.memory_space<hbm>>) dst(%arg10 : memref<128x128xf32, #tpu.memory_space<vmem>>)
      %dma_start3A_1298 = arith.constant 6 : i32
      %dma_start3A_1299 = arith.constant 0 : i32
      %dma_start3A_1300 = tpu.memref_slice %arg8[%dma_start3A_1298, %dma_start3A_1299] : memref<13x128xi32, #tpu.memory_space<vmem>> -> memref<1x128xi32, #tpu.memory_space<vmem>>
      %dma_start3A_1301 = tpu.memref_squeeze %dma_start3A_1300 : memref<1x128xi32, #tpu.memory_space<vmem>> -> memref<128xi32, #tpu.memory_space<vmem>>
      %dma_start3A_1302 = arith.constant 0 : i32
      %dma_start3A_1303 = arith.constant 0 : i32
      %dma_start3A_1304 = tpu.memref_slice %arg11[%dma_start3A_1302, %dma_start3A_1303] : memref<10240x128xf32, #tpu.memory_space<vmem_shared>> -> memref<10240x128xf32, #tpu.memory_space<vmem_shared>>
      tpu.enqueue_indirect_dma source(%arg10 : memref<128x128xf32, #tpu.memory_space<vmem>>) target(%dma_start3A_1304 : memref<10240x128xf32, #tpu.memory_space<vmem_shared>>) offsets(%dma_start3A_1301 : memref<128xi32, #tpu.memory_space<vmem>>) semaphore(%arg15 : memref<!tpu.dma_semaphore, #tpu.memory_space<semaphore_mem>>) {add = true}
      %dma_wait3A_1305 = arith.constant 7 : i32
      %dma_wait3A_1306 = arith.constant 0 : i32
      %dma_wait3A_1307 = tpu.memref_slice %arg8[%dma_wait3A_1305, %dma_wait3A_1306] : memref<13x128xi32, #tpu.memory_space<vmem>> -> memref<1x128xi32, #tpu.memory_space<vmem>>
      %dma_wait3A_1308 = tpu.memref_squeeze %dma_wait3A_1307 : memref<1x128xi32, #tpu.memory_space<vmem>> -> memref<128xi32, #tpu.memory_space<vmem>>
      %dma_wait3A_1309 = arith.constant 0 : i32
      %dma_wait3A_1310 = arith.constant 0 : i32
      %dma_wait3A_1311 = tpu.memref_slice %arg11[%dma_wait3A_1309, %dma_wait3A_1310] : memref<10240x128xf32, #tpu.memory_space<vmem_shared>> -> memref<10240x128xf32, #tpu.memory_space<vmem_shared>>
      tpu.wait_indirect_dma semaphore(%arg15 : memref<!tpu.dma_semaphore, #tpu.memory_space<semaphore_mem>>) src(%arg10 : memref<128x128xf32, #tpu.memory_space<vmem>>) dst(%dma_wait3A_1311 : memref<10240x128xf32, #tpu.memory_space<vmem_shared>>)
      %dma_start3A_1312 = arith.constant 1024 : i32
      %dma_start3A_1313 = tpu.memref_slice %arg6[%dma_start3A_1312] : memref<1664xi32, #tpu.memory_space<vmem>> -> memref<128xi32, #tpu.memory_space<vmem>>
      %dma_start3A_1314 = arith.constant 0 : i32
      %dma_start3A_1315 = arith.constant 0 : i32
      %dma_start3A_1316 = tpu.memref_slice %arg2[%dma_start3A_1314, %dma_start3A_1315] : memref<10000x128xf32, #tpu.memory_space<hbm>> -> memref<10000x128xf32, #tpu.memory_space<hbm>>
      tpu.enqueue_indirect_dma source(%dma_start3A_1316 : memref<10000x128xf32, #tpu.memory_space<hbm>>) target(%arg10 : memref<128x128xf32, #tpu.memory_space<vmem>>) offsets(%dma_start3A_1313 : memref<128xi32, #tpu.memory_space<vmem>>) semaphore(%arg13 : memref<!tpu.dma_semaphore, #tpu.memory_space<semaphore_mem>>)
      %dma_wait3A_1317 = arith.constant 896 : i32
      %dma_wait3A_1318 = tpu.memref_slice %arg6[%dma_wait3A_1317] : memref<1664xi32, #tpu.memory_space<vmem>> -> memref<128xi32, #tpu.memory_space<vmem>>
      %dma_wait3A_1319 = arith.constant 0 : i32
      %dma_wait3A_1320 = arith.constant 0 : i32
      %dma_wait3A_1321 = tpu.memref_slice %arg2[%dma_wait3A_1319, %dma_wait3A_1320] : memref<10000x128xf32, #tpu.memory_space<hbm>> -> memref<10000x128xf32, #tpu.memory_space<hbm>>
      tpu.wait_indirect_dma semaphore(%arg12 : memref<!tpu.dma_semaphore, #tpu.memory_space<semaphore_mem>>) src(%dma_wait3A_1321 : memref<10000x128xf32, #tpu.memory_space<hbm>>) dst(%arg9 : memref<128x128xf32, #tpu.memory_space<vmem>>)
      %dma_start3A_1322 = arith.constant 7 : i32
      %dma_start3A_1323 = arith.constant 0 : i32
      %dma_start3A_1324 = tpu.memref_slice %arg8[%dma_start3A_1322, %dma_start3A_1323] : memref<13x128xi32, #tpu.memory_space<vmem>> -> memref<1x128xi32, #tpu.memory_space<vmem>>
      %dma_start3A_1325 = tpu.memref_squeeze %dma_start3A_1324 : memref<1x128xi32, #tpu.memory_space<vmem>> -> memref<128xi32, #tpu.memory_space<vmem>>
      %dma_start3A_1326 = arith.constant 0 : i32
      %dma_start3A_1327 = arith.constant 0 : i32
      %dma_start3A_1328 = tpu.memref_slice %arg11[%dma_start3A_1326, %dma_start3A_1327] : memref<10240x128xf32, #tpu.memory_space<vmem_shared>> -> memref<10240x128xf32, #tpu.memory_space<vmem_shared>>
      tpu.enqueue_indirect_dma source(%arg9 : memref<128x128xf32, #tpu.memory_space<vmem>>) target(%dma_start3A_1328 : memref<10240x128xf32, #tpu.memory_space<vmem_shared>>) offsets(%dma_start3A_1325 : memref<128xi32, #tpu.memory_space<vmem>>) semaphore(%arg14 : memref<!tpu.dma_semaphore, #tpu.memory_space<semaphore_mem>>) {add = true}
      %dma_wait3A_1329 = arith.constant 8 : i32
      %dma_wait3A_1330 = arith.constant 0 : i32
      %dma_wait3A_1331 = tpu.memref_slice %arg8[%dma_wait3A_1329, %dma_wait3A_1330] : memref<13x128xi32, #tpu.memory_space<vmem>> -> memref<1x128xi32, #tpu.memory_space<vmem>>
      %dma_wait3A_1332 = tpu.memref_squeeze %dma_wait3A_1331 : memref<1x128xi32, #tpu.memory_space<vmem>> -> memref<128xi32, #tpu.memory_space<vmem>>
      %dma_wait3A_1333 = arith.constant 0 : i32
      %dma_wait3A_1334 = arith.constant 0 : i32
      %dma_wait3A_1335 = tpu.memref_slice %arg11[%dma_wait3A_1333, %dma_wait3A_1334] : memref<10240x128xf32, #tpu.memory_space<vmem_shared>> -> memref<10240x128xf32, #tpu.memory_space<vmem_shared>>
      tpu.wait_indirect_dma semaphore(%arg14 : memref<!tpu.dma_semaphore, #tpu.memory_space<semaphore_mem>>) src(%arg9 : memref<128x128xf32, #tpu.memory_space<vmem>>) dst(%dma_wait3A_1335 : memref<10240x128xf32, #tpu.memory_space<vmem_shared>>)
      %dma_start3A_1336 = arith.constant 1152 : i32
      %dma_start3A_1337 = tpu.memref_slice %arg6[%dma_start3A_1336] : memref<1664xi32, #tpu.memory_space<vmem>> -> memref<128xi32, #tpu.memory_space<vmem>>
      %dma_start3A_1338 = arith.constant 0 : i32
      %dma_start3A_1339 = arith.constant 0 : i32
      %dma_start3A_1340 = tpu.memref_slice %arg2[%dma_start3A_1338, %dma_start3A_1339] : memref<10000x128xf32, #tpu.memory_space<hbm>> -> memref<10000x128xf32, #tpu.memory_space<hbm>>
      tpu.enqueue_indirect_dma source(%dma_start3A_1340 : memref<10000x128xf32, #tpu.memory_space<hbm>>) target(%arg9 : memref<128x128xf32, #tpu.memory_space<vmem>>) offsets(%dma_start3A_1337 : memref<128xi32, #tpu.memory_space<vmem>>) semaphore(%arg12 : memref<!tpu.dma_semaphore, #tpu.memory_space<semaphore_mem>>)
      %dma_wait3A_1341 = arith.constant 1024 : i32
      %dma_wait3A_1342 = tpu.memref_slice %arg6[%dma_wait3A_1341] : memref<1664xi32, #tpu.memory_space<vmem>> -> memref<128xi32, #tpu.memory_space<vmem>>
      %dma_wait3A_1343 = arith.constant 0 : i32
      %dma_wait3A_1344 = arith.constant 0 : i32
      %dma_wait3A_1345 = tpu.memref_slice %arg2[%dma_wait3A_1343, %dma_wait3A_1344] : memref<10000x128xf32, #tpu.memory_space<hbm>> -> memref<10000x128xf32, #tpu.memory_space<hbm>>
      tpu.wait_indirect_dma semaphore(%arg13 : memref<!tpu.dma_semaphore, #tpu.memory_space<semaphore_mem>>) src(%dma_wait3A_1345 : memref<10000x128xf32, #tpu.memory_space<hbm>>) dst(%arg10 : memref<128x128xf32, #tpu.memory_space<vmem>>)
      %dma_start3A_1346 = arith.constant 8 : i32
      %dma_start3A_1347 = arith.constant 0 : i32
      %dma_start3A_1348 = tpu.memref_slice %arg8[%dma_start3A_1346, %dma_start3A_1347] : memref<13x128xi32, #tpu.memory_space<vmem>> -> memref<1x128xi32, #tpu.memory_space<vmem>>
      %dma_start3A_1349 = tpu.memref_squeeze %dma_start3A_1348 : memref<1x128xi32, #tpu.memory_space<vmem>> -> memref<128xi32, #tpu.memory_space<vmem>>
      %dma_start3A_1350 = arith.constant 0 : i32
      %dma_start3A_1351 = arith.constant 0 : i32
      %dma_start3A_1352 = tpu.memref_slice %arg11[%dma_start3A_1350, %dma_start3A_1351] : memref<10240x128xf32, #tpu.memory_space<vmem_shared>> -> memref<10240x128xf32, #tpu.memory_space<vmem_shared>>
      tpu.enqueue_indirect_dma source(%arg10 : memref<128x128xf32, #tpu.memory_space<vmem>>) target(%dma_start3A_1352 : memref<10240x128xf32, #tpu.memory_space<vmem_shared>>) offsets(%dma_start3A_1349 : memref<128xi32, #tpu.memory_space<vmem>>) semaphore(%arg15 : memref<!tpu.dma_semaphore, #tpu.memory_space<semaphore_mem>>) {add = true}
      %dma_wait3A_1353 = arith.constant 9 : i32
      %dma_wait3A_1354 = arith.constant 0 : i32
      %dma_wait3A_1355 = tpu.memref_slice %arg8[%dma_wait3A_1353, %dma_wait3A_1354] : memref<13x128xi32, #tpu.memory_space<vmem>> -> memref<1x128xi32, #tpu.memory_space<vmem>>
      %dma_wait3A_1356 = tpu.memref_squeeze %dma_wait3A_1355 : memref<1x128xi32, #tpu.memory_space<vmem>> -> memref<128xi32, #tpu.memory_space<vmem>>
      %dma_wait3A_1357 = arith.constant 0 : i32
      %dma_wait3A_1358 = arith.constant 0 : i32
      %dma_wait3A_1359 = tpu.memref_slice %arg11[%dma_wait3A_1357, %dma_wait3A_1358] : memref<10240x128xf32, #tpu.memory_space<vmem_shared>> -> memref<10240x128xf32, #tpu.memory_space<vmem_shared>>
      tpu.wait_indirect_dma semaphore(%arg15 : memref<!tpu.dma_semaphore, #tpu.memory_space<semaphore_mem>>) src(%arg10 : memref<128x128xf32, #tpu.memory_space<vmem>>) dst(%dma_wait3A_1359 : memref<10240x128xf32, #tpu.memory_space<vmem_shared>>)
      %dma_start3A_1360 = arith.constant 1280 : i32
      %dma_start3A_1361 = tpu.memref_slice %arg6[%dma_start3A_1360] : memref<1664xi32, #tpu.memory_space<vmem>> -> memref<128xi32, #tpu.memory_space<vmem>>
      %dma_start3A_1362 = arith.constant 0 : i32
      %dma_start3A_1363 = arith.constant 0 : i32
      %dma_start3A_1364 = tpu.memref_slice %arg2[%dma_start3A_1362, %dma_start3A_1363] : memref<10000x128xf32, #tpu.memory_space<hbm>> -> memref<10000x128xf32, #tpu.memory_space<hbm>>
      tpu.enqueue_indirect_dma source(%dma_start3A_1364 : memref<10000x128xf32, #tpu.memory_space<hbm>>) target(%arg10 : memref<128x128xf32, #tpu.memory_space<vmem>>) offsets(%dma_start3A_1361 : memref<128xi32, #tpu.memory_space<vmem>>) semaphore(%arg13 : memref<!tpu.dma_semaphore, #tpu.memory_space<semaphore_mem>>)
      %dma_wait3A_1365 = arith.constant 1152 : i32
      %dma_wait3A_1366 = tpu.memref_slice %arg6[%dma_wait3A_1365] : memref<1664xi32, #tpu.memory_space<vmem>> -> memref<128xi32, #tpu.memory_space<vmem>>
      %dma_wait3A_1367 = arith.constant 0 : i32
      %dma_wait3A_1368 = arith.constant 0 : i32
      %dma_wait3A_1369 = tpu.memref_slice %arg2[%dma_wait3A_1367, %dma_wait3A_1368] : memref<10000x128xf32, #tpu.memory_space<hbm>> -> memref<10000x128xf32, #tpu.memory_space<hbm>>
      tpu.wait_indirect_dma semaphore(%arg12 : memref<!tpu.dma_semaphore, #tpu.memory_space<semaphore_mem>>) src(%dma_wait3A_1369 : memref<10000x128xf32, #tpu.memory_space<hbm>>) dst(%arg9 : memref<128x128xf32, #tpu.memory_space<vmem>>)
      %dma_start3A_1370 = arith.constant 9 : i32
      %dma_start3A_1371 = arith.constant 0 : i32
      %dma_start3A_1372 = tpu.memref_slice %arg8[%dma_start3A_1370, %dma_start3A_1371] : memref<13x128xi32, #tpu.memory_space<vmem>> -> memref<1x128xi32, #tpu.memory_space<vmem>>
      %dma_start3A_1373 = tpu.memref_squeeze %dma_start3A_1372 : memref<1x128xi32, #tpu.memory_space<vmem>> -> memref<128xi32, #tpu.memory_space<vmem>>
      %dma_start3A_1374 = arith.constant 0 : i32
      %dma_start3A_1375 = arith.constant 0 : i32
      %dma_start3A_1376 = tpu.memref_slice %arg11[%dma_start3A_1374, %dma_start3A_1375] : memref<10240x128xf32, #tpu.memory_space<vmem_shared>> -> memref<10240x128xf32, #tpu.memory_space<vmem_shared>>
      tpu.enqueue_indirect_dma source(%arg9 : memref<128x128xf32, #tpu.memory_space<vmem>>) target(%dma_start3A_1376 : memref<10240x128xf32, #tpu.memory_space<vmem_shared>>) offsets(%dma_start3A_1373 : memref<128xi32, #tpu.memory_space<vmem>>) semaphore(%arg14 : memref<!tpu.dma_semaphore, #tpu.memory_space<semaphore_mem>>) {add = true}
      %dma_wait3A_1377 = arith.constant 10 : i32
      %dma_wait3A_1378 = arith.constant 0 : i32
      %dma_wait3A_1379 = tpu.memref_slice %arg8[%dma_wait3A_1377, %dma_wait3A_1378] : memref<13x128xi32, #tpu.memory_space<vmem>> -> memref<1x128xi32, #tpu.memory_space<vmem>>
      %dma_wait3A_1380 = tpu.memref_squeeze %dma_wait3A_1379 : memref<1x128xi32, #tpu.memory_space<vmem>> -> memref<128xi32, #tpu.memory_space<vmem>>
      %dma_wait3A_1381 = arith.constant 0 : i32
      %dma_wait3A_1382 = arith.constant 0 : i32
      %dma_wait3A_1383 = tpu.memref_slice %arg11[%dma_wait3A_1381, %dma_wait3A_1382] : memref<10240x128xf32, #tpu.memory_space<vmem_shared>> -> memref<10240x128xf32, #tpu.memory_space<vmem_shared>>
      tpu.wait_indirect_dma semaphore(%arg14 : memref<!tpu.dma_semaphore, #tpu.memory_space<semaphore_mem>>) src(%arg9 : memref<128x128xf32, #tpu.memory_space<vmem>>) dst(%dma_wait3A_1383 : memref<10240x128xf32, #tpu.memory_space<vmem_shared>>)
      %dma_start3A_1384 = arith.constant 1408 : i32
      %dma_start3A_1385 = tpu.memref_slice %arg6[%dma_start3A_1384] : memref<1664xi32, #tpu.memory_space<vmem>> -> memref<128xi32, #tpu.memory_space<vmem>>
      %dma_start3A_1386 = arith.constant 0 : i32
      %dma_start3A_1387 = arith.constant 0 : i32
      %dma_start3A_1388 = tpu.memref_slice %arg2[%dma_start3A_1386, %dma_start3A_1387] : memref<10000x128xf32, #tpu.memory_space<hbm>> -> memref<10000x128xf32, #tpu.memory_space<hbm>>
      tpu.enqueue_indirect_dma source(%dma_start3A_1388 : memref<10000x128xf32, #tpu.memory_space<hbm>>) target(%arg9 : memref<128x128xf32, #tpu.memory_space<vmem>>) offsets(%dma_start3A_1385 : memref<128xi32, #tpu.memory_space<vmem>>) semaphore(%arg12 : memref<!tpu.dma_semaphore, #tpu.memory_space<semaphore_mem>>)
      %dma_wait3A_1389 = arith.constant 1280 : i32
      %dma_wait3A_1390 = tpu.memref_slice %arg6[%dma_wait3A_1389] : memref<1664xi32, #tpu.memory_space<vmem>> -> memref<128xi32, #tpu.memory_space<vmem>>
      %dma_wait3A_1391 = arith.constant 0 : i32
      %dma_wait3A_1392 = arith.constant 0 : i32
      %dma_wait3A_1393 = tpu.memref_slice %arg2[%dma_wait3A_1391, %dma_wait3A_1392] : memref<10000x128xf32, #tpu.memory_space<hbm>> -> memref<10000x128xf32, #tpu.memory_space<hbm>>
      tpu.wait_indirect_dma semaphore(%arg13 : memref<!tpu.dma_semaphore, #tpu.memory_space<semaphore_mem>>) src(%dma_wait3A_1393 : memref<10000x128xf32, #tpu.memory_space<hbm>>) dst(%arg10 : memref<128x128xf32, #tpu.memory_space<vmem>>)
      %dma_start3A_1394 = arith.constant 10 : i32
      %dma_start3A_1395 = arith.constant 0 : i32
      %dma_start3A_1396 = tpu.memref_slice %arg8[%dma_start3A_1394, %dma_start3A_1395] : memref<13x128xi32, #tpu.memory_space<vmem>> -> memref<1x128xi32, #tpu.memory_space<vmem>>
      %dma_start3A_1397 = tpu.memref_squeeze %dma_start3A_1396 : memref<1x128xi32, #tpu.memory_space<vmem>> -> memref<128xi32, #tpu.memory_space<vmem>>
      %dma_start3A_1398 = arith.constant 0 : i32
      %dma_start3A_1399 = arith.constant 0 : i32
      %dma_start3A_1400 = tpu.memref_slice %arg11[%dma_start3A_1398, %dma_start3A_1399] : memref<10240x128xf32, #tpu.memory_space<vmem_shared>> -> memref<10240x128xf32, #tpu.memory_space<vmem_shared>>
      tpu.enqueue_indirect_dma source(%arg10 : memref<128x128xf32, #tpu.memory_space<vmem>>) target(%dma_start3A_1400 : memref<10240x128xf32, #tpu.memory_space<vmem_shared>>) offsets(%dma_start3A_1397 : memref<128xi32, #tpu.memory_space<vmem>>) semaphore(%arg15 : memref<!tpu.dma_semaphore, #tpu.memory_space<semaphore_mem>>) {add = true}
      %dma_wait3A_1401 = arith.constant 11 : i32
      %dma_wait3A_1402 = arith.constant 0 : i32
      %dma_wait3A_1403 = tpu.memref_slice %arg8[%dma_wait3A_1401, %dma_wait3A_1402] : memref<13x128xi32, #tpu.memory_space<vmem>> -> memref<1x128xi32, #tpu.memory_space<vmem>>
      %dma_wait3A_1404 = tpu.memref_squeeze %dma_wait3A_1403 : memref<1x128xi32, #tpu.memory_space<vmem>> -> memref<128xi32, #tpu.memory_space<vmem>>
      %dma_wait3A_1405 = arith.constant 0 : i32
      %dma_wait3A_1406 = arith.constant 0 : i32
      %dma_wait3A_1407 = tpu.memref_slice %arg11[%dma_wait3A_1405, %dma_wait3A_1406] : memref<10240x128xf32, #tpu.memory_space<vmem_shared>> -> memref<10240x128xf32, #tpu.memory_space<vmem_shared>>
      tpu.wait_indirect_dma semaphore(%arg15 : memref<!tpu.dma_semaphore, #tpu.memory_space<semaphore_mem>>) src(%arg10 : memref<128x128xf32, #tpu.memory_space<vmem>>) dst(%dma_wait3A_1407 : memref<10240x128xf32, #tpu.memory_space<vmem_shared>>)
      %dma_start3A_1408 = arith.constant 1536 : i32
      %dma_start3A_1409 = tpu.memref_slice %arg6[%dma_start3A_1408] : memref<1664xi32, #tpu.memory_space<vmem>> -> memref<128xi32, #tpu.memory_space<vmem>>
      %dma_start3A_1410 = arith.constant 0 : i32
      %dma_start3A_1411 = arith.constant 0 : i32
      %dma_start3A_1412 = tpu.memref_slice %arg2[%dma_start3A_1410, %dma_start3A_1411] : memref<10000x128xf32, #tpu.memory_space<hbm>> -> memref<10000x128xf32, #tpu.memory_space<hbm>>
      tpu.enqueue_indirect_dma source(%dma_start3A_1412 : memref<10000x128xf32, #tpu.memory_space<hbm>>) target(%arg10 : memref<128x128xf32, #tpu.memory_space<vmem>>) offsets(%dma_start3A_1409 : memref<128xi32, #tpu.memory_space<vmem>>) semaphore(%arg13 : memref<!tpu.dma_semaphore, #tpu.memory_space<semaphore_mem>>)
      %dma_wait3A_1413 = arith.constant 1408 : i32
      %dma_wait3A_1414 = tpu.memref_slice %arg6[%dma_wait3A_1413] : memref<1664xi32, #tpu.memory_space<vmem>> -> memref<128xi32, #tpu.memory_space<vmem>>
      %dma_wait3A_1415 = arith.constant 0 : i32
      %dma_wait3A_1416 = arith.constant 0 : i32
      %dma_wait3A_1417 = tpu.memref_slice %arg2[%dma_wait3A_1415, %dma_wait3A_1416] : memref<10000x128xf32, #tpu.memory_space<hbm>> -> memref<10000x128xf32, #tpu.memory_space<hbm>>
      tpu.wait_indirect_dma semaphore(%arg12 : memref<!tpu.dma_semaphore, #tpu.memory_space<semaphore_mem>>) src(%dma_wait3A_1417 : memref<10000x128xf32, #tpu.memory_space<hbm>>) dst(%arg9 : memref<128x128xf32, #tpu.memory_space<vmem>>)
      %dma_start3A_1418 = arith.constant 11 : i32
      %dma_start3A_1419 = arith.constant 0 : i32
      %dma_start3A_1420 = tpu.memref_slice %arg8[%dma_start3A_1418, %dma_start3A_1419] : memref<13x128xi32, #tpu.memory_space<vmem>> -> memref<1x128xi32, #tpu.memory_space<vmem>>
      %dma_start3A_1421 = tpu.memref_squeeze %dma_start3A_1420 : memref<1x128xi32, #tpu.memory_space<vmem>> -> memref<128xi32, #tpu.memory_space<vmem>>
      %dma_start3A_1422 = arith.constant 0 : i32
      %dma_start3A_1423 = arith.constant 0 : i32
      %dma_start3A_1424 = tpu.memref_slice %arg11[%dma_start3A_1422, %dma_start3A_1423] : memref<10240x128xf32, #tpu.memory_space<vmem_shared>> -> memref<10240x128xf32, #tpu.memory_space<vmem_shared>>
      tpu.enqueue_indirect_dma source(%arg9 : memref<128x128xf32, #tpu.memory_space<vmem>>) target(%dma_start3A_1424 : memref<10240x128xf32, #tpu.memory_space<vmem_shared>>) offsets(%dma_start3A_1421 : memref<128xi32, #tpu.memory_space<vmem>>) semaphore(%arg14 : memref<!tpu.dma_semaphore, #tpu.memory_space<semaphore_mem>>) {add = true}
      %lt3A_1425 = arith.constant 2 : i32
      %lt3A_1426 = arith.cmpi slt, %add3A_620, %lt3A_1425 : i32
      %convert_element_type3A_1427 = arith.extui %lt3A_1426 : i1 to i32
      %cond3A_1428 = arith.constant 0 : i32
      %cond3A_1429 = arith.cmpi ne, %convert_element_type3A_1427, %cond3A_1428 : i32
      scf.if %cond3A_1429 {
        %dma_wait3A_1447 = arith.constant 12 : i32
        %dma_wait3A_1448 = arith.constant 0 : i32
        %dma_wait3A_1449 = tpu.memref_slice %arg8[%dma_wait3A_1447, %dma_wait3A_1448] : memref<13x128xi32, #tpu.memory_space<vmem>> -> memref<1x128xi32, #tpu.memory_space<vmem>>
        %dma_wait3A_1450 = tpu.memref_squeeze %dma_wait3A_1449 : memref<1x128xi32, #tpu.memory_space<vmem>> -> memref<128xi32, #tpu.memory_space<vmem>>
        %dma_wait3A_1451 = arith.constant 0 : i32
        %dma_wait3A_1452 = arith.constant 0 : i32
        %dma_wait3A_1453 = tpu.memref_slice %arg11[%dma_wait3A_1451, %dma_wait3A_1452] : memref<10240x128xf32, #tpu.memory_space<vmem_shared>> -> memref<10240x128xf32, #tpu.memory_space<vmem_shared>>
        tpu.wait_indirect_dma semaphore(%arg14 : memref<!tpu.dma_semaphore, #tpu.memory_space<semaphore_mem>>) src(%arg9 : memref<128x128xf32, #tpu.memory_space<vmem>>) dst(%dma_wait3A_1453 : memref<10240x128xf32, #tpu.memory_space<vmem_shared>>)
        %add3A_1454 = arith.constant 1 : i32
        %add3A_1455 = arith.addi %add3A_1136, %add3A_1454 : i32
        %mul3A_1456 = arith.constant 13 : i32
        %mul3A_1457 = arith.muli %add3A_1455, %mul3A_1456 : i32
        %add3A_1458 = arith.addi %mul3A_2, %mul3A_1457 : i32
        %mul3A_1459 = arith.constant 128 : i32
        %mul3A_1460 = arith.muli %add3A_1458, %mul3A_1459 : i32
        %add3A_1461 = arith.constant 0 : i32
        %add3A_1462 = arith.addi %mul3A_1460, %add3A_1461 : i32
        %add3A_1463 = arith.constant 128 : i32
        %add3A_1464 = arith.addi %mul3A_1460, %add3A_1463 : i32
        %add3A_1465 = arith.constant 256 : i32
        %add3A_1466 = arith.addi %mul3A_1460, %add3A_1465 : i32
        %add3A_1467 = arith.constant 384 : i32
        %add3A_1468 = arith.addi %mul3A_1460, %add3A_1467 : i32
        %add3A_1469 = arith.constant 512 : i32
        %add3A_1470 = arith.addi %mul3A_1460, %add3A_1469 : i32
        %add3A_1471 = arith.constant 640 : i32
        %add3A_1472 = arith.addi %mul3A_1460, %add3A_1471 : i32
        %add3A_1473 = arith.constant 768 : i32
        %add3A_1474 = arith.addi %mul3A_1460, %add3A_1473 : i32
        %add3A_1475 = arith.constant 896 : i32
        %add3A_1476 = arith.addi %mul3A_1460, %add3A_1475 : i32
        %add3A_1477 = arith.constant 1024 : i32
        %add3A_1478 = arith.addi %mul3A_1460, %add3A_1477 : i32
        %add3A_1479 = arith.constant 1152 : i32
        %add3A_1480 = arith.addi %mul3A_1460, %add3A_1479 : i32
        %add3A_1481 = arith.constant 1280 : i32
        %add3A_1482 = arith.addi %mul3A_1460, %add3A_1481 : i32
        %add3A_1483 = arith.constant 1408 : i32
        %add3A_1484 = arith.addi %mul3A_1460, %add3A_1483 : i32
        %add3A_1485 = arith.constant 1536 : i32
        %add3A_1486 = arith.addi %mul3A_1460, %add3A_1485 : i32
        %dma_wait3A_1487 = arith.constant 0 : i32
        %dma_wait3A_1488 = tpu.memref_slice %arg3[%dma_wait3A_1487, %mul3A_1460] : memref<2x320000xi32, #tpu.memory_space<hbm>> -> memref<1x1664xi32, #tpu.memory_space<hbm>>
        %dma_wait3A_1489 = tpu.memref_squeeze %dma_wait3A_1488 : memref<1x1664xi32, #tpu.memory_space<hbm>> -> memref<1664xi32, #tpu.memory_space<hbm>>
        %dma_wait3A_1490 = tpu.memref_slice %arg3[%dma_wait3A_1487, %mul3A_1460] : memref<2x320000xi32, #tpu.memory_space<hbm>> -> memref<1x1664xi32, #tpu.memory_space<hbm>>
        %dma_wait3A_1491 = tpu.memref_squeeze %dma_wait3A_1490 : memref<1x1664xi32, #tpu.memory_space<hbm>> -> memref<1664xi32, #tpu.memory_space<hbm>>
        tpu.wait_dma2 semaphore(%arg16 : memref<!tpu.dma_semaphore, #tpu.memory_space<semaphore_mem>>) src(%dma_wait3A_1491 : memref<1664xi32, #tpu.memory_space<hbm>>) dst(%arg5 : memref<1664xi32, #tpu.memory_space<vmem>>)
        %dma_wait3A_1492 = arith.constant 1 : i32
        %dma_wait3A_1493 = arith.constant 0 : i32
        %dma_wait3A_1494 = arith.constant 0 : i32
        %dma_wait3A_1495 = tpu.memref_slice %arg7[%dma_wait3A_1493, %dma_wait3A_1494] : memref<13x128xi32, #tpu.memory_space<vmem>> -> memref<1x128xi32, #tpu.memory_space<vmem>>
        %dma_wait3A_1496 = tpu.memref_squeeze %dma_wait3A_1495 : memref<1x128xi32, #tpu.memory_space<vmem>> -> memref<128xi32, #tpu.memory_space<vmem>>
        %dma_wait3A_1497 = tpu.memref_slice %arg3[%dma_wait3A_1492, %add3A_1462] : memref<2x320000xi32, #tpu.memory_space<hbm>> -> memref<1x128xi32, #tpu.memory_space<hbm>>
        %dma_wait3A_1498 = tpu.memref_squeeze %dma_wait3A_1497 : memref<1x128xi32, #tpu.memory_space<hbm>> -> memref<128xi32, #tpu.memory_space<hbm>>
        %dma_wait3A_1499 = arith.constant 0 : i32
        %dma_wait3A_1500 = tpu.memref_slice %arg7[%dma_wait3A_1493, %dma_wait3A_1499] : memref<13x128xi32, #tpu.memory_space<vmem>> -> memref<1x128xi32, #tpu.memory_space<vmem>>
        %dma_wait3A_1501 = tpu.memref_squeeze %dma_wait3A_1500 : memref<1x128xi32, #tpu.memory_space<vmem>> -> memref<128xi32, #tpu.memory_space<vmem>>
        %dma_wait3A_1502 = tpu.memref_slice %arg3[%dma_wait3A_1492, %add3A_1462] : memref<2x320000xi32, #tpu.memory_space<hbm>> -> memref<1x128xi32, #tpu.memory_space<hbm>>
        %dma_wait3A_1503 = tpu.memref_squeeze %dma_wait3A_1502 : memref<1x128xi32, #tpu.memory_space<hbm>> -> memref<128xi32, #tpu.memory_space<hbm>>
        tpu.wait_dma2 semaphore(%arg16 : memref<!tpu.dma_semaphore, #tpu.memory_space<semaphore_mem>>) src(%dma_wait3A_1503 : memref<128xi32, #tpu.memory_space<hbm>>) dst(%dma_wait3A_1501 : memref<128xi32, #tpu.memory_space<vmem>>)
        %dma_wait3A_1504 = arith.constant 1 : i32
        %dma_wait3A_1505 = arith.constant 1 : i32
        %dma_wait3A_1506 = arith.constant 0 : i32
        %dma_wait3A_1507 = tpu.memref_slice %arg7[%dma_wait3A_1505, %dma_wait3A_1506] : memref<13x128xi32, #tpu.memory_space<vmem>> -> memref<1x128xi32, #tpu.memory_space<vmem>>
        %dma_wait3A_1508 = tpu.memref_squeeze %dma_wait3A_1507 : memref<1x128xi32, #tpu.memory_space<vmem>> -> memref<128xi32, #tpu.memory_space<vmem>>
        %dma_wait3A_1509 = tpu.memref_slice %arg3[%dma_wait3A_1504, %add3A_1464] : memref<2x320000xi32, #tpu.memory_space<hbm>> -> memref<1x128xi32, #tpu.memory_space<hbm>>
        %dma_wait3A_1510 = tpu.memref_squeeze %dma_wait3A_1509 : memref<1x128xi32, #tpu.memory_space<hbm>> -> memref<128xi32, #tpu.memory_space<hbm>>
        %dma_wait3A_1511 = arith.constant 0 : i32
        %dma_wait3A_1512 = tpu.memref_slice %arg7[%dma_wait3A_1505, %dma_wait3A_1511] : memref<13x128xi32, #tpu.memory_space<vmem>> -> memref<1x128xi32, #tpu.memory_space<vmem>>
        %dma_wait3A_1513 = tpu.memref_squeeze %dma_wait3A_1512 : memref<1x128xi32, #tpu.memory_space<vmem>> -> memref<128xi32, #tpu.memory_space<vmem>>
        %dma_wait3A_1514 = tpu.memref_slice %arg3[%dma_wait3A_1504, %add3A_1464] : memref<2x320000xi32, #tpu.memory_space<hbm>> -> memref<1x128xi32, #tpu.memory_space<hbm>>
        %dma_wait3A_1515 = tpu.memref_squeeze %dma_wait3A_1514 : memref<1x128xi32, #tpu.memory_space<hbm>> -> memref<128xi32, #tpu.memory_space<hbm>>
        tpu.wait_dma2 semaphore(%arg16 : memref<!tpu.dma_semaphore, #tpu.memory_space<semaphore_mem>>) src(%dma_wait3A_1515 : memref<128xi32, #tpu.memory_space<hbm>>) dst(%dma_wait3A_1513 : memref<128xi32, #tpu.memory_space<vmem>>)
        %dma_wait3A_1516 = arith.constant 1 : i32
        %dma_wait3A_1517 = arith.constant 2 : i32
        %dma_wait3A_1518 = arith.constant 0 : i32
        %dma_wait3A_1519 = tpu.memref_slice %arg7[%dma_wait3A_1517, %dma_wait3A_1518] : memref<13x128xi32, #tpu.memory_space<vmem>> -> memref<1x128xi32, #tpu.memory_space<vmem>>
        %dma_wait3A_1520 = tpu.memref_squeeze %dma_wait3A_1519 : memref<1x128xi32, #tpu.memory_space<vmem>> -> memref<128xi32, #tpu.memory_space<vmem>>
        %dma_wait3A_1521 = tpu.memref_slice %arg3[%dma_wait3A_1516, %add3A_1466] : memref<2x320000xi32, #tpu.memory_space<hbm>> -> memref<1x128xi32, #tpu.memory_space<hbm>>
        %dma_wait3A_1522 = tpu.memref_squeeze %dma_wait3A_1521 : memref<1x128xi32, #tpu.memory_space<hbm>> -> memref<128xi32, #tpu.memory_space<hbm>>
        %dma_wait3A_1523 = arith.constant 0 : i32
        %dma_wait3A_1524 = tpu.memref_slice %arg7[%dma_wait3A_1517, %dma_wait3A_1523] : memref<13x128xi32, #tpu.memory_space<vmem>> -> memref<1x128xi32, #tpu.memory_space<vmem>>
        %dma_wait3A_1525 = tpu.memref_squeeze %dma_wait3A_1524 : memref<1x128xi32, #tpu.memory_space<vmem>> -> memref<128xi32, #tpu.memory_space<vmem>>
        %dma_wait3A_1526 = tpu.memref_slice %arg3[%dma_wait3A_1516, %add3A_1466] : memref<2x320000xi32, #tpu.memory_space<hbm>> -> memref<1x128xi32, #tpu.memory_space<hbm>>
        %dma_wait3A_1527 = tpu.memref_squeeze %dma_wait3A_1526 : memref<1x128xi32, #tpu.memory_space<hbm>> -> memref<128xi32, #tpu.memory_space<hbm>>
        tpu.wait_dma2 semaphore(%arg16 : memref<!tpu.dma_semaphore, #tpu.memory_space<semaphore_mem>>) src(%dma_wait3A_1527 : memref<128xi32, #tpu.memory_space<hbm>>) dst(%dma_wait3A_1525 : memref<128xi32, #tpu.memory_space<vmem>>)
        %dma_wait3A_1528 = arith.constant 1 : i32
        %dma_wait3A_1529 = arith.constant 3 : i32
        %dma_wait3A_1530 = arith.constant 0 : i32
        %dma_wait3A_1531 = tpu.memref_slice %arg7[%dma_wait3A_1529, %dma_wait3A_1530] : memref<13x128xi32, #tpu.memory_space<vmem>> -> memref<1x128xi32, #tpu.memory_space<vmem>>
        %dma_wait3A_1532 = tpu.memref_squeeze %dma_wait3A_1531 : memref<1x128xi32, #tpu.memory_space<vmem>> -> memref<128xi32, #tpu.memory_space<vmem>>
        %dma_wait3A_1533 = tpu.memref_slice %arg3[%dma_wait3A_1528, %add3A_1468] : memref<2x320000xi32, #tpu.memory_space<hbm>> -> memref<1x128xi32, #tpu.memory_space<hbm>>
        %dma_wait3A_1534 = tpu.memref_squeeze %dma_wait3A_1533 : memref<1x128xi32, #tpu.memory_space<hbm>> -> memref<128xi32, #tpu.memory_space<hbm>>
        %dma_wait3A_1535 = arith.constant 0 : i32
        %dma_wait3A_1536 = tpu.memref_slice %arg7[%dma_wait3A_1529, %dma_wait3A_1535] : memref<13x128xi32, #tpu.memory_space<vmem>> -> memref<1x128xi32, #tpu.memory_space<vmem>>
        %dma_wait3A_1537 = tpu.memref_squeeze %dma_wait3A_1536 : memref<1x128xi32, #tpu.memory_space<vmem>> -> memref<128xi32, #tpu.memory_space<vmem>>
        %dma_wait3A_1538 = tpu.memref_slice %arg3[%dma_wait3A_1528, %add3A_1468] : memref<2x320000xi32, #tpu.memory_space<hbm>> -> memref<1x128xi32, #tpu.memory_space<hbm>>
        %dma_wait3A_1539 = tpu.memref_squeeze %dma_wait3A_1538 : memref<1x128xi32, #tpu.memory_space<hbm>> -> memref<128xi32, #tpu.memory_space<hbm>>
        tpu.wait_dma2 semaphore(%arg16 : memref<!tpu.dma_semaphore, #tpu.memory_space<semaphore_mem>>) src(%dma_wait3A_1539 : memref<128xi32, #tpu.memory_space<hbm>>) dst(%dma_wait3A_1537 : memref<128xi32, #tpu.memory_space<vmem>>)
        %dma_wait3A_1540 = arith.constant 1 : i32
        %dma_wait3A_1541 = arith.constant 4 : i32
        %dma_wait3A_1542 = arith.constant 0 : i32
        %dma_wait3A_1543 = tpu.memref_slice %arg7[%dma_wait3A_1541, %dma_wait3A_1542] : memref<13x128xi32, #tpu.memory_space<vmem>> -> memref<1x128xi32, #tpu.memory_space<vmem>>
        %dma_wait3A_1544 = tpu.memref_squeeze %dma_wait3A_1543 : memref<1x128xi32, #tpu.memory_space<vmem>> -> memref<128xi32, #tpu.memory_space<vmem>>
        %dma_wait3A_1545 = tpu.memref_slice %arg3[%dma_wait3A_1540, %add3A_1470] : memref<2x320000xi32, #tpu.memory_space<hbm>> -> memref<1x128xi32, #tpu.memory_space<hbm>>
        %dma_wait3A_1546 = tpu.memref_squeeze %dma_wait3A_1545 : memref<1x128xi32, #tpu.memory_space<hbm>> -> memref<128xi32, #tpu.memory_space<hbm>>
        %dma_wait3A_1547 = arith.constant 0 : i32
        %dma_wait3A_1548 = tpu.memref_slice %arg7[%dma_wait3A_1541, %dma_wait3A_1547] : memref<13x128xi32, #tpu.memory_space<vmem>> -> memref<1x128xi32, #tpu.memory_space<vmem>>
        %dma_wait3A_1549 = tpu.memref_squeeze %dma_wait3A_1548 : memref<1x128xi32, #tpu.memory_space<vmem>> -> memref<128xi32, #tpu.memory_space<vmem>>
        %dma_wait3A_1550 = tpu.memref_slice %arg3[%dma_wait3A_1540, %add3A_1470] : memref<2x320000xi32, #tpu.memory_space<hbm>> -> memref<1x128xi32, #tpu.memory_space<hbm>>
        %dma_wait3A_1551 = tpu.memref_squeeze %dma_wait3A_1550 : memref<1x128xi32, #tpu.memory_space<hbm>> -> memref<128xi32, #tpu.memory_space<hbm>>
        tpu.wait_dma2 semaphore(%arg16 : memref<!tpu.dma_semaphore, #tpu.memory_space<semaphore_mem>>) src(%dma_wait3A_1551 : memref<128xi32, #tpu.memory_space<hbm>>) dst(%dma_wait3A_1549 : memref<128xi32, #tpu.memory_space<vmem>>)
        %dma_wait3A_1552 = arith.constant 1 : i32
        %dma_wait3A_1553 = arith.constant 5 : i32
        %dma_wait3A_1554 = arith.constant 0 : i32
        %dma_wait3A_1555 = tpu.memref_slice %arg7[%dma_wait3A_1553, %dma_wait3A_1554] : memref<13x128xi32, #tpu.memory_space<vmem>> -> memref<1x128xi32, #tpu.memory_space<vmem>>
        %dma_wait3A_1556 = tpu.memref_squeeze %dma_wait3A_1555 : memref<1x128xi32, #tpu.memory_space<vmem>> -> memref<128xi32, #tpu.memory_space<vmem>>
        %dma_wait3A_1557 = tpu.memref_slice %arg3[%dma_wait3A_1552, %add3A_1472] : memref<2x320000xi32, #tpu.memory_space<hbm>> -> memref<1x128xi32, #tpu.memory_space<hbm>>
        %dma_wait3A_1558 = tpu.memref_squeeze %dma_wait3A_1557 : memref<1x128xi32, #tpu.memory_space<hbm>> -> memref<128xi32, #tpu.memory_space<hbm>>
        %dma_wait3A_1559 = arith.constant 0 : i32
        %dma_wait3A_1560 = tpu.memref_slice %arg7[%dma_wait3A_1553, %dma_wait3A_1559] : memref<13x128xi32, #tpu.memory_space<vmem>> -> memref<1x128xi32, #tpu.memory_space<vmem>>
        %dma_wait3A_1561 = tpu.memref_squeeze %dma_wait3A_1560 : memref<1x128xi32, #tpu.memory_space<vmem>> -> memref<128xi32, #tpu.memory_space<vmem>>
        %dma_wait3A_1562 = tpu.memref_slice %arg3[%dma_wait3A_1552, %add3A_1472] : memref<2x320000xi32, #tpu.memory_space<hbm>> -> memref<1x128xi32, #tpu.memory_space<hbm>>
        %dma_wait3A_1563 = tpu.memref_squeeze %dma_wait3A_1562 : memref<1x128xi32, #tpu.memory_space<hbm>> -> memref<128xi32, #tpu.memory_space<hbm>>
        tpu.wait_dma2 semaphore(%arg16 : memref<!tpu.dma_semaphore, #tpu.memory_space<semaphore_mem>>) src(%dma_wait3A_1563 : memref<128xi32, #tpu.memory_space<hbm>>) dst(%dma_wait3A_1561 : memref<128xi32, #tpu.memory_space<vmem>>)
        %dma_wait3A_1564 = arith.constant 1 : i32
        %dma_wait3A_1565 = arith.constant 6 : i32
        %dma_wait3A_1566 = arith.constant 0 : i32
        %dma_wait3A_1567 = tpu.memref_slice %arg7[%dma_wait3A_1565, %dma_wait3A_1566] : memref<13x128xi32, #tpu.memory_space<vmem>> -> memref<1x128xi32, #tpu.memory_space<vmem>>
        %dma_wait3A_1568 = tpu.memref_squeeze %dma_wait3A_1567 : memref<1x128xi32, #tpu.memory_space<vmem>> -> memref<128xi32, #tpu.memory_space<vmem>>
        %dma_wait3A_1569 = tpu.memref_slice %arg3[%dma_wait3A_1564, %add3A_1474] : memref<2x320000xi32, #tpu.memory_space<hbm>> -> memref<1x128xi32, #tpu.memory_space<hbm>>
        %dma_wait3A_1570 = tpu.memref_squeeze %dma_wait3A_1569 : memref<1x128xi32, #tpu.memory_space<hbm>> -> memref<128xi32, #tpu.memory_space<hbm>>
        %dma_wait3A_1571 = arith.constant 0 : i32
        %dma_wait3A_1572 = tpu.memref_slice %arg7[%dma_wait3A_1565, %dma_wait3A_1571] : memref<13x128xi32, #tpu.memory_space<vmem>> -> memref<1x128xi32, #tpu.memory_space<vmem>>
        %dma_wait3A_1573 = tpu.memref_squeeze %dma_wait3A_1572 : memref<1x128xi32, #tpu.memory_space<vmem>> -> memref<128xi32, #tpu.memory_space<vmem>>
        %dma_wait3A_1574 = tpu.memref_slice %arg3[%dma_wait3A_1564, %add3A_1474] : memref<2x320000xi32, #tpu.memory_space<hbm>> -> memref<1x128xi32, #tpu.memory_space<hbm>>
        %dma_wait3A_1575 = tpu.memref_squeeze %dma_wait3A_1574 : memref<1x128xi32, #tpu.memory_space<hbm>> -> memref<128xi32, #tpu.memory_space<hbm>>
        tpu.wait_dma2 semaphore(%arg16 : memref<!tpu.dma_semaphore, #tpu.memory_space<semaphore_mem>>) src(%dma_wait3A_1575 : memref<128xi32, #tpu.memory_space<hbm>>) dst(%dma_wait3A_1573 : memref<128xi32, #tpu.memory_space<vmem>>)
        %dma_wait3A_1576 = arith.constant 1 : i32
        %dma_wait3A_1577 = arith.constant 7 : i32
        %dma_wait3A_1578 = arith.constant 0 : i32
        %dma_wait3A_1579 = tpu.memref_slice %arg7[%dma_wait3A_1577, %dma_wait3A_1578] : memref<13x128xi32, #tpu.memory_space<vmem>> -> memref<1x128xi32, #tpu.memory_space<vmem>>
        %dma_wait3A_1580 = tpu.memref_squeeze %dma_wait3A_1579 : memref<1x128xi32, #tpu.memory_space<vmem>> -> memref<128xi32, #tpu.memory_space<vmem>>
        %dma_wait3A_1581 = tpu.memref_slice %arg3[%dma_wait3A_1576, %add3A_1476] : memref<2x320000xi32, #tpu.memory_space<hbm>> -> memref<1x128xi32, #tpu.memory_space<hbm>>
        %dma_wait3A_1582 = tpu.memref_squeeze %dma_wait3A_1581 : memref<1x128xi32, #tpu.memory_space<hbm>> -> memref<128xi32, #tpu.memory_space<hbm>>
        %dma_wait3A_1583 = arith.constant 0 : i32
        %dma_wait3A_1584 = tpu.memref_slice %arg7[%dma_wait3A_1577, %dma_wait3A_1583] : memref<13x128xi32, #tpu.memory_space<vmem>> -> memref<1x128xi32, #tpu.memory_space<vmem>>
        %dma_wait3A_1585 = tpu.memref_squeeze %dma_wait3A_1584 : memref<1x128xi32, #tpu.memory_space<vmem>> -> memref<128xi32, #tpu.memory_space<vmem>>
        %dma_wait3A_1586 = tpu.memref_slice %arg3[%dma_wait3A_1576, %add3A_1476] : memref<2x320000xi32, #tpu.memory_space<hbm>> -> memref<1x128xi32, #tpu.memory_space<hbm>>
        %dma_wait3A_1587 = tpu.memref_squeeze %dma_wait3A_1586 : memref<1x128xi32, #tpu.memory_space<hbm>> -> memref<128xi32, #tpu.memory_space<hbm>>
        tpu.wait_dma2 semaphore(%arg16 : memref<!tpu.dma_semaphore, #tpu.memory_space<semaphore_mem>>) src(%dma_wait3A_1587 : memref<128xi32, #tpu.memory_space<hbm>>) dst(%dma_wait3A_1585 : memref<128xi32, #tpu.memory_space<vmem>>)
        %dma_wait3A_1588 = arith.constant 1 : i32
        %dma_wait3A_1589 = arith.constant 8 : i32
        %dma_wait3A_1590 = arith.constant 0 : i32
        %dma_wait3A_1591 = tpu.memref_slice %arg7[%dma_wait3A_1589, %dma_wait3A_1590] : memref<13x128xi32, #tpu.memory_space<vmem>> -> memref<1x128xi32, #tpu.memory_space<vmem>>
        %dma_wait3A_1592 = tpu.memref_squeeze %dma_wait3A_1591 : memref<1x128xi32, #tpu.memory_space<vmem>> -> memref<128xi32, #tpu.memory_space<vmem>>
        %dma_wait3A_1593 = tpu.memref_slice %arg3[%dma_wait3A_1588, %add3A_1478] : memref<2x320000xi32, #tpu.memory_space<hbm>> -> memref<1x128xi32, #tpu.memory_space<hbm>>
        %dma_wait3A_1594 = tpu.memref_squeeze %dma_wait3A_1593 : memref<1x128xi32, #tpu.memory_space<hbm>> -> memref<128xi32, #tpu.memory_space<hbm>>
        %dma_wait3A_1595 = arith.constant 0 : i32
        %dma_wait3A_1596 = tpu.memref_slice %arg7[%dma_wait3A_1589, %dma_wait3A_1595] : memref<13x128xi32, #tpu.memory_space<vmem>> -> memref<1x128xi32, #tpu.memory_space<vmem>>
        %dma_wait3A_1597 = tpu.memref_squeeze %dma_wait3A_1596 : memref<1x128xi32, #tpu.memory_space<vmem>> -> memref<128xi32, #tpu.memory_space<vmem>>
        %dma_wait3A_1598 = tpu.memref_slice %arg3[%dma_wait3A_1588, %add3A_1478] : memref<2x320000xi32, #tpu.memory_space<hbm>> -> memref<1x128xi32, #tpu.memory_space<hbm>>
        %dma_wait3A_1599 = tpu.memref_squeeze %dma_wait3A_1598 : memref<1x128xi32, #tpu.memory_space<hbm>> -> memref<128xi32, #tpu.memory_space<hbm>>
        tpu.wait_dma2 semaphore(%arg16 : memref<!tpu.dma_semaphore, #tpu.memory_space<semaphore_mem>>) src(%dma_wait3A_1599 : memref<128xi32, #tpu.memory_space<hbm>>) dst(%dma_wait3A_1597 : memref<128xi32, #tpu.memory_space<vmem>>)
        %dma_wait3A_1600 = arith.constant 1 : i32
        %dma_wait3A_1601 = arith.constant 9 : i32
        %dma_wait3A_1602 = arith.constant 0 : i32
        %dma_wait3A_1603 = tpu.memref_slice %arg7[%dma_wait3A_1601, %dma_wait3A_1602] : memref<13x128xi32, #tpu.memory_space<vmem>> -> memref<1x128xi32, #tpu.memory_space<vmem>>
        %dma_wait3A_1604 = tpu.memref_squeeze %dma_wait3A_1603 : memref<1x128xi32, #tpu.memory_space<vmem>> -> memref<128xi32, #tpu.memory_space<vmem>>
        %dma_wait3A_1605 = tpu.memref_slice %arg3[%dma_wait3A_1600, %add3A_1480] : memref<2x320000xi32, #tpu.memory_space<hbm>> -> memref<1x128xi32, #tpu.memory_space<hbm>>
        %dma_wait3A_1606 = tpu.memref_squeeze %dma_wait3A_1605 : memref<1x128xi32, #tpu.memory_space<hbm>> -> memref<128xi32, #tpu.memory_space<hbm>>
        %dma_wait3A_1607 = arith.constant 0 : i32
        %dma_wait3A_1608 = tpu.memref_slice %arg7[%dma_wait3A_1601, %dma_wait3A_1607] : memref<13x128xi32, #tpu.memory_space<vmem>> -> memref<1x128xi32, #tpu.memory_space<vmem>>
        %dma_wait3A_1609 = tpu.memref_squeeze %dma_wait3A_1608 : memref<1x128xi32, #tpu.memory_space<vmem>> -> memref<128xi32, #tpu.memory_space<vmem>>
        %dma_wait3A_1610 = tpu.memref_slice %arg3[%dma_wait3A_1600, %add3A_1480] : memref<2x320000xi32, #tpu.memory_space<hbm>> -> memref<1x128xi32, #tpu.memory_space<hbm>>
        %dma_wait3A_1611 = tpu.memref_squeeze %dma_wait3A_1610 : memref<1x128xi32, #tpu.memory_space<hbm>> -> memref<128xi32, #tpu.memory_space<hbm>>
        tpu.wait_dma2 semaphore(%arg16 : memref<!tpu.dma_semaphore, #tpu.memory_space<semaphore_mem>>) src(%dma_wait3A_1611 : memref<128xi32, #tpu.memory_space<hbm>>) dst(%dma_wait3A_1609 : memref<128xi32, #tpu.memory_space<vmem>>)
        %dma_wait3A_1612 = arith.constant 1 : i32
        %dma_wait3A_1613 = arith.constant 10 : i32
        %dma_wait3A_1614 = arith.constant 0 : i32
        %dma_wait3A_1615 = tpu.memref_slice %arg7[%dma_wait3A_1613, %dma_wait3A_1614] : memref<13x128xi32, #tpu.memory_space<vmem>> -> memref<1x128xi32, #tpu.memory_space<vmem>>
        %dma_wait3A_1616 = tpu.memref_squeeze %dma_wait3A_1615 : memref<1x128xi32, #tpu.memory_space<vmem>> -> memref<128xi32, #tpu.memory_space<vmem>>
        %dma_wait3A_1617 = tpu.memref_slice %arg3[%dma_wait3A_1612, %add3A_1482] : memref<2x320000xi32, #tpu.memory_space<hbm>> -> memref<1x128xi32, #tpu.memory_space<hbm>>
        %dma_wait3A_1618 = tpu.memref_squeeze %dma_wait3A_1617 : memref<1x128xi32, #tpu.memory_space<hbm>> -> memref<128xi32, #tpu.memory_space<hbm>>
        %dma_wait3A_1619 = arith.constant 0 : i32
        %dma_wait3A_1620 = tpu.memref_slice %arg7[%dma_wait3A_1613, %dma_wait3A_1619] : memref<13x128xi32, #tpu.memory_space<vmem>> -> memref<1x128xi32, #tpu.memory_space<vmem>>
        %dma_wait3A_1621 = tpu.memref_squeeze %dma_wait3A_1620 : memref<1x128xi32, #tpu.memory_space<vmem>> -> memref<128xi32, #tpu.memory_space<vmem>>
        %dma_wait3A_1622 = tpu.memref_slice %arg3[%dma_wait3A_1612, %add3A_1482] : memref<2x320000xi32, #tpu.memory_space<hbm>> -> memref<1x128xi32, #tpu.memory_space<hbm>>
        %dma_wait3A_1623 = tpu.memref_squeeze %dma_wait3A_1622 : memref<1x128xi32, #tpu.memory_space<hbm>> -> memref<128xi32, #tpu.memory_space<hbm>>
        tpu.wait_dma2 semaphore(%arg16 : memref<!tpu.dma_semaphore, #tpu.memory_space<semaphore_mem>>) src(%dma_wait3A_1623 : memref<128xi32, #tpu.memory_space<hbm>>) dst(%dma_wait3A_1621 : memref<128xi32, #tpu.memory_space<vmem>>)
        %dma_wait3A_1624 = arith.constant 1 : i32
        %dma_wait3A_1625 = arith.constant 11 : i32
        %dma_wait3A_1626 = arith.constant 0 : i32
        %dma_wait3A_1627 = tpu.memref_slice %arg7[%dma_wait3A_1625, %dma_wait3A_1626] : memref<13x128xi32, #tpu.memory_space<vmem>> -> memref<1x128xi32, #tpu.memory_space<vmem>>
        %dma_wait3A_1628 = tpu.memref_squeeze %dma_wait3A_1627 : memref<1x128xi32, #tpu.memory_space<vmem>> -> memref<128xi32, #tpu.memory_space<vmem>>
        %dma_wait3A_1629 = tpu.memref_slice %arg3[%dma_wait3A_1624, %add3A_1484] : memref<2x320000xi32, #tpu.memory_space<hbm>> -> memref<1x128xi32, #tpu.memory_space<hbm>>
        %dma_wait3A_1630 = tpu.memref_squeeze %dma_wait3A_1629 : memref<1x128xi32, #tpu.memory_space<hbm>> -> memref<128xi32, #tpu.memory_space<hbm>>
        %dma_wait3A_1631 = arith.constant 0 : i32
        %dma_wait3A_1632 = tpu.memref_slice %arg7[%dma_wait3A_1625, %dma_wait3A_1631] : memref<13x128xi32, #tpu.memory_space<vmem>> -> memref<1x128xi32, #tpu.memory_space<vmem>>
        %dma_wait3A_1633 = tpu.memref_squeeze %dma_wait3A_1632 : memref<1x128xi32, #tpu.memory_space<vmem>> -> memref<128xi32, #tpu.memory_space<vmem>>
        %dma_wait3A_1634 = tpu.memref_slice %arg3[%dma_wait3A_1624, %add3A_1484] : memref<2x320000xi32, #tpu.memory_space<hbm>> -> memref<1x128xi32, #tpu.memory_space<hbm>>
        %dma_wait3A_1635 = tpu.memref_squeeze %dma_wait3A_1634 : memref<1x128xi32, #tpu.memory_space<hbm>> -> memref<128xi32, #tpu.memory_space<hbm>>
        tpu.wait_dma2 semaphore(%arg16 : memref<!tpu.dma_semaphore, #tpu.memory_space<semaphore_mem>>) src(%dma_wait3A_1635 : memref<128xi32, #tpu.memory_space<hbm>>) dst(%dma_wait3A_1633 : memref<128xi32, #tpu.memory_space<vmem>>)
        %dma_wait3A_1636 = arith.constant 1 : i32
        %dma_wait3A_1637 = arith.constant 12 : i32
        %dma_wait3A_1638 = arith.constant 0 : i32
        %dma_wait3A_1639 = tpu.memref_slice %arg7[%dma_wait3A_1637, %dma_wait3A_1638] : memref<13x128xi32, #tpu.memory_space<vmem>> -> memref<1x128xi32, #tpu.memory_space<vmem>>
        %dma_wait3A_1640 = tpu.memref_squeeze %dma_wait3A_1639 : memref<1x128xi32, #tpu.memory_space<vmem>> -> memref<128xi32, #tpu.memory_space<vmem>>
        %dma_wait3A_1641 = tpu.memref_slice %arg3[%dma_wait3A_1636, %add3A_1486] : memref<2x320000xi32, #tpu.memory_space<hbm>> -> memref<1x128xi32, #tpu.memory_space<hbm>>
        %dma_wait3A_1642 = tpu.memref_squeeze %dma_wait3A_1641 : memref<1x128xi32, #tpu.memory_space<hbm>> -> memref<128xi32, #tpu.memory_space<hbm>>
        %dma_wait3A_1643 = arith.constant 0 : i32
        %dma_wait3A_1644 = tpu.memref_slice %arg7[%dma_wait3A_1637, %dma_wait3A_1643] : memref<13x128xi32, #tpu.memory_space<vmem>> -> memref<1x128xi32, #tpu.memory_space<vmem>>
        %dma_wait3A_1645 = tpu.memref_squeeze %dma_wait3A_1644 : memref<1x128xi32, #tpu.memory_space<vmem>> -> memref<128xi32, #tpu.memory_space<vmem>>
        %dma_wait3A_1646 = tpu.memref_slice %arg3[%dma_wait3A_1636, %add3A_1486] : memref<2x320000xi32, #tpu.memory_space<hbm>> -> memref<1x128xi32, #tpu.memory_space<hbm>>
        %dma_wait3A_1647 = tpu.memref_squeeze %dma_wait3A_1646 : memref<1x128xi32, #tpu.memory_space<hbm>> -> memref<128xi32, #tpu.memory_space<hbm>>
        tpu.wait_dma2 semaphore(%arg16 : memref<!tpu.dma_semaphore, #tpu.memory_space<semaphore_mem>>) src(%dma_wait3A_1647 : memref<128xi32, #tpu.memory_space<hbm>>) dst(%dma_wait3A_1645 : memref<128xi32, #tpu.memory_space<vmem>>)
        %dma_start3A_1648 = arith.constant 0 : i32
        %dma_start3A_1649 = tpu.memref_slice %arg5[%dma_start3A_1648] : memref<1664xi32, #tpu.memory_space<vmem>> -> memref<128xi32, #tpu.memory_space<vmem>>
        %dma_start3A_1650 = arith.constant 0 : i32
        %dma_start3A_1651 = arith.constant 0 : i32
        %dma_start3A_1652 = tpu.memref_slice %arg2[%dma_start3A_1650, %dma_start3A_1651] : memref<10000x128xf32, #tpu.memory_space<hbm>> -> memref<10000x128xf32, #tpu.memory_space<hbm>>
        tpu.enqueue_indirect_dma source(%dma_start3A_1652 : memref<10000x128xf32, #tpu.memory_space<hbm>>) target(%arg9 : memref<128x128xf32, #tpu.memory_space<vmem>>) offsets(%dma_start3A_1649 : memref<128xi32, #tpu.memory_space<vmem>>) semaphore(%arg12 : memref<!tpu.dma_semaphore, #tpu.memory_space<semaphore_mem>>)
      } else {
      }
      %dma_wait3A_1430 = arith.constant 1536 : i32
      %dma_wait3A_1431 = tpu.memref_slice %arg6[%dma_wait3A_1430] : memref<1664xi32, #tpu.memory_space<vmem>> -> memref<128xi32, #tpu.memory_space<vmem>>
      %dma_wait3A_1432 = arith.constant 0 : i32
      %dma_wait3A_1433 = arith.constant 0 : i32
      %dma_wait3A_1434 = tpu.memref_slice %arg2[%dma_wait3A_1432, %dma_wait3A_1433] : memref<10000x128xf32, #tpu.memory_space<hbm>> -> memref<10000x128xf32, #tpu.memory_space<hbm>>
      tpu.wait_indirect_dma semaphore(%arg13 : memref<!tpu.dma_semaphore, #tpu.memory_space<semaphore_mem>>) src(%dma_wait3A_1434 : memref<10000x128xf32, #tpu.memory_space<hbm>>) dst(%arg10 : memref<128x128xf32, #tpu.memory_space<vmem>>)
      %dma_start3A_1435 = arith.constant 12 : i32
      %dma_start3A_1436 = arith.constant 0 : i32
      %dma_start3A_1437 = tpu.memref_slice %arg8[%dma_start3A_1435, %dma_start3A_1436] : memref<13x128xi32, #tpu.memory_space<vmem>> -> memref<1x128xi32, #tpu.memory_space<vmem>>
      %dma_start3A_1438 = tpu.memref_squeeze %dma_start3A_1437 : memref<1x128xi32, #tpu.memory_space<vmem>> -> memref<128xi32, #tpu.memory_space<vmem>>
      %dma_start3A_1439 = arith.constant 0 : i32
      %dma_start3A_1440 = arith.constant 0 : i32
      %dma_start3A_1441 = tpu.memref_slice %arg11[%dma_start3A_1439, %dma_start3A_1440] : memref<10240x128xf32, #tpu.memory_space<vmem_shared>> -> memref<10240x128xf32, #tpu.memory_space<vmem_shared>>
      tpu.enqueue_indirect_dma source(%arg10 : memref<128x128xf32, #tpu.memory_space<vmem>>) target(%dma_start3A_1441 : memref<10240x128xf32, #tpu.memory_space<vmem_shared>>) offsets(%dma_start3A_1438 : memref<128xi32, #tpu.memory_space<vmem>>) semaphore(%arg15 : memref<!tpu.dma_semaphore, #tpu.memory_space<semaphore_mem>>) {add = true}
      %lt3A_1442 = arith.constant 2 : i32
      %lt3A_1443 = arith.cmpi slt, %add3A_620, %lt3A_1442 : i32
      %convert_element_type3A_1444 = arith.extui %lt3A_1443 : i1 to i32
      %cond3A_1445 = arith.constant 0 : i32
      %cond3A_1446 = arith.cmpi ne, %convert_element_type3A_1444, %cond3A_1445 : i32
      scf.if %cond3A_1446 {
        %add3A_1447 = arith.constant 2 : i32
        %add3A_1448 = arith.addi %add3A_1136, %add3A_1447 : i32
        %mul3A_1449 = arith.constant 13 : i32
        %mul3A_1450 = arith.muli %add3A_1448, %mul3A_1449 : i32
        %add3A_1451 = arith.addi %mul3A_2, %mul3A_1450 : i32
        %mul3A_1452 = arith.constant 128 : i32
        %mul3A_1453 = arith.muli %add3A_1451, %mul3A_1452 : i32
        %add3A_1454 = arith.constant 0 : i32
        %add3A_1455 = arith.addi %mul3A_1453, %add3A_1454 : i32
        %add3A_1456 = arith.constant 128 : i32
        %add3A_1457 = arith.addi %mul3A_1453, %add3A_1456 : i32
        %add3A_1458 = arith.constant 256 : i32
        %add3A_1459 = arith.addi %mul3A_1453, %add3A_1458 : i32
        %add3A_1460 = arith.constant 384 : i32
        %add3A_1461 = arith.addi %mul3A_1453, %add3A_1460 : i32
        %add3A_1462 = arith.constant 512 : i32
        %add3A_1463 = arith.addi %mul3A_1453, %add3A_1462 : i32
        %add3A_1464 = arith.constant 640 : i32
        %add3A_1465 = arith.addi %mul3A_1453, %add3A_1464 : i32
        %add3A_1466 = arith.constant 768 : i32
        %add3A_1467 = arith.addi %mul3A_1453, %add3A_1466 : i32
        %add3A_1468 = arith.constant 896 : i32
        %add3A_1469 = arith.addi %mul3A_1453, %add3A_1468 : i32
        %add3A_1470 = arith.constant 1024 : i32
        %add3A_1471 = arith.addi %mul3A_1453, %add3A_1470 : i32
        %add3A_1472 = arith.constant 1152 : i32
        %add3A_1473 = arith.addi %mul3A_1453, %add3A_1472 : i32
        %add3A_1474 = arith.constant 1280 : i32
        %add3A_1475 = arith.addi %mul3A_1453, %add3A_1474 : i32
        %add3A_1476 = arith.constant 1408 : i32
        %add3A_1477 = arith.addi %mul3A_1453, %add3A_1476 : i32
        %add3A_1478 = arith.constant 1536 : i32
        %add3A_1479 = arith.addi %mul3A_1453, %add3A_1478 : i32
        %dma_start3A_1480 = arith.constant 0 : i32
        %dma_start3A_1481 = tpu.memref_slice %arg3[%dma_start3A_1480, %mul3A_1453] : memref<2x320000xi32, #tpu.memory_space<hbm>> -> memref<1x1664xi32, #tpu.memory_space<hbm>>
        %dma_start3A_1482 = tpu.memref_squeeze %dma_start3A_1481 : memref<1x1664xi32, #tpu.memory_space<hbm>> -> memref<1664xi32, #tpu.memory_space<hbm>>
        %dma_start3A_1483 = tpu.memref_slice %arg3[%dma_start3A_1480, %mul3A_1453] : memref<2x320000xi32, #tpu.memory_space<hbm>> -> memref<1x1664xi32, #tpu.memory_space<hbm>>
        %dma_start3A_1484 = tpu.memref_squeeze %dma_start3A_1483 : memref<1x1664xi32, #tpu.memory_space<hbm>> -> memref<1664xi32, #tpu.memory_space<hbm>>
        tpu.enqueue_dma source(%dma_start3A_1484 : memref<1664xi32, #tpu.memory_space<hbm>>) target(%arg6 : memref<1664xi32, #tpu.memory_space<vmem>>) target_semaphore(%arg17 : memref<!tpu.dma_semaphore, #tpu.memory_space<semaphore_mem>>)
        %dma_start3A_1485 = arith.constant 1 : i32
        %dma_start3A_1486 = arith.constant 0 : i32
        %dma_start3A_1487 = arith.constant 0 : i32
        %dma_start3A_1488 = tpu.memref_slice %arg8[%dma_start3A_1486, %dma_start3A_1487] : memref<13x128xi32, #tpu.memory_space<vmem>> -> memref<1x128xi32, #tpu.memory_space<vmem>>
        %dma_start3A_1489 = tpu.memref_squeeze %dma_start3A_1488 : memref<1x128xi32, #tpu.memory_space<vmem>> -> memref<128xi32, #tpu.memory_space<vmem>>
        %dma_start3A_1490 = tpu.memref_slice %arg3[%dma_start3A_1485, %add3A_1455] : memref<2x320000xi32, #tpu.memory_space<hbm>> -> memref<1x128xi32, #tpu.memory_space<hbm>>
        %dma_start3A_1491 = tpu.memref_squeeze %dma_start3A_1490 : memref<1x128xi32, #tpu.memory_space<hbm>> -> memref<128xi32, #tpu.memory_space<hbm>>
        %dma_start3A_1492 = arith.constant 0 : i32
        %dma_start3A_1493 = tpu.memref_slice %arg8[%dma_start3A_1486, %dma_start3A_1492] : memref<13x128xi32, #tpu.memory_space<vmem>> -> memref<1x128xi32, #tpu.memory_space<vmem>>
        %dma_start3A_1494 = tpu.memref_squeeze %dma_start3A_1493 : memref<1x128xi32, #tpu.memory_space<vmem>> -> memref<128xi32, #tpu.memory_space<vmem>>
        %dma_start3A_1495 = tpu.memref_slice %arg3[%dma_start3A_1485, %add3A_1455] : memref<2x320000xi32, #tpu.memory_space<hbm>> -> memref<1x128xi32, #tpu.memory_space<hbm>>
        %dma_start3A_1496 = tpu.memref_squeeze %dma_start3A_1495 : memref<1x128xi32, #tpu.memory_space<hbm>> -> memref<128xi32, #tpu.memory_space<hbm>>
        tpu.enqueue_dma source(%dma_start3A_1496 : memref<128xi32, #tpu.memory_space<hbm>>) target(%dma_start3A_1494 : memref<128xi32, #tpu.memory_space<vmem>>) target_semaphore(%arg17 : memref<!tpu.dma_semaphore, #tpu.memory_space<semaphore_mem>>)
        %dma_start3A_1497 = arith.constant 1 : i32
        %dma_start3A_1498 = arith.constant 1 : i32
        %dma_start3A_1499 = arith.constant 0 : i32
        %dma_start3A_1500 = tpu.memref_slice %arg8[%dma_start3A_1498, %dma_start3A_1499] : memref<13x128xi32, #tpu.memory_space<vmem>> -> memref<1x128xi32, #tpu.memory_space<vmem>>
        %dma_start3A_1501 = tpu.memref_squeeze %dma_start3A_1500 : memref<1x128xi32, #tpu.memory_space<vmem>> -> memref<128xi32, #tpu.memory_space<vmem>>
        %dma_start3A_1502 = tpu.memref_slice %arg3[%dma_start3A_1497, %add3A_1457] : memref<2x320000xi32, #tpu.memory_space<hbm>> -> memref<1x128xi32, #tpu.memory_space<hbm>>
        %dma_start3A_1503 = tpu.memref_squeeze %dma_start3A_1502 : memref<1x128xi32, #tpu.memory_space<hbm>> -> memref<128xi32, #tpu.memory_space<hbm>>
        %dma_start3A_1504 = arith.constant 0 : i32
        %dma_start3A_1505 = tpu.memref_slice %arg8[%dma_start3A_1498, %dma_start3A_1504] : memref<13x128xi32, #tpu.memory_space<vmem>> -> memref<1x128xi32, #tpu.memory_space<vmem>>
        %dma_start3A_1506 = tpu.memref_squeeze %dma_start3A_1505 : memref<1x128xi32, #tpu.memory_space<vmem>> -> memref<128xi32, #tpu.memory_space<vmem>>
        %dma_start3A_1507 = tpu.memref_slice %arg3[%dma_start3A_1497, %add3A_1457] : memref<2x320000xi32, #tpu.memory_space<hbm>> -> memref<1x128xi32, #tpu.memory_space<hbm>>
        %dma_start3A_1508 = tpu.memref_squeeze %dma_start3A_1507 : memref<1x128xi32, #tpu.memory_space<hbm>> -> memref<128xi32, #tpu.memory_space<hbm>>
        tpu.enqueue_dma source(%dma_start3A_1508 : memref<128xi32, #tpu.memory_space<hbm>>) target(%dma_start3A_1506 : memref<128xi32, #tpu.memory_space<vmem>>) target_semaphore(%arg17 : memref<!tpu.dma_semaphore, #tpu.memory_space<semaphore_mem>>)
        %dma_start3A_1509 = arith.constant 1 : i32
        %dma_start3A_1510 = arith.constant 2 : i32
        %dma_start3A_1511 = arith.constant 0 : i32
        %dma_start3A_1512 = tpu.memref_slice %arg8[%dma_start3A_1510, %dma_start3A_1511] : memref<13x128xi32, #tpu.memory_space<vmem>> -> memref<1x128xi32, #tpu.memory_space<vmem>>
        %dma_start3A_1513 = tpu.memref_squeeze %dma_start3A_1512 : memref<1x128xi32, #tpu.memory_space<vmem>> -> memref<128xi32, #tpu.memory_space<vmem>>
        %dma_start3A_1514 = tpu.memref_slice %arg3[%dma_start3A_1509, %add3A_1459] : memref<2x320000xi32, #tpu.memory_space<hbm>> -> memref<1x128xi32, #tpu.memory_space<hbm>>
        %dma_start3A_1515 = tpu.memref_squeeze %dma_start3A_1514 : memref<1x128xi32, #tpu.memory_space<hbm>> -> memref<128xi32, #tpu.memory_space<hbm>>
        %dma_start3A_1516 = arith.constant 0 : i32
        %dma_start3A_1517 = tpu.memref_slice %arg8[%dma_start3A_1510, %dma_start3A_1516] : memref<13x128xi32, #tpu.memory_space<vmem>> -> memref<1x128xi32, #tpu.memory_space<vmem>>
        %dma_start3A_1518 = tpu.memref_squeeze %dma_start3A_1517 : memref<1x128xi32, #tpu.memory_space<vmem>> -> memref<128xi32, #tpu.memory_space<vmem>>
        %dma_start3A_1519 = tpu.memref_slice %arg3[%dma_start3A_1509, %add3A_1459] : memref<2x320000xi32, #tpu.memory_space<hbm>> -> memref<1x128xi32, #tpu.memory_space<hbm>>
        %dma_start3A_1520 = tpu.memref_squeeze %dma_start3A_1519 : memref<1x128xi32, #tpu.memory_space<hbm>> -> memref<128xi32, #tpu.memory_space<hbm>>
        tpu.enqueue_dma source(%dma_start3A_1520 : memref<128xi32, #tpu.memory_space<hbm>>) target(%dma_start3A_1518 : memref<128xi32, #tpu.memory_space<vmem>>) target_semaphore(%arg17 : memref<!tpu.dma_semaphore, #tpu.memory_space<semaphore_mem>>)
        %dma_start3A_1521 = arith.constant 1 : i32
        %dma_start3A_1522 = arith.constant 3 : i32
        %dma_start3A_1523 = arith.constant 0 : i32
        %dma_start3A_1524 = tpu.memref_slice %arg8[%dma_start3A_1522, %dma_start3A_1523] : memref<13x128xi32, #tpu.memory_space<vmem>> -> memref<1x128xi32, #tpu.memory_space<vmem>>
        %dma_start3A_1525 = tpu.memref_squeeze %dma_start3A_1524 : memref<1x128xi32, #tpu.memory_space<vmem>> -> memref<128xi32, #tpu.memory_space<vmem>>
        %dma_start3A_1526 = tpu.memref_slice %arg3[%dma_start3A_1521, %add3A_1461] : memref<2x320000xi32, #tpu.memory_space<hbm>> -> memref<1x128xi32, #tpu.memory_space<hbm>>
        %dma_start3A_1527 = tpu.memref_squeeze %dma_start3A_1526 : memref<1x128xi32, #tpu.memory_space<hbm>> -> memref<128xi32, #tpu.memory_space<hbm>>
        %dma_start3A_1528 = arith.constant 0 : i32
        %dma_start3A_1529 = tpu.memref_slice %arg8[%dma_start3A_1522, %dma_start3A_1528] : memref<13x128xi32, #tpu.memory_space<vmem>> -> memref<1x128xi32, #tpu.memory_space<vmem>>
        %dma_start3A_1530 = tpu.memref_squeeze %dma_start3A_1529 : memref<1x128xi32, #tpu.memory_space<vmem>> -> memref<128xi32, #tpu.memory_space<vmem>>
        %dma_start3A_1531 = tpu.memref_slice %arg3[%dma_start3A_1521, %add3A_1461] : memref<2x320000xi32, #tpu.memory_space<hbm>> -> memref<1x128xi32, #tpu.memory_space<hbm>>
        %dma_start3A_1532 = tpu.memref_squeeze %dma_start3A_1531 : memref<1x128xi32, #tpu.memory_space<hbm>> -> memref<128xi32, #tpu.memory_space<hbm>>
        tpu.enqueue_dma source(%dma_start3A_1532 : memref<128xi32, #tpu.memory_space<hbm>>) target(%dma_start3A_1530 : memref<128xi32, #tpu.memory_space<vmem>>) target_semaphore(%arg17 : memref<!tpu.dma_semaphore, #tpu.memory_space<semaphore_mem>>)
        %dma_start3A_1533 = arith.constant 1 : i32
        %dma_start3A_1534 = arith.constant 4 : i32
        %dma_start3A_1535 = arith.constant 0 : i32
        %dma_start3A_1536 = tpu.memref_slice %arg8[%dma_start3A_1534, %dma_start3A_1535] : memref<13x128xi32, #tpu.memory_space<vmem>> -> memref<1x128xi32, #tpu.memory_space<vmem>>
        %dma_start3A_1537 = tpu.memref_squeeze %dma_start3A_1536 : memref<1x128xi32, #tpu.memory_space<vmem>> -> memref<128xi32, #tpu.memory_space<vmem>>
        %dma_start3A_1538 = tpu.memref_slice %arg3[%dma_start3A_1533, %add3A_1463] : memref<2x320000xi32, #tpu.memory_space<hbm>> -> memref<1x128xi32, #tpu.memory_space<hbm>>
        %dma_start3A_1539 = tpu.memref_squeeze %dma_start3A_1538 : memref<1x128xi32, #tpu.memory_space<hbm>> -> memref<128xi32, #tpu.memory_space<hbm>>
        %dma_start3A_1540 = arith.constant 0 : i32
        %dma_start3A_1541 = tpu.memref_slice %arg8[%dma_start3A_1534, %dma_start3A_1540] : memref<13x128xi32, #tpu.memory_space<vmem>> -> memref<1x128xi32, #tpu.memory_space<vmem>>
        %dma_start3A_1542 = tpu.memref_squeeze %dma_start3A_1541 : memref<1x128xi32, #tpu.memory_space<vmem>> -> memref<128xi32, #tpu.memory_space<vmem>>
        %dma_start3A_1543 = tpu.memref_slice %arg3[%dma_start3A_1533, %add3A_1463] : memref<2x320000xi32, #tpu.memory_space<hbm>> -> memref<1x128xi32, #tpu.memory_space<hbm>>
        %dma_start3A_1544 = tpu.memref_squeeze %dma_start3A_1543 : memref<1x128xi32, #tpu.memory_space<hbm>> -> memref<128xi32, #tpu.memory_space<hbm>>
        tpu.enqueue_dma source(%dma_start3A_1544 : memref<128xi32, #tpu.memory_space<hbm>>) target(%dma_start3A_1542 : memref<128xi32, #tpu.memory_space<vmem>>) target_semaphore(%arg17 : memref<!tpu.dma_semaphore, #tpu.memory_space<semaphore_mem>>)
        %dma_start3A_1545 = arith.constant 1 : i32
        %dma_start3A_1546 = arith.constant 5 : i32
        %dma_start3A_1547 = arith.constant 0 : i32
        %dma_start3A_1548 = tpu.memref_slice %arg8[%dma_start3A_1546, %dma_start3A_1547] : memref<13x128xi32, #tpu.memory_space<vmem>> -> memref<1x128xi32, #tpu.memory_space<vmem>>
        %dma_start3A_1549 = tpu.memref_squeeze %dma_start3A_1548 : memref<1x128xi32, #tpu.memory_space<vmem>> -> memref<128xi32, #tpu.memory_space<vmem>>
        %dma_start3A_1550 = tpu.memref_slice %arg3[%dma_start3A_1545, %add3A_1465] : memref<2x320000xi32, #tpu.memory_space<hbm>> -> memref<1x128xi32, #tpu.memory_space<hbm>>
        %dma_start3A_1551 = tpu.memref_squeeze %dma_start3A_1550 : memref<1x128xi32, #tpu.memory_space<hbm>> -> memref<128xi32, #tpu.memory_space<hbm>>
        %dma_start3A_1552 = arith.constant 0 : i32
        %dma_start3A_1553 = tpu.memref_slice %arg8[%dma_start3A_1546, %dma_start3A_1552] : memref<13x128xi32, #tpu.memory_space<vmem>> -> memref<1x128xi32, #tpu.memory_space<vmem>>
        %dma_start3A_1554 = tpu.memref_squeeze %dma_start3A_1553 : memref<1x128xi32, #tpu.memory_space<vmem>> -> memref<128xi32, #tpu.memory_space<vmem>>
        %dma_start3A_1555 = tpu.memref_slice %arg3[%dma_start3A_1545, %add3A_1465] : memref<2x320000xi32, #tpu.memory_space<hbm>> -> memref<1x128xi32, #tpu.memory_space<hbm>>
        %dma_start3A_1556 = tpu.memref_squeeze %dma_start3A_1555 : memref<1x128xi32, #tpu.memory_space<hbm>> -> memref<128xi32, #tpu.memory_space<hbm>>
        tpu.enqueue_dma source(%dma_start3A_1556 : memref<128xi32, #tpu.memory_space<hbm>>) target(%dma_start3A_1554 : memref<128xi32, #tpu.memory_space<vmem>>) target_semaphore(%arg17 : memref<!tpu.dma_semaphore, #tpu.memory_space<semaphore_mem>>)
        %dma_start3A_1557 = arith.constant 1 : i32
        %dma_start3A_1558 = arith.constant 6 : i32
        %dma_start3A_1559 = arith.constant 0 : i32
        %dma_start3A_1560 = tpu.memref_slice %arg8[%dma_start3A_1558, %dma_start3A_1559] : memref<13x128xi32, #tpu.memory_space<vmem>> -> memref<1x128xi32, #tpu.memory_space<vmem>>
        %dma_start3A_1561 = tpu.memref_squeeze %dma_start3A_1560 : memref<1x128xi32, #tpu.memory_space<vmem>> -> memref<128xi32, #tpu.memory_space<vmem>>
        %dma_start3A_1562 = tpu.memref_slice %arg3[%dma_start3A_1557, %add3A_1467] : memref<2x320000xi32, #tpu.memory_space<hbm>> -> memref<1x128xi32, #tpu.memory_space<hbm>>
        %dma_start3A_1563 = tpu.memref_squeeze %dma_start3A_1562 : memref<1x128xi32, #tpu.memory_space<hbm>> -> memref<128xi32, #tpu.memory_space<hbm>>
        %dma_start3A_1564 = arith.constant 0 : i32
        %dma_start3A_1565 = tpu.memref_slice %arg8[%dma_start3A_1558, %dma_start3A_1564] : memref<13x128xi32, #tpu.memory_space<vmem>> -> memref<1x128xi32, #tpu.memory_space<vmem>>
        %dma_start3A_1566 = tpu.memref_squeeze %dma_start3A_1565 : memref<1x128xi32, #tpu.memory_space<vmem>> -> memref<128xi32, #tpu.memory_space<vmem>>
        %dma_start3A_1567 = tpu.memref_slice %arg3[%dma_start3A_1557, %add3A_1467] : memref<2x320000xi32, #tpu.memory_space<hbm>> -> memref<1x128xi32, #tpu.memory_space<hbm>>
        %dma_start3A_1568 = tpu.memref_squeeze %dma_start3A_1567 : memref<1x128xi32, #tpu.memory_space<hbm>> -> memref<128xi32, #tpu.memory_space<hbm>>
        tpu.enqueue_dma source(%dma_start3A_1568 : memref<128xi32, #tpu.memory_space<hbm>>) target(%dma_start3A_1566 : memref<128xi32, #tpu.memory_space<vmem>>) target_semaphore(%arg17 : memref<!tpu.dma_semaphore, #tpu.memory_space<semaphore_mem>>)
        %dma_start3A_1569 = arith.constant 1 : i32
        %dma_start3A_1570 = arith.constant 7 : i32
        %dma_start3A_1571 = arith.constant 0 : i32
        %dma_start3A_1572 = tpu.memref_slice %arg8[%dma_start3A_1570, %dma_start3A_1571] : memref<13x128xi32, #tpu.memory_space<vmem>> -> memref<1x128xi32, #tpu.memory_space<vmem>>
        %dma_start3A_1573 = tpu.memref_squeeze %dma_start3A_1572 : memref<1x128xi32, #tpu.memory_space<vmem>> -> memref<128xi32, #tpu.memory_space<vmem>>
        %dma_start3A_1574 = tpu.memref_slice %arg3[%dma_start3A_1569, %add3A_1469] : memref<2x320000xi32, #tpu.memory_space<hbm>> -> memref<1x128xi32, #tpu.memory_space<hbm>>
        %dma_start3A_1575 = tpu.memref_squeeze %dma_start3A_1574 : memref<1x128xi32, #tpu.memory_space<hbm>> -> memref<128xi32, #tpu.memory_space<hbm>>
        %dma_start3A_1576 = arith.constant 0 : i32
        %dma_start3A_1577 = tpu.memref_slice %arg8[%dma_start3A_1570, %dma_start3A_1576] : memref<13x128xi32, #tpu.memory_space<vmem>> -> memref<1x128xi32, #tpu.memory_space<vmem>>
        %dma_start3A_1578 = tpu.memref_squeeze %dma_start3A_1577 : memref<1x128xi32, #tpu.memory_space<vmem>> -> memref<128xi32, #tpu.memory_space<vmem>>
        %dma_start3A_1579 = tpu.memref_slice %arg3[%dma_start3A_1569, %add3A_1469] : memref<2x320000xi32, #tpu.memory_space<hbm>> -> memref<1x128xi32, #tpu.memory_space<hbm>>
        %dma_start3A_1580 = tpu.memref_squeeze %dma_start3A_1579 : memref<1x128xi32, #tpu.memory_space<hbm>> -> memref<128xi32, #tpu.memory_space<hbm>>
        tpu.enqueue_dma source(%dma_start3A_1580 : memref<128xi32, #tpu.memory_space<hbm>>) target(%dma_start3A_1578 : memref<128xi32, #tpu.memory_space<vmem>>) target_semaphore(%arg17 : memref<!tpu.dma_semaphore, #tpu.memory_space<semaphore_mem>>)
        %dma_start3A_1581 = arith.constant 1 : i32
        %dma_start3A_1582 = arith.constant 8 : i32
        %dma_start3A_1583 = arith.constant 0 : i32
        %dma_start3A_1584 = tpu.memref_slice %arg8[%dma_start3A_1582, %dma_start3A_1583] : memref<13x128xi32, #tpu.memory_space<vmem>> -> memref<1x128xi32, #tpu.memory_space<vmem>>
        %dma_start3A_1585 = tpu.memref_squeeze %dma_start3A_1584 : memref<1x128xi32, #tpu.memory_space<vmem>> -> memref<128xi32, #tpu.memory_space<vmem>>
        %dma_start3A_1586 = tpu.memref_slice %arg3[%dma_start3A_1581, %add3A_1471] : memref<2x320000xi32, #tpu.memory_space<hbm>> -> memref<1x128xi32, #tpu.memory_space<hbm>>
        %dma_start3A_1587 = tpu.memref_squeeze %dma_start3A_1586 : memref<1x128xi32, #tpu.memory_space<hbm>> -> memref<128xi32, #tpu.memory_space<hbm>>
        %dma_start3A_1588 = arith.constant 0 : i32
        %dma_start3A_1589 = tpu.memref_slice %arg8[%dma_start3A_1582, %dma_start3A_1588] : memref<13x128xi32, #tpu.memory_space<vmem>> -> memref<1x128xi32, #tpu.memory_space<vmem>>
        %dma_start3A_1590 = tpu.memref_squeeze %dma_start3A_1589 : memref<1x128xi32, #tpu.memory_space<vmem>> -> memref<128xi32, #tpu.memory_space<vmem>>
        %dma_start3A_1591 = tpu.memref_slice %arg3[%dma_start3A_1581, %add3A_1471] : memref<2x320000xi32, #tpu.memory_space<hbm>> -> memref<1x128xi32, #tpu.memory_space<hbm>>
        %dma_start3A_1592 = tpu.memref_squeeze %dma_start3A_1591 : memref<1x128xi32, #tpu.memory_space<hbm>> -> memref<128xi32, #tpu.memory_space<hbm>>
        tpu.enqueue_dma source(%dma_start3A_1592 : memref<128xi32, #tpu.memory_space<hbm>>) target(%dma_start3A_1590 : memref<128xi32, #tpu.memory_space<vmem>>) target_semaphore(%arg17 : memref<!tpu.dma_semaphore, #tpu.memory_space<semaphore_mem>>)
        %dma_start3A_1593 = arith.constant 1 : i32
        %dma_start3A_1594 = arith.constant 9 : i32
        %dma_start3A_1595 = arith.constant 0 : i32
        %dma_start3A_1596 = tpu.memref_slice %arg8[%dma_start3A_1594, %dma_start3A_1595] : memref<13x128xi32, #tpu.memory_space<vmem>> -> memref<1x128xi32, #tpu.memory_space<vmem>>
        %dma_start3A_1597 = tpu.memref_squeeze %dma_start3A_1596 : memref<1x128xi32, #tpu.memory_space<vmem>> -> memref<128xi32, #tpu.memory_space<vmem>>
        %dma_start3A_1598 = tpu.memref_slice %arg3[%dma_start3A_1593, %add3A_1473] : memref<2x320000xi32, #tpu.memory_space<hbm>> -> memref<1x128xi32, #tpu.memory_space<hbm>>
        %dma_start3A_1599 = tpu.memref_squeeze %dma_start3A_1598 : memref<1x128xi32, #tpu.memory_space<hbm>> -> memref<128xi32, #tpu.memory_space<hbm>>
        %dma_start3A_1600 = arith.constant 0 : i32
        %dma_start3A_1601 = tpu.memref_slice %arg8[%dma_start3A_1594, %dma_start3A_1600] : memref<13x128xi32, #tpu.memory_space<vmem>> -> memref<1x128xi32, #tpu.memory_space<vmem>>
        %dma_start3A_1602 = tpu.memref_squeeze %dma_start3A_1601 : memref<1x128xi32, #tpu.memory_space<vmem>> -> memref<128xi32, #tpu.memory_space<vmem>>
        %dma_start3A_1603 = tpu.memref_slice %arg3[%dma_start3A_1593, %add3A_1473] : memref<2x320000xi32, #tpu.memory_space<hbm>> -> memref<1x128xi32, #tpu.memory_space<hbm>>
        %dma_start3A_1604 = tpu.memref_squeeze %dma_start3A_1603 : memref<1x128xi32, #tpu.memory_space<hbm>> -> memref<128xi32, #tpu.memory_space<hbm>>
        tpu.enqueue_dma source(%dma_start3A_1604 : memref<128xi32, #tpu.memory_space<hbm>>) target(%dma_start3A_1602 : memref<128xi32, #tpu.memory_space<vmem>>) target_semaphore(%arg17 : memref<!tpu.dma_semaphore, #tpu.memory_space<semaphore_mem>>)
        %dma_start3A_1605 = arith.constant 1 : i32
        %dma_start3A_1606 = arith.constant 10 : i32
        %dma_start3A_1607 = arith.constant 0 : i32
        %dma_start3A_1608 = tpu.memref_slice %arg8[%dma_start3A_1606, %dma_start3A_1607] : memref<13x128xi32, #tpu.memory_space<vmem>> -> memref<1x128xi32, #tpu.memory_space<vmem>>
        %dma_start3A_1609 = tpu.memref_squeeze %dma_start3A_1608 : memref<1x128xi32, #tpu.memory_space<vmem>> -> memref<128xi32, #tpu.memory_space<vmem>>
        %dma_start3A_1610 = tpu.memref_slice %arg3[%dma_start3A_1605, %add3A_1475] : memref<2x320000xi32, #tpu.memory_space<hbm>> -> memref<1x128xi32, #tpu.memory_space<hbm>>
        %dma_start3A_1611 = tpu.memref_squeeze %dma_start3A_1610 : memref<1x128xi32, #tpu.memory_space<hbm>> -> memref<128xi32, #tpu.memory_space<hbm>>
        %dma_start3A_1612 = arith.constant 0 : i32
        %dma_start3A_1613 = tpu.memref_slice %arg8[%dma_start3A_1606, %dma_start3A_1612] : memref<13x128xi32, #tpu.memory_space<vmem>> -> memref<1x128xi32, #tpu.memory_space<vmem>>
        %dma_start3A_1614 = tpu.memref_squeeze %dma_start3A_1613 : memref<1x128xi32, #tpu.memory_space<vmem>> -> memref<128xi32, #tpu.memory_space<vmem>>
        %dma_start3A_1615 = tpu.memref_slice %arg3[%dma_start3A_1605, %add3A_1475] : memref<2x320000xi32, #tpu.memory_space<hbm>> -> memref<1x128xi32, #tpu.memory_space<hbm>>
        %dma_start3A_1616 = tpu.memref_squeeze %dma_start3A_1615 : memref<1x128xi32, #tpu.memory_space<hbm>> -> memref<128xi32, #tpu.memory_space<hbm>>
        tpu.enqueue_dma source(%dma_start3A_1616 : memref<128xi32, #tpu.memory_space<hbm>>) target(%dma_start3A_1614 : memref<128xi32, #tpu.memory_space<vmem>>) target_semaphore(%arg17 : memref<!tpu.dma_semaphore, #tpu.memory_space<semaphore_mem>>)
        %dma_start3A_1617 = arith.constant 1 : i32
        %dma_start3A_1618 = arith.constant 11 : i32
        %dma_start3A_1619 = arith.constant 0 : i32
        %dma_start3A_1620 = tpu.memref_slice %arg8[%dma_start3A_1618, %dma_start3A_1619] : memref<13x128xi32, #tpu.memory_space<vmem>> -> memref<1x128xi32, #tpu.memory_space<vmem>>
        %dma_start3A_1621 = tpu.memref_squeeze %dma_start3A_1620 : memref<1x128xi32, #tpu.memory_space<vmem>> -> memref<128xi32, #tpu.memory_space<vmem>>
        %dma_start3A_1622 = tpu.memref_slice %arg3[%dma_start3A_1617, %add3A_1477] : memref<2x320000xi32, #tpu.memory_space<hbm>> -> memref<1x128xi32, #tpu.memory_space<hbm>>
        %dma_start3A_1623 = tpu.memref_squeeze %dma_start3A_1622 : memref<1x128xi32, #tpu.memory_space<hbm>> -> memref<128xi32, #tpu.memory_space<hbm>>
        %dma_start3A_1624 = arith.constant 0 : i32
        %dma_start3A_1625 = tpu.memref_slice %arg8[%dma_start3A_1618, %dma_start3A_1624] : memref<13x128xi32, #tpu.memory_space<vmem>> -> memref<1x128xi32, #tpu.memory_space<vmem>>
        %dma_start3A_1626 = tpu.memref_squeeze %dma_start3A_1625 : memref<1x128xi32, #tpu.memory_space<vmem>> -> memref<128xi32, #tpu.memory_space<vmem>>
        %dma_start3A_1627 = tpu.memref_slice %arg3[%dma_start3A_1617, %add3A_1477] : memref<2x320000xi32, #tpu.memory_space<hbm>> -> memref<1x128xi32, #tpu.memory_space<hbm>>
        %dma_start3A_1628 = tpu.memref_squeeze %dma_start3A_1627 : memref<1x128xi32, #tpu.memory_space<hbm>> -> memref<128xi32, #tpu.memory_space<hbm>>
        tpu.enqueue_dma source(%dma_start3A_1628 : memref<128xi32, #tpu.memory_space<hbm>>) target(%dma_start3A_1626 : memref<128xi32, #tpu.memory_space<vmem>>) target_semaphore(%arg17 : memref<!tpu.dma_semaphore, #tpu.memory_space<semaphore_mem>>)
        %dma_start3A_1629 = arith.constant 1 : i32
        %dma_start3A_1630 = arith.constant 12 : i32
        %dma_start3A_1631 = arith.constant 0 : i32
        %dma_start3A_1632 = tpu.memref_slice %arg8[%dma_start3A_1630, %dma_start3A_1631] : memref<13x128xi32, #tpu.memory_space<vmem>> -> memref<1x128xi32, #tpu.memory_space<vmem>>
        %dma_start3A_1633 = tpu.memref_squeeze %dma_start3A_1632 : memref<1x128xi32, #tpu.memory_space<vmem>> -> memref<128xi32, #tpu.memory_space<vmem>>
        %dma_start3A_1634 = tpu.memref_slice %arg3[%dma_start3A_1629, %add3A_1479] : memref<2x320000xi32, #tpu.memory_space<hbm>> -> memref<1x128xi32, #tpu.memory_space<hbm>>
        %dma_start3A_1635 = tpu.memref_squeeze %dma_start3A_1634 : memref<1x128xi32, #tpu.memory_space<hbm>> -> memref<128xi32, #tpu.memory_space<hbm>>
        %dma_start3A_1636 = arith.constant 0 : i32
        %dma_start3A_1637 = tpu.memref_slice %arg8[%dma_start3A_1630, %dma_start3A_1636] : memref<13x128xi32, #tpu.memory_space<vmem>> -> memref<1x128xi32, #tpu.memory_space<vmem>>
        %dma_start3A_1638 = tpu.memref_squeeze %dma_start3A_1637 : memref<1x128xi32, #tpu.memory_space<vmem>> -> memref<128xi32, #tpu.memory_space<vmem>>
        %dma_start3A_1639 = tpu.memref_slice %arg3[%dma_start3A_1629, %add3A_1479] : memref<2x320000xi32, #tpu.memory_space<hbm>> -> memref<1x128xi32, #tpu.memory_space<hbm>>
        %dma_start3A_1640 = tpu.memref_squeeze %dma_start3A_1639 : memref<1x128xi32, #tpu.memory_space<hbm>> -> memref<128xi32, #tpu.memory_space<hbm>>
        tpu.enqueue_dma source(%dma_start3A_1640 : memref<128xi32, #tpu.memory_space<hbm>>) target(%dma_start3A_1638 : memref<128xi32, #tpu.memory_space<vmem>>) target_semaphore(%arg17 : memref<!tpu.dma_semaphore, #tpu.memory_space<semaphore_mem>>)
      } else {
      }
    }
    %scan3A_592 = arith.constant 3 : i32
    %dma_wait3A_593 = arith.constant 0 : i32
    %dma_wait3A_594 = arith.constant 0 : i32
    %dma_wait3A_595 = tpu.memref_slice %arg7[%dma_wait3A_593, %dma_wait3A_594] : memref<13x128xi32, #tpu.memory_space<vmem>> -> memref<1x128xi32, #tpu.memory_space<vmem>>
    %dma_wait3A_596 = tpu.memref_squeeze %dma_wait3A_595 : memref<1x128xi32, #tpu.memory_space<vmem>> -> memref<128xi32, #tpu.memory_space<vmem>>
    %dma_wait3A_597 = arith.constant 0 : i32
    %dma_wait3A_598 = arith.constant 0 : i32
    %dma_wait3A_599 = tpu.memref_slice %arg11[%dma_wait3A_597, %dma_wait3A_598] : memref<10240x128xf32, #tpu.memory_space<vmem_shared>> -> memref<10240x128xf32, #tpu.memory_space<vmem_shared>>
    tpu.wait_indirect_dma semaphore(%arg14 : memref<!tpu.dma_semaphore, #tpu.memory_space<semaphore_mem>>) src(%arg9 : memref<128x128xf32, #tpu.memory_space<vmem>>) dst(%dma_wait3A_599 : memref<10240x128xf32, #tpu.memory_space<vmem_shared>>)
    %dma_wait3A_600 = arith.constant 0 : i32
    %dma_wait3A_601 = arith.constant 0 : i32
    %dma_wait3A_602 = tpu.memref_slice %arg7[%dma_wait3A_600, %dma_wait3A_601] : memref<13x128xi32, #tpu.memory_space<vmem>> -> memref<1x128xi32, #tpu.memory_space<vmem>>
    %dma_wait3A_603 = tpu.memref_squeeze %dma_wait3A_602 : memref<1x128xi32, #tpu.memory_space<vmem>> -> memref<128xi32, #tpu.memory_space<vmem>>
    %dma_wait3A_604 = arith.constant 0 : i32
    %dma_wait3A_605 = arith.constant 0 : i32
    %dma_wait3A_606 = tpu.memref_slice %arg11[%dma_wait3A_604, %dma_wait3A_605] : memref<10240x128xf32, #tpu.memory_space<vmem_shared>> -> memref<10240x128xf32, #tpu.memory_space<vmem_shared>>
    tpu.wait_indirect_dma semaphore(%arg15 : memref<!tpu.dma_semaphore, #tpu.memory_space<semaphore_mem>>) src(%arg10 : memref<128x128xf32, #tpu.memory_space<vmem>>) dst(%dma_wait3A_606 : memref<10240x128xf32, #tpu.memory_space<vmem_shared>>)
    %sub3A = arith.constant 24 : i32
    %sub3A_607 = arith.subi %add3A, %sub3A : i32
    %ge3A = arith.constant 0 : i32
    %ge3A_608 = arith.cmpi sge, %sub3A_607, %ge3A : i32
    %lt3A = arith.constant 4 : i32
    %lt3A_609 = arith.cmpi slt, %sub3A_607, %lt3A : i32
    %and3A = arith.andi %ge3A_608, %lt3A_609 : i1
    %convert_element_type3A = arith.extui %and3A : i1 to i32
    %cond3A = arith.constant 0 : i32
    %cond3A_610 = arith.cmpi ne, %convert_element_type3A, %cond3A : i32
    scf.if %cond3A_610 {
      %add3A_616 = arith.constant 2496 : i32
      %add3A_617 = arith.addi %add3A_616, %sub3A_607 : i32
      %mul3A_618 = arith.constant 128 : i32
      %mul3A_619 = arith.muli %add3A_617, %mul3A_618 : i32
      %run_scoped3A = arith.constant 0 : i32
      "tpu.region"() ({
        %run_scoped3A_623 = tpu.sem_alloc : memref<!tpu.dma_semaphore, #tpu.memory_space<semaphore_mem>>
        %dma_start3A_624 = arith.constant 0 : i32
        %dma_start3A_625 = tpu.memref_slice %arg5[%dma_start3A_624] : memref<1664xi32, #tpu.memory_space<vmem>> -> memref<128xi32, #tpu.memory_space<vmem>>
        %dma_start3A_626 = tpu.memref_slice %arg3[%run_scoped3A, %mul3A_619] : memref<2x320000xi32, #tpu.memory_space<hbm>> -> memref<1x128xi32, #tpu.memory_space<hbm>>
        %dma_start3A_627 = tpu.memref_squeeze %dma_start3A_626 : memref<1x128xi32, #tpu.memory_space<hbm>> -> memref<128xi32, #tpu.memory_space<hbm>>
        %dma_start3A_628 = arith.constant 0 : i32
        %dma_start3A_629 = tpu.memref_slice %arg5[%dma_start3A_628] : memref<1664xi32, #tpu.memory_space<vmem>> -> memref<128xi32, #tpu.memory_space<vmem>>
        %dma_start3A_630 = tpu.memref_slice %arg3[%run_scoped3A, %mul3A_619] : memref<2x320000xi32, #tpu.memory_space<hbm>> -> memref<1x128xi32, #tpu.memory_space<hbm>>
        %dma_start3A_631 = tpu.memref_squeeze %dma_start3A_630 : memref<1x128xi32, #tpu.memory_space<hbm>> -> memref<128xi32, #tpu.memory_space<hbm>>
        tpu.enqueue_dma source(%dma_start3A_631 : memref<128xi32, #tpu.memory_space<hbm>>) target(%dma_start3A_629 : memref<128xi32, #tpu.memory_space<vmem>>) target_semaphore(%run_scoped3A_623 : memref<!tpu.dma_semaphore, #tpu.memory_space<semaphore_mem>>)
        %dma_wait3A_632 = arith.constant 0 : i32
        %dma_wait3A_633 = tpu.memref_slice %arg5[%dma_wait3A_632] : memref<1664xi32, #tpu.memory_space<vmem>> -> memref<128xi32, #tpu.memory_space<vmem>>
        %dma_wait3A_634 = tpu.memref_slice %arg3[%run_scoped3A, %mul3A_619] : memref<2x320000xi32, #tpu.memory_space<hbm>> -> memref<1x128xi32, #tpu.memory_space<hbm>>
        %dma_wait3A_635 = tpu.memref_squeeze %dma_wait3A_634 : memref<1x128xi32, #tpu.memory_space<hbm>> -> memref<128xi32, #tpu.memory_space<hbm>>
        %dma_wait3A_636 = arith.constant 0 : i32
        %dma_wait3A_637 = tpu.memref_slice %arg5[%dma_wait3A_636] : memref<1664xi32, #tpu.memory_space<vmem>> -> memref<128xi32, #tpu.memory_space<vmem>>
        %dma_wait3A_638 = tpu.memref_slice %arg3[%run_scoped3A, %mul3A_619] : memref<2x320000xi32, #tpu.memory_space<hbm>> -> memref<1x128xi32, #tpu.memory_space<hbm>>
        %dma_wait3A_639 = tpu.memref_squeeze %dma_wait3A_638 : memref<1x128xi32, #tpu.memory_space<hbm>> -> memref<128xi32, #tpu.memory_space<hbm>>
        tpu.wait_dma2 semaphore(%run_scoped3A_623 : memref<!tpu.dma_semaphore, #tpu.memory_space<semaphore_mem>>) src(%dma_wait3A_639 : memref<128xi32, #tpu.memory_space<hbm>>) dst(%dma_wait3A_637 : memref<128xi32, #tpu.memory_space<vmem>>)
        tpu.yield
      }) : () -> ()
      %run_scoped3A_620 = arith.constant 1 : i32
      %run_scoped3A_621 = arith.constant 0 : i32
      "tpu.region"() ({
        %run_scoped3A_623 = tpu.sem_alloc : memref<!tpu.dma_semaphore, #tpu.memory_space<semaphore_mem>>
        %dma_start3A_624 = arith.constant 0 : i32
        %dma_start3A_625 = tpu.memref_slice %arg7[%run_scoped3A_621, %dma_start3A_624] : memref<13x128xi32, #tpu.memory_space<vmem>> -> memref<1x128xi32, #tpu.memory_space<vmem>>
        %dma_start3A_626 = tpu.memref_squeeze %dma_start3A_625 : memref<1x128xi32, #tpu.memory_space<vmem>> -> memref<128xi32, #tpu.memory_space<vmem>>
        %dma_start3A_627 = tpu.memref_slice %arg3[%run_scoped3A_620, %mul3A_619] : memref<2x320000xi32, #tpu.memory_space<hbm>> -> memref<1x128xi32, #tpu.memory_space<hbm>>
        %dma_start3A_628 = tpu.memref_squeeze %dma_start3A_627 : memref<1x128xi32, #tpu.memory_space<hbm>> -> memref<128xi32, #tpu.memory_space<hbm>>
        %dma_start3A_629 = arith.constant 0 : i32
        %dma_start3A_630 = tpu.memref_slice %arg7[%run_scoped3A_621, %dma_start3A_629] : memref<13x128xi32, #tpu.memory_space<vmem>> -> memref<1x128xi32, #tpu.memory_space<vmem>>
        %dma_start3A_631 = tpu.memref_squeeze %dma_start3A_630 : memref<1x128xi32, #tpu.memory_space<vmem>> -> memref<128xi32, #tpu.memory_space<vmem>>
        %dma_start3A_632 = tpu.memref_slice %arg3[%run_scoped3A_620, %mul3A_619] : memref<2x320000xi32, #tpu.memory_space<hbm>> -> memref<1x128xi32, #tpu.memory_space<hbm>>
        %dma_start3A_633 = tpu.memref_squeeze %dma_start3A_632 : memref<1x128xi32, #tpu.memory_space<hbm>> -> memref<128xi32, #tpu.memory_space<hbm>>
        tpu.enqueue_dma source(%dma_start3A_633 : memref<128xi32, #tpu.memory_space<hbm>>) target(%dma_start3A_631 : memref<128xi32, #tpu.memory_space<vmem>>) target_semaphore(%run_scoped3A_623 : memref<!tpu.dma_semaphore, #tpu.memory_space<semaphore_mem>>)
        %dma_wait3A_634 = arith.constant 0 : i32
        %dma_wait3A_635 = tpu.memref_slice %arg7[%run_scoped3A_621, %dma_wait3A_634] : memref<13x128xi32, #tpu.memory_space<vmem>> -> memref<1x128xi32, #tpu.memory_space<vmem>>
        %dma_wait3A_636 = tpu.memref_squeeze %dma_wait3A_635 : memref<1x128xi32, #tpu.memory_space<vmem>> -> memref<128xi32, #tpu.memory_space<vmem>>
        %dma_wait3A_637 = tpu.memref_slice %arg3[%run_scoped3A_620, %mul3A_619] : memref<2x320000xi32, #tpu.memory_space<hbm>> -> memref<1x128xi32, #tpu.memory_space<hbm>>
        %dma_wait3A_638 = tpu.memref_squeeze %dma_wait3A_637 : memref<1x128xi32, #tpu.memory_space<hbm>> -> memref<128xi32, #tpu.memory_space<hbm>>
        %dma_wait3A_639 = arith.constant 0 : i32
        %dma_wait3A_640 = tpu.memref_slice %arg7[%run_scoped3A_621, %dma_wait3A_639] : memref<13x128xi32, #tpu.memory_space<vmem>> -> memref<1x128xi32, #tpu.memory_space<vmem>>
        %dma_wait3A_641 = tpu.memref_squeeze %dma_wait3A_640 : memref<1x128xi32, #tpu.memory_space<vmem>> -> memref<128xi32, #tpu.memory_space<vmem>>
        %dma_wait3A_642 = tpu.memref_slice %arg3[%run_scoped3A_620, %mul3A_619] : memref<2x320000xi32, #tpu.memory_space<hbm>> -> memref<1x128xi32, #tpu.memory_space<hbm>>
        %dma_wait3A_643 = tpu.memref_squeeze %dma_wait3A_642 : memref<1x128xi32, #tpu.memory_space<hbm>> -> memref<128xi32, #tpu.memory_space<hbm>>
        tpu.wait_dma2 semaphore(%run_scoped3A_623 : memref<!tpu.dma_semaphore, #tpu.memory_space<semaphore_mem>>) src(%dma_wait3A_643 : memref<128xi32, #tpu.memory_space<hbm>>) dst(%dma_wait3A_641 : memref<128xi32, #tpu.memory_space<vmem>>)
        tpu.yield
      }) : () -> ()
      "tpu.region"() ({
        %run_scoped3A_623 = tpu.sem_alloc : memref<!tpu.dma_semaphore, #tpu.memory_space<semaphore_mem>>
        %dma_start3A_624 = arith.constant 0 : i32
        %dma_start3A_625 = tpu.memref_slice %arg5[%dma_start3A_624] : memref<1664xi32, #tpu.memory_space<vmem>> -> memref<128xi32, #tpu.memory_space<vmem>>
        %dma_start3A_626 = arith.constant 0 : i32
        %dma_start3A_627 = arith.constant 0 : i32
        %dma_start3A_628 = tpu.memref_slice %arg2[%dma_start3A_626, %dma_start3A_627] : memref<10000x128xf32, #tpu.memory_space<hbm>> -> memref<10000x128xf32, #tpu.memory_space<hbm>>
        tpu.enqueue_indirect_dma source(%dma_start3A_628 : memref<10000x128xf32, #tpu.memory_space<hbm>>) target(%arg9 : memref<128x128xf32, #tpu.memory_space<vmem>>) offsets(%dma_start3A_625 : memref<128xi32, #tpu.memory_space<vmem>>) semaphore(%run_scoped3A_623 : memref<!tpu.dma_semaphore, #tpu.memory_space<semaphore_mem>>)
        %dma_wait3A_629 = arith.constant 0 : i32
        %dma_wait3A_630 = tpu.memref_slice %arg5[%dma_wait3A_629] : memref<1664xi32, #tpu.memory_space<vmem>> -> memref<128xi32, #tpu.memory_space<vmem>>
        %dma_wait3A_631 = arith.constant 0 : i32
        %dma_wait3A_632 = arith.constant 0 : i32
        %dma_wait3A_633 = tpu.memref_slice %arg2[%dma_wait3A_631, %dma_wait3A_632] : memref<10000x128xf32, #tpu.memory_space<hbm>> -> memref<10000x128xf32, #tpu.memory_space<hbm>>
        tpu.wait_indirect_dma semaphore(%run_scoped3A_623 : memref<!tpu.dma_semaphore, #tpu.memory_space<semaphore_mem>>) src(%dma_wait3A_633 : memref<10000x128xf32, #tpu.memory_space<hbm>>) dst(%arg9 : memref<128x128xf32, #tpu.memory_space<vmem>>)
        tpu.yield
      }) : () -> ()
      %run_scoped3A_622 = arith.constant 0 : i32
      "tpu.region"() ({
        %run_scoped3A_623 = tpu.sem_alloc : memref<!tpu.dma_semaphore, #tpu.memory_space<semaphore_mem>>
        %dma_start3A_624 = arith.constant 0 : i32
        %dma_start3A_625 = tpu.memref_slice %arg7[%run_scoped3A_622, %dma_start3A_624] : memref<13x128xi32, #tpu.memory_space<vmem>> -> memref<1x128xi32, #tpu.memory_space<vmem>>
        %dma_start3A_626 = tpu.memref_squeeze %dma_start3A_625 : memref<1x128xi32, #tpu.memory_space<vmem>> -> memref<128xi32, #tpu.memory_space<vmem>>
        %dma_start3A_627 = arith.constant 0 : i32
        %dma_start3A_628 = arith.constant 0 : i32
        %dma_start3A_629 = tpu.memref_slice %arg11[%dma_start3A_627, %dma_start3A_628] : memref<10240x128xf32, #tpu.memory_space<vmem_shared>> -> memref<10240x128xf32, #tpu.memory_space<vmem_shared>>
        tpu.enqueue_indirect_dma source(%arg9 : memref<128x128xf32, #tpu.memory_space<vmem>>) target(%dma_start3A_629 : memref<10240x128xf32, #tpu.memory_space<vmem_shared>>) offsets(%dma_start3A_626 : memref<128xi32, #tpu.memory_space<vmem>>) semaphore(%run_scoped3A_623 : memref<!tpu.dma_semaphore, #tpu.memory_space<semaphore_mem>>) {add = true}
        %dma_wait3A_630 = arith.constant 0 : i32
        %dma_wait3A_631 = tpu.memref_slice %arg7[%run_scoped3A_622, %dma_wait3A_630] : memref<13x128xi32, #tpu.memory_space<vmem>> -> memref<1x128xi32, #tpu.memory_space<vmem>>
        %dma_wait3A_632 = tpu.memref_squeeze %dma_wait3A_631 : memref<1x128xi32, #tpu.memory_space<vmem>> -> memref<128xi32, #tpu.memory_space<vmem>>
        %dma_wait3A_633 = arith.constant 0 : i32
        %dma_wait3A_634 = arith.constant 0 : i32
        %dma_wait3A_635 = tpu.memref_slice %arg11[%dma_wait3A_633, %dma_wait3A_634] : memref<10240x128xf32, #tpu.memory_space<vmem_shared>> -> memref<10240x128xf32, #tpu.memory_space<vmem_shared>>
        tpu.wait_indirect_dma semaphore(%run_scoped3A_623 : memref<!tpu.dma_semaphore, #tpu.memory_space<semaphore_mem>>) src(%arg9 : memref<128x128xf32, #tpu.memory_space<vmem>>) dst(%dma_wait3A_635 : memref<10240x128xf32, #tpu.memory_space<vmem_shared>>)
        tpu.yield
      }) : () -> ()
    } else {
    }
    %barrier3A_611 = arith.constant 0 : index
    tpu.barrier barrier_id(%barrier3A_611)
    %mul3A_612 = arith.constant 640 : i32
    %mul3A_613 = arith.muli %arg1, %mul3A_612 : i32
    %mul3A_614 = arith.constant 640 : i32
    %mul3A_615 = arith.muli %arg1, %mul3A_614 : i32
    "tpu.region"() ({
      %run_scoped3A = tpu.sem_alloc : memref<!tpu.dma_semaphore, #tpu.memory_space<semaphore_mem>>
      %dma_start3A_616 = arith.constant 0 : i32
      %dma_start3A_617 = tpu.memref_slice %arg4[%arg0, %mul3A_615, %dma_start3A_616] : memref<2x10240x128xf32, #tpu.memory_space<hbm>> -> memref<1x640x128xf32, #tpu.memory_space<hbm>>
      %dma_start3A_618 = tpu.memref_squeeze %dma_start3A_617 : memref<1x640x128xf32, #tpu.memory_space<hbm>> -> memref<640x128xf32, #tpu.memory_space<hbm>>
      %dma_start3A_619 = arith.constant 0 : i32
      %dma_start3A_620 = tpu.memref_slice %arg11[%mul3A_613, %dma_start3A_619] : memref<10240x128xf32, #tpu.memory_space<vmem_shared>> -> memref<640x128xf32, #tpu.memory_space<vmem_shared>>
      tpu.enqueue_dma source(%dma_start3A_620 : memref<640x128xf32, #tpu.memory_space<vmem_shared>>) target(%dma_start3A_618 : memref<640x128xf32, #tpu.memory_space<hbm>>) target_semaphore(%run_scoped3A : memref<!tpu.dma_semaphore, #tpu.memory_space<semaphore_mem>>)
      %dma_wait3A_621 = arith.constant 0 : i32
      %dma_wait3A_622 = tpu.memref_slice %arg4[%arg0, %mul3A_615, %dma_wait3A_621] : memref<2x10240x128xf32, #tpu.memory_space<hbm>> -> memref<1x640x128xf32, #tpu.memory_space<hbm>>
      %dma_wait3A_623 = tpu.memref_squeeze %dma_wait3A_622 : memref<1x640x128xf32, #tpu.memory_space<hbm>> -> memref<640x128xf32, #tpu.memory_space<hbm>>
      %dma_wait3A_624 = arith.constant 0 : i32
      %dma_wait3A_625 = tpu.memref_slice %arg11[%mul3A_613, %dma_wait3A_624] : memref<10240x128xf32, #tpu.memory_space<vmem_shared>> -> memref<640x128xf32, #tpu.memory_space<vmem_shared>>
      tpu.wait_dma2 semaphore(%run_scoped3A : memref<!tpu.dma_semaphore, #tpu.memory_space<semaphore_mem>>) src(%dma_wait3A_625 : memref<640x128xf32, #tpu.memory_space<vmem_shared>>) dst(%dma_wait3A_623 : memref<640x128xf32, #tpu.memory_space<hbm>>)
      tpu.yield
    }) : () -> ()
    return
  }
}

</mosaic_0001>

<sc_bundles>
// kernel: _sc_scatter.3.cloned.1.call-start
scs
__scs_entry_jumppad:
0x0: {  	(pc) =	sbr.rel $0x88, $3  }
0x1: {  	(tag) =	ssettag $0x0;
	lr =	simm.s32 $0x1  }
0x2: {  	[smem:$0x3F9F] =	sst lr;
	_ =	strace $0xD0000000  }
0x3: {  	_ = 	snop  }
0x4: {  	_ = 	snop  }
0x5: {  	_ = 	snop  }
0x6: {  	_ = 	snop  }
0x7: {  	_ = 	snop  }
__scs_overlays_trampoline_lowered:
0x8: {  	[smem:$0x3FAE] =	sst s0  }
0x9: {  	[smem:$0x3FAF] =	sst s1  }
0xa: {  	[smem:$0x3FB0] =	sst s2  }
0xb: {  	[smem:$0x3FB1] =	sst s3  }
0xc: {  	[smem:$0x3FB2] =	sst s4  }
0xd: {  	[smem:$0x3FB3] =	sst s5  }
0xe: {  	[smem:$0x3FB4] =	sst s6  }
0xf: {  	[smem:$0x3FB5] =	sst s7  }
0x10: {  	[smem:$0x3FB6] =	sst s8  }
0x11: {  	[smem:$0x3FB7] =	sst s9;
	s0 =	simm.s32 @!p0 $0x0  }
0x12: {  	s1 =	sld [smem:$0x3F9D];
	s0 =	simm.s32 @p0 $0x1  }
0x13: {  	[smem:$0x3FB8] =	sst s0;
	s0 =	simm.s32 @!p1 $0x0  }
0x14: {  	s2 =	sld [smem:$0x3F9C];
	s0 =	simm.s32 @p1 $0x1  }
0x15: {  	[smem:$0x3FB9] =	sst s0;
	s0 =	simm.s32 @!p2 $0x0  }
0x16: {  	s3 =	sld [smem:$0x3FDB];
	s0 =	simm.s32 @p2 $0x1  }
0x17: {  	s4 =	simm.s32 $0x1BF5;
	[smem:$0x3FBB] =	sst s0  }
0x18: {  	s0 =	sld [smem:$0x3F9E];
	_ =	swait.ge [sflag:s4], $0x0  }
0x19: {  	s7 =	sld [smem:$0x3F9F]  }
0x1a: {  	s8 =	sadd.s32 $0xFFFFE003, lr  }
0x1b: {  	s9 =	sadd.s32 $0xFFFFFEF7, lr;
	s5 =	simm.s32 $0xFFFFFFFF;
	p2 =	slt.u32 s8, $0xFFFFF086  }
0x1c: {  	p1 =	slt.u32 s9, $0xF7A;
	s5 =	simm.s32 @!p2 $0x0  }
0x1d: {  	s5 =	simm.s32 @p1 $0x1;
	p0 =	seq.s32 s7, s2  }
0x1e: {  	s7 =	smul.u32 @!p0 $0xF7A, s2;
	p2 =	seq.s32 @!p0 s5, $0x0  }
0x1f: {  	s9 =	smul.u32 $0xF7A, s1;
	s8 =	simm.s32 @!p0 $0x1BF5;
	p2 =	por !p2, p0  }
0x20: {  	[sflag:s8] =	ssyncset.s32 @!p0 $0xFFFFF086;
	s6 =	sadd.s32 @!p0 s3, s7;
	s7 =	simm.s32 @!p0 $0x108  }
0x21: {  	s3 =	sadd.s32 s3, s9;
	s6 =	sadd.s32 @!p0 $0x88, s6;
	s7 =	simm.s32 @p2 $0x1082  }
0x22: {  	[simem:s7], [sflag:s8] =	dma.local @!p0 [hbm:s6], $0xF7A  }
0x23: {  	s9 =	sor.u32 $0xD0000000, s2;
	s6 =	simm.s32 $0x108;
	_ =	swait.ge @!p0 [sflag:s8], $0x0  }
0x24: {  	s3 =	sadd.s32 $0x88, s3;
	s6 =	simm.s32 @!p1 $0x1082;
	[sflag:s4] =	ssyncset.s32 $0xFFFFF086  }
0x25: {  	[simem:s6], [sflag:s4] =	dma.local [hbm:s3], $0xF7A  }
0x26: {  	[smem:$0x3F9F] =	sst s1;
	(tag) =	ssettag s2;
	_ =	strace s9  }
0x27: {  	s1 =	sld [smem:$0x3FAF]  }
0x28: {  	s2 =	sld [smem:$0x3FB0]  }
0x29: {  	s4 =	sld [smem:$0x3FB2]  }
0x2a: {  	p0 =	seq.s32 s5, $0x0;
	s5 =	sld [smem:$0x3FB3]  }
0x2b: {  	s6 =	sld [smem:$0x3FB4]  }
0x2c: {  	s7 =	sld [smem:$0x3FB5]  }
0x2d: {  	s3 =	simm.s32 $0x108;
	s8 =	sld [smem:$0x3FB6]  }
0x2e: {  	s3 =	simm.s32 @!p0 $0x1082;
	s9 =	sld [smem:$0x3FB7]  }
0x2f: {  	lr =	sadd.s32 s0, s3;
	s0 =	sld [smem:$0x3FAE]  }
0x30: {  	s3 =	sld [smem:$0x3FB1]  }
0x31: {  	[smem:$0x3FBA] =	sst s10  }
0x32: {  	s10 =	sld [smem:$0x3FB8];
	_ =	sdelay $0x3  }
0x33: {  	p0 =	seq.s32 s10, $0x1;
	s10 =	sld [smem:$0x3FBA];
	_ =	sdelay $0x3  }
0x34: {  	[smem:$0x3FBA] =	sst s10  }
0x35: {  	s10 =	sld [smem:$0x3FB9];
	_ =	sdelay $0x3  }
0x36: {  	p1 =	seq.s32 s10, $0x1;
	s10 =	sld [smem:$0x3FBA];
	_ =	sdelay $0x3  }
0x37: {  	[smem:$0x3FBA] =	sst s10  }
0x38: {  	s10 =	sld [smem:$0x3FBB]  }
0x39: {  	_ = 	snop;
	(pc) =	sbr.ind lr, $3  }
0x3a: {  	_ = 	snop  }
0x3b: {  	_ = 	snop  }
0x3c: {  	p2 =	seq.s32 s10, $0x1;
	s10 =	sld [smem:$0x3FBA]  }
0x3d: {  	_ =	shalt  }
0x3e: {  	_ =	shalt  }
0x3f: {  	_ =	shalt  }
0x40: {  	_ =	shalt  }
0x41: {  	_ =	shalt  }
0x42: {  	_ =	shalt  }
0x43: {  	_ =	shalt  }
0x44: {  	_ =	shalt  }
0x45: {  	_ =	shalt  }
0x46: {  	_ =	shalt  }
0x47: {  	_ =	shalt  }
0x48: {  	_ =	shalt  }
0x49: {  	_ =	shalt  }
0x4a: {  	_ =	shalt  }
0x4b: {  	_ =	shalt  }
0x4c: {  	_ =	shalt  }
0x4d: {  	_ =	shalt  }
0x4e: {  	_ =	shalt  }
0x4f: {  	_ =	shalt  }
0x50: {  	_ =	shalt  }
0x51: {  	_ =	shalt  }
0x52: {  	_ =	shalt  }
0x53: {  	_ =	shalt  }
0x54: {  	_ =	shalt  }
0x55: {  	_ =	shalt  }
0x56: {  	_ =	shalt  }
0x57: {  	_ =	shalt  }
0x58: {  	_ =	shalt  }
0x59: {  	_ =	shalt  }
0x5a: {  	_ =	shalt  }
0x5b: {  	_ =	shalt  }
0x5c: {  	_ =	shalt  }
0x5d: {  	_ =	shalt  }
0x5e: {  	_ =	shalt  }
0x5f: {  	_ =	shalt  }
0x60: {  	_ =	shalt  }
0x61: {  	_ =	shalt  }
0x62: {  	_ =	shalt  }
0x63: {  	_ =	shalt  }
0x64: {  	_ =	shalt  }
0x65: {  	_ =	shalt  }
0x66: {  	_ =	shalt  }
0x67: {  	_ =	shalt  }
0x68: {  	_ =	shalt  }
0x69: {  	_ =	shalt  }
0x6a: {  	_ =	shalt  }
0x6b: {  	_ =	shalt  }
0x6c: {  	_ =	shalt  }
0x6d: {  	_ =	shalt  }
0x6e: {  	_ =	shalt  }
0x6f: {  	_ =	shalt  }
0x70: {  	_ =	shalt  }
0x71: {  	_ =	shalt  }
0x72: {  	_ =	shalt  }
0x73: {  	_ =	shalt  }
0x74: {  	_ =	shalt  }
0x75: {  	_ =	shalt  }
0x76: {  	_ =	shalt  }
0x77: {  	_ =	shalt  }
0x78: {  	_ =	shalt  }
0x79: {  	_ =	shalt  }
0x7a: {  	_ =	shalt  }
0x7b: {  	_ =	shalt  }
0x7c: {  	_ =	shalt  }
0x7d: {  	_ =	shalt  }
0x7e: {  	_ =	shalt  }
0x7f: {  	_ =	shalt  }
0x80: {  	_ =	shalt  }
0x81: {  	_ =	shalt  }
0x82: {  	_ =	shalt  }
0x83: {  	_ =	shalt  }
0x84: {  	_ =	shalt  }
0x85: {  	_ =	shalt  }
0x86: {  	_ =	shalt  }
0x87: {  	_ =	shalt  }
.Lfunc_end0:
.L_simem_size_0:
called_computation_lowered:
.L_overlay_start_0:
0x88: {  	s2 =	sld [smem:$0x3FD9]  }
0x89: {  	s3 =	sld [smem:$0x3FFE];
	_ =	sdelay $0x1  }
0x8a: {  	s1 =	srdreg.scid  }
0x8b: {  	s0 =	sand.u32 $0x1, s1  }
0x8c: {  	s18 =	sshll.u32 s0, $0xA;
	s2 =	sadd.s32 s3, s2  }
0x8d: {  	s2 =	sadd.s32 s2, s18  }
0x8e: {  	[smem:$0x3FC6] =	sst s2  }
0x8f: {  	_ = 	snop  }
0x90: {  	s2 =	sld [smem:$0x3FC9]  }
0x91: {  	s19 =	sld [smem:$0x3FC8]  }
0x92: {  	s4 =	sld [smem:$0x3FD0];
	(tm) =	ssettm $0x1  }
0x93: {  	s5 =	sld [smem:$0x3FFB];
	_ =	sdelay $0x3  }
0x94: {  	_ =	strace s5  }
0x95: {  	s5 =	sld [smem:$0x3FFC];
	_ =	sdelay $0x3  }
0x96: {  	_ =	strace s5  }
0x97: {  	s5 =	sld [smem:$0x3FFD];
	_ =	sdelay $0x3  }
0x98: {  	_ =	strace s5  }
0x99: {  	_ =	strace $0x8FFFFFFF  }
0x9a: {  	s20 =	sld [smem:$0x3FDB];
	_ =	sdelay $0x1  }
0x9b: {  	s6 =	simm.s32 $_scs_section_size  }
0x9c: {  	s7 =	simm.s32 $_size__tile_overlayer_lowered;
	s8 =	simm.s32 $_tile_overlayer_lowered  }
0x9d: {  	s23 =	simm.s32 $0x1BFF;
	s22 =	sshll.u32 s8, $0x1;
	s5 =	sadd.s32 s6, s20  }
0x9e: {  	s9 =	simm.s32 $0x0;
	s21 =	sshll.u32 s7, $0x1;
	s7 =	sadd.s32 s22, s5  }
0x9f: {  	[timem:s9], [sflag:s23] =	dma.local [hbm:s7], s21  }
0xa0: {  	_ =	swait.ge [sflag:s23], s21  }
0xa1: {  	s6 =	ssub.s32 $0x0, s21;
	[sflag:s23] =	ssyncset.done $0x0  }
0xa2: {  	[sflag:s23] =	ssyncadd.s32 s6;
	_ =	sdelay $0x1  }
0xa3: {  	s24 =	simm.s32 $0x1B8B  }
0xa4: {  	_ =	swait.ge [sflag:s24], $0x1  }
0xa5: {  	[sflag:s24] =	ssyncset.done $0x0  }
0xa6: {  	s25 =	simm.s32 $0x1B8E;
	[sflag:s24] =	ssyncadd.s32 $0xFFFFFFFF  }
0xa7: {  	s26 =	simm.s32 $execute0_lowered;
	[smem:$0x3FD2] =	sst s25  }
0xa8: {  	s6 =	sshll.u32 s26, $0x1;
	_ =	strace $0x80000046;
	[dreg:$0x1] =	wrdreg $0xFFFFFFFF  }
0xa9: {  	s28 =	simm.s32 $_size_execute0_lowered;
	s5 =	sadd.s32 s5, s6;
	[dreg:$0x0] =	wrdreg $0x0  }
0xaa: {  	s6 =	sshll.u32 s28, $0x1;
	[dreg:$0x2] =	wrdreg s5  }
0xab: {  	[dreg:$0x3] =	wrdreg s6  }
0xac: {  	[dreg:$0x4] =	wrdreg $0xC0  }
0xad: {  	_ =	task [dreg:s9], $0x5FFFF  }
0xae: {  	[dreg:$0x1] =	wrdreg $0xFFFFFFFF  }
0xaf: {  	[dreg:$0x0] =	wrdreg $0x60  }
0xb0: {  	[dreg:$0x2] =	wrdreg s2  }
0xb1: {  	[dreg:$0x3] =	wrdreg s19  }
0xb2: {  	[dreg:$0x4] =	wrdreg s4  }
0xb3: {  	[dreg:$0x5] =	wrdreg $0x9D000  }
0xb4: {  	[dreg:$0x6] =	wrdreg $0x9  }
0xb5: {  	_ =	task.clear_ibuf [dreg:s9], $0x7FFFF;
	_ =	strace $0x90000046  }
0xb6: {  	s29 =	simm.s32 $0x9;
	_ =	strace $0x80000048  }
0xb7: {  	_ =	swait.ge [sflag:s29], $0x1  }
0xb8: {  	[sflag:s29] =	ssyncadd.s32 $0xFFFFFFFF  }
0xb9: {  	_ =	strace $0x90000048  }
0xba: {  	_ =	sfence  }
0xbb: {  	s30 =	sld [smem:$0x0];
	_ =	sdelay $0x2  }
0xbc: {  	s31 =	sshll.u32 s1, $0xD;
	s1 =	sshrl.u32 s1, $0x2  }
0xbd: {  	s3 =	sand.u32 $0x4000, s31;
	s1 =	sadd.s32 s1, s30  }
0xbe: {  	s0 =	sor.u32 s3, s0;
	s1 =	sshll.u32 s1, $0x11  }
0xbf: {  	s0 =	sor.u32 s1, s0  }
0xc0: {  	s0 =	sadd.s32 $0x8F2B, s0  }
0xc1: {  	[sflag:s0] =	ssyncadd.remote.s32 $0x1  }
0xc2: {  	_ =	sfence.sel $0xFFFF  }
0xc3: {  	[dreg:$0x0] =	wrdreg $0xFFFFFFFF;
	(pc) =	sbr.abs _section_cstart, $3  }
0xc4: {  	[dreg:$0x1] =	wrdreg $0xFFFFFFFF  }
0xc5: {  	_ =	task.clear_ibuf [dreg:s9], $0x2FFFF;
	_ =	strace $0x9FFFFFFF  }
0xc6: {  	(tm) =	ssettm $0x7FFFFFFF  }
0xc7: {  	_ =	shalt  }
tec
execute0_lowered:
.L_overlay_start_1:
0x0: {  	(tag) =	ssettag $0x1  }
0x1: {  	s1 =	rddreg [dreg:$0x0]  }
0x2: {  	s0 =	rddreg [dreg:$0x1]  }
0x3: {  	s2 =	rddreg [dreg:$0x2];
	s4 =	srdreg.scid  }
0x4: {  	s12 =	stileid.u32;
	s3 =	rddreg [dreg:$0x3]  }
0x5: {  	s28 =	simm.s32 $0x5D00;
	s29 =	simm.s32 $0x1;
	s30 =	simm.s32 $0x3  }
0x6: {  	s5 =	sand.u32 $0x1, s4;
	s6 =	sshll.u32 s12, $0x1;
	s24 =	smul.u32 $0x14000, s12  }
0x7: {  	s4 =	simm.s32 $0x0;
	s8 =	ssub.s32 $0x2, s5;
	s21 =	smul.u32 $0x140000, s5  }
0x8: {  	s6 =	sor.u32 s5, s6;
	[smem:$0x7FF] =	sst s4;
	s9 =	sshrl.u32 s8, $0x1  }
0x9: {  	s7 =	smul.u32 $0x4E00, s6;
	s8 =	ssub.s32 s8, s9;
	s9 =	sadd.s32 s24, s21  }
0xa: {  	_ =	strace $0x80000047;
	s9 =	sshrl.u32 s9, $0x3;
	s8 =	smax.u32 s8, $0x1  }
0xb: {  	s7 =	sshrl.u32 s7, $0x3;
	s2 =	sadd.s32 s2, s9;
	[dreg:$0x17] =	wrdreg s8  }
0xc: {  	s10 =	smul.u32 $0x9C0, s6;
	s13 =	sadd.s32 s0, s7;
	[dreg:$0x10] =	wrdreg s2  }
0xd: {  	s7 =	sadd.s32 $0x30, s0;
	s19 =	sadd.s32 $0x10, s13;
	[dreg:$0x5] =	wrdreg s13  }
0xe: {  	s31 =	simm.s32 $0x2;
	s20 =	sadd.s32 s10, s7;
	[dreg:$0x6] =	wrdreg s19  }
0xf: {  	s15 =	smul.u32 $0x1380, s12;
	s22 =	sadd.s32 $0x50, s13;
	[dreg:$0x7] =	wrdreg s20  }
0x10: {  	s18 =	smul.u32 $0x9C, s12;
	s23 =	sadd.s32 $0x70, s13;
	[dreg:$0x8] =	wrdreg s22  }
0x11: {  	s17 =	smul.u32 $0x9C0, s5;
	s11 =	sadd.s32 $0x90, s13;
	[dreg:$0x9] =	wrdreg s23  }
0x12: {  	s5 =	smul.u32 $0x4E, s5;
	s25 =	sadd.s32 $0xB0, s13;
	[dreg:$0xa] =	wrdreg s11  }
0x13: {  	s6 =	sshll.u32 s6, $0x5;
	s26 =	sadd.s32 $0xD0, s13;
	[dreg:$0xb] =	wrdreg s25  }
0x14: {  	s6 =	sadd.s32 s0, s6;
	s14 =	sadd.s32 $0xF0, s13;
	[dreg:$0xc] =	wrdreg s26  }
0x15: {  	s21 =	smul.u32 $0x50000, s12;
	s16 =	sadd.s32 $0x110, s13;
	[dreg:$0xd] =	wrdreg s14  }
0x16: {  	s0 =	sadd.s32 s15, s0;
	s24 =	sadd.s32 $0x190, s13;
	[dreg:$0xe] =	wrdreg s16  }
0x17: {  	s8 =	simm.s32 $0x100;
	s10 =	sadd.s32 $0x1A0, s13;
	[dreg:$0x13] =	wrdreg s24  }
0x18: {  	s15 =	sadd.s32 $0x210, s13;
	s14 =	sadd.s32 $0x130, s13;
	[dreg:$0x19] =	wrdreg s10  }
0x19: {  	s20 =	sadd.s32 $0x150, s13;
	s19 =	sadd.s32 s17, s0;
	[dreg:$0x1d] =	wrdreg s15  }
0x1a: {  	s22 =	sadd.s32 $0x170, s13;
	s23 =	sadd.s32 s5, s18;
	[dreg:$0xf] =	wrdreg s14  }
0x1b: {  	s25 =	sshrl.u32 s21, $0x2;
	s26 =	sand.u32 $0xE, s12;
	[dreg:$0x11] =	wrdreg s20  }
0x1c: {  	s5 =	sadd.s32 $0x13500, s6;
	s11 =	sadd.s32 $0x1B0, s13;
	[dreg:$0x12] =	wrdreg s22  }
0x1d: {  	s12 =	sadd.s32 $0x1D0, s13;
	s16 =	sadd.s32 $0x230, s13;
	[dreg:$0x15] =	wrdreg s5  }
0x1e: {  	s17 =	sadd.s32 $0x250, s13;
	s18 =	sadd.s32 $0x270, s13;
	[dreg:$0x1a] =	wrdreg s11  }
0x1f: {  	s21 =	sadd.s32 $0x2B0, s13;
	s24 =	sadd.s32 $0x310, s13;
	[dreg:$0x1b] =	wrdreg s12  }
0x20: {  	s10 =	simm.s32 $0x680;
	s15 =	simm.s32 $0x1680;
	[dreg:$0x1e] =	wrdreg s16  }
0x21: {  	s0 =	sshll.u32 s23, $0x5;
	s9 =	sadd.s32 s25, s3;
	[dreg:$0x1f] =	wrdreg s17  }
0x22: {  	p0 =	sne.s32 s26, $0xC;
	s14 =	sadd.s32 $0x1F0, s13;
	[smem:$0x7F2] =	sst s18  }
0x23: {  	s20 =	sadd.s32 $0x290, s13;
	[smem:$0x7F4] =	sst s21;
	s22 =	sadd.s32 $0x2D0, s13  }
0x24: {  	s23 =	sadd.s32 $0x2F0, s13;
	[smem:$0x7F7] =	sst s24;
	s25 =	sadd.s32 $0x330, s13  }
0x25: {  	s17 =	simm.s32 $0x80;
	s12 =	simm.s32 $0x1500;
	[dreg:$0x1c] =	wrdreg s14  }
0x26: {  	s13 =	simm.s32 $0x1580;
	s16 =	simm.s32 $0x1700;
	[smem:$0x7F3] =	sst s20  }
0x27: {  	s21 =	simm.s32 $0x1800;
	s18 =	simm.s32 $0x1A00;
	[smem:$0x7F5] =	sst s22  }
0x28: {  	s11 =	simm.s32 $0x1B00;
	s24 =	simm.s32 $0x1D00;
	[smem:$0x7F6] =	sst s23  }
0x29: {  	s0 =	sadd.s32 s7, s0;
	s7 =	sadd.s32 $0x13510, s6;
	[smem:$0x7F8] =	sst s25  }
0x2a: {  	s26 =	sadd.s32 $0x4000, s9;
	s2 =	sadd.s32 $0x8000, s9;
	[dreg:$0x14] =	wrdreg s9  }
0x2b: {  	s5 =	sadd.s32 $0xC000, s9;
	s6 =	sadd.s32 $0x10000, s9;
	[dreg:$0x16] =	wrdreg s7  }
0x2c: {  	s14 =	simm.s32 $0x1600;
	s20 =	simm.s32 $0x1880;
	[smem:$0x7F9] =	sst s26  }
.Ltmp0:
0x2d: {  	s22 =	simm.s32 $0x1900;
	[smem:$0x7FA] =	sst s2;
	(pc) =	sbr.rel .LBB2_1-.Ltmp0, $4  }
0x2e: {  	s23 =	simm.s32 $0x1980;
	s25 =	simm.s32 $0x1A80;
	[smem:$0x7FB] =	sst s5  }
0x2f: {  	s0 =	sadd.s32 $0x340, s0;
	[smem:$0x7FC] =	sst s6;
	s5 =	simm.s32 $0x1780  }
0x30: {  	s26 =	simm.s32 $0x5;
	s7 =	simm.s32 $0x0;
	[dreg:$0x18] =	wrdreg s0  }
0x31: {  	v0 =	vimm.f32 $0.0e+00;
	s2 =	simm.s32 $0x4;
	s6 =	simm.s32 $0x6;
	[smem:$0x7FD] =	sst s7  }
.LBB2_6:
0x32: {  	_ =	swait.ge [sflag:s31], $0x4000  }
0x33: {  	[sflag:s31] =	ssyncset.done $0x0  }
0x34: {  	s0 =	simm.s32 $0x1B00;
	[sflag:s31] =	ssyncadd.s32 $0xFFFFC000  }
0x35: {  	[spmem:s3] =	stream.indirect.scatter.add.f32 [tilespmem:s28], [sflag:$0x4], $0x80, s0, s17, $0xb8;
	[tilespmem:$0x1DD00] =	vst v63  }
0x36: {  	_ =	swait.ge [sflag:s30], $0x4000  }
0x37: {  	[sflag:s30] =	ssyncset.done $0x0  }
0x38: {  	[sflag:s30] =	ssyncadd.s32 $0xFFFFC000  }
0x39: {  	_ =	swait.ge [sflag:s2], $0x4000  }
0x3a: {  	[sflag:s2] =	ssyncset.done $0x0  }
0x3b: {  	s0 =	simm.s32 @!p0 $0x0;
	s7 =	rddreg [dreg:$0x15];
	[sflag:s2] =	ssyncadd.s32 $0xFFFFC000  }
0x3c: {  	[tilespmem:s0], [sflag:$0x7] =	stream.linear.gather @!p0 [hbm4b:s7+s0], $0x80, $0x38;
	[tilespmem:$0x1DD00] =	vst v63  }
0x3d: {  	s7 =	simm.s32 @!p0 $0x7  }
0x3e: {  	_ =	swait.ge @!p0 [sflag:s7], $0x80  }
0x3f: {  	[sflag:s7] =	ssyncset.done @!p0 $0x0  }
0x40: {  	s8 =	simm.s32 @!p0 $0xD00;
	s9 =	rddreg [dreg:$0x16];
	[sflag:s7] =	ssyncadd.s32 @!p0 $0xFFFFFF80  }
0x41: {  	[tilespmem:s8], [sflag:$0x7] =	stream.linear.gather @!p0 [hbm4b:s9+s0], $0x80, $0x38;
	[tilespmem:$0x1DD00] =	vst v63  }
0x42: {  	_ =	swait.ge @!p0 [sflag:s7], $0x80  }
0x43: {  	[sflag:s7] =	ssyncset.done @!p0 $0x0  }
0x44: {  	s19 =	simm.s32 @!p0 $0x1D00;
	s9 =	simm.s32 @!p0 $0x80;
	[sflag:s7] =	ssyncadd.s32 @!p0 $0xFFFFFF80  }
0x45: {  	[tilespmem:s19], [sflag:$0x7] =	stream.indirect.gather @!p0 [hbm4b:s1+s9], $0x80, s0, s9, $0xb8;
	[tilespmem:$0x1DD00] =	vst v63  }
0x46: {  	_ =	swait.ge @!p0 [sflag:s7], $0x4000  }
0x47: {  	[sflag:s7] =	ssyncset.done @!p0 $0x0  }
0x48: {  	[sflag:s7] =	ssyncadd.s32 @!p0 $0xFFFFC000  }
0x49: {  	[spmem:s3] =	stream.indirect.scatter.add.f32 @!p0 [tilespmem:s19], [sflag:$0x7], $0x80, s8, s9, $0xb8;
	[tilespmem:$0x1DD00] =	vst v63  }
0x4a: {  	_ =	swait.ge @!p0 [sflag:s7], $0x4000  }
0x4b: {  	[sflag:s7] =	ssyncset.done @!p0 $0x0  }
0x4c: {  	s9 =	stileid.u32;
	[sflag:s7] =	ssyncadd.s32 @!p0 $0xFFFFC000  }
0x4d: {  	s0 =	sshll.u32 s9, $0x6;
	[bflag:$0x0] =	sbarrier.arrive $0xFFFF  }
0x4e: {  	s0 =	sor.u32 $0x1C07, s0;
	s9 =	rddreg [dreg:$0x14]  }
0x4f: {  	s7 =	simm.s32 $0x7;
	s19 =	rddreg [dreg:$0x10];
	s10 =	sshrl.u32 s9, $0x3  }
0x50: {  	[hbm:s19], [sflag:s0] =	dma.local [spmem:s10], $0x2800  }
0x51: {  	_ =	swait.ge [sflag:s7], $0x2800  }
0x52: {  	s10 =	sld [smem:$0x7FD];
	_ =	sdelay $0x2  }
0x53: {  	s19 =	rddreg [dreg:$0x17];
	s8 =	sadd.s32 $0x1, s10  }
0x54: {  	p1 =	sne.s32 s8, s19  }
.Ltmp1:
0x55: {  	_ = 	snop;
	(pc) =	sbr.rel @!p1 .LBB2_7-.Ltmp1, $4  }
0x56: {  	_ = 	snop  }
0x57: {  	[sflag:s7] =	ssyncset.done $0x0  }
0x58: {  	[sflag:s7] =	ssyncadd.s32 $0xFFFFD800;
	s10 =	simm.s32 $0x680;
	[smem:$0x7FD] =	sst s8  }
0x59: {  	s8 =	simm.s32 $0x100;
	s19 =	smov.u32 s11;
	s11 =	simm.s32 $0x1B00  }
.LBB2_1:
0x5a: {  	s0 =	rddreg [dreg:$0x5]  }
0x5b: {  	[tilespmem:s4], [sflag:$0x5] =	stream.strided.gather [hbm4b:s0+s17], $0x680, s8, s17, $0x38;
	[tilespmem:$0x1DD00] =	vst v63  }
0x5c: {  	s7 =	simm.s32 $0xD00;
	s0 =	rddreg [dreg:$0x6]  }
0x5d: {  	[tilespmem:s7], [sflag:$0x5] =	stream.linear.gather [hbm4b:s0+s4], $0x80, $0x38;
	[tilespmem:$0x1DD00] =	vst v63  }
0x5e: {  	s0 =	rddreg [dreg:$0x7];
	s7 =	simm.s32 $0xD80  }
0x5f: {  	[tilespmem:s7], [sflag:$0x5] =	stream.linear.gather [hbm4b:s0+s4], $0x80, $0x38;
	[tilespmem:$0x1DD00] =	vst v63  }
0x60: {  	s0 =	rddreg [dreg:$0x8];
	s7 =	simm.s32 $0xE00  }
0x61: {  	[tilespmem:s7], [sflag:$0x5] =	stream.linear.gather [hbm4b:s0+s4], $0x80, $0x38;
	[tilespmem:$0x1DD00] =	vst v63  }
0x62: {  	s0 =	rddreg [dreg:$0x9];
	s7 =	simm.s32 $0xE80  }
0x63: {  	[tilespmem:s7], [sflag:$0x5] =	stream.linear.gather [hbm4b:s0+s4], $0x80, $0x38;
	[tilespmem:$0x1DD00] =	vst v63  }
0x64: {  	s0 =	rddreg [dreg:$0xa];
	s7 =	simm.s32 $0xF00  }
0x65: {  	[tilespmem:s7], [sflag:$0x5] =	stream.linear.gather [hbm4b:s0+s4], $0x80, $0x38;
	[tilespmem:$0x1DD00] =	vst v63  }
0x66: {  	s0 =	rddreg [dreg:$0xb];
	s7 =	simm.s32 $0xF80  }
0x67: {  	[tilespmem:s7], [sflag:$0x5] =	stream.linear.gather [hbm4b:s0+s4], $0x80, $0x38;
	[tilespmem:$0x1DD00] =	vst v63  }
0x68: {  	s0 =	rddreg [dreg:$0xc];
	s7 =	simm.s32 $0x1000  }
0x69: {  	[tilespmem:s7], [sflag:$0x5] =	stream.linear.gather [hbm4b:s0+s4], $0x80, $0x38;
	[tilespmem:$0x1DD00] =	vst v63  }
0x6a: {  	s0 =	rddreg [dreg:$0xd];
	s7 =	simm.s32 $0x1080  }
0x6b: {  	[tilespmem:s7], [sflag:$0x5] =	stream.linear.gather [hbm4b:s0+s4], $0x80, $0x38;
	[tilespmem:$0x1DD00] =	vst v63  }
0x6c: {  	s0 =	rddreg [dreg:$0xe];
	s7 =	simm.s32 $0x1100  }
0x6d: {  	[tilespmem:s7], [sflag:$0x5] =	stream.linear.gather [hbm4b:s0+s4], $0x80, $0x38;
	[tilespmem:$0x1DD00] =	vst v63  }
0x6e: {  	s0 =	rddreg [dreg:$0xf];
	s7 =	simm.s32 $0x1180  }
0x6f: {  	[tilespmem:s7], [sflag:$0x5] =	stream.linear.gather [hbm4b:s0+s4], $0x80, $0x38;
	[tilespmem:$0x1DD00] =	vst v63  }
0x70: {  	s0 =	rddreg [dreg:$0x11];
	s7 =	simm.s32 $0x1200  }
0x71: {  	[tilespmem:s7], [sflag:$0x5] =	stream.linear.gather [hbm4b:s0+s4], $0x80, $0x38;
	[tilespmem:$0x1DD00] =	vst v63  }
0x72: {  	s0 =	rddreg [dreg:$0x12];
	s7 =	simm.s32 $0x1280  }
0x73: {  	[tilespmem:s7], [sflag:$0x5] =	stream.linear.gather [hbm4b:s0+s4], $0x80, $0x38;
	[tilespmem:$0x1DD00] =	vst v63  }
0x74: {  	s0 =	rddreg [dreg:$0x13];
	s7 =	simm.s32 $0x1300  }
0x75: {  	[tilespmem:s7], [sflag:$0x5] =	stream.linear.gather [hbm4b:s0+s4], $0x80, $0x38;
	[tilespmem:$0x1DD00] =	vst v63  }
0x76: {  	s7 =	rddreg [dreg:$0x19]  }
0x77: {  	[tilespmem:s10], [sflag:$0x6] =	stream.strided.gather [hbm4b:s7+s17], $0x680, s8, s17, $0x38;
	[tilespmem:$0x1DD00] =	vst v63  }
0x78: {  	s7 =	rddreg [dreg:$0x1a]  }
0x79: {  	[tilespmem:s12], [sflag:$0x6] =	stream.linear.gather [hbm4b:s7+s4], $0x80, $0x38;
	[tilespmem:$0x1DD00] =	vst v63  }
0x7a: {  	s12 =	rddreg [dreg:$0x1b]  }
0x7b: {  	s7 =	rddreg [dreg:$0x1c]  }
0x7c: {  	[tilespmem:s13], [sflag:$0x6] =	stream.linear.gather [hbm4b:s12+s4], $0x80, $0x38;
	[tilespmem:$0x1DD00] =	vst v63  }
0x7d: {  	s12 =	rddreg [dreg:$0x1d]  }
0x7e: {  	[tilespmem:s14], [sflag:$0x6] =	stream.linear.gather [hbm4b:s7+s4], $0x80, $0x38;
	[tilespmem:$0x1DD00] =	vst v63  }
0x7f: {  	s13 =	rddreg [dreg:$0x1e]  }
0x80: {  	[tilespmem:s15], [sflag:$0x6] =	stream.linear.gather [hbm4b:s12+s4], $0x80, $0x38;
	[tilespmem:$0x1DD00] =	vst v63  }
0x81: {  	s14 =	rddreg [dreg:$0x1f]  }
0x82: {  	[tilespmem:s16], [sflag:$0x6] =	stream.linear.gather [hbm4b:s13+s4], $0x80, $0x38;
	[tilespmem:$0x1DD00] =	vst v63  }
0x83: {  	s15 =	sld [smem:$0x7F2]  }
0x84: {  	[tilespmem:s5], [sflag:$0x6] =	stream.linear.gather [hbm4b:s14+s4], $0x80, $0x38;
	[tilespmem:$0x1DD00] =	vst v63  }
0x85: {  	s16 =	sld [smem:$0x7F3]  }
0x86: {  	[tilespmem:s21], [sflag:$0x6] =	stream.linear.gather [hbm4b:s15+s4], $0x80, $0x38;
	[tilespmem:$0x1DD00] =	vst v63  }
0x87: {  	_ = 	snop  }
0x88: {  	[tilespmem:s20], [sflag:$0x6] =	stream.linear.gather [hbm4b:s16+s4], $0x80, $0x38;
	[tilespmem:$0x1DD00] =	vst v63  }
0x89: {  	s20 =	sld [smem:$0x7F4];
	_ =	sdelay $0x1  }
0x8a: {  	s21 =	sld [smem:$0x7F5]  }
0x8b: {  	[tilespmem:s22], [sflag:$0x6] =	stream.linear.gather [hbm4b:s20+s4], $0x80, $0x38;
	[tilespmem:$0x1DD00] =	vst v63  }
0x8c: {  	s22 =	sld [smem:$0x7F6]  }
0x8d: {  	[tilespmem:s23], [sflag:$0x6] =	stream.linear.gather [hbm4b:s21+s4], $0x80, $0x38;
	[tilespmem:$0x1DD00] =	vst v63  }
0x8e: {  	s23 =	sld [smem:$0x7F7]  }
0x8f: {  	[tilespmem:s18], [sflag:$0x6] =	stream.linear.gather [hbm4b:s22+s4], $0x80, $0x38;
	[tilespmem:$0x1DD00] =	vst v63  }
0x90: {  	_ = 	snop  }
0x91: {  	[tilespmem:s25], [sflag:$0x6] =	stream.linear.gather [hbm4b:s23+s4], $0x80, $0x38;
	[tilespmem:$0x1DD00] =	vst v63  }
0x92: {  	s25 =	sld [smem:$0x7F8];
	_ =	sdelay $0x1  }
0x93: {  	s0 =	simm.s32 $0x200;
	s7 =	simm.s32 $0x0  }
0x94: {  	[tilespmem:s11], [sflag:$0x6] =	stream.linear.gather [hbm4b:s25+s4], $0x80, $0x38;
	[tilespmem:$0x1DD00] =	vst v63  }
.LBB2_2:
0x95: {  	p1 =	sne.s32 s0, $0xFE00;
	[tilespmem:s7+$0x1D70] =	vst v0  }
0x96: {  	[tilespmem:s7+$0x1D00] =	vst v0  }
0x97: {  	[tilespmem:s7+$0x1D10] =	vst v0  }
.Ltmp2:
0x98: {  	[tilespmem:s7+$0x1D20] =	vst v0;
	(pc) =	sbr.rel @p1 .LBB2_2-.Ltmp2, $4  }
0x99: {  	[tilespmem:s7+$0x1D30] =	vst v0  }
0x9a: {  	[tilespmem:s7+$0x1D40] =	vst v0  }
0x9b: {  	[tilespmem:s7+$0x1D50] =	vst v0  }
0x9c: {  	[tilespmem:s7+$0x1D60] =	vst v0;
	s7 =	sshra.s32 s0, $0x2;
	s0 =	sadd.s32 $0x200, s0  }
0x9d: {  	[tilespmem:s7+$0x1D70] =	vst v0  }
0x9e: {  	[tilespmem:s7+$0x1D00] =	vst v0  }
0x9f: {  	[tilespmem:s7+$0x1D10] =	vst v0  }
0xa0: {  	[tilespmem:s7+$0x1D20] =	vst v0  }
0xa1: {  	[tilespmem:s7+$0x1D30] =	vst v0  }
0xa2: {  	[tilespmem:s7+$0x1D40] =	vst v0  }
0xa3: {  	[tilespmem:s7+$0x1D50] =	vst v0  }
0xa4: {  	[tilespmem:s7+$0x1D60] =	vst v0;
	s5 =	simm.s32 $0x7  }
0xa5: {  	[spmem:s9] =	stream.linear.scatter [tilespmem:s24], [sflag:$0x7], $0x4000, $0x38;
	[tilespmem:$0x1DD00] =	vst v63  }
0xa6: {  	_ =	swait.ge [sflag:s5], $0x4000  }
0xa7: {  	s0 =	sld [smem:$0x7F9]  }
0xa8: {  	[sflag:s5] =	ssyncset.done $0x0  }
0xa9: {  	[sflag:s5] =	ssyncadd.s32 $0xFFFFC000  }
0xaa: {  	[spmem:s0] =	stream.linear.scatter [tilespmem:s24], [sflag:$0x7], $0x4000, $0x38;
	[tilespmem:$0x1DD00] =	vst v63  }
0xab: {  	_ =	swait.ge [sflag:s5], $0x4000  }
0xac: {  	s22 =	sld [smem:$0x7FA]  }
0xad: {  	[sflag:s5] =	ssyncset.done $0x0  }
0xae: {  	[sflag:s5] =	ssyncadd.s32 $0xFFFFC000  }
0xaf: {  	[spmem:s22] =	stream.linear.scatter [tilespmem:s24], [sflag:$0x7], $0x4000, $0x38;
	[tilespmem:$0x1DD00] =	vst v63  }
0xb0: {  	_ =	swait.ge [sflag:s5], $0x4000  }
0xb1: {  	s23 =	sld [smem:$0x7FB]  }
0xb2: {  	[sflag:s5] =	ssyncset.done $0x0  }
0xb3: {  	[sflag:s5] =	ssyncadd.s32 $0xFFFFC000  }
0xb4: {  	[spmem:s23] =	stream.linear.scatter [tilespmem:s24], [sflag:$0x7], $0x4000, $0x38;
	[tilespmem:$0x1DD00] =	vst v63  }
0xb5: {  	_ =	swait.ge [sflag:s5], $0x4000  }
0xb6: {  	s25 =	sld [smem:$0x7FC]  }
0xb7: {  	[sflag:s5] =	ssyncset.done $0x0  }
0xb8: {  	[sflag:s5] =	ssyncadd.s32 $0xFFFFC000  }
0xb9: {  	[spmem:s25] =	stream.linear.scatter [tilespmem:s24], [sflag:$0x7], $0x4000, $0x38;
	[tilespmem:$0x1DD00] =	vst v63  }
0xba: {  	_ =	swait.ge [sflag:s5], $0x4000  }
0xbb: {  	[sflag:s5] =	ssyncset.done $0x0  }
0xbc: {  	[sflag:s5] =	ssyncadd.s32 $0xFFFFC000  }
0xbd: {  	_ =	swait.ge [sflag:s26], $0x680  }
0xbe: {  	[sflag:s26] =	ssyncset.done $0x0  }
0xbf: {  	[sflag:s26] =	ssyncadd.s32 $0xFFFFF980  }
0xc0: {  	_ =	swait.ge [sflag:s26], $0x80  }
0xc1: {  	[sflag:s26] =	ssyncset.done $0x0  }
0xc2: {  	[sflag:s26] =	ssyncadd.s32 $0xFFFFFF80  }
0xc3: {  	_ =	swait.ge [sflag:s26], $0x80  }
0xc4: {  	[sflag:s26] =	ssyncset.done $0x0  }
0xc5: {  	[sflag:s26] =	ssyncadd.s32 $0xFFFFFF80  }
0xc6: {  	_ =	swait.ge [sflag:s26], $0x80  }
0xc7: {  	[sflag:s26] =	ssyncset.done $0x0  }
0xc8: {  	[sflag:s26] =	ssyncadd.s32 $0xFFFFFF80  }
0xc9: {  	_ =	swait.ge [sflag:s26], $0x80  }
0xca: {  	[sflag:s26] =	ssyncset.done $0x0  }
0xcb: {  	[sflag:s26] =	ssyncadd.s32 $0xFFFFFF80  }
0xcc: {  	_ =	swait.ge [sflag:s26], $0x80  }
0xcd: {  	[sflag:s26] =	ssyncset.done $0x0  }
0xce: {  	[sflag:s26] =	ssyncadd.s32 $0xFFFFFF80  }
0xcf: {  	_ =	swait.ge [sflag:s26], $0x80  }
0xd0: {  	[sflag:s26] =	ssyncset.done $0x0  }
0xd1: {  	[sflag:s26] =	ssyncadd.s32 $0xFFFFFF80  }
0xd2: {  	_ =	swait.ge [sflag:s26], $0x80  }
0xd3: {  	[sflag:s26] =	ssyncset.done $0x0  }
0xd4: {  	[sflag:s26] =	ssyncadd.s32 $0xFFFFFF80  }
0xd5: {  	_ =	swait.ge [sflag:s26], $0x80  }
0xd6: {  	[sflag:s26] =	ssyncset.done $0x0  }
0xd7: {  	[sflag:s26] =	ssyncadd.s32 $0xFFFFFF80  }
0xd8: {  	_ =	swait.ge [sflag:s26], $0x80  }
0xd9: {  	[sflag:s26] =	ssyncset.done $0x0  }
0xda: {  	[sflag:s26] =	ssyncadd.s32 $0xFFFFFF80  }
0xdb: {  	_ =	swait.ge [sflag:s26], $0x80  }
0xdc: {  	[sflag:s26] =	ssyncset.done $0x0  }
0xdd: {  	[sflag:s26] =	ssyncadd.s32 $0xFFFFFF80  }
0xde: {  	_ =	swait.ge [sflag:s26], $0x80  }
0xdf: {  	[sflag:s26] =	ssyncset.done $0x0  }
0xe0: {  	[sflag:s26] =	ssyncadd.s32 $0xFFFFFF80  }
0xe1: {  	_ =	swait.ge [sflag:s26], $0x80  }
0xe2: {  	s7 =	simm.s32 $0x0;
	s12 =	simm.s32 $0x1500;
	[sflag:s26] =	ssyncset.done $0x0  }
0xe3: {  	s13 =	simm.s32 $0x1580;
	s14 =	simm.s32 $0x1600;
	[sflag:s26] =	ssyncadd.s32 $0xFFFFFF80  }
0xe4: {  	s15 =	simm.s32 $0x1680;
	s16 =	simm.s32 $0x1700;
	_ =	swait.ge [sflag:s26], $0x80  }
0xe5: {  	s21 =	simm.s32 $0x1800;
	s20 =	simm.s32 $0x1880;
	[sflag:s26] =	ssyncset.done $0x0  }
0xe6: {  	s18 =	simm.s32 $0x1A00;
	s22 =	simm.s32 $0x1900;
	[sflag:s26] =	ssyncadd.s32 $0xFFFFFF80  }
0xe7: {  	[tilespmem:s24], [sflag:$0x1] =	stream.indirect.gather [hbm4b:s1+s17], $0x80, s7, s17, $0xb8;
	[tilespmem:$0x1DD00] =	vst v63  }
0xe8: {  	s23 =	simm.s32 $0x1980;
	s5 =	simm.s32 $0x1780;
	[bflag:$0x0] =	sbarrier.arrive $0xFFFF  }
.LBB2_4:
0xe9: {  	p1 =	seq.s32 s7, $0x0  }
0xea: {  	s0 =	simm.s32 @!p1 $0x4  }
0xeb: {  	_ =	swait.ge @!p1 [sflag:s0], $0x4000  }
0xec: {  	[sflag:s0] =	ssyncset.done @!p1 $0x0  }
0xed: {  	[sflag:s0] =	ssyncadd.s32 @!p1 $0xFFFFC000  }
0xee: {  	[tilespmem:s28], [sflag:$0x2] =	stream.indirect.gather [hbm4b:s1+s17], $0x80, s17, s17, $0xb8;
	[tilespmem:$0x1DD00] =	vst v63  }
0xef: {  	_ =	swait.ge [sflag:s29], $0x4000  }
0xf0: {  	[sflag:s29] =	ssyncset.done $0x0  }
0xf1: {  	s9 =	simm.s32 $0xD00;
	[sflag:s29] =	ssyncadd.s32 $0xFFFFC000  }
0xf2: {  	[spmem:s3] =	stream.indirect.scatter.add.f32 [tilespmem:s24], [sflag:$0x3], $0x80, s9, s17, $0xb8;
	[tilespmem:$0x1DD00] =	vst v63  }
0xf3: {  	_ =	swait.ge [sflag:s30], $0x4000  }
0xf4: {  	[sflag:s30] =	ssyncset.done $0x0  }
0xf5: {  	[sflag:s30] =	ssyncadd.s32 $0xFFFFC000  }
0xf6: {  	[tilespmem:s24], [sflag:$0x1] =	stream.indirect.gather [hbm4b:s1+s17], $0x80, s8, s17, $0xb8;
	[tilespmem:$0x1DD00] =	vst v63  }
0xf7: {  	_ =	swait.ge [sflag:s31], $0x4000  }
0xf8: {  	[sflag:s31] =	ssyncset.done $0x0  }
0xf9: {  	s11 =	simm.s32 $0xD80;
	[sflag:s31] =	ssyncadd.s32 $0xFFFFC000  }
0xfa: {  	[spmem:s3] =	stream.indirect.scatter.add.f32 [tilespmem:s28], [sflag:$0x4], $0x80, s11, s17, $0xb8;
	[tilespmem:$0x1DD00] =	vst v63  }
0xfb: {  	_ =	swait.ge [sflag:s2], $0x4000  }
0xfc: {  	[sflag:s2] =	ssyncset.done $0x0  }
0xfd: {  	s25 =	simm.s32 $0x180;
	[sflag:s2] =	ssyncadd.s32 $0xFFFFC000  }
0xfe: {  	[tilespmem:s28], [sflag:$0x2] =	stream.indirect.gather [hbm4b:s1+s17], $0x80, s25, s17, $0xb8;
	[tilespmem:$0x1DD00] =	vst v63  }
0xff: {  	_ =	swait.ge [sflag:s29], $0x4000  }
0x100: {  	[sflag:s29] =	ssyncset.done $0x0  }
0x101: {  	s8 =	simm.s32 $0xE00;
	[sflag:s29] =	ssyncadd.s32 $0xFFFFC000  }
0x102: {  	[spmem:s3] =	stream.indirect.scatter.add.f32 [tilespmem:s24], [sflag:$0x3], $0x80, s8, s17, $0xb8;
	[tilespmem:$0x1DD00] =	vst v63  }
0x103: {  	_ =	swait.ge [sflag:s30], $0x4000  }
0x104: {  	[sflag:s30] =	ssyncset.done $0x0  }
0x105: {  	s9 =	simm.s32 $0x200;
	[sflag:s30] =	ssyncadd.s32 $0xFFFFC000  }
0x106: {  	[tilespmem:s24], [sflag:$0x1] =	stream.indirect.gather [hbm4b:s1+s17], $0x80, s9, s17, $0xb8;
	[tilespmem:$0x1DD00] =	vst v63  }
0x107: {  	_ =	swait.ge [sflag:s31], $0x4000  }
0x108: {  	[sflag:s31] =	ssyncset.done $0x0  }
0x109: {  	s11 =	simm.s32 $0xE80;
	[sflag:s31] =	ssyncadd.s32 $0xFFFFC000  }
0x10a: {  	[spmem:s3] =	stream.indirect.scatter.add.f32 [tilespmem:s28], [sflag:$0x4], $0x80, s11, s17, $0xb8;
	[tilespmem:$0x1DD00] =	vst v63  }
0x10b: {  	_ =	swait.ge [sflag:s2], $0x4000  }
0x10c: {  	[sflag:s2] =	ssyncset.done $0x0  }
0x10d: {  	s25 =	simm.s32 $0x280;
	[sflag:s2] =	ssyncadd.s32 $0xFFFFC000  }
0x10e: {  	[tilespmem:s28], [sflag:$0x2] =	stream.indirect.gather [hbm4b:s1+s17], $0x80, s25, s17, $0xb8;
	[tilespmem:$0x1DD00] =	vst v63  }
0x10f: {  	_ =	swait.ge [sflag:s29], $0x4000  }
0x110: {  	[sflag:s29] =	ssyncset.done $0x0  }
0x111: {  	s8 =	simm.s32 $0xF00;
	[sflag:s29] =	ssyncadd.s32 $0xFFFFC000  }
0x112: {  	[spmem:s3] =	stream.indirect.scatter.add.f32 [tilespmem:s24], [sflag:$0x3], $0x80, s8, s17, $0xb8;
	[tilespmem:$0x1DD00] =	vst v63  }
0x113: {  	_ =	swait.ge [sflag:s30], $0x4000  }
0x114: {  	[sflag:s30] =	ssyncset.done $0x0  }
0x115: {  	s9 =	simm.s32 $0x300;
	[sflag:s30] =	ssyncadd.s32 $0xFFFFC000  }
0x116: {  	[tilespmem:s24], [sflag:$0x1] =	stream.indirect.gather [hbm4b:s1+s17], $0x80, s9, s17, $0xb8;
	[tilespmem:$0x1DD00] =	vst v63  }
0x117: {  	_ =	swait.ge [sflag:s31], $0x4000  }
0x118: {  	[sflag:s31] =	ssyncset.done $0x0  }
0x119: {  	s11 =	simm.s32 $0xF80;
	[sflag:s31] =	ssyncadd.s32 $0xFFFFC000  }
0x11a: {  	[spmem:s3] =	stream.indirect.scatter.add.f32 [tilespmem:s28], [sflag:$0x4], $0x80, s11, s17, $0xb8;
	[tilespmem:$0x1DD00] =	vst v63  }
0x11b: {  	_ =	swait.ge [sflag:s2], $0x4000  }
0x11c: {  	[sflag:s2] =	ssyncset.done $0x0  }
0x11d: {  	s25 =	simm.s32 $0x380;
	[sflag:s2] =	ssyncadd.s32 $0xFFFFC000  }
0x11e: {  	[tilespmem:s28], [sflag:$0x2] =	stream.indirect.gather [hbm4b:s1+s17], $0x80, s25, s17, $0xb8;
	[tilespmem:$0x1DD00] =	vst v63  }
0x11f: {  	_ =	swait.ge [sflag:s29], $0x4000  }
0x120: {  	[sflag:s29] =	ssyncset.done $0x0  }
0x121: {  	s8 =	simm.s32 $0x1000;
	[sflag:s29] =	ssyncadd.s32 $0xFFFFC000  }
0x122: {  	[spmem:s3] =	stream.indirect.scatter.add.f32 [tilespmem:s24], [sflag:$0x3], $0x80, s8, s17, $0xb8;
	[tilespmem:$0x1DD00] =	vst v63  }
0x123: {  	_ =	swait.ge [sflag:s30], $0x4000  }
0x124: {  	[sflag:s30] =	ssyncset.done $0x0  }
0x125: {  	s9 =	simm.s32 $0x400;
	[sflag:s30] =	ssyncadd.s32 $0xFFFFC000  }
0x126: {  	[tilespmem:s24], [sflag:$0x1] =	stream.indirect.gather [hbm4b:s1+s17], $0x80, s9, s17, $0xb8;
	[tilespmem:$0x1DD00] =	vst v63  }
0x127: {  	_ =	swait.ge [sflag:s31], $0x4000  }
0x128: {  	[sflag:s31] =	ssyncset.done $0x0  }
0x129: {  	s11 =	simm.s32 $0x1080;
	[sflag:s31] =	ssyncadd.s32 $0xFFFFC000  }
0x12a: {  	[spmem:s3] =	stream.indirect.scatter.add.f32 [tilespmem:s28], [sflag:$0x4], $0x80, s11, s17, $0xb8;
	[tilespmem:$0x1DD00] =	vst v63  }
0x12b: {  	_ =	swait.ge [sflag:s2], $0x4000  }
0x12c: {  	[sflag:s2] =	ssyncset.done $0x0  }
0x12d: {  	s25 =	simm.s32 $0x480;
	[sflag:s2] =	ssyncadd.s32 $0xFFFFC000  }
0x12e: {  	[tilespmem:s28], [sflag:$0x2] =	stream.indirect.gather [hbm4b:s1+s17], $0x80, s25, s17, $0xb8;
	[tilespmem:$0x1DD00] =	vst v63  }
0x12f: {  	_ =	swait.ge [sflag:s29], $0x4000  }
0x130: {  	[sflag:s29] =	ssyncset.done $0x0  }
0x131: {  	s8 =	simm.s32 $0x1100;
	[sflag:s29] =	ssyncadd.s32 $0xFFFFC000  }
0x132: {  	[spmem:s3] =	stream.indirect.scatter.add.f32 [tilespmem:s24], [sflag:$0x3], $0x80, s8, s17, $0xb8;
	[tilespmem:$0x1DD00] =	vst v63  }
0x133: {  	_ =	swait.ge [sflag:s30], $0x4000  }
0x134: {  	[sflag:s30] =	ssyncset.done $0x0  }
0x135: {  	s9 =	simm.s32 $0x500;
	[sflag:s30] =	ssyncadd.s32 $0xFFFFC000  }
0x136: {  	[tilespmem:s24], [sflag:$0x1] =	stream.indirect.gather [hbm4b:s1+s17], $0x80, s9, s17, $0xb8;
	[tilespmem:$0x1DD00] =	vst v63  }
0x137: {  	_ =	swait.ge [sflag:s31], $0x4000  }
0x138: {  	[sflag:s31] =	ssyncset.done $0x0  }
0x139: {  	s11 =	simm.s32 $0x1180;
	[sflag:s31] =	ssyncadd.s32 $0xFFFFC000  }
0x13a: {  	[spmem:s3] =	stream.indirect.scatter.add.f32 [tilespmem:s28], [sflag:$0x4], $0x80, s11, s17, $0xb8;
	[tilespmem:$0x1DD00] =	vst v63  }
0x13b: {  	_ =	swait.ge [sflag:s2], $0x4000  }
0x13c: {  	[sflag:s2] =	ssyncset.done $0x0  }
0x13d: {  	s25 =	simm.s32 $0x580;
	[sflag:s2] =	ssyncadd.s32 $0xFFFFC000  }
0x13e: {  	[tilespmem:s28], [sflag:$0x2] =	stream.indirect.gather [hbm4b:s1+s17], $0x80, s25, s17, $0xb8;
	[tilespmem:$0x1DD00] =	vst v63  }
0x13f: {  	_ =	swait.ge [sflag:s29], $0x4000  }
0x140: {  	[sflag:s29] =	ssyncset.done $0x0  }
0x141: {  	s8 =	simm.s32 $0x1200;
	[sflag:s29] =	ssyncadd.s32 $0xFFFFC000  }
0x142: {  	[spmem:s3] =	stream.indirect.scatter.add.f32 [tilespmem:s24], [sflag:$0x3], $0x80, s8, s17, $0xb8;
	[tilespmem:$0x1DD00] =	vst v63  }
0x143: {  	_ =	swait.ge [sflag:s30], $0x4000  }
0x144: {  	[sflag:s30] =	ssyncset.done $0x0  }
0x145: {  	s9 =	simm.s32 $0x600;
	[sflag:s30] =	ssyncadd.s32 $0xFFFFC000  }
0x146: {  	[tilespmem:s24], [sflag:$0x1] =	stream.indirect.gather [hbm4b:s1+s17], $0x80, s9, s17, $0xb8;
	[tilespmem:$0x1DD00] =	vst v63  }
0x147: {  	_ =	swait.ge [sflag:s31], $0x4000  }
0x148: {  	[sflag:s31] =	ssyncset.done $0x0  }
0x149: {  	s11 =	simm.s32 $0x1280;
	[sflag:s31] =	ssyncadd.s32 $0xFFFFC000  }
0x14a: {  	[spmem:s3] =	stream.indirect.scatter.add.f32 [tilespmem:s28], [sflag:$0x4], $0x80, s11, s17, $0xb8;
	[tilespmem:$0x1DD00] =	vst v63  }
0x14b: {  	_ =	swait.ge [sflag:s2], $0x4000  }
0x14c: {  	[sflag:s2] =	ssyncset.done $0x0  }
0x14d: {  	[sflag:s2] =	ssyncadd.s32 $0xFFFFC000  }
0x14e: {  	_ =	swait.ge [sflag:s6], $0x680  }
0x14f: {  	[sflag:s6] =	ssyncset.done $0x0  }
0x150: {  	[sflag:s6] =	ssyncadd.s32 $0xFFFFF980  }
0x151: {  	_ =	swait.ge [sflag:s6], $0x80  }
0x152: {  	[sflag:s6] =	ssyncset.done $0x0  }
0x153: {  	[sflag:s6] =	ssyncadd.s32 $0xFFFFFF80  }
0x154: {  	_ =	swait.ge [sflag:s6], $0x80  }
0x155: {  	[sflag:s6] =	ssyncset.done $0x0  }
0x156: {  	[sflag:s6] =	ssyncadd.s32 $0xFFFFFF80  }
0x157: {  	_ =	swait.ge [sflag:s6], $0x80  }
0x158: {  	[sflag:s6] =	ssyncset.done $0x0  }
0x159: {  	[sflag:s6] =	ssyncadd.s32 $0xFFFFFF80  }
0x15a: {  	_ =	swait.ge [sflag:s6], $0x80  }
0x15b: {  	[sflag:s6] =	ssyncset.done $0x0  }
0x15c: {  	[sflag:s6] =	ssyncadd.s32 $0xFFFFFF80  }
0x15d: {  	_ =	swait.ge [sflag:s6], $0x80  }
0x15e: {  	[sflag:s6] =	ssyncset.done $0x0  }
0x15f: {  	[sflag:s6] =	ssyncadd.s32 $0xFFFFFF80  }
0x160: {  	_ =	swait.ge [sflag:s6], $0x80  }
0x161: {  	[sflag:s6] =	ssyncset.done $0x0  }
0x162: {  	[sflag:s6] =	ssyncadd.s32 $0xFFFFFF80  }
0x163: {  	_ =	swait.ge [sflag:s6], $0x80  }
0x164: {  	[sflag:s6] =	ssyncset.done $0x0  }
0x165: {  	[sflag:s6] =	ssyncadd.s32 $0xFFFFFF80  }
0x166: {  	_ =	swait.ge [sflag:s6], $0x80  }
0x167: {  	[sflag:s6] =	ssyncset.done $0x0  }
0x168: {  	[sflag:s6] =	ssyncadd.s32 $0xFFFFFF80  }
0x169: {  	_ =	swait.ge [sflag:s6], $0x80  }
0x16a: {  	[sflag:s6] =	ssyncset.done $0x0  }
0x16b: {  	[sflag:s6] =	ssyncadd.s32 $0xFFFFFF80  }
0x16c: {  	_ =	swait.ge [sflag:s6], $0x80  }
0x16d: {  	[sflag:s6] =	ssyncset.done $0x0  }
0x16e: {  	[sflag:s6] =	ssyncadd.s32 $0xFFFFFF80  }
0x16f: {  	_ =	swait.ge [sflag:s6], $0x80  }
0x170: {  	[sflag:s6] =	ssyncset.done $0x0  }
0x171: {  	[sflag:s6] =	ssyncadd.s32 $0xFFFFFF80  }
0x172: {  	_ =	swait.ge [sflag:s6], $0x80  }
0x173: {  	[sflag:s6] =	ssyncset.done $0x0  }
0x174: {  	[sflag:s6] =	ssyncadd.s32 $0xFFFFFF80  }
0x175: {  	_ =	swait.ge [sflag:s6], $0x80  }
0x176: {  	[sflag:s6] =	ssyncset.done $0x0  }
0x177: {  	[sflag:s6] =	ssyncadd.s32 $0xFFFFFF80  }
0x178: {  	[tilespmem:s28], [sflag:$0x2] =	stream.indirect.gather [hbm4b:s1+s17], $0x80, s10, s17, $0xb8;
	[tilespmem:$0x1DD00] =	vst v63  }
0x179: {  	p1 =	seq.s32 s7, $0x680;
	_ =	swait.ge [sflag:s29], $0x4000  }
0x17a: {  	s0 =	sadd.s32 @!p1 s7, s19;
	s25 =	simm.s32 $0x1300;
	[sflag:s29] =	ssyncset.done $0x0  }
0x17b: {  	s8 =	simm.s32 @!p1 $0x100;
	s9 =	simm.s32 @!p1 $0x0;
	[sflag:s29] =	ssyncadd.s32 $0xFFFFC000  }
0x17c: {  	[spmem:s3] =	stream.indirect.scatter.add.f32 [tilespmem:s24], [sflag:$0x3], $0x80, s25, s17, $0xb8;
	[tilespmem:$0x1DD00] =	vst v63  }
0x17d: {  	s11 =	smov.u32 s19;
	s19 =	simm.s32 @!p1 $0x80;
	s25 =	sadd.s32 @!p1 $0x340, s0  }
0x17e: {  	[tilespmem:s9], [sflag:$0x5] =	stream.strided.gather @!p1 [hbm4b:s25+s19], $0x680, s8, s19, $0x38;
	[tilespmem:$0x1DD00] =	vst v63  }
0x17f: {  	s8 =	sadd.s32 @!p1 $0x350, s0;
	s19 =	simm.s32 @!p1 $0xD00  }
0x180: {  	[tilespmem:s19], [sflag:$0x5] =	stream.linear.gather @!p1 [hbm4b:s8+s9], $0x80, $0x38;
	[tilespmem:$0x1DD00] =	vst v63  }
0x181: {  	s8 =	rddreg [dreg:$0x18]  }
0x182: {  	s19 =	simm.s32 @!p1 $0xD80;
	s8 =	sadd.s32 @!p1 s7, s8  }
0x183: {  	[tilespmem:s19], [sflag:$0x5] =	stream.linear.gather @!p1 [hbm4b:s8+s9], $0x80, $0x38;
	[tilespmem:$0x1DD00] =	vst v63  }
0x184: {  	s8 =	sadd.s32 @!p1 $0x390, s0;
	s19 =	simm.s32 @!p1 $0xE00  }
0x185: {  	[tilespmem:s19], [sflag:$0x5] =	stream.linear.gather @!p1 [hbm4b:s8+s9], $0x80, $0x38;
	[tilespmem:$0x1DD00] =	vst v63  }
0x186: {  	s8 =	sadd.s32 @!p1 $0x3B0, s0;
	s19 =	simm.s32 @!p1 $0xE80  }
0x187: {  	[tilespmem:s19], [sflag:$0x5] =	stream.linear.gather @!p1 [hbm4b:s8+s9], $0x80, $0x38;
	[tilespmem:$0x1DD00] =	vst v63  }
0x188: {  	s8 =	sadd.s32 @!p1 $0x3D0, s0;
	s19 =	simm.s32 @!p1 $0xF00  }
0x189: {  	[tilespmem:s19], [sflag:$0x5] =	stream.linear.gather @!p1 [hbm4b:s8+s9], $0x80, $0x38;
	[tilespmem:$0x1DD00] =	vst v63  }
0x18a: {  	s8 =	sadd.s32 @!p1 $0x3F0, s0;
	s19 =	simm.s32 @!p1 $0xF80  }
0x18b: {  	[tilespmem:s19], [sflag:$0x5] =	stream.linear.gather @!p1 [hbm4b:s8+s9], $0x80, $0x38;
	[tilespmem:$0x1DD00] =	vst v63  }
0x18c: {  	s8 =	sadd.s32 @!p1 $0x410, s0;
	s19 =	simm.s32 @!p1 $0x1000  }
0x18d: {  	[tilespmem:s19], [sflag:$0x5] =	stream.linear.gather @!p1 [hbm4b:s8+s9], $0x80, $0x38;
	[tilespmem:$0x1DD00] =	vst v63  }
0x18e: {  	s8 =	sadd.s32 @!p1 $0x430, s0;
	s19 =	simm.s32 @!p1 $0x1080  }
0x18f: {  	[tilespmem:s19], [sflag:$0x5] =	stream.linear.gather @!p1 [hbm4b:s8+s9], $0x80, $0x38;
	[tilespmem:$0x1DD00] =	vst v63  }
0x190: {  	s8 =	sadd.s32 @!p1 $0x450, s0;
	s19 =	simm.s32 @!p1 $0x1100  }
0x191: {  	[tilespmem:s19], [sflag:$0x5] =	stream.linear.gather @!p1 [hbm4b:s8+s9], $0x80, $0x38;
	[tilespmem:$0x1DD00] =	vst v63  }
0x192: {  	s8 =	sadd.s32 @!p1 $0x470, s0;
	s19 =	simm.s32 @!p1 $0x1180  }
0x193: {  	[tilespmem:s19], [sflag:$0x5] =	stream.linear.gather @!p1 [hbm4b:s8+s9], $0x80, $0x38;
	[tilespmem:$0x1DD00] =	vst v63  }
0x194: {  	s8 =	sadd.s32 @!p1 $0x490, s0;
	s19 =	simm.s32 @!p1 $0x1200  }
0x195: {  	[tilespmem:s19], [sflag:$0x5] =	stream.linear.gather @!p1 [hbm4b:s8+s9], $0x80, $0x38;
	[tilespmem:$0x1DD00] =	vst v63  }
0x196: {  	s8 =	sadd.s32 @!p1 $0x4B0, s0;
	s19 =	simm.s32 @!p1 $0x1280  }
0x197: {  	[tilespmem:s19], [sflag:$0x5] =	stream.linear.gather @!p1 [hbm4b:s8+s9], $0x80, $0x38;
	[tilespmem:$0x1DD00] =	vst v63  }
0x198: {  	s0 =	sadd.s32 @!p1 $0x4D0, s0;
	s8 =	simm.s32 @!p1 $0x1300  }
0x199: {  	[tilespmem:s8], [sflag:$0x5] =	stream.linear.gather @!p1 [hbm4b:s0+s9], $0x80, $0x38;
	[tilespmem:$0x1DD00] =	vst v63  }
0x19a: {  	_ =	swait.ge [sflag:s30], $0x4000  }
0x19b: {  	[sflag:s30] =	ssyncset.done $0x0  }
0x19c: {  	s8 =	simm.s32 $0x700;
	[sflag:s30] =	ssyncadd.s32 $0xFFFFC000  }
0x19d: {  	[tilespmem:s24], [sflag:$0x1] =	stream.indirect.gather [hbm4b:s1+s17], $0x80, s8, s17, $0xb8;
	[tilespmem:$0x1DD00] =	vst v63  }
0x19e: {  	_ =	swait.ge [sflag:s31], $0x4000  }
0x19f: {  	[sflag:s31] =	ssyncset.done $0x0  }
0x1a0: {  	[sflag:s31] =	ssyncadd.s32 $0xFFFFC000  }
0x1a1: {  	[spmem:s3] =	stream.indirect.scatter.add.f32 [tilespmem:s28], [sflag:$0x4], $0x80, s12, s17, $0xb8;
	[tilespmem:$0x1DD00] =	vst v63  }
0x1a2: {  	_ =	swait.ge [sflag:s2], $0x4000  }
0x1a3: {  	[sflag:s2] =	ssyncset.done $0x0  }
0x1a4: {  	s9 =	simm.s32 $0x780;
	[sflag:s2] =	ssyncadd.s32 $0xFFFFC000  }
0x1a5: {  	[tilespmem:s28], [sflag:$0x2] =	stream.indirect.gather [hbm4b:s1+s17], $0x80, s9, s17, $0xb8;
	[tilespmem:$0x1DD00] =	vst v63  }
0x1a6: {  	_ =	swait.ge [sflag:s29], $0x4000  }
0x1a7: {  	[sflag:s29] =	ssyncset.done $0x0  }
0x1a8: {  	[sflag:s29] =	ssyncadd.s32 $0xFFFFC000  }
0x1a9: {  	[spmem:s3] =	stream.indirect.scatter.add.f32 [tilespmem:s24], [sflag:$0x3], $0x80, s13, s17, $0xb8;
	[tilespmem:$0x1DD00] =	vst v63  }
0x1aa: {  	_ =	swait.ge [sflag:s30], $0x4000  }
0x1ab: {  	[sflag:s30] =	ssyncset.done $0x0  }
0x1ac: {  	s12 =	simm.s32 $0x800;
	[sflag:s30] =	ssyncadd.s32 $0xFFFFC000  }
0x1ad: {  	[tilespmem:s24], [sflag:$0x1] =	stream.indirect.gather [hbm4b:s1+s17], $0x80, s12, s17, $0xb8;
	[tilespmem:$0x1DD00] =	vst v63  }
0x1ae: {  	_ =	swait.ge [sflag:s31], $0x4000  }
0x1af: {  	[sflag:s31] =	ssyncset.done $0x0  }
0x1b0: {  	[sflag:s31] =	ssyncadd.s32 $0xFFFFC000  }
0x1b1: {  	[spmem:s3] =	stream.indirect.scatter.add.f32 [tilespmem:s28], [sflag:$0x4], $0x80, s14, s17, $0xb8;
	[tilespmem:$0x1DD00] =	vst v63  }
0x1b2: {  	_ =	swait.ge [sflag:s2], $0x4000  }
0x1b3: {  	[sflag:s2] =	ssyncset.done $0x0  }
0x1b4: {  	s13 =	simm.s32 $0x880;
	[sflag:s2] =	ssyncadd.s32 $0xFFFFC000  }
0x1b5: {  	[tilespmem:s28], [sflag:$0x2] =	stream.indirect.gather [hbm4b:s1+s17], $0x80, s13, s17, $0xb8;
	[tilespmem:$0x1DD00] =	vst v63  }
0x1b6: {  	_ =	swait.ge [sflag:s29], $0x4000  }
0x1b7: {  	[sflag:s29] =	ssyncset.done $0x0  }
0x1b8: {  	[sflag:s29] =	ssyncadd.s32 $0xFFFFC000  }
0x1b9: {  	[spmem:s3] =	stream.indirect.scatter.add.f32 [tilespmem:s24], [sflag:$0x3], $0x80, s15, s17, $0xb8;
	[tilespmem:$0x1DD00] =	vst v63  }
0x1ba: {  	_ =	swait.ge [sflag:s30], $0x4000  }
0x1bb: {  	[sflag:s30] =	ssyncset.done $0x0  }
0x1bc: {  	s14 =	simm.s32 $0x900;
	[sflag:s30] =	ssyncadd.s32 $0xFFFFC000  }
0x1bd: {  	[tilespmem:s24], [sflag:$0x1] =	stream.indirect.gather [hbm4b:s1+s17], $0x80, s14, s17, $0xb8;
	[tilespmem:$0x1DD00] =	vst v63  }
0x1be: {  	_ =	swait.ge [sflag:s31], $0x4000  }
0x1bf: {  	[sflag:s31] =	ssyncset.done $0x0  }
0x1c0: {  	[sflag:s31] =	ssyncadd.s32 $0xFFFFC000  }
0x1c1: {  	[spmem:s3] =	stream.indirect.scatter.add.f32 [tilespmem:s28], [sflag:$0x4], $0x80, s16, s17, $0xb8;
	[tilespmem:$0x1DD00] =	vst v63  }
0x1c2: {  	_ =	swait.ge [sflag:s2], $0x4000  }
0x1c3: {  	[sflag:s2] =	ssyncset.done $0x0  }
0x1c4: {  	s15 =	simm.s32 $0x980;
	[sflag:s2] =	ssyncadd.s32 $0xFFFFC000  }
0x1c5: {  	[tilespmem:s28], [sflag:$0x2] =	stream.indirect.gather [hbm4b:s1+s17], $0x80, s15, s17, $0xb8;
	[tilespmem:$0x1DD00] =	vst v63  }
0x1c6: {  	_ =	swait.ge [sflag:s29], $0x4000  }
0x1c7: {  	[sflag:s29] =	ssyncset.done $0x0  }
0x1c8: {  	[sflag:s29] =	ssyncadd.s32 $0xFFFFC000  }
0x1c9: {  	[spmem:s3] =	stream.indirect.scatter.add.f32 [tilespmem:s24], [sflag:$0x3], $0x80, s5, s17, $0xb8;
	[tilespmem:$0x1DD00] =	vst v63  }
0x1ca: {  	_ =	swait.ge [sflag:s30], $0x4000  }
0x1cb: {  	[sflag:s30] =	ssyncset.done $0x0  }
0x1cc: {  	s16 =	simm.s32 $0xA00;
	[sflag:s30] =	ssyncadd.s32 $0xFFFFC000  }
0x1cd: {  	[tilespmem:s24], [sflag:$0x1] =	stream.indirect.gather [hbm4b:s1+s17], $0x80, s16, s17, $0xb8;
	[tilespmem:$0x1DD00] =	vst v63  }
0x1ce: {  	_ =	swait.ge [sflag:s31], $0x4000  }
0x1cf: {  	[sflag:s31] =	ssyncset.done $0x0  }
0x1d0: {  	[sflag:s31] =	ssyncadd.s32 $0xFFFFC000  }
0x1d1: {  	[spmem:s3] =	stream.indirect.scatter.add.f32 [tilespmem:s28], [sflag:$0x4], $0x80, s21, s17, $0xb8;
	[tilespmem:$0x1DD00] =	vst v63  }
0x1d2: {  	_ =	swait.ge [sflag:s2], $0x4000  }
0x1d3: {  	[sflag:s2] =	ssyncset.done $0x0  }
0x1d4: {  	s19 =	simm.s32 $0xA80;
	[sflag:s2] =	ssyncadd.s32 $0xFFFFC000  }
0x1d5: {  	[tilespmem:s28], [sflag:$0x2] =	stream.indirect.gather [hbm4b:s1+s17], $0x80, s19, s17, $0xb8;
	[tilespmem:$0x1DD00] =	vst v63  }
0x1d6: {  	_ =	swait.ge [sflag:s29], $0x4000  }
0x1d7: {  	[sflag:s29] =	ssyncset.done $0x0  }
0x1d8: {  	[sflag:s29] =	ssyncadd.s32 $0xFFFFC000  }
0x1d9: {  	[spmem:s3] =	stream.indirect.scatter.add.f32 [tilespmem:s24], [sflag:$0x3], $0x80, s20, s17, $0xb8;
	[tilespmem:$0x1DD00] =	vst v63  }
0x1da: {  	_ =	swait.ge [sflag:s30], $0x4000  }
0x1db: {  	[sflag:s30] =	ssyncset.done $0x0  }
0x1dc: {  	s20 =	simm.s32 $0xB00;
	[sflag:s30] =	ssyncadd.s32 $0xFFFFC000  }
0x1dd: {  	[tilespmem:s24], [sflag:$0x1] =	stream.indirect.gather [hbm4b:s1+s17], $0x80, s20, s17, $0xb8;
	[tilespmem:$0x1DD00] =	vst v63  }
0x1de: {  	_ =	swait.ge [sflag:s31], $0x4000  }
0x1df: {  	[sflag:s31] =	ssyncset.done $0x0  }
0x1e0: {  	[sflag:s31] =	ssyncadd.s32 $0xFFFFC000  }
0x1e1: {  	[spmem:s3] =	stream.indirect.scatter.add.f32 [tilespmem:s28], [sflag:$0x4], $0x80, s22, s17, $0xb8;
	[tilespmem:$0x1DD00] =	vst v63  }
0x1e2: {  	_ =	swait.ge [sflag:s2], $0x4000  }
0x1e3: {  	[sflag:s2] =	ssyncset.done $0x0  }
0x1e4: {  	s21 =	simm.s32 $0xB80;
	[sflag:s2] =	ssyncadd.s32 $0xFFFFC000  }
0x1e5: {  	[tilespmem:s28], [sflag:$0x2] =	stream.indirect.gather [hbm4b:s1+s17], $0x80, s21, s17, $0xb8;
	[tilespmem:$0x1DD00] =	vst v63  }
0x1e6: {  	_ =	swait.ge [sflag:s29], $0x4000  }
0x1e7: {  	[sflag:s29] =	ssyncset.done $0x0  }
0x1e8: {  	[sflag:s29] =	ssyncadd.s32 $0xFFFFC000  }
0x1e9: {  	[spmem:s3] =	stream.indirect.scatter.add.f32 [tilespmem:s24], [sflag:$0x3], $0x80, s23, s17, $0xb8;
	[tilespmem:$0x1DD00] =	vst v63  }
0x1ea: {  	_ =	swait.ge [sflag:s30], $0x4000  }
0x1eb: {  	[sflag:s30] =	ssyncset.done $0x0  }
0x1ec: {  	s22 =	simm.s32 $0xC00;
	[sflag:s30] =	ssyncadd.s32 $0xFFFFC000  }
0x1ed: {  	[tilespmem:s24], [sflag:$0x1] =	stream.indirect.gather [hbm4b:s1+s17], $0x80, s22, s17, $0xb8;
	[tilespmem:$0x1DD00] =	vst v63  }
0x1ee: {  	_ =	swait.ge [sflag:s31], $0x4000  }
0x1ef: {  	[sflag:s31] =	ssyncset.done $0x0  }
0x1f0: {  	s10 =	simm.s32 $0x100;
	[sflag:s31] =	ssyncadd.s32 $0xFFFFC000  }
0x1f1: {  	[spmem:s3] =	stream.indirect.scatter.add.f32 [tilespmem:s28], [sflag:$0x4], $0x80, s18, s17, $0xb8;
	[tilespmem:$0x1DD00] =	vst v63  }
0x1f2: {  	s25 =	simm.s32 $0x1A80;
	s12 =	simm.s32 $0x1500;
	_ =	swait.ge [sflag:s2], $0x4000  }
0x1f3: {  	s13 =	simm.s32 $0x1580;
	s14 =	simm.s32 $0x1600;
	[sflag:s2] =	ssyncset.done $0x0  }
0x1f4: {  	s15 =	simm.s32 $0x1680;
	s23 =	simm.s32 $0xC80;
	[sflag:s2] =	ssyncadd.s32 $0xFFFFC000  }
0x1f5: {  	[tilespmem:s28], [sflag:$0x2] =	stream.indirect.gather [hbm4b:s1+s17], $0x80, s23, s17, $0xb8;
	[tilespmem:$0x1DD00] =	vst v63  }
.Ltmp3:
0x1f6: {  	s5 =	simm.s32 $0x1780;
	_ =	swait.ge [sflag:s29], $0x4000;
	(pc) =	sbr.rel @p1 .LBB2_6-.Ltmp3, $4  }
0x1f7: {  	s16 =	simm.s32 $0x1700;
	s20 =	simm.s32 $0x1880;
	[sflag:s29] =	ssyncset.done $0x0  }
0x1f8: {  	s21 =	simm.s32 $0x1800;
	s22 =	simm.s32 $0x1900;
	[sflag:s29] =	ssyncadd.s32 $0xFFFFC000  }
0x1f9: {  	[spmem:s3] =	stream.indirect.scatter.add.f32 [tilespmem:s24], [sflag:$0x3], $0x80, s25, s17, $0xb8;
	[tilespmem:$0x1DD00] =	vst v63  }
0x1fa: {  	s18 =	simm.s32 $0x1A00;
	s23 =	simm.s32 $0x1980;
	s25 =	simm.s32 $0x1A80  }
0x1fb: {  	_ =	swait.ge [sflag:s30], $0x4000  }
0x1fc: {  	[sflag:s30] =	ssyncset.done $0x0  }
0x1fd: {  	[sflag:s30] =	ssyncadd.s32 $0xFFFFC000  }
0x1fe: {  	_ =	swait.ge [sflag:s26], $0x680  }
0x1ff: {  	[sflag:s26] =	ssyncset.done $0x0  }
0x200: {  	[sflag:s26] =	ssyncadd.s32 $0xFFFFF980  }
0x201: {  	_ =	swait.ge [sflag:s26], $0x80  }
0x202: {  	[sflag:s26] =	ssyncset.done $0x0  }
0x203: {  	[sflag:s26] =	ssyncadd.s32 $0xFFFFFF80  }
0x204: {  	_ =	swait.ge [sflag:s26], $0x80  }
0x205: {  	[sflag:s26] =	ssyncset.done $0x0  }
0x206: {  	[sflag:s26] =	ssyncadd.s32 $0xFFFFFF80  }
0x207: {  	_ =	swait.ge [sflag:s26], $0x80  }
0x208: {  	[sflag:s26] =	ssyncset.done $0x0  }
0x209: {  	[sflag:s26] =	ssyncadd.s32 $0xFFFFFF80  }
0x20a: {  	_ =	swait.ge [sflag:s26], $0x80  }
0x20b: {  	[sflag:s26] =	ssyncset.done $0x0  }
0x20c: {  	[sflag:s26] =	ssyncadd.s32 $0xFFFFFF80  }
0x20d: {  	_ =	swait.ge [sflag:s26], $0x80  }
0x20e: {  	[sflag:s26] =	ssyncset.done $0x0  }
0x20f: {  	[sflag:s26] =	ssyncadd.s32 $0xFFFFFF80  }
0x210: {  	_ =	swait.ge [sflag:s26], $0x80  }
0x211: {  	[sflag:s26] =	ssyncset.done $0x0  }
0x212: {  	[sflag:s26] =	ssyncadd.s32 $0xFFFFFF80  }
0x213: {  	_ =	swait.ge [sflag:s26], $0x80  }
0x214: {  	[sflag:s26] =	ssyncset.done $0x0  }
0x215: {  	[sflag:s26] =	ssyncadd.s32 $0xFFFFFF80  }
0x216: {  	_ =	swait.ge [sflag:s26], $0x80  }
0x217: {  	[sflag:s26] =	ssyncset.done $0x0  }
0x218: {  	[sflag:s26] =	ssyncadd.s32 $0xFFFFFF80  }
0x219: {  	_ =	swait.ge [sflag:s26], $0x80  }
0x21a: {  	[sflag:s26] =	ssyncset.done $0x0  }
0x21b: {  	[sflag:s26] =	ssyncadd.s32 $0xFFFFFF80  }
0x21c: {  	_ =	swait.ge [sflag:s26], $0x80  }
0x21d: {  	[sflag:s26] =	ssyncset.done $0x0  }
0x21e: {  	[sflag:s26] =	ssyncadd.s32 $0xFFFFFF80  }
0x21f: {  	_ =	swait.ge [sflag:s26], $0x80  }
0x220: {  	[sflag:s26] =	ssyncset.done $0x0  }
0x221: {  	[sflag:s26] =	ssyncadd.s32 $0xFFFFFF80  }
0x222: {  	_ =	swait.ge [sflag:s26], $0x80  }
0x223: {  	[sflag:s26] =	ssyncset.done $0x0  }
0x224: {  	[sflag:s26] =	ssyncadd.s32 $0xFFFFFF80  }
0x225: {  	_ =	swait.ge [sflag:s26], $0x80  }
0x226: {  	[sflag:s26] =	ssyncset.done $0x0  }
0x227: {  	[sflag:s26] =	ssyncadd.s32 $0xFFFFFF80  }
0x228: {  	[tilespmem:s24], [sflag:$0x1] =	stream.indirect.gather [hbm4b:s1+s17], $0x80, s4, s17, $0xb8;
	[tilespmem:$0x1DD00] =	vst v63  }
0x229: {  	_ =	swait.ge [sflag:s31], $0x4000  }
0x22a: {  	[sflag:s31] =	ssyncset.done $0x0  }
0x22b: {  	s9 =	simm.s32 $0x1B00;
	s0 =	sadd.s32 s7, s11;
	[sflag:s31] =	ssyncadd.s32 $0xFFFFC000  }
0x22c: {  	[spmem:s3] =	stream.indirect.scatter.add.f32 [tilespmem:s28], [sflag:$0x4], $0x80, s9, s17, $0xb8;
	[tilespmem:$0x1DD00] =	vst v63  }
0x22d: {  	s19 =	simm.s32 $0x680;
	s8 =	sadd.s32 $0x4E0, s0  }
0x22e: {  	[tilespmem:s19], [sflag:$0x6] =	stream.strided.gather [hbm4b:s8+s17], $0x680, s10, s17, $0x38;
	[tilespmem:$0x1DD00] =	vst v63  }
0x22f: {  	s19 =	sadd.s32 $0x4F0, s0  }
0x230: {  	[tilespmem:s12], [sflag:$0x6] =	stream.linear.gather [hbm4b:s19+s4], $0x80, $0x38;
	[tilespmem:$0x1DD00] =	vst v63  }
0x231: {  	s10 =	sadd.s32 $0x510, s0  }
0x232: {  	[tilespmem:s13], [sflag:$0x6] =	stream.linear.gather [hbm4b:s10+s4], $0x80, $0x38;
	[tilespmem:$0x1DD00] =	vst v63  }
0x233: {  	s12 =	sadd.s32 $0x530, s0  }
0x234: {  	[tilespmem:s14], [sflag:$0x6] =	stream.linear.gather [hbm4b:s12+s4], $0x80, $0x38;
	[tilespmem:$0x1DD00] =	vst v63  }
0x235: {  	s13 =	sadd.s32 $0x550, s0  }
0x236: {  	[tilespmem:s15], [sflag:$0x6] =	stream.linear.gather [hbm4b:s13+s4], $0x80, $0x38;
	[tilespmem:$0x1DD00] =	vst v63  }
0x237: {  	s14 =	sadd.s32 $0x570, s0  }
0x238: {  	[tilespmem:s16], [sflag:$0x6] =	stream.linear.gather [hbm4b:s14+s4], $0x80, $0x38;
	[tilespmem:$0x1DD00] =	vst v63  }
0x239: {  	s15 =	sadd.s32 $0x590, s0  }
0x23a: {  	[tilespmem:s5], [sflag:$0x6] =	stream.linear.gather [hbm4b:s15+s4], $0x80, $0x38;
	[tilespmem:$0x1DD00] =	vst v63  }
0x23b: {  	s7 =	sadd.s32 $0x340, s7;
	s16 =	sadd.s32 $0x5B0, s0  }
0x23c: {  	[tilespmem:s21], [sflag:$0x6] =	stream.linear.gather [hbm4b:s16+s4], $0x80, $0x38;
	[tilespmem:$0x1DD00] =	vst v63  }
0x23d: {  	s8 =	simm.s32 $0x100;
	s19 =	sadd.s32 $0x5D0, s0;
	s10 =	simm.s32 $0x680  }
0x23e: {  	[tilespmem:s20], [sflag:$0x6] =	stream.linear.gather [hbm4b:s19+s4], $0x80, $0x38;
	[tilespmem:$0x1DD00] =	vst v63  }
0x23f: {  	s12 =	simm.s32 $0x1500;
	s13 =	simm.s32 $0x1580;
	s20 =	sadd.s32 $0x5F0, s0  }
0x240: {  	[tilespmem:s22], [sflag:$0x6] =	stream.linear.gather [hbm4b:s20+s4], $0x80, $0x38;
	[tilespmem:$0x1DD00] =	vst v63  }
0x241: {  	s14 =	simm.s32 $0x1600;
	s15 =	simm.s32 $0x1680;
	s21 =	sadd.s32 $0x610, s0  }
0x242: {  	[tilespmem:s23], [sflag:$0x6] =	stream.linear.gather [hbm4b:s21+s4], $0x80, $0x38;
	[tilespmem:$0x1DD00] =	vst v63  }
0x243: {  	s5 =	simm.s32 $0x1780;
	s16 =	simm.s32 $0x1700;
	s22 =	sadd.s32 $0x630, s0  }
0x244: {  	[tilespmem:s18], [sflag:$0x6] =	stream.linear.gather [hbm4b:s22+s4], $0x80, $0x38;
	[tilespmem:$0x1DD00] =	vst v63  }
.Ltmp4:
0x245: {  	s19 =	smov.u32 s11;
	s20 =	simm.s32 $0x1880;
	(pc) =	sbr.rel .LBB2_4-.Ltmp4, $4  }
0x246: {  	s23 =	sadd.s32 $0x650, s0;
	s0 =	sadd.s32 $0x670, s0;
	s21 =	simm.s32 $0x1800  }
0x247: {  	[tilespmem:s25], [sflag:$0x6] =	stream.linear.gather [hbm4b:s23+s4], $0x80, $0x38;
	[tilespmem:$0x1DD00] =	vst v63  }
0x248: {  	s22 =	simm.s32 $0x1900;
	s18 =	simm.s32 $0x1A00;
	s23 =	simm.s32 $0x1980  }
0x249: {  	[tilespmem:s9], [sflag:$0x6] =	stream.linear.gather [hbm4b:s0+s4], $0x80, $0x38;
	[tilespmem:$0x1DD00] =	vst v63  }
.LBB2_7:
0x24a: {  	_ =	sfence.sel $0x180000  }
0x24b: {  	[bflag:$0x0] =	sbarrier.arrive $0xFFFF  }
0x24c: {  	_ =	strace $0x90000047  }
0x24d: {  	s0 =	stileid.u32;
	[bflag:$0x2] =	sbarrier.arrive $0xFFFF  }
0x24e: {  	p0 =	sne.s32 s0, $0x0;
	s0 =	rddreg [dreg:$0x4]  }
0x24f: {  	s0 =	sadd.s32 @!p0 $0x100000, s0  }
0x250: {  	[sflag:s0] =	ssyncadd.tile.s32 @!p0 $0x1;
	_ =	shalt  }
.Lfunc_end2:
_tile_overlayer_lowered:
.L_overlay_start_2:
0x251: {  	(tag) =	ssettag $0x2  }
0x252: {  	s0 =	rddreg [dreg:$0x0];
	s2 =	stileid.u32  }
0x253: {  	s1 =	rddreg [dreg:$0x1];
	p0 =	sne.s32 s2, $0x0  }
0x254: {  	s3 =	rddreg [dreg:$0x2];
	[bflag:$0x3] =	sbarrier.arrive $0xFFFF;
	s2 =	simm.s32 @!p0 $0x1C07  }
0x255: {  	[timem:s3], [sflag:s2] =	dma.local @!p0 [hbm:s0], s1  }
0x256: {  	s0 =	simm.s32 @!p0 $0x7  }
0x257: {  	_ =	swait.ge @!p0 [sflag:s0], s1  }
0x258: {  	s1 =	ssub.s32 @!p0 $0x0, s1;
	[sflag:s0] =	ssyncset.done @!p0 $0x0  }
0x259: {  	[sflag:s0] =	ssyncadd.s32 @!p0 s1  }
0x25a: {  	[bflag:$0x3] =	sbarrier.arrive $0xFFFF  }
0x25b: {  	_ =	shalt  }

</sc_bundles>
